<compile_context>
chip_gen: v7x
topology: tpu7x:2x2x1
jax: 0.10.2.dev20260603
libtpu: 0.0.44.dev20260713+nightly
codegen_flags: <defaults>
</compile_context>

<pallas_src>
import functools

import jax
import jax.numpy as jnp
from jax import lax
from jax.experimental import pallas as pl
from jax.experimental.pallas import tpu as pltpu
from jax.experimental.pallas import tpu_sc as plsc

N = 10000
E = 320000
D = 128
DH = D // 2
EPS = 1e-5

NC = 2
NS = 16
NW = NC * NS
CK = 80
ECH = E // 128
DCH = ECH // NW
DXT = ECH - DCH * NW
EPT = E // NS
NI2 = EPT // CK
NP = 10240
RPT = NP // NS
ZR = 160
RB = 2048
NBUF = 5
DGRP = 25

_mesh = plsc.VectorSubcoreMesh(core_axis_name="c", subcore_axis_name="s")



@functools.partial(
    pl.kernel,
    mesh=_mesh,
    out_type=jax.ShapeDtypeStruct((NC, NP, D), jnp.float32),
    scratch_types=[
        pltpu.VMEM((DCH + 1, 128), jnp.int32),
        pltpu.VMEM((128, 16), jnp.float32),
        pltpu.VMEM((RPT, 16), jnp.float32),
        pltpu.VMEM_SHARED((NP, 16), jnp.float32),
        pltpu.SemaphoreType.DMA,
    ],
    compiler_params=pltpu.CompilerParams(use_tc_tiling_on_sc=False),
)
def _deg_kernel(ei_hbm, out_hbm, idx_v, ones_v, buf_v, acc_sh, sem):
    c = lax.axis_index("c")
    s = lax.axis_index("s")
    wid = s * NC + c

    def fill(i, _):
        ones_v[i] = jnp.full((16,), 1.0, jnp.float32)
        return 0

    lax.fori_loop(0, 128, fill, 0)

    def fill2(i, _):
        buf_v[i] = jnp.zeros((16,), jnp.float32)
        return 0

    lax.fori_loop(0, RPT, fill2, 0)

    pltpu.sync_copy(buf_v, acc_sh.at[pl.ds(s * RPT, RPT)])
    plsc.subcore_barrier()

    pltpu.sync_copy(ei_hbm.at[pl.ds(wid * DCH, DCH), 1],
                    idx_v.at[pl.ds(0, DCH)])
    extra = wid < DXT

    @pl.when(extra)
    def _():
        pltpu.sync_copy(ei_hbm.at[NW * DCH + wid, 1], idx_v.at[DCH])

    nch = jnp.where(extra, DCH + 1, DCH)

    def fire(j, _):
        pltpu.async_copy(ones_v, acc_sh.at[idx_v.at[j]], sem, add=True)
        return 0

    def drain(j, _):
        pltpu.make_async_copy(ones_v, acc_sh.at[idx_v.at[j]], sem).wait()
        return 0

    def dgrp(g, _):
        lax.fori_loop(g * DGRP, (g + 1) * DGRP, fire, 0)
        lax.fori_loop(g * DGRP, (g + 1) * DGRP, drain, 0)
        return 0

    ngrp = DCH // DGRP
    lax.fori_loop(0, ngrp, dgrp, 0)
    lax.fori_loop(ngrp * DGRP, nch, fire, 0)
    lax.fori_loop(ngrp * DGRP, nch, drain, 0)
    plsc.subcore_barrier()

    pltpu.sync_copy(acc_sh.at[pl.ds(s * RPT, RPT)], buf_v)
    pltpu.sync_copy(buf_v, out_hbm.at[c, pl.ds(s * RPT, RPT), pl.ds(0, 16)])



@functools.partial(
    pl.kernel,
    mesh=_mesh,
    out_type=jax.ShapeDtypeStruct((NP, D), jnp.float32),
    scratch_types=[
        pltpu.VMEM((NI2, CK), jnp.int32),
        pltpu.VMEM((NI2, CK), jnp.int32),
        pltpu.VMEM((NBUF, CK, DH), jnp.float32),
        pltpu.VMEM((ZR, DH), jnp.float32),
        pltpu.VMEM_SHARED((NP, DH), jnp.float32),
    ] + [pltpu.SemaphoreType.DMA] * (2 * NBUF),
    compiler_params=pltpu.CompilerParams(use_tc_tiling_on_sc=False),
)
def _scatter_kernel(src_hbm, dst_hbm, g_hbm, out_hbm, srcv, dstv, rows_v,
                    buf_v, acc_sh, *sems):
    c = lax.axis_index("c")
    s = lax.axis_index("s")

    pltpu.sync_copy(src_hbm.at[s], srcv)
    pltpu.sync_copy(dst_hbm.at[s], dstv)

    def adjust(j, _):
        for k in range(CK // 16):
            sl = pl.ds(16 * k, 16)
            srcv[j, sl] = srcv[j, sl] * 2 + c
        return 0

    lax.fori_loop(0, NI2, adjust, 0)

    gsems = sems[:NBUF]
    ssems = sems[NBUF:]

    for b in range(NBUF):
        pltpu.async_copy(g_hbm.at[srcv.at[b]], rows_v.at[b], gsems[b])

    def fill(i, _):
        for k in range(DH // 16):
            buf_v[i, pl.ds(16 * k, 16)] = jnp.zeros((16,), jnp.float32)
        return 0

    lax.fori_loop(0, ZR, fill, 0)

    for t in range(RPT // ZR):
        pltpu.sync_copy(buf_v, acc_sh.at[pl.ds(s * RPT + t * ZR, ZR)])
    plsc.subcore_barrier()


    def grp(g, _):
        for b in range(NBUF):
            j = g * NBUF + b
            bp = (b - 1) % NBUF
            pltpu.make_async_copy(
                g_hbm.at[srcv.at[j]], rows_v.at[b], gsems[b]).wait()
            pltpu.async_copy(rows_v.at[b], acc_sh.at[dstv.at[j]], ssems[b],
                             add=True)
            pj = j + NBUF - 1

            def reissue():
                pltpu.make_async_copy(
                    rows_v.at[bp], acc_sh.at[dstv.at[j - 1]],
                    ssems[bp]).wait()
                pltpu.async_copy(g_hbm.at[srcv.at[pj]], rows_v.at[bp],
                                 gsems[bp])

            if b == 0:
                pl.when(jnp.logical_and(j >= 1, pj < NI2))(reissue)
            else:
                pl.when(pj < NI2)(reissue)
        return 0

    lax.fori_loop(0, NI2 // NBUF, grp, 0)

    last = NI2 - NBUF
    for b in range(NBUF):
        pltpu.make_async_copy(
            rows_v.at[b], acc_sh.at[dstv.at[last + b]], ssems[b]).wait()
    plsc.subcore_barrier()

    for t in range(RPT // ZR):
        sl = pl.ds(s * RPT + t * ZR, ZR)
        pltpu.sync_copy(acc_sh.at[sl], buf_v)
        pltpu.sync_copy(buf_v, out_hbm.at[sl, pl.ds(c * DH, DH)])



def _tca_body(degp_ref, x_ref, w_ref, dinv_ref, g_ref):
    deg = degp_ref[0, :, 0:1] + degp_ref[1, :, 0:1] + 1.0
    dinv = lax.rsqrt(deg)
    h = jnp.dot(x_ref[...], w_ref[...], preferred_element_type=jnp.float32)
    dinv_ref[...] = dinv
    g_ref[...] = h * dinv


_tca = pl.pallas_call(
    _tca_body,
    grid=(NP // RB,),
    in_specs=[
        pl.BlockSpec((2, RB, D), lambda i: (0, i, 0)),
        pl.BlockSpec((RB, D), lambda i: (i, 0)),
        pl.BlockSpec((D, D), lambda i: (0, 0)),
    ],
    out_specs=[
        pl.BlockSpec((RB, 1), lambda i: (i, 0)),
        pl.BlockSpec((RB, D), lambda i: (i, 0)),
    ],
    out_shape=[
        jax.ShapeDtypeStruct((NP, 1), jnp.float32),
        jax.ShapeDtypeStruct((NP, D), jnp.float32),
    ],
)


def _tcb_body(sp_ref, g1_ref, dinv_ref, b1_ref, a1_ref, c1_ref, w2_ref,
              g2_ref):
    sval = sp_ref[...] + g1_ref[...]
    dinv = dinv_ref[...]
    o = jnp.maximum(sval * dinv + b1_ref[...], 0.0)
    h = o * a1_ref[...] + c1_ref[...]
    g2_ref[...] = jnp.dot(h, w2_ref[...],
                          preferred_element_type=jnp.float32) * dinv


_tcb = pl.pallas_call(
    _tcb_body,
    grid=(NP // RB,),
    in_specs=[
        pl.BlockSpec((RB, D), lambda i: (i, 0)),
        pl.BlockSpec((RB, D), lambda i: (i, 0)),
        pl.BlockSpec((RB, 1), lambda i: (i, 0)),
        pl.BlockSpec((1, D), lambda i: (0, 0)),
        pl.BlockSpec((1, D), lambda i: (0, 0)),
        pl.BlockSpec((1, D), lambda i: (0, 0)),
        pl.BlockSpec((D, D), lambda i: (0, 0)),
    ],
    out_specs=pl.BlockSpec((RB, D), lambda i: (i, 0)),
    out_shape=jax.ShapeDtypeStruct((NP, D), jnp.float32),
)


def _tcc_body(sp_ref, g2_ref, dinv_ref, b2_ref, y_ref):
    sval = sp_ref[...] + g2_ref[...]
    y_ref[...] = jnp.maximum(sval * dinv_ref[...] + b2_ref[...], 0.0)


_tcc = pl.pallas_call(
    _tcc_body,
    grid=(NP // RB,),
    in_specs=[
        pl.BlockSpec((RB, D), lambda i: (i, 0)),
        pl.BlockSpec((RB, D), lambda i: (i, 0)),
        pl.BlockSpec((RB, 1), lambda i: (i, 0)),
        pl.BlockSpec((1, D), lambda i: (0, 0)),
    ],
    out_specs=pl.BlockSpec((RB, D), lambda i: (i, 0)),
    out_shape=jax.ShapeDtypeStruct((N, D), jnp.float32),
)



def kernel(x, edge_index, batch, W1, b1, gamma, beta, run_mean, run_var,
           W2, b2):
    src16 = edge_index[0].reshape(NS, NI2, CK)
    dst16 = edge_index[1].reshape(NS, NI2, CK)
    ei_v = edge_index.reshape(2, ECH, 128).transpose(1, 0, 2)

    degp = _deg_kernel(ei_v)

    dinv, g1 = _tca(degp, x, W1)

    s1 = _scatter_kernel(src16, dst16, g1.reshape(2 * NP, DH))

    a1 = gamma * lax.rsqrt(run_var + EPS)
    c1 = beta - run_mean * a1
    g2 = _tcb(s1, g1, dinv, b1[None, :], a1[None, :], c1[None, :], W2)

    s2 = _scatter_kernel(src16, dst16, g2.reshape(2 * NP, DH))
    return _tcc(s2, g2, dinv, b2[None, :])

# --- scband reference (transcript-rebuilt; emitter-appended) ---
"""Pipeline reference for scband-proto-net-align-qgpasr-88837103550585 (READ-ONLY COPY).

The authoritative reference and input builder live on the scoring server;
editing this copy changes nothing except your own understanding.
"""

import jax, jax.numpy as jnp
import numpy as np

N = 10000
E = 320000
D_IN = 128
D_HID = 128
EPS = 1e-5


def setup_inputs(seed: int = 0) -> dict:
    key = jax.random.key(seed)
    ks = jax.random.split(key, 10)
    x = jax.random.normal(ks[0], (N, D_IN), dtype=jnp.float32)
    edge_index = jax.random.randint(ks[1], (2, E), 0, N, dtype=jnp.int32)
    batch = jnp.zeros((N,), dtype=jnp.int32)
    s1 = 1.0 / np.sqrt(D_IN)
    s2 = 1.0 / np.sqrt(D_HID)
    W1 = jax.random.uniform(ks[2], (D_IN, D_HID), dtype=jnp.float32, minval=-s1, maxval=s1)
    b1 = jax.random.uniform(ks[3], (D_HID,), dtype=jnp.float32, minval=-s1, maxval=s1)
    gamma = jnp.ones((D_HID,), dtype=jnp.float32)
    beta = jnp.zeros((D_HID,), dtype=jnp.float32)
    run_mean = jnp.zeros((D_HID,), dtype=jnp.float32)
    run_var = jnp.ones((D_HID,), dtype=jnp.float32)
    W2 = jax.random.uniform(ks[4], (D_HID, D_HID), dtype=jnp.float32, minval=-s2, maxval=s2)
    b2 = jax.random.uniform(ks[5], (D_HID,), dtype=jnp.float32, minval=-s2, maxval=s2)
    return {"x": x, "edge_index": edge_index, "batch": batch, "W1": W1, "b1": b1,
            "gamma": gamma, "beta": beta, "run_mean": run_mean, "run_var": run_var,
            "W2": W2, "b2": b2}


def _gcn_conv(x, edge_index, W, b):
    # GCNConv with symmetric normalization and added self-loops (PyG semantics)
    h = x @ W
    src = edge_index[0]
    dst = edge_index[1]
    loop = jnp.arange(N, dtype=src.dtype)
    row = jnp.concatenate([dst, loop])  # aggregation target
    col = jnp.concatenate([src, loop])  # message source
    ones = jnp.ones(row.shape[0], dtype=h.dtype)
    deg = jax.ops.segment_sum(ones, row, num_segments=N)
    dinv = jnp.where(deg > 0, jax.lax.rsqrt(deg), 0.0)
    norm = dinv[row] * dinv[col]
    msg = jnp.take(h, col, axis=0) * norm[:, None]
    out = jax.ops.segment_sum(msg, row, num_segments=N)
    return out + b


def reference(x, edge_index, batch, W1, b1, gamma, beta, run_mean, run_var, W2, b2):
    h = _gcn_conv(x, edge_index, W1, b1)
    h = jax.nn.relu(h)
    # BatchNorm1d in eval mode (running stats); dropout is identity in eval
    h = gamma * (h - run_mean) * jax.lax.rsqrt(run_var + EPS) + beta
    h = _gcn_conv(h, edge_index, W2, b2)
    h = jax.nn.relu(h)
    return h

if __name__ == "__main__":
    import jax
    _d = setup_inputs()
    print(jax.jit(kernel)(*tuple(_d.values())))

</pallas_src>

<mosaic_0001>
#map = affine_map<(d0, d1) -> (0, 0, 0)>
#map1 = affine_map<(d0, d1) -> (0, 0)>
module attributes {stable_mosaic.version = 14 : i64} {
  func.func @_scatter_kernel(%arg0: i32, %arg1: i32, %arg2: memref<16x250x80xi32, #tpu.memory_space<hbm>>, %arg3: memref<16x250x80xi32, #tpu.memory_space<hbm>>, %arg4: memref<20480x64xf32, #tpu.memory_space<hbm>>, %arg5: memref<10240x128xf32, #tpu.memory_space<hbm>>, %arg6: memref<250x80xi32, #tpu.memory_space<vmem>>, %arg7: memref<250x80xi32, #tpu.memory_space<vmem>>, %arg8: memref<5x80x64xf32, #tpu.memory_space<vmem>>, %arg9: memref<160x64xf32, #tpu.memory_space<vmem>>, %arg10: memref<10240x64xf32, #tpu.memory_space<vmem_shared>>, %arg11: memref<!tpu.dma_semaphore, #tpu.memory_space<semaphore_mem>>, %arg12: memref<!tpu.dma_semaphore, #tpu.memory_space<semaphore_mem>>, %arg13: memref<!tpu.dma_semaphore, #tpu.memory_space<semaphore_mem>>, %arg14: memref<!tpu.dma_semaphore, #tpu.memory_space<semaphore_mem>>, %arg15: memref<!tpu.dma_semaphore, #tpu.memory_space<semaphore_mem>>, %arg16: memref<!tpu.dma_semaphore, #tpu.memory_space<semaphore_mem>>, %arg17: memref<!tpu.dma_semaphore, #tpu.memory_space<semaphore_mem>>, %arg18: memref<!tpu.dma_semaphore, #tpu.memory_space<semaphore_mem>>, %arg19: memref<!tpu.dma_semaphore, #tpu.memory_space<semaphore_mem>>, %arg20: memref<!tpu.dma_semaphore, #tpu.memory_space<semaphore_mem>>) attributes {dimension_semantics = [#tpu.dimension_semantics<core_parallel>, #tpu.dimension_semantics<subcore_parallel>], iteration_bounds = array<i64: 2, 16>, scalar_prefetch = 0 : i64, scratch_operands = 15 : i64, tpu.core_type = #tpu.core_type<sc_vector_subcore>, window_params = [{transform_indices = #map}, {transform_indices = #map}, {transform_indices = #map1}, {transform_indices = #map1}]} {
    "tpu.region"() ({
      %run_scoped3A = tpu.sem_alloc : memref<!tpu.dma_semaphore, #tpu.memory_space<semaphore_mem>>
      %dma_start3A_177 = arith.constant 0 : i32
      %dma_start3A_178 = arith.constant 0 : i32
      %dma_start3A_179 = tpu.memref_slice %arg2[%arg1, %dma_start3A_177, %dma_start3A_178] : memref<16x250x80xi32, #tpu.memory_space<hbm>> -> memref<1x250x80xi32, #tpu.memory_space<hbm>>
      %dma_start3A_180 = tpu.memref_squeeze %dma_start3A_179 : memref<1x250x80xi32, #tpu.memory_space<hbm>> -> memref<250x80xi32, #tpu.memory_space<hbm>>
      %dma_start3A_181 = arith.constant 0 : i32
      %dma_start3A_182 = arith.constant 0 : i32
      %dma_start3A_183 = tpu.memref_slice %arg2[%arg1, %dma_start3A_181, %dma_start3A_182] : memref<16x250x80xi32, #tpu.memory_space<hbm>> -> memref<1x250x80xi32, #tpu.memory_space<hbm>>
      %dma_start3A_184 = tpu.memref_squeeze %dma_start3A_183 : memref<1x250x80xi32, #tpu.memory_space<hbm>> -> memref<250x80xi32, #tpu.memory_space<hbm>>
      tpu.enqueue_dma source(%dma_start3A_184 : memref<250x80xi32, #tpu.memory_space<hbm>>) target(%arg6 : memref<250x80xi32, #tpu.memory_space<vmem>>) target_semaphore(%run_scoped3A : memref<!tpu.dma_semaphore, #tpu.memory_space<semaphore_mem>>)
      %dma_wait3A_185 = arith.constant 0 : i32
      %dma_wait3A_186 = arith.constant 0 : i32
      %dma_wait3A_187 = tpu.memref_slice %arg2[%arg1, %dma_wait3A_185, %dma_wait3A_186] : memref<16x250x80xi32, #tpu.memory_space<hbm>> -> memref<1x250x80xi32, #tpu.memory_space<hbm>>
      %dma_wait3A_188 = tpu.memref_squeeze %dma_wait3A_187 : memref<1x250x80xi32, #tpu.memory_space<hbm>> -> memref<250x80xi32, #tpu.memory_space<hbm>>
      %dma_wait3A_189 = arith.constant 0 : i32
      %dma_wait3A_190 = arith.constant 0 : i32
      %dma_wait3A_191 = tpu.memref_slice %arg2[%arg1, %dma_wait3A_189, %dma_wait3A_190] : memref<16x250x80xi32, #tpu.memory_space<hbm>> -> memref<1x250x80xi32, #tpu.memory_space<hbm>>
      %dma_wait3A_192 = tpu.memref_squeeze %dma_wait3A_191 : memref<1x250x80xi32, #tpu.memory_space<hbm>> -> memref<250x80xi32, #tpu.memory_space<hbm>>
      tpu.wait_dma2 semaphore(%run_scoped3A : memref<!tpu.dma_semaphore, #tpu.memory_space<semaphore_mem>>) src(%dma_wait3A_192 : memref<250x80xi32, #tpu.memory_space<hbm>>) dst(%arg6 : memref<250x80xi32, #tpu.memory_space<vmem>>)
      tpu.yield
    }) : () -> ()
    "tpu.region"() ({
      %run_scoped3A = tpu.sem_alloc : memref<!tpu.dma_semaphore, #tpu.memory_space<semaphore_mem>>
      %dma_start3A_177 = arith.constant 0 : i32
      %dma_start3A_178 = arith.constant 0 : i32
      %dma_start3A_179 = tpu.memref_slice %arg3[%arg1, %dma_start3A_177, %dma_start3A_178] : memref<16x250x80xi32, #tpu.memory_space<hbm>> -> memref<1x250x80xi32, #tpu.memory_space<hbm>>
      %dma_start3A_180 = tpu.memref_squeeze %dma_start3A_179 : memref<1x250x80xi32, #tpu.memory_space<hbm>> -> memref<250x80xi32, #tpu.memory_space<hbm>>
      %dma_start3A_181 = arith.constant 0 : i32
      %dma_start3A_182 = arith.constant 0 : i32
      %dma_start3A_183 = tpu.memref_slice %arg3[%arg1, %dma_start3A_181, %dma_start3A_182] : memref<16x250x80xi32, #tpu.memory_space<hbm>> -> memref<1x250x80xi32, #tpu.memory_space<hbm>>
      %dma_start3A_184 = tpu.memref_squeeze %dma_start3A_183 : memref<1x250x80xi32, #tpu.memory_space<hbm>> -> memref<250x80xi32, #tpu.memory_space<hbm>>
      tpu.enqueue_dma source(%dma_start3A_184 : memref<250x80xi32, #tpu.memory_space<hbm>>) target(%arg7 : memref<250x80xi32, #tpu.memory_space<vmem>>) target_semaphore(%run_scoped3A : memref<!tpu.dma_semaphore, #tpu.memory_space<semaphore_mem>>)
      %dma_wait3A_185 = arith.constant 0 : i32
      %dma_wait3A_186 = arith.constant 0 : i32
      %dma_wait3A_187 = tpu.memref_slice %arg3[%arg1, %dma_wait3A_185, %dma_wait3A_186] : memref<16x250x80xi32, #tpu.memory_space<hbm>> -> memref<1x250x80xi32, #tpu.memory_space<hbm>>
      %dma_wait3A_188 = tpu.memref_squeeze %dma_wait3A_187 : memref<1x250x80xi32, #tpu.memory_space<hbm>> -> memref<250x80xi32, #tpu.memory_space<hbm>>
      %dma_wait3A_189 = arith.constant 0 : i32
      %dma_wait3A_190 = arith.constant 0 : i32
      %dma_wait3A_191 = tpu.memref_slice %arg3[%arg1, %dma_wait3A_189, %dma_wait3A_190] : memref<16x250x80xi32, #tpu.memory_space<hbm>> -> memref<1x250x80xi32, #tpu.memory_space<hbm>>
      %dma_wait3A_192 = tpu.memref_squeeze %dma_wait3A_191 : memref<1x250x80xi32, #tpu.memory_space<hbm>> -> memref<250x80xi32, #tpu.memory_space<hbm>>
      tpu.wait_dma2 semaphore(%run_scoped3A : memref<!tpu.dma_semaphore, #tpu.memory_space<semaphore_mem>>) src(%dma_wait3A_192 : memref<250x80xi32, #tpu.memory_space<hbm>>) dst(%arg7 : memref<250x80xi32, #tpu.memory_space<vmem>>)
      tpu.yield
    }) : () -> ()
    %scan3A = arith.constant 0 : i32
    %scan3A_0 = arith.constant 0 : i32
    %scan3A_1 = arith.constant 250 : i32
    %scan3A_2 = arith.addi %scan3A_0, %scan3A_1 : i32
    %scan3A_3 = arith.constant 1 : i32
    %scan3A_4 = scf.for %scan3A_177 = %scan3A_0 to %scan3A_2 step %scan3A_3 iter_args(%scan3A_178 = %scan3A) -> (i32)  : i32 {
      %get3A = arith.index_cast %scan3A_177 : i32 to index
      %get3A_179 = arith.constant 0 : index
      %get3A_180 = tpu.vector_load %arg6[%get3A, %get3A_179] {strides = array<i32>} : memref<250x80xi32, #tpu.memory_space<vmem>>, vector<1x16xi32>,
      %get3A_181 = vector.shape_cast %get3A_180 : vector<1x16xi32> to vector<16xi32>
      %mul3A_182 = arith.constant 2 : i32
      %mul3A_183 = vector.broadcast %mul3A_182 : i32 to vector<16xi32>
      %mul3A_184 = arith.muli %get3A_181, %mul3A_183 : vector<16xi32>
      %add3A_185 = vector.broadcast %arg0 : i32 to vector<16xi32>
      %add3A_186 = arith.addi %mul3A_184, %add3A_185 : vector<16xi32>
      %swap3A = arith.index_cast %scan3A_177 : i32 to index
      %swap3A_187 = arith.constant 0 : index
      %swap3A_188 = tpu.vector_load %arg6[%swap3A, %swap3A_187] {strides = array<i32>} : memref<250x80xi32, #tpu.memory_space<vmem>>, vector<1x16xi32>,
      %swap3A_189 = vector.shape_cast %swap3A_188 : vector<1x16xi32> to vector<16xi32>
      %swap3A_190 = vector.shape_cast %add3A_186 : vector<16xi32> to vector<1x16xi32>
      tpu.vector_store %arg6[%swap3A, %swap3A_187], %swap3A_190 {strides = array<i32>} : memref<250x80xi32, #tpu.memory_space<vmem>>, vector<1x16xi32>,
      %get3A_191 = arith.index_cast %scan3A_177 : i32 to index
      %get3A_192 = arith.constant 16 : index
      %get3A_193 = tpu.vector_load %arg6[%get3A_191, %get3A_192] {strides = array<i32>} : memref<250x80xi32, #tpu.memory_space<vmem>>, vector<1x16xi32>,
      %get3A_194 = vector.shape_cast %get3A_193 : vector<1x16xi32> to vector<16xi32>
      %mul3A_195 = arith.constant 2 : i32
      %mul3A_196 = vector.broadcast %mul3A_195 : i32 to vector<16xi32>
      %mul3A_197 = arith.muli %get3A_194, %mul3A_196 : vector<16xi32>
      %add3A_198 = vector.broadcast %arg0 : i32 to vector<16xi32>
      %add3A_199 = arith.addi %mul3A_197, %add3A_198 : vector<16xi32>
      %swap3A_200 = arith.index_cast %scan3A_177 : i32 to index
      %swap3A_201 = arith.constant 16 : index
      %swap3A_202 = tpu.vector_load %arg6[%swap3A_200, %swap3A_201] {strides = array<i32>} : memref<250x80xi32, #tpu.memory_space<vmem>>, vector<1x16xi32>,
      %swap3A_203 = vector.shape_cast %swap3A_202 : vector<1x16xi32> to vector<16xi32>
      %swap3A_204 = vector.shape_cast %add3A_199 : vector<16xi32> to vector<1x16xi32>
      tpu.vector_store %arg6[%swap3A_200, %swap3A_201], %swap3A_204 {strides = array<i32>} : memref<250x80xi32, #tpu.memory_space<vmem>>, vector<1x16xi32>,
      %get3A_205 = arith.index_cast %scan3A_177 : i32 to index
      %get3A_206 = arith.constant 32 : index
      %get3A_207 = tpu.vector_load %arg6[%get3A_205, %get3A_206] {strides = array<i32>} : memref<250x80xi32, #tpu.memory_space<vmem>>, vector<1x16xi32>,
      %get3A_208 = vector.shape_cast %get3A_207 : vector<1x16xi32> to vector<16xi32>
      %mul3A_209 = arith.constant 2 : i32
      %mul3A_210 = vector.broadcast %mul3A_209 : i32 to vector<16xi32>
      %mul3A_211 = arith.muli %get3A_208, %mul3A_210 : vector<16xi32>
      %add3A_212 = vector.broadcast %arg0 : i32 to vector<16xi32>
      %add3A_213 = arith.addi %mul3A_211, %add3A_212 : vector<16xi32>
      %swap3A_214 = arith.index_cast %scan3A_177 : i32 to index
      %swap3A_215 = arith.constant 32 : index
      %swap3A_216 = tpu.vector_load %arg6[%swap3A_214, %swap3A_215] {strides = array<i32>} : memref<250x80xi32, #tpu.memory_space<vmem>>, vector<1x16xi32>,
      %swap3A_217 = vector.shape_cast %swap3A_216 : vector<1x16xi32> to vector<16xi32>
      %swap3A_218 = vector.shape_cast %add3A_213 : vector<16xi32> to vector<1x16xi32>
      tpu.vector_store %arg6[%swap3A_214, %swap3A_215], %swap3A_218 {strides = array<i32>} : memref<250x80xi32, #tpu.memory_space<vmem>>, vector<1x16xi32>,
      %get3A_219 = arith.index_cast %scan3A_177 : i32 to index
      %get3A_220 = arith.constant 48 : index
      %get3A_221 = tpu.vector_load %arg6[%get3A_219, %get3A_220] {strides = array<i32>} : memref<250x80xi32, #tpu.memory_space<vmem>>, vector<1x16xi32>,
      %get3A_222 = vector.shape_cast %get3A_221 : vector<1x16xi32> to vector<16xi32>
      %mul3A_223 = arith.constant 2 : i32
      %mul3A_224 = vector.broadcast %mul3A_223 : i32 to vector<16xi32>
      %mul3A_225 = arith.muli %get3A_222, %mul3A_224 : vector<16xi32>
      %add3A_226 = vector.broadcast %arg0 : i32 to vector<16xi32>
      %add3A_227 = arith.addi %mul3A_225, %add3A_226 : vector<16xi32>
      %swap3A_228 = arith.index_cast %scan3A_177 : i32 to index
      %swap3A_229 = arith.constant 48 : index
      %swap3A_230 = tpu.vector_load %arg6[%swap3A_228, %swap3A_229] {strides = array<i32>} : memref<250x80xi32, #tpu.memory_space<vmem>>, vector<1x16xi32>,
      %swap3A_231 = vector.shape_cast %swap3A_230 : vector<1x16xi32> to vector<16xi32>
      %swap3A_232 = vector.shape_cast %add3A_227 : vector<16xi32> to vector<1x16xi32>
      tpu.vector_store %arg6[%swap3A_228, %swap3A_229], %swap3A_232 {strides = array<i32>} : memref<250x80xi32, #tpu.memory_space<vmem>>, vector<1x16xi32>,
      %get3A_233 = arith.index_cast %scan3A_177 : i32 to index
      %get3A_234 = arith.constant 64 : index
      %get3A_235 = tpu.vector_load %arg6[%get3A_233, %get3A_234] {strides = array<i32>} : memref<250x80xi32, #tpu.memory_space<vmem>>, vector<1x16xi32>,
      %get3A_236 = vector.shape_cast %get3A_235 : vector<1x16xi32> to vector<16xi32>
      %mul3A_237 = arith.constant 2 : i32
      %mul3A_238 = vector.broadcast %mul3A_237 : i32 to vector<16xi32>
      %mul3A_239 = arith.muli %get3A_236, %mul3A_238 : vector<16xi32>
      %add3A_240 = vector.broadcast %arg0 : i32 to vector<16xi32>
      %add3A_241 = arith.addi %mul3A_239, %add3A_240 : vector<16xi32>
      %swap3A_242 = arith.index_cast %scan3A_177 : i32 to index
      %swap3A_243 = arith.constant 64 : index
      %swap3A_244 = tpu.vector_load %arg6[%swap3A_242, %swap3A_243] {strides = array<i32>} : memref<250x80xi32, #tpu.memory_space<vmem>>, vector<1x16xi32>,
      %swap3A_245 = vector.shape_cast %swap3A_244 : vector<1x16xi32> to vector<16xi32>
      %swap3A_246 = vector.shape_cast %add3A_241 : vector<16xi32> to vector<1x16xi32>
      tpu.vector_store %arg6[%swap3A_242, %swap3A_243], %swap3A_246 {strides = array<i32>} : memref<250x80xi32, #tpu.memory_space<vmem>>, vector<1x16xi32>,
      %scan3A_247 = arith.constant 0 : i32
      scf.yield %scan3A_247 : i32
    }
    %scan3A_5 = arith.constant 250 : i32
    %dma_start3A = arith.constant 0 : i32
    %dma_start3A_6 = arith.constant 0 : i32
    %dma_start3A_7 = arith.constant 0 : i32
    %dma_start3A_8 = arith.constant 0 : i32
    %dma_start3A_9 = tpu.memref_slice %arg8[%dma_start3A_6, %dma_start3A_7, %dma_start3A_8] : memref<5x80x64xf32, #tpu.memory_space<vmem>> -> memref<1x80x64xf32, #tpu.memory_space<vmem>>
    %dma_start3A_10 = tpu.memref_squeeze %dma_start3A_9 : memref<1x80x64xf32, #tpu.memory_space<vmem>> -> memref<80x64xf32, #tpu.memory_space<vmem>>
    %dma_start3A_11 = arith.constant 0 : i32
    %dma_start3A_12 = tpu.memref_slice %arg6[%dma_start3A, %dma_start3A_11] : memref<250x80xi32, #tpu.memory_space<vmem>> -> memref<1x80xi32, #tpu.memory_space<vmem>>
    %dma_start3A_13 = tpu.memref_squeeze %dma_start3A_12 : memref<1x80xi32, #tpu.memory_space<vmem>> -> memref<80xi32, #tpu.memory_space<vmem>>
    %dma_start3A_14 = arith.constant 0 : i32
    %dma_start3A_15 = arith.constant 0 : i32
    %dma_start3A_16 = tpu.memref_slice %arg4[%dma_start3A_14, %dma_start3A_15] : memref<20480x64xf32, #tpu.memory_space<hbm>> -> memref<20480x64xf32, #tpu.memory_space<hbm>>
    tpu.enqueue_indirect_dma source(%dma_start3A_16 : memref<20480x64xf32, #tpu.memory_space<hbm>>) target(%dma_start3A_10 : memref<80x64xf32, #tpu.memory_space<vmem>>) offsets(%dma_start3A_13 : memref<80xi32, #tpu.memory_space<vmem>>) semaphore(%arg11 : memref<!tpu.dma_semaphore, #tpu.memory_space<semaphore_mem>>)
    %dma_start3A_17 = arith.constant 1 : i32
    %dma_start3A_18 = arith.constant 1 : i32
    %dma_start3A_19 = arith.constant 0 : i32
    %dma_start3A_20 = arith.constant 0 : i32
    %dma_start3A_21 = tpu.memref_slice %arg8[%dma_start3A_18, %dma_start3A_19, %dma_start3A_20] : memref<5x80x64xf32, #tpu.memory_space<vmem>> -> memref<1x80x64xf32, #tpu.memory_space<vmem>>
    %dma_start3A_22 = tpu.memref_squeeze %dma_start3A_21 : memref<1x80x64xf32, #tpu.memory_space<vmem>> -> memref<80x64xf32, #tpu.memory_space<vmem>>
    %dma_start3A_23 = arith.constant 0 : i32
    %dma_start3A_24 = tpu.memref_slice %arg6[%dma_start3A_17, %dma_start3A_23] : memref<250x80xi32, #tpu.memory_space<vmem>> -> memref<1x80xi32, #tpu.memory_space<vmem>>
    %dma_start3A_25 = tpu.memref_squeeze %dma_start3A_24 : memref<1x80xi32, #tpu.memory_space<vmem>> -> memref<80xi32, #tpu.memory_space<vmem>>
    %dma_start3A_26 = arith.constant 0 : i32
    %dma_start3A_27 = arith.constant 0 : i32
    %dma_start3A_28 = tpu.memref_slice %arg4[%dma_start3A_26, %dma_start3A_27] : memref<20480x64xf32, #tpu.memory_space<hbm>> -> memref<20480x64xf32, #tpu.memory_space<hbm>>
    tpu.enqueue_indirect_dma source(%dma_start3A_28 : memref<20480x64xf32, #tpu.memory_space<hbm>>) target(%dma_start3A_22 : memref<80x64xf32, #tpu.memory_space<vmem>>) offsets(%dma_start3A_25 : memref<80xi32, #tpu.memory_space<vmem>>) semaphore(%arg12 : memref<!tpu.dma_semaphore, #tpu.memory_space<semaphore_mem>>)
    %dma_start3A_29 = arith.constant 2 : i32
    %dma_start3A_30 = arith.constant 2 : i32
    %dma_start3A_31 = arith.constant 0 : i32
    %dma_start3A_32 = arith.constant 0 : i32
    %dma_start3A_33 = tpu.memref_slice %arg8[%dma_start3A_30, %dma_start3A_31, %dma_start3A_32] : memref<5x80x64xf32, #tpu.memory_space<vmem>> -> memref<1x80x64xf32, #tpu.memory_space<vmem>>
    %dma_start3A_34 = tpu.memref_squeeze %dma_start3A_33 : memref<1x80x64xf32, #tpu.memory_space<vmem>> -> memref<80x64xf32, #tpu.memory_space<vmem>>
    %dma_start3A_35 = arith.constant 0 : i32
    %dma_start3A_36 = tpu.memref_slice %arg6[%dma_start3A_29, %dma_start3A_35] : memref<250x80xi32, #tpu.memory_space<vmem>> -> memref<1x80xi32, #tpu.memory_space<vmem>>
    %dma_start3A_37 = tpu.memref_squeeze %dma_start3A_36 : memref<1x80xi32, #tpu.memory_space<vmem>> -> memref<80xi32, #tpu.memory_space<vmem>>
    %dma_start3A_38 = arith.constant 0 : i32
    %dma_start3A_39 = arith.constant 0 : i32
    %dma_start3A_40 = tpu.memref_slice %arg4[%dma_start3A_38, %dma_start3A_39] : memref<20480x64xf32, #tpu.memory_space<hbm>> -> memref<20480x64xf32, #tpu.memory_space<hbm>>
    tpu.enqueue_indirect_dma source(%dma_start3A_40 : memref<20480x64xf32, #tpu.memory_space<hbm>>) target(%dma_start3A_34 : memref<80x64xf32, #tpu.memory_space<vmem>>) offsets(%dma_start3A_37 : memref<80xi32, #tpu.memory_space<vmem>>) semaphore(%arg13 : memref<!tpu.dma_semaphore, #tpu.memory_space<semaphore_mem>>)
    %dma_start3A_41 = arith.constant 3 : i32
    %dma_start3A_42 = arith.constant 3 : i32
    %dma_start3A_43 = arith.constant 0 : i32
    %dma_start3A_44 = arith.constant 0 : i32
    %dma_start3A_45 = tpu.memref_slice %arg8[%dma_start3A_42, %dma_start3A_43, %dma_start3A_44] : memref<5x80x64xf32, #tpu.memory_space<vmem>> -> memref<1x80x64xf32, #tpu.memory_space<vmem>>
    %dma_start3A_46 = tpu.memref_squeeze %dma_start3A_45 : memref<1x80x64xf32, #tpu.memory_space<vmem>> -> memref<80x64xf32, #tpu.memory_space<vmem>>
    %dma_start3A_47 = arith.constant 0 : i32
    %dma_start3A_48 = tpu.memref_slice %arg6[%dma_start3A_41, %dma_start3A_47] : memref<250x80xi32, #tpu.memory_space<vmem>> -> memref<1x80xi32, #tpu.memory_space<vmem>>
    %dma_start3A_49 = tpu.memref_squeeze %dma_start3A_48 : memref<1x80xi32, #tpu.memory_space<vmem>> -> memref<80xi32, #tpu.memory_space<vmem>>
    %dma_start3A_50 = arith.constant 0 : i32
    %dma_start3A_51 = arith.constant 0 : i32
    %dma_start3A_52 = tpu.memref_slice %arg4[%dma_start3A_50, %dma_start3A_51] : memref<20480x64xf32, #tpu.memory_space<hbm>> -> memref<20480x64xf32, #tpu.memory_space<hbm>>
    tpu.enqueue_indirect_dma source(%dma_start3A_52 : memref<20480x64xf32, #tpu.memory_space<hbm>>) target(%dma_start3A_46 : memref<80x64xf32, #tpu.memory_space<vmem>>) offsets(%dma_start3A_49 : memref<80xi32, #tpu.memory_space<vmem>>) semaphore(%arg14 : memref<!tpu.dma_semaphore, #tpu.memory_space<semaphore_mem>>)
    %dma_start3A_53 = arith.constant 4 : i32
    %dma_start3A_54 = arith.constant 4 : i32
    %dma_start3A_55 = arith.constant 0 : i32
    %dma_start3A_56 = arith.constant 0 : i32
    %dma_start3A_57 = tpu.memref_slice %arg8[%dma_start3A_54, %dma_start3A_55, %dma_start3A_56] : memref<5x80x64xf32, #tpu.memory_space<vmem>> -> memref<1x80x64xf32, #tpu.memory_space<vmem>>
    %dma_start3A_58 = tpu.memref_squeeze %dma_start3A_57 : memref<1x80x64xf32, #tpu.memory_space<vmem>> -> memref<80x64xf32, #tpu.memory_space<vmem>>
    %dma_start3A_59 = arith.constant 0 : i32
    %dma_start3A_60 = tpu.memref_slice %arg6[%dma_start3A_53, %dma_start3A_59] : memref<250x80xi32, #tpu.memory_space<vmem>> -> memref<1x80xi32, #tpu.memory_space<vmem>>
    %dma_start3A_61 = tpu.memref_squeeze %dma_start3A_60 : memref<1x80xi32, #tpu.memory_space<vmem>> -> memref<80xi32, #tpu.memory_space<vmem>>
    %dma_start3A_62 = arith.constant 0 : i32
    %dma_start3A_63 = arith.constant 0 : i32
    %dma_start3A_64 = tpu.memref_slice %arg4[%dma_start3A_62, %dma_start3A_63] : memref<20480x64xf32, #tpu.memory_space<hbm>> -> memref<20480x64xf32, #tpu.memory_space<hbm>>
    tpu.enqueue_indirect_dma source(%dma_start3A_64 : memref<20480x64xf32, #tpu.memory_space<hbm>>) target(%dma_start3A_58 : memref<80x64xf32, #tpu.memory_space<vmem>>) offsets(%dma_start3A_61 : memref<80xi32, #tpu.memory_space<vmem>>) semaphore(%arg15 : memref<!tpu.dma_semaphore, #tpu.memory_space<semaphore_mem>>)
    %scan3A_65 = arith.constant 0 : i32
    %scan3A_66 = arith.constant 0 : i32
    %scan3A_67 = arith.constant 160 : i32
    %scan3A_68 = arith.addi %scan3A_66, %scan3A_67 : i32
    %scan3A_69 = arith.constant 1 : i32
    %scan3A_70 = scf.for %scan3A_177 = %scan3A_66 to %scan3A_68 step %scan3A_69 iter_args(%scan3A_178 = %scan3A_65) -> (i32)  : i32 {
      %broadcast_in_dim3A = arith.constant 0.000000e+00 : f32
      %broadcast_in_dim3A_179 = vector.broadcast %broadcast_in_dim3A : f32 to vector<16xf32>
      %swap3A = arith.index_cast %scan3A_177 : i32 to index
      %swap3A_180 = arith.constant 0 : index
      %swap3A_181 = tpu.vector_load %arg9[%swap3A, %swap3A_180] {strides = array<i32>} : memref<160x64xf32, #tpu.memory_space<vmem>>, vector<1x16xf32>,
      %swap3A_182 = vector.shape_cast %swap3A_181 : vector<1x16xf32> to vector<16xf32>
      %swap3A_183 = vector.shape_cast %broadcast_in_dim3A_179 : vector<16xf32> to vector<1x16xf32>
      tpu.vector_store %arg9[%swap3A, %swap3A_180], %swap3A_183 {strides = array<i32>} : memref<160x64xf32, #tpu.memory_space<vmem>>, vector<1x16xf32>,
      %broadcast_in_dim3A_184 = arith.constant 0.000000e+00 : f32
      %broadcast_in_dim3A_185 = vector.broadcast %broadcast_in_dim3A_184 : f32 to vector<16xf32>
      %swap3A_186 = arith.index_cast %scan3A_177 : i32 to index
      %swap3A_187 = arith.constant 16 : index
      %swap3A_188 = tpu.vector_load %arg9[%swap3A_186, %swap3A_187] {strides = array<i32>} : memref<160x64xf32, #tpu.memory_space<vmem>>, vector<1x16xf32>,
      %swap3A_189 = vector.shape_cast %swap3A_188 : vector<1x16xf32> to vector<16xf32>
      %swap3A_190 = vector.shape_cast %broadcast_in_dim3A_185 : vector<16xf32> to vector<1x16xf32>
      tpu.vector_store %arg9[%swap3A_186, %swap3A_187], %swap3A_190 {strides = array<i32>} : memref<160x64xf32, #tpu.memory_space<vmem>>, vector<1x16xf32>,
      %broadcast_in_dim3A_191 = arith.constant 0.000000e+00 : f32
      %broadcast_in_dim3A_192 = vector.broadcast %broadcast_in_dim3A_191 : f32 to vector<16xf32>
      %swap3A_193 = arith.index_cast %scan3A_177 : i32 to index
      %swap3A_194 = arith.constant 32 : index
      %swap3A_195 = tpu.vector_load %arg9[%swap3A_193, %swap3A_194] {strides = array<i32>} : memref<160x64xf32, #tpu.memory_space<vmem>>, vector<1x16xf32>,
      %swap3A_196 = vector.shape_cast %swap3A_195 : vector<1x16xf32> to vector<16xf32>
      %swap3A_197 = vector.shape_cast %broadcast_in_dim3A_192 : vector<16xf32> to vector<1x16xf32>
      tpu.vector_store %arg9[%swap3A_193, %swap3A_194], %swap3A_197 {strides = array<i32>} : memref<160x64xf32, #tpu.memory_space<vmem>>, vector<1x16xf32>,
      %broadcast_in_dim3A_198 = arith.constant 0.000000e+00 : f32
      %broadcast_in_dim3A_199 = vector.broadcast %broadcast_in_dim3A_198 : f32 to vector<16xf32>
      %swap3A_200 = arith.index_cast %scan3A_177 : i32 to index
      %swap3A_201 = arith.constant 48 : index
      %swap3A_202 = tpu.vector_load %arg9[%swap3A_200, %swap3A_201] {strides = array<i32>} : memref<160x64xf32, #tpu.memory_space<vmem>>, vector<1x16xf32>,
      %swap3A_203 = vector.shape_cast %swap3A_202 : vector<1x16xf32> to vector<16xf32>
      %swap3A_204 = vector.shape_cast %broadcast_in_dim3A_199 : vector<16xf32> to vector<1x16xf32>
      tpu.vector_store %arg9[%swap3A_200, %swap3A_201], %swap3A_204 {strides = array<i32>} : memref<160x64xf32, #tpu.memory_space<vmem>>, vector<1x16xf32>,
      %scan3A_205 = arith.constant 0 : i32
      scf.yield %scan3A_205 : i32
    }
    %scan3A_71 = arith.constant 160 : i32
    %mul3A = arith.constant 640 : i32
    %mul3A_72 = arith.muli %arg1, %mul3A : i32
    %add3A = arith.constant 0 : i32
    %add3A_73 = arith.addi %mul3A_72, %add3A : i32
    "tpu.region"() ({
      %run_scoped3A = tpu.sem_alloc : memref<!tpu.dma_semaphore, #tpu.memory_space<semaphore_mem>>
      %dma_start3A_177 = arith.constant 0 : i32
      %dma_start3A_178 = tpu.memref_slice %arg10[%add3A_73, %dma_start3A_177] : memref<10240x64xf32, #tpu.memory_space<vmem_shared>> -> memref<160x64xf32, #tpu.memory_space<vmem_shared>>
      %dma_start3A_179 = arith.constant 0 : i32
      %dma_start3A_180 = tpu.memref_slice %arg10[%add3A_73, %dma_start3A_179] : memref<10240x64xf32, #tpu.memory_space<vmem_shared>> -> memref<160x64xf32, #tpu.memory_space<vmem_shared>>
      tpu.enqueue_dma source(%arg9 : memref<160x64xf32, #tpu.memory_space<vmem>>) target(%dma_start3A_180 : memref<160x64xf32, #tpu.memory_space<vmem_shared>>) target_semaphore(%run_scoped3A : memref<!tpu.dma_semaphore, #tpu.memory_space<semaphore_mem>>)
      %dma_wait3A_181 = arith.constant 0 : i32
      %dma_wait3A_182 = tpu.memref_slice %arg10[%add3A_73, %dma_wait3A_181] : memref<10240x64xf32, #tpu.memory_space<vmem_shared>> -> memref<160x64xf32, #tpu.memory_space<vmem_shared>>
      %dma_wait3A_183 = arith.constant 0 : i32
      %dma_wait3A_184 = tpu.memref_slice %arg10[%add3A_73, %dma_wait3A_183] : memref<10240x64xf32, #tpu.memory_space<vmem_shared>> -> memref<160x64xf32, #tpu.memory_space<vmem_shared>>
      tpu.wait_dma2 semaphore(%run_scoped3A : memref<!tpu.dma_semaphore, #tpu.memory_space<semaphore_mem>>) src(%arg9 : memref<160x64xf32, #tpu.memory_space<vmem>>) dst(%dma_wait3A_184 : memref<160x64xf32, #tpu.memory_space<vmem_shared>>)
      tpu.yield
    }) : () -> ()
    %mul3A_74 = arith.constant 640 : i32
    %mul3A_75 = arith.muli %arg1, %mul3A_74 : i32
    %add3A_76 = arith.constant 160 : i32
    %add3A_77 = arith.addi %mul3A_75, %add3A_76 : i32
    "tpu.region"() ({
      %run_scoped3A = tpu.sem_alloc : memref<!tpu.dma_semaphore, #tpu.memory_space<semaphore_mem>>
      %dma_start3A_177 = arith.constant 0 : i32
      %dma_start3A_178 = tpu.memref_slice %arg10[%add3A_77, %dma_start3A_177] : memref<10240x64xf32, #tpu.memory_space<vmem_shared>> -> memref<160x64xf32, #tpu.memory_space<vmem_shared>>
      %dma_start3A_179 = arith.constant 0 : i32
      %dma_start3A_180 = tpu.memref_slice %arg10[%add3A_77, %dma_start3A_179] : memref<10240x64xf32, #tpu.memory_space<vmem_shared>> -> memref<160x64xf32, #tpu.memory_space<vmem_shared>>
      tpu.enqueue_dma source(%arg9 : memref<160x64xf32, #tpu.memory_space<vmem>>) target(%dma_start3A_180 : memref<160x64xf32, #tpu.memory_space<vmem_shared>>) target_semaphore(%run_scoped3A : memref<!tpu.dma_semaphore, #tpu.memory_space<semaphore_mem>>)
      %dma_wait3A_181 = arith.constant 0 : i32
      %dma_wait3A_182 = tpu.memref_slice %arg10[%add3A_77, %dma_wait3A_181] : memref<10240x64xf32, #tpu.memory_space<vmem_shared>> -> memref<160x64xf32, #tpu.memory_space<vmem_shared>>
      %dma_wait3A_183 = arith.constant 0 : i32
      %dma_wait3A_184 = tpu.memref_slice %arg10[%add3A_77, %dma_wait3A_183] : memref<10240x64xf32, #tpu.memory_space<vmem_shared>> -> memref<160x64xf32, #tpu.memory_space<vmem_shared>>
      tpu.wait_dma2 semaphore(%run_scoped3A : memref<!tpu.dma_semaphore, #tpu.memory_space<semaphore_mem>>) src(%arg9 : memref<160x64xf32, #tpu.memory_space<vmem>>) dst(%dma_wait3A_184 : memref<160x64xf32, #tpu.memory_space<vmem_shared>>)
      tpu.yield
    }) : () -> ()
    %mul3A_78 = arith.constant 640 : i32
    %mul3A_79 = arith.muli %arg1, %mul3A_78 : i32
    %add3A_80 = arith.constant 320 : i32
    %add3A_81 = arith.addi %mul3A_79, %add3A_80 : i32
    "tpu.region"() ({
      %run_scoped3A = tpu.sem_alloc : memref<!tpu.dma_semaphore, #tpu.memory_space<semaphore_mem>>
      %dma_start3A_177 = arith.constant 0 : i32
      %dma_start3A_178 = tpu.memref_slice %arg10[%add3A_81, %dma_start3A_177] : memref<10240x64xf32, #tpu.memory_space<vmem_shared>> -> memref<160x64xf32, #tpu.memory_space<vmem_shared>>
      %dma_start3A_179 = arith.constant 0 : i32
      %dma_start3A_180 = tpu.memref_slice %arg10[%add3A_81, %dma_start3A_179] : memref<10240x64xf32, #tpu.memory_space<vmem_shared>> -> memref<160x64xf32, #tpu.memory_space<vmem_shared>>
      tpu.enqueue_dma source(%arg9 : memref<160x64xf32, #tpu.memory_space<vmem>>) target(%dma_start3A_180 : memref<160x64xf32, #tpu.memory_space<vmem_shared>>) target_semaphore(%run_scoped3A : memref<!tpu.dma_semaphore, #tpu.memory_space<semaphore_mem>>)
      %dma_wait3A_181 = arith.constant 0 : i32
      %dma_wait3A_182 = tpu.memref_slice %arg10[%add3A_81, %dma_wait3A_181] : memref<10240x64xf32, #tpu.memory_space<vmem_shared>> -> memref<160x64xf32, #tpu.memory_space<vmem_shared>>
      %dma_wait3A_183 = arith.constant 0 : i32
      %dma_wait3A_184 = tpu.memref_slice %arg10[%add3A_81, %dma_wait3A_183] : memref<10240x64xf32, #tpu.memory_space<vmem_shared>> -> memref<160x64xf32, #tpu.memory_space<vmem_shared>>
      tpu.wait_dma2 semaphore(%run_scoped3A : memref<!tpu.dma_semaphore, #tpu.memory_space<semaphore_mem>>) src(%arg9 : memref<160x64xf32, #tpu.memory_space<vmem>>) dst(%dma_wait3A_184 : memref<160x64xf32, #tpu.memory_space<vmem_shared>>)
      tpu.yield
    }) : () -> ()
    %mul3A_82 = arith.constant 640 : i32
    %mul3A_83 = arith.muli %arg1, %mul3A_82 : i32
    %add3A_84 = arith.constant 480 : i32
    %add3A_85 = arith.addi %mul3A_83, %add3A_84 : i32
    "tpu.region"() ({
      %run_scoped3A = tpu.sem_alloc : memref<!tpu.dma_semaphore, #tpu.memory_space<semaphore_mem>>
      %dma_start3A_177 = arith.constant 0 : i32
      %dma_start3A_178 = tpu.memref_slice %arg10[%add3A_85, %dma_start3A_177] : memref<10240x64xf32, #tpu.memory_space<vmem_shared>> -> memref<160x64xf32, #tpu.memory_space<vmem_shared>>
      %dma_start3A_179 = arith.constant 0 : i32
      %dma_start3A_180 = tpu.memref_slice %arg10[%add3A_85, %dma_start3A_179] : memref<10240x64xf32, #tpu.memory_space<vmem_shared>> -> memref<160x64xf32, #tpu.memory_space<vmem_shared>>
      tpu.enqueue_dma source(%arg9 : memref<160x64xf32, #tpu.memory_space<vmem>>) target(%dma_start3A_180 : memref<160x64xf32, #tpu.memory_space<vmem_shared>>) target_semaphore(%run_scoped3A : memref<!tpu.dma_semaphore, #tpu.memory_space<semaphore_mem>>)
      %dma_wait3A_181 = arith.constant 0 : i32
      %dma_wait3A_182 = tpu.memref_slice %arg10[%add3A_85, %dma_wait3A_181] : memref<10240x64xf32, #tpu.memory_space<vmem_shared>> -> memref<160x64xf32, #tpu.memory_space<vmem_shared>>
      %dma_wait3A_183 = arith.constant 0 : i32
      %dma_wait3A_184 = tpu.memref_slice %arg10[%add3A_85, %dma_wait3A_183] : memref<10240x64xf32, #tpu.memory_space<vmem_shared>> -> memref<160x64xf32, #tpu.memory_space<vmem_shared>>
      tpu.wait_dma2 semaphore(%run_scoped3A : memref<!tpu.dma_semaphore, #tpu.memory_space<semaphore_mem>>) src(%arg9 : memref<160x64xf32, #tpu.memory_space<vmem>>) dst(%dma_wait3A_184 : memref<160x64xf32, #tpu.memory_space<vmem_shared>>)
      tpu.yield
    }) : () -> ()
    %barrier3A = arith.constant 0 : index
    tpu.barrier barrier_id(%barrier3A)
    %scan3A_86 = arith.constant 0 : i32
    %scan3A_87 = arith.constant 0 : i32
    %scan3A_88 = arith.constant 50 : i32
    %scan3A_89 = arith.addi %scan3A_87, %scan3A_88 : i32
    %scan3A_90 = arith.constant 1 : i32
    %scan3A_91 = scf.for %scan3A_177 = %scan3A_87 to %scan3A_89 step %scan3A_90 iter_args(%scan3A_178 = %scan3A_86) -> (i32)  : i32 {
      %mul3A_179 = arith.constant 5 : i32
      %mul3A_180 = arith.muli %scan3A_177, %mul3A_179 : i32
      %add3A_181 = arith.constant 0 : i32
      %add3A_182 = arith.addi %mul3A_180, %add3A_181 : i32
      %dma_wait3A_183 = arith.constant 0 : i32
      %dma_wait3A_184 = arith.constant 0 : i32
      %dma_wait3A_185 = arith.constant 0 : i32
      %dma_wait3A_186 = tpu.memref_slice %arg8[%dma_wait3A_183, %dma_wait3A_184, %dma_wait3A_185] : memref<5x80x64xf32, #tpu.memory_space<vmem>> -> memref<1x80x64xf32, #tpu.memory_space<vmem>>
      %dma_wait3A_187 = tpu.memref_squeeze %dma_wait3A_186 : memref<1x80x64xf32, #tpu.memory_space<vmem>> -> memref<80x64xf32, #tpu.memory_space<vmem>>
      %dma_wait3A_188 = arith.constant 0 : i32
      %dma_wait3A_189 = tpu.memref_slice %arg6[%add3A_182, %dma_wait3A_188] : memref<250x80xi32, #tpu.memory_space<vmem>> -> memref<1x80xi32, #tpu.memory_space<vmem>>
      %dma_wait3A_190 = tpu.memref_squeeze %dma_wait3A_189 : memref<1x80xi32, #tpu.memory_space<vmem>> -> memref<80xi32, #tpu.memory_space<vmem>>
      %dma_wait3A_191 = arith.constant 0 : i32
      %dma_wait3A_192 = arith.constant 0 : i32
      %dma_wait3A_193 = tpu.memref_slice %arg4[%dma_wait3A_191, %dma_wait3A_192] : memref<20480x64xf32, #tpu.memory_space<hbm>> -> memref<20480x64xf32, #tpu.memory_space<hbm>>
      tpu.wait_indirect_dma semaphore(%arg11 : memref<!tpu.dma_semaphore, #tpu.memory_space<semaphore_mem>>) src(%dma_wait3A_193 : memref<20480x64xf32, #tpu.memory_space<hbm>>) dst(%dma_wait3A_187 : memref<80x64xf32, #tpu.memory_space<vmem>>)
      %dma_start3A_194 = arith.constant 0 : i32
      %dma_start3A_195 = arith.constant 0 : i32
      %dma_start3A_196 = arith.constant 0 : i32
      %dma_start3A_197 = tpu.memref_slice %arg8[%dma_start3A_194, %dma_start3A_195, %dma_start3A_196] : memref<5x80x64xf32, #tpu.memory_space<vmem>> -> memref<1x80x64xf32, #tpu.memory_space<vmem>>
      %dma_start3A_198 = tpu.memref_squeeze %dma_start3A_197 : memref<1x80x64xf32, #tpu.memory_space<vmem>> -> memref<80x64xf32, #tpu.memory_space<vmem>>
      %dma_start3A_199 = arith.constant 0 : i32
      %dma_start3A_200 = tpu.memref_slice %arg7[%add3A_182, %dma_start3A_199] : memref<250x80xi32, #tpu.memory_space<vmem>> -> memref<1x80xi32, #tpu.memory_space<vmem>>
      %dma_start3A_201 = tpu.memref_squeeze %dma_start3A_200 : memref<1x80xi32, #tpu.memory_space<vmem>> -> memref<80xi32, #tpu.memory_space<vmem>>
      %dma_start3A_202 = arith.constant 0 : i32
      %dma_start3A_203 = arith.constant 0 : i32
      %dma_start3A_204 = tpu.memref_slice %arg10[%dma_start3A_202, %dma_start3A_203] : memref<10240x64xf32, #tpu.memory_space<vmem_shared>> -> memref<10240x64xf32, #tpu.memory_space<vmem_shared>>
      tpu.enqueue_indirect_dma source(%dma_start3A_198 : memref<80x64xf32, #tpu.memory_space<vmem>>) target(%dma_start3A_204 : memref<10240x64xf32, #tpu.memory_space<vmem_shared>>) offsets(%dma_start3A_201 : memref<80xi32, #tpu.memory_space<vmem>>) semaphore(%arg16 : memref<!tpu.dma_semaphore, #tpu.memory_space<semaphore_mem>>) {add = true}
      %add3A_205 = arith.constant 5 : i32
      %add3A_206 = arith.addi %add3A_182, %add3A_205 : i32
      %sub3A = arith.constant 1 : i32
      %sub3A_207 = arith.subi %add3A_206, %sub3A : i32
      %ge3A = arith.constant 1 : i32
      %ge3A_208 = arith.cmpi sge, %add3A_182, %ge3A : i32
      %lt3A = arith.constant 250 : i32
      %lt3A_209 = arith.cmpi slt, %sub3A_207, %lt3A : i32
      %and3A = arith.andi %ge3A_208, %lt3A_209 : i1
      %convert_element_type3A = arith.extui %and3A : i1 to i32
      %cond3A = arith.constant 0 : i32
      %cond3A_210 = arith.cmpi ne, %convert_element_type3A, %cond3A : i32
      scf.if %cond3A_210 {
        %sub3A_352 = arith.constant 1 : i32
        %sub3A_353 = arith.subi %add3A_182, %sub3A_352 : i32
        %dma_wait3A_354 = arith.constant 4 : i32
        %dma_wait3A_355 = arith.constant 0 : i32
        %dma_wait3A_356 = arith.constant 0 : i32
        %dma_wait3A_357 = tpu.memref_slice %arg8[%dma_wait3A_354, %dma_wait3A_355, %dma_wait3A_356] : memref<5x80x64xf32, #tpu.memory_space<vmem>> -> memref<1x80x64xf32, #tpu.memory_space<vmem>>
        %dma_wait3A_358 = tpu.memref_squeeze %dma_wait3A_357 : memref<1x80x64xf32, #tpu.memory_space<vmem>> -> memref<80x64xf32, #tpu.memory_space<vmem>>
        %dma_wait3A_359 = arith.constant 0 : i32
        %dma_wait3A_360 = tpu.memref_slice %arg7[%sub3A_353, %dma_wait3A_359] : memref<250x80xi32, #tpu.memory_space<vmem>> -> memref<1x80xi32, #tpu.memory_space<vmem>>
        %dma_wait3A_361 = tpu.memref_squeeze %dma_wait3A_360 : memref<1x80xi32, #tpu.memory_space<vmem>> -> memref<80xi32, #tpu.memory_space<vmem>>
        %dma_wait3A_362 = arith.constant 0 : i32
        %dma_wait3A_363 = arith.constant 0 : i32
        %dma_wait3A_364 = tpu.memref_slice %arg10[%dma_wait3A_362, %dma_wait3A_363] : memref<10240x64xf32, #tpu.memory_space<vmem_shared>> -> memref<10240x64xf32, #tpu.memory_space<vmem_shared>>
        tpu.wait_indirect_dma semaphore(%arg20 : memref<!tpu.dma_semaphore, #tpu.memory_space<semaphore_mem>>) src(%dma_wait3A_358 : memref<80x64xf32, #tpu.memory_space<vmem>>) dst(%dma_wait3A_364 : memref<10240x64xf32, #tpu.memory_space<vmem_shared>>)
        %dma_start3A_365 = arith.constant 4 : i32
        %dma_start3A_366 = arith.constant 0 : i32
        %dma_start3A_367 = arith.constant 0 : i32
        %dma_start3A_368 = tpu.memref_slice %arg8[%dma_start3A_365, %dma_start3A_366, %dma_start3A_367] : memref<5x80x64xf32, #tpu.memory_space<vmem>> -> memref<1x80x64xf32, #tpu.memory_space<vmem>>
        %dma_start3A_369 = tpu.memref_squeeze %dma_start3A_368 : memref<1x80x64xf32, #tpu.memory_space<vmem>> -> memref<80x64xf32, #tpu.memory_space<vmem>>
        %dma_start3A_370 = arith.constant 0 : i32
        %dma_start3A_371 = tpu.memref_slice %arg6[%sub3A_207, %dma_start3A_370] : memref<250x80xi32, #tpu.memory_space<vmem>> -> memref<1x80xi32, #tpu.memory_space<vmem>>
        %dma_start3A_372 = tpu.memref_squeeze %dma_start3A_371 : memref<1x80xi32, #tpu.memory_space<vmem>> -> memref<80xi32, #tpu.memory_space<vmem>>
        %dma_start3A_373 = arith.constant 0 : i32
        %dma_start3A_374 = arith.constant 0 : i32
        %dma_start3A_375 = tpu.memref_slice %arg4[%dma_start3A_373, %dma_start3A_374] : memref<20480x64xf32, #tpu.memory_space<hbm>> -> memref<20480x64xf32, #tpu.memory_space<hbm>>
        tpu.enqueue_indirect_dma source(%dma_start3A_375 : memref<20480x64xf32, #tpu.memory_space<hbm>>) target(%dma_start3A_369 : memref<80x64xf32, #tpu.memory_space<vmem>>) offsets(%dma_start3A_372 : memref<80xi32, #tpu.memory_space<vmem>>) semaphore(%arg15 : memref<!tpu.dma_semaphore, #tpu.memory_space<semaphore_mem>>)
      } else {
      }
      %mul3A_211 = arith.constant 5 : i32
      %mul3A_212 = arith.muli %scan3A_177, %mul3A_211 : i32
      %add3A_213 = arith.constant 1 : i32
      %add3A_214 = arith.addi %mul3A_212, %add3A_213 : i32
      %dma_wait3A_215 = arith.constant 1 : i32
      %dma_wait3A_216 = arith.constant 0 : i32
      %dma_wait3A_217 = arith.constant 0 : i32
      %dma_wait3A_218 = tpu.memref_slice %arg8[%dma_wait3A_215, %dma_wait3A_216, %dma_wait3A_217] : memref<5x80x64xf32, #tpu.memory_space<vmem>> -> memref<1x80x64xf32, #tpu.memory_space<vmem>>
      %dma_wait3A_219 = tpu.memref_squeeze %dma_wait3A_218 : memref<1x80x64xf32, #tpu.memory_space<vmem>> -> memref<80x64xf32, #tpu.memory_space<vmem>>
      %dma_wait3A_220 = arith.constant 0 : i32
      %dma_wait3A_221 = tpu.memref_slice %arg6[%add3A_214, %dma_wait3A_220] : memref<250x80xi32, #tpu.memory_space<vmem>> -> memref<1x80xi32, #tpu.memory_space<vmem>>
      %dma_wait3A_222 = tpu.memref_squeeze %dma_wait3A_221 : memref<1x80xi32, #tpu.memory_space<vmem>> -> memref<80xi32, #tpu.memory_space<vmem>>
      %dma_wait3A_223 = arith.constant 0 : i32
      %dma_wait3A_224 = arith.constant 0 : i32
      %dma_wait3A_225 = tpu.memref_slice %arg4[%dma_wait3A_223, %dma_wait3A_224] : memref<20480x64xf32, #tpu.memory_space<hbm>> -> memref<20480x64xf32, #tpu.memory_space<hbm>>
      tpu.wait_indirect_dma semaphore(%arg12 : memref<!tpu.dma_semaphore, #tpu.memory_space<semaphore_mem>>) src(%dma_wait3A_225 : memref<20480x64xf32, #tpu.memory_space<hbm>>) dst(%dma_wait3A_219 : memref<80x64xf32, #tpu.memory_space<vmem>>)
      %dma_start3A_226 = arith.constant 1 : i32
      %dma_start3A_227 = arith.constant 0 : i32
      %dma_start3A_228 = arith.constant 0 : i32
      %dma_start3A_229 = tpu.memref_slice %arg8[%dma_start3A_226, %dma_start3A_227, %dma_start3A_228] : memref<5x80x64xf32, #tpu.memory_space<vmem>> -> memref<1x80x64xf32, #tpu.memory_space<vmem>>
      %dma_start3A_230 = tpu.memref_squeeze %dma_start3A_229 : memref<1x80x64xf32, #tpu.memory_space<vmem>> -> memref<80x64xf32, #tpu.memory_space<vmem>>
      %dma_start3A_231 = arith.constant 0 : i32
      %dma_start3A_232 = tpu.memref_slice %arg7[%add3A_214, %dma_start3A_231] : memref<250x80xi32, #tpu.memory_space<vmem>> -> memref<1x80xi32, #tpu.memory_space<vmem>>
      %dma_start3A_233 = tpu.memref_squeeze %dma_start3A_232 : memref<1x80xi32, #tpu.memory_space<vmem>> -> memref<80xi32, #tpu.memory_space<vmem>>
      %dma_start3A_234 = arith.constant 0 : i32
      %dma_start3A_235 = arith.constant 0 : i32
      %dma_start3A_236 = tpu.memref_slice %arg10[%dma_start3A_234, %dma_start3A_235] : memref<10240x64xf32, #tpu.memory_space<vmem_shared>> -> memref<10240x64xf32, #tpu.memory_space<vmem_shared>>
      tpu.enqueue_indirect_dma source(%dma_start3A_230 : memref<80x64xf32, #tpu.memory_space<vmem>>) target(%dma_start3A_236 : memref<10240x64xf32, #tpu.memory_space<vmem_shared>>) offsets(%dma_start3A_233 : memref<80xi32, #tpu.memory_space<vmem>>) semaphore(%arg17 : memref<!tpu.dma_semaphore, #tpu.memory_space<semaphore_mem>>) {add = true}
      %add3A_237 = arith.constant 5 : i32
      %add3A_238 = arith.addi %add3A_214, %add3A_237 : i32
      %sub3A_239 = arith.constant 1 : i32
      %sub3A_240 = arith.subi %add3A_238, %sub3A_239 : i32
      %lt3A_241 = arith.constant 250 : i32
      %lt3A_242 = arith.cmpi slt, %sub3A_240, %lt3A_241 : i32
      %convert_element_type3A_243 = arith.extui %lt3A_242 : i1 to i32
      %cond3A_244 = arith.constant 0 : i32
      %cond3A_245 = arith.cmpi ne, %convert_element_type3A_243, %cond3A_244 : i32
      scf.if %cond3A_245 {
        %sub3A_352 = arith.constant 1 : i32
        %sub3A_353 = arith.subi %add3A_214, %sub3A_352 : i32
        %dma_wait3A_354 = arith.constant 0 : i32
        %dma_wait3A_355 = arith.constant 0 : i32
        %dma_wait3A_356 = arith.constant 0 : i32
        %dma_wait3A_357 = tpu.memref_slice %arg8[%dma_wait3A_354, %dma_wait3A_355, %dma_wait3A_356] : memref<5x80x64xf32, #tpu.memory_space<vmem>> -> memref<1x80x64xf32, #tpu.memory_space<vmem>>
        %dma_wait3A_358 = tpu.memref_squeeze %dma_wait3A_357 : memref<1x80x64xf32, #tpu.memory_space<vmem>> -> memref<80x64xf32, #tpu.memory_space<vmem>>
        %dma_wait3A_359 = arith.constant 0 : i32
        %dma_wait3A_360 = tpu.memref_slice %arg7[%sub3A_353, %dma_wait3A_359] : memref<250x80xi32, #tpu.memory_space<vmem>> -> memref<1x80xi32, #tpu.memory_space<vmem>>
        %dma_wait3A_361 = tpu.memref_squeeze %dma_wait3A_360 : memref<1x80xi32, #tpu.memory_space<vmem>> -> memref<80xi32, #tpu.memory_space<vmem>>
        %dma_wait3A_362 = arith.constant 0 : i32
        %dma_wait3A_363 = arith.constant 0 : i32
        %dma_wait3A_364 = tpu.memref_slice %arg10[%dma_wait3A_362, %dma_wait3A_363] : memref<10240x64xf32, #tpu.memory_space<vmem_shared>> -> memref<10240x64xf32, #tpu.memory_space<vmem_shared>>
        tpu.wait_indirect_dma semaphore(%arg16 : memref<!tpu.dma_semaphore, #tpu.memory_space<semaphore_mem>>) src(%dma_wait3A_358 : memref<80x64xf32, #tpu.memory_space<vmem>>) dst(%dma_wait3A_364 : memref<10240x64xf32, #tpu.memory_space<vmem_shared>>)
        %dma_start3A_365 = arith.constant 0 : i32
        %dma_start3A_366 = arith.constant 0 : i32
        %dma_start3A_367 = arith.constant 0 : i32
        %dma_start3A_368 = tpu.memref_slice %arg8[%dma_start3A_365, %dma_start3A_366, %dma_start3A_367] : memref<5x80x64xf32, #tpu.memory_space<vmem>> -> memref<1x80x64xf32, #tpu.memory_space<vmem>>
        %dma_start3A_369 = tpu.memref_squeeze %dma_start3A_368 : memref<1x80x64xf32, #tpu.memory_space<vmem>> -> memref<80x64xf32, #tpu.memory_space<vmem>>
        %dma_start3A_370 = arith.constant 0 : i32
        %dma_start3A_371 = tpu.memref_slice %arg6[%sub3A_240, %dma_start3A_370] : memref<250x80xi32, #tpu.memory_space<vmem>> -> memref<1x80xi32, #tpu.memory_space<vmem>>
        %dma_start3A_372 = tpu.memref_squeeze %dma_start3A_371 : memref<1x80xi32, #tpu.memory_space<vmem>> -> memref<80xi32, #tpu.memory_space<vmem>>
        %dma_start3A_373 = arith.constant 0 : i32
        %dma_start3A_374 = arith.constant 0 : i32
        %dma_start3A_375 = tpu.memref_slice %arg4[%dma_start3A_373, %dma_start3A_374] : memref<20480x64xf32, #tpu.memory_space<hbm>> -> memref<20480x64xf32, #tpu.memory_space<hbm>>
        tpu.enqueue_indirect_dma source(%dma_start3A_375 : memref<20480x64xf32, #tpu.memory_space<hbm>>) target(%dma_start3A_369 : memref<80x64xf32, #tpu.memory_space<vmem>>) offsets(%dma_start3A_372 : memref<80xi32, #tpu.memory_space<vmem>>) semaphore(%arg11 : memref<!tpu.dma_semaphore, #tpu.memory_space<semaphore_mem>>)
      } else {
      }
      %mul3A_246 = arith.constant 5 : i32
      %mul3A_247 = arith.muli %scan3A_177, %mul3A_246 : i32
      %add3A_248 = arith.constant 2 : i32
      %add3A_249 = arith.addi %mul3A_247, %add3A_248 : i32
      %dma_wait3A_250 = arith.constant 2 : i32
      %dma_wait3A_251 = arith.constant 0 : i32
      %dma_wait3A_252 = arith.constant 0 : i32
      %dma_wait3A_253 = tpu.memref_slice %arg8[%dma_wait3A_250, %dma_wait3A_251, %dma_wait3A_252] : memref<5x80x64xf32, #tpu.memory_space<vmem>> -> memref<1x80x64xf32, #tpu.memory_space<vmem>>
      %dma_wait3A_254 = tpu.memref_squeeze %dma_wait3A_253 : memref<1x80x64xf32, #tpu.memory_space<vmem>> -> memref<80x64xf32, #tpu.memory_space<vmem>>
      %dma_wait3A_255 = arith.constant 0 : i32
      %dma_wait3A_256 = tpu.memref_slice %arg6[%add3A_249, %dma_wait3A_255] : memref<250x80xi32, #tpu.memory_space<vmem>> -> memref<1x80xi32, #tpu.memory_space<vmem>>
      %dma_wait3A_257 = tpu.memref_squeeze %dma_wait3A_256 : memref<1x80xi32, #tpu.memory_space<vmem>> -> memref<80xi32, #tpu.memory_space<vmem>>
      %dma_wait3A_258 = arith.constant 0 : i32
      %dma_wait3A_259 = arith.constant 0 : i32
      %dma_wait3A_260 = tpu.memref_slice %arg4[%dma_wait3A_258, %dma_wait3A_259] : memref<20480x64xf32, #tpu.memory_space<hbm>> -> memref<20480x64xf32, #tpu.memory_space<hbm>>
      tpu.wait_indirect_dma semaphore(%arg13 : memref<!tpu.dma_semaphore, #tpu.memory_space<semaphore_mem>>) src(%dma_wait3A_260 : memref<20480x64xf32, #tpu.memory_space<hbm>>) dst(%dma_wait3A_254 : memref<80x64xf32, #tpu.memory_space<vmem>>)
      %dma_start3A_261 = arith.constant 2 : i32
      %dma_start3A_262 = arith.constant 0 : i32
      %dma_start3A_263 = arith.constant 0 : i32
      %dma_start3A_264 = tpu.memref_slice %arg8[%dma_start3A_261, %dma_start3A_262, %dma_start3A_263] : memref<5x80x64xf32, #tpu.memory_space<vmem>> -> memref<1x80x64xf32, #tpu.memory_space<vmem>>
      %dma_start3A_265 = tpu.memref_squeeze %dma_start3A_264 : memref<1x80x64xf32, #tpu.memory_space<vmem>> -> memref<80x64xf32, #tpu.memory_space<vmem>>
      %dma_start3A_266 = arith.constant 0 : i32
      %dma_start3A_267 = tpu.memref_slice %arg7[%add3A_249, %dma_start3A_266] : memref<250x80xi32, #tpu.memory_space<vmem>> -> memref<1x80xi32, #tpu.memory_space<vmem>>
      %dma_start3A_268 = tpu.memref_squeeze %dma_start3A_267 : memref<1x80xi32, #tpu.memory_space<vmem>> -> memref<80xi32, #tpu.memory_space<vmem>>
      %dma_start3A_269 = arith.constant 0 : i32
      %dma_start3A_270 = arith.constant 0 : i32
      %dma_start3A_271 = tpu.memref_slice %arg10[%dma_start3A_269, %dma_start3A_270] : memref<10240x64xf32, #tpu.memory_space<vmem_shared>> -> memref<10240x64xf32, #tpu.memory_space<vmem_shared>>
      tpu.enqueue_indirect_dma source(%dma_start3A_265 : memref<80x64xf32, #tpu.memory_space<vmem>>) target(%dma_start3A_271 : memref<10240x64xf32, #tpu.memory_space<vmem_shared>>) offsets(%dma_start3A_268 : memref<80xi32, #tpu.memory_space<vmem>>) semaphore(%arg18 : memref<!tpu.dma_semaphore, #tpu.memory_space<semaphore_mem>>) {add = true}
      %add3A_272 = arith.constant 5 : i32
      %add3A_273 = arith.addi %add3A_249, %add3A_272 : i32
      %sub3A_274 = arith.constant 1 : i32
      %sub3A_275 = arith.subi %add3A_273, %sub3A_274 : i32
      %lt3A_276 = arith.constant 250 : i32
      %lt3A_277 = arith.cmpi slt, %sub3A_275, %lt3A_276 : i32
      %convert_element_type3A_278 = arith.extui %lt3A_277 : i1 to i32
      %cond3A_279 = arith.constant 0 : i32
      %cond3A_280 = arith.cmpi ne, %convert_element_type3A_278, %cond3A_279 : i32
      scf.if %cond3A_280 {
        %sub3A_352 = arith.constant 1 : i32
        %sub3A_353 = arith.subi %add3A_249, %sub3A_352 : i32
        %dma_wait3A_354 = arith.constant 1 : i32
        %dma_wait3A_355 = arith.constant 0 : i32
        %dma_wait3A_356 = arith.constant 0 : i32
        %dma_wait3A_357 = tpu.memref_slice %arg8[%dma_wait3A_354, %dma_wait3A_355, %dma_wait3A_356] : memref<5x80x64xf32, #tpu.memory_space<vmem>> -> memref<1x80x64xf32, #tpu.memory_space<vmem>>
        %dma_wait3A_358 = tpu.memref_squeeze %dma_wait3A_357 : memref<1x80x64xf32, #tpu.memory_space<vmem>> -> memref<80x64xf32, #tpu.memory_space<vmem>>
        %dma_wait3A_359 = arith.constant 0 : i32
        %dma_wait3A_360 = tpu.memref_slice %arg7[%sub3A_353, %dma_wait3A_359] : memref<250x80xi32, #tpu.memory_space<vmem>> -> memref<1x80xi32, #tpu.memory_space<vmem>>
        %dma_wait3A_361 = tpu.memref_squeeze %dma_wait3A_360 : memref<1x80xi32, #tpu.memory_space<vmem>> -> memref<80xi32, #tpu.memory_space<vmem>>
        %dma_wait3A_362 = arith.constant 0 : i32
        %dma_wait3A_363 = arith.constant 0 : i32
        %dma_wait3A_364 = tpu.memref_slice %arg10[%dma_wait3A_362, %dma_wait3A_363] : memref<10240x64xf32, #tpu.memory_space<vmem_shared>> -> memref<10240x64xf32, #tpu.memory_space<vmem_shared>>
        tpu.wait_indirect_dma semaphore(%arg17 : memref<!tpu.dma_semaphore, #tpu.memory_space<semaphore_mem>>) src(%dma_wait3A_358 : memref<80x64xf32, #tpu.memory_space<vmem>>) dst(%dma_wait3A_364 : memref<10240x64xf32, #tpu.memory_space<vmem_shared>>)
        %dma_start3A_365 = arith.constant 1 : i32
        %dma_start3A_366 = arith.constant 0 : i32
        %dma_start3A_367 = arith.constant 0 : i32
        %dma_start3A_368 = tpu.memref_slice %arg8[%dma_start3A_365, %dma_start3A_366, %dma_start3A_367] : memref<5x80x64xf32, #tpu.memory_space<vmem>> -> memref<1x80x64xf32, #tpu.memory_space<vmem>>
        %dma_start3A_369 = tpu.memref_squeeze %dma_start3A_368 : memref<1x80x64xf32, #tpu.memory_space<vmem>> -> memref<80x64xf32, #tpu.memory_space<vmem>>
        %dma_start3A_370 = arith.constant 0 : i32
        %dma_start3A_371 = tpu.memref_slice %arg6[%sub3A_275, %dma_start3A_370] : memref<250x80xi32, #tpu.memory_space<vmem>> -> memref<1x80xi32, #tpu.memory_space<vmem>>
        %dma_start3A_372 = tpu.memref_squeeze %dma_start3A_371 : memref<1x80xi32, #tpu.memory_space<vmem>> -> memref<80xi32, #tpu.memory_space<vmem>>
        %dma_start3A_373 = arith.constant 0 : i32
        %dma_start3A_374 = arith.constant 0 : i32
        %dma_start3A_375 = tpu.memref_slice %arg4[%dma_start3A_373, %dma_start3A_374] : memref<20480x64xf32, #tpu.memory_space<hbm>> -> memref<20480x64xf32, #tpu.memory_space<hbm>>
        tpu.enqueue_indirect_dma source(%dma_start3A_375 : memref<20480x64xf32, #tpu.memory_space<hbm>>) target(%dma_start3A_369 : memref<80x64xf32, #tpu.memory_space<vmem>>) offsets(%dma_start3A_372 : memref<80xi32, #tpu.memory_space<vmem>>) semaphore(%arg12 : memref<!tpu.dma_semaphore, #tpu.memory_space<semaphore_mem>>)
      } else {
      }
      %mul3A_281 = arith.constant 5 : i32
      %mul3A_282 = arith.muli %scan3A_177, %mul3A_281 : i32
      %add3A_283 = arith.constant 3 : i32
      %add3A_284 = arith.addi %mul3A_282, %add3A_283 : i32
      %dma_wait3A_285 = arith.constant 3 : i32
      %dma_wait3A_286 = arith.constant 0 : i32
      %dma_wait3A_287 = arith.constant 0 : i32
      %dma_wait3A_288 = tpu.memref_slice %arg8[%dma_wait3A_285, %dma_wait3A_286, %dma_wait3A_287] : memref<5x80x64xf32, #tpu.memory_space<vmem>> -> memref<1x80x64xf32, #tpu.memory_space<vmem>>
      %dma_wait3A_289 = tpu.memref_squeeze %dma_wait3A_288 : memref<1x80x64xf32, #tpu.memory_space<vmem>> -> memref<80x64xf32, #tpu.memory_space<vmem>>
      %dma_wait3A_290 = arith.constant 0 : i32
      %dma_wait3A_291 = tpu.memref_slice %arg6[%add3A_284, %dma_wait3A_290] : memref<250x80xi32, #tpu.memory_space<vmem>> -> memref<1x80xi32, #tpu.memory_space<vmem>>
      %dma_wait3A_292 = tpu.memref_squeeze %dma_wait3A_291 : memref<1x80xi32, #tpu.memory_space<vmem>> -> memref<80xi32, #tpu.memory_space<vmem>>
      %dma_wait3A_293 = arith.constant 0 : i32
      %dma_wait3A_294 = arith.constant 0 : i32
      %dma_wait3A_295 = tpu.memref_slice %arg4[%dma_wait3A_293, %dma_wait3A_294] : memref<20480x64xf32, #tpu.memory_space<hbm>> -> memref<20480x64xf32, #tpu.memory_space<hbm>>
      tpu.wait_indirect_dma semaphore(%arg14 : memref<!tpu.dma_semaphore, #tpu.memory_space<semaphore_mem>>) src(%dma_wait3A_295 : memref<20480x64xf32, #tpu.memory_space<hbm>>) dst(%dma_wait3A_289 : memref<80x64xf32, #tpu.memory_space<vmem>>)
      %dma_start3A_296 = arith.constant 3 : i32
      %dma_start3A_297 = arith.constant 0 : i32
      %dma_start3A_298 = arith.constant 0 : i32
      %dma_start3A_299 = tpu.memref_slice %arg8[%dma_start3A_296, %dma_start3A_297, %dma_start3A_298] : memref<5x80x64xf32, #tpu.memory_space<vmem>> -> memref<1x80x64xf32, #tpu.memory_space<vmem>>
      %dma_start3A_300 = tpu.memref_squeeze %dma_start3A_299 : memref<1x80x64xf32, #tpu.memory_space<vmem>> -> memref<80x64xf32, #tpu.memory_space<vmem>>
      %dma_start3A_301 = arith.constant 0 : i32
      %dma_start3A_302 = tpu.memref_slice %arg7[%add3A_284, %dma_start3A_301] : memref<250x80xi32, #tpu.memory_space<vmem>> -> memref<1x80xi32, #tpu.memory_space<vmem>>
      %dma_start3A_303 = tpu.memref_squeeze %dma_start3A_302 : memref<1x80xi32, #tpu.memory_space<vmem>> -> memref<80xi32, #tpu.memory_space<vmem>>
      %dma_start3A_304 = arith.constant 0 : i32
      %dma_start3A_305 = arith.constant 0 : i32
      %dma_start3A_306 = tpu.memref_slice %arg10[%dma_start3A_304, %dma_start3A_305] : memref<10240x64xf32, #tpu.memory_space<vmem_shared>> -> memref<10240x64xf32, #tpu.memory_space<vmem_shared>>
      tpu.enqueue_indirect_dma source(%dma_start3A_300 : memref<80x64xf32, #tpu.memory_space<vmem>>) target(%dma_start3A_306 : memref<10240x64xf32, #tpu.memory_space<vmem_shared>>) offsets(%dma_start3A_303 : memref<80xi32, #tpu.memory_space<vmem>>) semaphore(%arg19 : memref<!tpu.dma_semaphore, #tpu.memory_space<semaphore_mem>>) {add = true}
      %add3A_307 = arith.constant 5 : i32
      %add3A_308 = arith.addi %add3A_284, %add3A_307 : i32
      %sub3A_309 = arith.constant 1 : i32
      %sub3A_310 = arith.subi %add3A_308, %sub3A_309 : i32
      %lt3A_311 = arith.constant 250 : i32
      %lt3A_312 = arith.cmpi slt, %sub3A_310, %lt3A_311 : i32
      %convert_element_type3A_313 = arith.extui %lt3A_312 : i1 to i32
      %cond3A_314 = arith.constant 0 : i32
      %cond3A_315 = arith.cmpi ne, %convert_element_type3A_313, %cond3A_314 : i32
      scf.if %cond3A_315 {
        %sub3A_352 = arith.constant 1 : i32
        %sub3A_353 = arith.subi %add3A_284, %sub3A_352 : i32
        %dma_wait3A_354 = arith.constant 2 : i32
        %dma_wait3A_355 = arith.constant 0 : i32
        %dma_wait3A_356 = arith.constant 0 : i32
        %dma_wait3A_357 = tpu.memref_slice %arg8[%dma_wait3A_354, %dma_wait3A_355, %dma_wait3A_356] : memref<5x80x64xf32, #tpu.memory_space<vmem>> -> memref<1x80x64xf32, #tpu.memory_space<vmem>>
        %dma_wait3A_358 = tpu.memref_squeeze %dma_wait3A_357 : memref<1x80x64xf32, #tpu.memory_space<vmem>> -> memref<80x64xf32, #tpu.memory_space<vmem>>
        %dma_wait3A_359 = arith.constant 0 : i32
        %dma_wait3A_360 = tpu.memref_slice %arg7[%sub3A_353, %dma_wait3A_359] : memref<250x80xi32, #tpu.memory_space<vmem>> -> memref<1x80xi32, #tpu.memory_space<vmem>>
        %dma_wait3A_361 = tpu.memref_squeeze %dma_wait3A_360 : memref<1x80xi32, #tpu.memory_space<vmem>> -> memref<80xi32, #tpu.memory_space<vmem>>
        %dma_wait3A_362 = arith.constant 0 : i32
        %dma_wait3A_363 = arith.constant 0 : i32
        %dma_wait3A_364 = tpu.memref_slice %arg10[%dma_wait3A_362, %dma_wait3A_363] : memref<10240x64xf32, #tpu.memory_space<vmem_shared>> -> memref<10240x64xf32, #tpu.memory_space<vmem_shared>>
        tpu.wait_indirect_dma semaphore(%arg18 : memref<!tpu.dma_semaphore, #tpu.memory_space<semaphore_mem>>) src(%dma_wait3A_358 : memref<80x64xf32, #tpu.memory_space<vmem>>) dst(%dma_wait3A_364 : memref<10240x64xf32, #tpu.memory_space<vmem_shared>>)
        %dma_start3A_365 = arith.constant 2 : i32
        %dma_start3A_366 = arith.constant 0 : i32
        %dma_start3A_367 = arith.constant 0 : i32
        %dma_start3A_368 = tpu.memref_slice %arg8[%dma_start3A_365, %dma_start3A_366, %dma_start3A_367] : memref<5x80x64xf32, #tpu.memory_space<vmem>> -> memref<1x80x64xf32, #tpu.memory_space<vmem>>
        %dma_start3A_369 = tpu.memref_squeeze %dma_start3A_368 : memref<1x80x64xf32, #tpu.memory_space<vmem>> -> memref<80x64xf32, #tpu.memory_space<vmem>>
        %dma_start3A_370 = arith.constant 0 : i32
        %dma_start3A_371 = tpu.memref_slice %arg6[%sub3A_310, %dma_start3A_370] : memref<250x80xi32, #tpu.memory_space<vmem>> -> memref<1x80xi32, #tpu.memory_space<vmem>>
        %dma_start3A_372 = tpu.memref_squeeze %dma_start3A_371 : memref<1x80xi32, #tpu.memory_space<vmem>> -> memref<80xi32, #tpu.memory_space<vmem>>
        %dma_start3A_373 = arith.constant 0 : i32
        %dma_start3A_374 = arith.constant 0 : i32
        %dma_start3A_375 = tpu.memref_slice %arg4[%dma_start3A_373, %dma_start3A_374] : memref<20480x64xf32, #tpu.memory_space<hbm>> -> memref<20480x64xf32, #tpu.memory_space<hbm>>
        tpu.enqueue_indirect_dma source(%dma_start3A_375 : memref<20480x64xf32, #tpu.memory_space<hbm>>) target(%dma_start3A_369 : memref<80x64xf32, #tpu.memory_space<vmem>>) offsets(%dma_start3A_372 : memref<80xi32, #tpu.memory_space<vmem>>) semaphore(%arg13 : memref<!tpu.dma_semaphore, #tpu.memory_space<semaphore_mem>>)
      } else {
      }
      %mul3A_316 = arith.constant 5 : i32
      %mul3A_317 = arith.muli %scan3A_177, %mul3A_316 : i32
      %add3A_318 = arith.constant 4 : i32
      %add3A_319 = arith.addi %mul3A_317, %add3A_318 : i32
      %dma_wait3A_320 = arith.constant 4 : i32
      %dma_wait3A_321 = arith.constant 0 : i32
      %dma_wait3A_322 = arith.constant 0 : i32
      %dma_wait3A_323 = tpu.memref_slice %arg8[%dma_wait3A_320, %dma_wait3A_321, %dma_wait3A_322] : memref<5x80x64xf32, #tpu.memory_space<vmem>> -> memref<1x80x64xf32, #tpu.memory_space<vmem>>
      %dma_wait3A_324 = tpu.memref_squeeze %dma_wait3A_323 : memref<1x80x64xf32, #tpu.memory_space<vmem>> -> memref<80x64xf32, #tpu.memory_space<vmem>>
      %dma_wait3A_325 = arith.constant 0 : i32
      %dma_wait3A_326 = tpu.memref_slice %arg6[%add3A_319, %dma_wait3A_325] : memref<250x80xi32, #tpu.memory_space<vmem>> -> memref<1x80xi32, #tpu.memory_space<vmem>>
      %dma_wait3A_327 = tpu.memref_squeeze %dma_wait3A_326 : memref<1x80xi32, #tpu.memory_space<vmem>> -> memref<80xi32, #tpu.memory_space<vmem>>
      %dma_wait3A_328 = arith.constant 0 : i32
      %dma_wait3A_329 = arith.constant 0 : i32
      %dma_wait3A_330 = tpu.memref_slice %arg4[%dma_wait3A_328, %dma_wait3A_329] : memref<20480x64xf32, #tpu.memory_space<hbm>> -> memref<20480x64xf32, #tpu.memory_space<hbm>>
      tpu.wait_indirect_dma semaphore(%arg15 : memref<!tpu.dma_semaphore, #tpu.memory_space<semaphore_mem>>) src(%dma_wait3A_330 : memref<20480x64xf32, #tpu.memory_space<hbm>>) dst(%dma_wait3A_324 : memref<80x64xf32, #tpu.memory_space<vmem>>)
      %dma_start3A_331 = arith.constant 4 : i32
      %dma_start3A_332 = arith.constant 0 : i32
      %dma_start3A_333 = arith.constant 0 : i32
      %dma_start3A_334 = tpu.memref_slice %arg8[%dma_start3A_331, %dma_start3A_332, %dma_start3A_333] : memref<5x80x64xf32, #tpu.memory_space<vmem>> -> memref<1x80x64xf32, #tpu.memory_space<vmem>>
      %dma_start3A_335 = tpu.memref_squeeze %dma_start3A_334 : memref<1x80x64xf32, #tpu.memory_space<vmem>> -> memref<80x64xf32, #tpu.memory_space<vmem>>
      %dma_start3A_336 = arith.constant 0 : i32
      %dma_start3A_337 = tpu.memref_slice %arg7[%add3A_319, %dma_start3A_336] : memref<250x80xi32, #tpu.memory_space<vmem>> -> memref<1x80xi32, #tpu.memory_space<vmem>>
      %dma_start3A_338 = tpu.memref_squeeze %dma_start3A_337 : memref<1x80xi32, #tpu.memory_space<vmem>> -> memref<80xi32, #tpu.memory_space<vmem>>
      %dma_start3A_339 = arith.constant 0 : i32
      %dma_start3A_340 = arith.constant 0 : i32
      %dma_start3A_341 = tpu.memref_slice %arg10[%dma_start3A_339, %dma_start3A_340] : memref<10240x64xf32, #tpu.memory_space<vmem_shared>> -> memref<10240x64xf32, #tpu.memory_space<vmem_shared>>
      tpu.enqueue_indirect_dma source(%dma_start3A_335 : memref<80x64xf32, #tpu.memory_space<vmem>>) target(%dma_start3A_341 : memref<10240x64xf32, #tpu.memory_space<vmem_shared>>) offsets(%dma_start3A_338 : memref<80xi32, #tpu.memory_space<vmem>>) semaphore(%arg20 : memref<!tpu.dma_semaphore, #tpu.memory_space<semaphore_mem>>) {add = true}
      %add3A_342 = arith.constant 5 : i32
      %add3A_343 = arith.addi %add3A_319, %add3A_342 : i32
      %sub3A_344 = arith.constant 1 : i32
      %sub3A_345 = arith.subi %add3A_343, %sub3A_344 : i32
      %lt3A_346 = arith.constant 250 : i32
      %lt3A_347 = arith.cmpi slt, %sub3A_345, %lt3A_346 : i32
      %convert_element_type3A_348 = arith.extui %lt3A_347 : i1 to i32
      %cond3A_349 = arith.constant 0 : i32
      %cond3A_350 = arith.cmpi ne, %convert_element_type3A_348, %cond3A_349 : i32
      scf.if %cond3A_350 {
        %sub3A_352 = arith.constant 1 : i32
        %sub3A_353 = arith.subi %add3A_319, %sub3A_352 : i32
        %dma_wait3A_354 = arith.constant 3 : i32
        %dma_wait3A_355 = arith.constant 0 : i32
        %dma_wait3A_356 = arith.constant 0 : i32
        %dma_wait3A_357 = tpu.memref_slice %arg8[%dma_wait3A_354, %dma_wait3A_355, %dma_wait3A_356] : memref<5x80x64xf32, #tpu.memory_space<vmem>> -> memref<1x80x64xf32, #tpu.memory_space<vmem>>
        %dma_wait3A_358 = tpu.memref_squeeze %dma_wait3A_357 : memref<1x80x64xf32, #tpu.memory_space<vmem>> -> memref<80x64xf32, #tpu.memory_space<vmem>>
        %dma_wait3A_359 = arith.constant 0 : i32
        %dma_wait3A_360 = tpu.memref_slice %arg7[%sub3A_353, %dma_wait3A_359] : memref<250x80xi32, #tpu.memory_space<vmem>> -> memref<1x80xi32, #tpu.memory_space<vmem>>
        %dma_wait3A_361 = tpu.memref_squeeze %dma_wait3A_360 : memref<1x80xi32, #tpu.memory_space<vmem>> -> memref<80xi32, #tpu.memory_space<vmem>>
        %dma_wait3A_362 = arith.constant 0 : i32
        %dma_wait3A_363 = arith.constant 0 : i32
        %dma_wait3A_364 = tpu.memref_slice %arg10[%dma_wait3A_362, %dma_wait3A_363] : memref<10240x64xf32, #tpu.memory_space<vmem_shared>> -> memref<10240x64xf32, #tpu.memory_space<vmem_shared>>
        tpu.wait_indirect_dma semaphore(%arg19 : memref<!tpu.dma_semaphore, #tpu.memory_space<semaphore_mem>>) src(%dma_wait3A_358 : memref<80x64xf32, #tpu.memory_space<vmem>>) dst(%dma_wait3A_364 : memref<10240x64xf32, #tpu.memory_space<vmem_shared>>)
        %dma_start3A_365 = arith.constant 3 : i32
        %dma_start3A_366 = arith.constant 0 : i32
        %dma_start3A_367 = arith.constant 0 : i32
        %dma_start3A_368 = tpu.memref_slice %arg8[%dma_start3A_365, %dma_start3A_366, %dma_start3A_367] : memref<5x80x64xf32, #tpu.memory_space<vmem>> -> memref<1x80x64xf32, #tpu.memory_space<vmem>>
        %dma_start3A_369 = tpu.memref_squeeze %dma_start3A_368 : memref<1x80x64xf32, #tpu.memory_space<vmem>> -> memref<80x64xf32, #tpu.memory_space<vmem>>
        %dma_start3A_370 = arith.constant 0 : i32
        %dma_start3A_371 = tpu.memref_slice %arg6[%sub3A_345, %dma_start3A_370] : memref<250x80xi32, #tpu.memory_space<vmem>> -> memref<1x80xi32, #tpu.memory_space<vmem>>
        %dma_start3A_372 = tpu.memref_squeeze %dma_start3A_371 : memref<1x80xi32, #tpu.memory_space<vmem>> -> memref<80xi32, #tpu.memory_space<vmem>>
        %dma_start3A_373 = arith.constant 0 : i32
        %dma_start3A_374 = arith.constant 0 : i32
        %dma_start3A_375 = tpu.memref_slice %arg4[%dma_start3A_373, %dma_start3A_374] : memref<20480x64xf32, #tpu.memory_space<hbm>> -> memref<20480x64xf32, #tpu.memory_space<hbm>>
        tpu.enqueue_indirect_dma source(%dma_start3A_375 : memref<20480x64xf32, #tpu.memory_space<hbm>>) target(%dma_start3A_369 : memref<80x64xf32, #tpu.memory_space<vmem>>) offsets(%dma_start3A_372 : memref<80xi32, #tpu.memory_space<vmem>>) semaphore(%arg14 : memref<!tpu.dma_semaphore, #tpu.memory_space<semaphore_mem>>)
      } else {
      }
      %scan3A_351 = arith.constant 0 : i32
      scf.yield %scan3A_351 : i32
    }
    %scan3A_92 = arith.constant 50 : i32
    %dma_wait3A = arith.constant 0 : i32
    %dma_wait3A_93 = arith.constant 245 : i32
    %dma_wait3A_94 = arith.constant 0 : i32
    %dma_wait3A_95 = arith.constant 0 : i32
    %dma_wait3A_96 = tpu.memref_slice %arg8[%dma_wait3A, %dma_wait3A_94, %dma_wait3A_95] : memref<5x80x64xf32, #tpu.memory_space<vmem>> -> memref<1x80x64xf32, #tpu.memory_space<vmem>>
    %dma_wait3A_97 = tpu.memref_squeeze %dma_wait3A_96 : memref<1x80x64xf32, #tpu.memory_space<vmem>> -> memref<80x64xf32, #tpu.memory_space<vmem>>
    %dma_wait3A_98 = arith.constant 0 : i32
    %dma_wait3A_99 = tpu.memref_slice %arg7[%dma_wait3A_93, %dma_wait3A_98] : memref<250x80xi32, #tpu.memory_space<vmem>> -> memref<1x80xi32, #tpu.memory_space<vmem>>
    %dma_wait3A_100 = tpu.memref_squeeze %dma_wait3A_99 : memref<1x80xi32, #tpu.memory_space<vmem>> -> memref<80xi32, #tpu.memory_space<vmem>>
    %dma_wait3A_101 = arith.constant 0 : i32
    %dma_wait3A_102 = arith.constant 0 : i32
    %dma_wait3A_103 = tpu.memref_slice %arg10[%dma_wait3A_101, %dma_wait3A_102] : memref<10240x64xf32, #tpu.memory_space<vmem_shared>> -> memref<10240x64xf32, #tpu.memory_space<vmem_shared>>
    tpu.wait_indirect_dma semaphore(%arg16 : memref<!tpu.dma_semaphore, #tpu.memory_space<semaphore_mem>>) src(%dma_wait3A_97 : memref<80x64xf32, #tpu.memory_space<vmem>>) dst(%dma_wait3A_103 : memref<10240x64xf32, #tpu.memory_space<vmem_shared>>)
    %dma_wait3A_104 = arith.constant 1 : i32
    %dma_wait3A_105 = arith.constant 246 : i32
    %dma_wait3A_106 = arith.constant 0 : i32
    %dma_wait3A_107 = arith.constant 0 : i32
    %dma_wait3A_108 = tpu.memref_slice %arg8[%dma_wait3A_104, %dma_wait3A_106, %dma_wait3A_107] : memref<5x80x64xf32, #tpu.memory_space<vmem>> -> memref<1x80x64xf32, #tpu.memory_space<vmem>>
    %dma_wait3A_109 = tpu.memref_squeeze %dma_wait3A_108 : memref<1x80x64xf32, #tpu.memory_space<vmem>> -> memref<80x64xf32, #tpu.memory_space<vmem>>
    %dma_wait3A_110 = arith.constant 0 : i32
    %dma_wait3A_111 = tpu.memref_slice %arg7[%dma_wait3A_105, %dma_wait3A_110] : memref<250x80xi32, #tpu.memory_space<vmem>> -> memref<1x80xi32, #tpu.memory_space<vmem>>
    %dma_wait3A_112 = tpu.memref_squeeze %dma_wait3A_111 : memref<1x80xi32, #tpu.memory_space<vmem>> -> memref<80xi32, #tpu.memory_space<vmem>>
    %dma_wait3A_113 = arith.constant 0 : i32
    %dma_wait3A_114 = arith.constant 0 : i32
    %dma_wait3A_115 = tpu.memref_slice %arg10[%dma_wait3A_113, %dma_wait3A_114] : memref<10240x64xf32, #tpu.memory_space<vmem_shared>> -> memref<10240x64xf32, #tpu.memory_space<vmem_shared>>
    tpu.wait_indirect_dma semaphore(%arg17 : memref<!tpu.dma_semaphore, #tpu.memory_space<semaphore_mem>>) src(%dma_wait3A_109 : memref<80x64xf32, #tpu.memory_space<vmem>>) dst(%dma_wait3A_115 : memref<10240x64xf32, #tpu.memory_space<vmem_shared>>)
    %dma_wait3A_116 = arith.constant 2 : i32
    %dma_wait3A_117 = arith.constant 247 : i32
    %dma_wait3A_118 = arith.constant 0 : i32
    %dma_wait3A_119 = arith.constant 0 : i32
    %dma_wait3A_120 = tpu.memref_slice %arg8[%dma_wait3A_116, %dma_wait3A_118, %dma_wait3A_119] : memref<5x80x64xf32, #tpu.memory_space<vmem>> -> memref<1x80x64xf32, #tpu.memory_space<vmem>>
    %dma_wait3A_121 = tpu.memref_squeeze %dma_wait3A_120 : memref<1x80x64xf32, #tpu.memory_space<vmem>> -> memref<80x64xf32, #tpu.memory_space<vmem>>
    %dma_wait3A_122 = arith.constant 0 : i32
    %dma_wait3A_123 = tpu.memref_slice %arg7[%dma_wait3A_117, %dma_wait3A_122] : memref<250x80xi32, #tpu.memory_space<vmem>> -> memref<1x80xi32, #tpu.memory_space<vmem>>
    %dma_wait3A_124 = tpu.memref_squeeze %dma_wait3A_123 : memref<1x80xi32, #tpu.memory_space<vmem>> -> memref<80xi32, #tpu.memory_space<vmem>>
    %dma_wait3A_125 = arith.constant 0 : i32
    %dma_wait3A_126 = arith.constant 0 : i32
    %dma_wait3A_127 = tpu.memref_slice %arg10[%dma_wait3A_125, %dma_wait3A_126] : memref<10240x64xf32, #tpu.memory_space<vmem_shared>> -> memref<10240x64xf32, #tpu.memory_space<vmem_shared>>
    tpu.wait_indirect_dma semaphore(%arg18 : memref<!tpu.dma_semaphore, #tpu.memory_space<semaphore_mem>>) src(%dma_wait3A_121 : memref<80x64xf32, #tpu.memory_space<vmem>>) dst(%dma_wait3A_127 : memref<10240x64xf32, #tpu.memory_space<vmem_shared>>)
    %dma_wait3A_128 = arith.constant 3 : i32
    %dma_wait3A_129 = arith.constant 248 : i32
    %dma_wait3A_130 = arith.constant 0 : i32
    %dma_wait3A_131 = arith.constant 0 : i32
    %dma_wait3A_132 = tpu.memref_slice %arg8[%dma_wait3A_128, %dma_wait3A_130, %dma_wait3A_131] : memref<5x80x64xf32, #tpu.memory_space<vmem>> -> memref<1x80x64xf32, #tpu.memory_space<vmem>>
    %dma_wait3A_133 = tpu.memref_squeeze %dma_wait3A_132 : memref<1x80x64xf32, #tpu.memory_space<vmem>> -> memref<80x64xf32, #tpu.memory_space<vmem>>
    %dma_wait3A_134 = arith.constant 0 : i32
    %dma_wait3A_135 = tpu.memref_slice %arg7[%dma_wait3A_129, %dma_wait3A_134] : memref<250x80xi32, #tpu.memory_space<vmem>> -> memref<1x80xi32, #tpu.memory_space<vmem>>
    %dma_wait3A_136 = tpu.memref_squeeze %dma_wait3A_135 : memref<1x80xi32, #tpu.memory_space<vmem>> -> memref<80xi32, #tpu.memory_space<vmem>>
    %dma_wait3A_137 = arith.constant 0 : i32
    %dma_wait3A_138 = arith.constant 0 : i32
    %dma_wait3A_139 = tpu.memref_slice %arg10[%dma_wait3A_137, %dma_wait3A_138] : memref<10240x64xf32, #tpu.memory_space<vmem_shared>> -> memref<10240x64xf32, #tpu.memory_space<vmem_shared>>
    tpu.wait_indirect_dma semaphore(%arg19 : memref<!tpu.dma_semaphore, #tpu.memory_space<semaphore_mem>>) src(%dma_wait3A_133 : memref<80x64xf32, #tpu.memory_space<vmem>>) dst(%dma_wait3A_139 : memref<10240x64xf32, #tpu.memory_space<vmem_shared>>)
    %dma_wait3A_140 = arith.constant 4 : i32
    %dma_wait3A_141 = arith.constant 249 : i32
    %dma_wait3A_142 = arith.constant 0 : i32
    %dma_wait3A_143 = arith.constant 0 : i32
    %dma_wait3A_144 = tpu.memref_slice %arg8[%dma_wait3A_140, %dma_wait3A_142, %dma_wait3A_143] : memref<5x80x64xf32, #tpu.memory_space<vmem>> -> memref<1x80x64xf32, #tpu.memory_space<vmem>>
    %dma_wait3A_145 = tpu.memref_squeeze %dma_wait3A_144 : memref<1x80x64xf32, #tpu.memory_space<vmem>> -> memref<80x64xf32, #tpu.memory_space<vmem>>
    %dma_wait3A_146 = arith.constant 0 : i32
    %dma_wait3A_147 = tpu.memref_slice %arg7[%dma_wait3A_141, %dma_wait3A_146] : memref<250x80xi32, #tpu.memory_space<vmem>> -> memref<1x80xi32, #tpu.memory_space<vmem>>
    %dma_wait3A_148 = tpu.memref_squeeze %dma_wait3A_147 : memref<1x80xi32, #tpu.memory_space<vmem>> -> memref<80xi32, #tpu.memory_space<vmem>>
    %dma_wait3A_149 = arith.constant 0 : i32
    %dma_wait3A_150 = arith.constant 0 : i32
    %dma_wait3A_151 = tpu.memref_slice %arg10[%dma_wait3A_149, %dma_wait3A_150] : memref<10240x64xf32, #tpu.memory_space<vmem_shared>> -> memref<10240x64xf32, #tpu.memory_space<vmem_shared>>
    tpu.wait_indirect_dma semaphore(%arg20 : memref<!tpu.dma_semaphore, #tpu.memory_space<semaphore_mem>>) src(%dma_wait3A_145 : memref<80x64xf32, #tpu.memory_space<vmem>>) dst(%dma_wait3A_151 : memref<10240x64xf32, #tpu.memory_space<vmem_shared>>)
    %barrier3A_152 = arith.constant 0 : index
    tpu.barrier barrier_id(%barrier3A_152)
    %mul3A_153 = arith.constant 640 : i32
    %mul3A_154 = arith.muli %arg1, %mul3A_153 : i32
    %add3A_155 = arith.constant 0 : i32
    %add3A_156 = arith.addi %mul3A_154, %add3A_155 : i32
    "tpu.region"() ({
      %run_scoped3A = tpu.sem_alloc : memref<!tpu.dma_semaphore, #tpu.memory_space<semaphore_mem>>
      %dma_start3A_177 = arith.constant 0 : i32
      %dma_start3A_178 = tpu.memref_slice %arg10[%add3A_156, %dma_start3A_177] : memref<10240x64xf32, #tpu.memory_space<vmem_shared>> -> memref<160x64xf32, #tpu.memory_space<vmem_shared>>
      %dma_start3A_179 = arith.constant 0 : i32
      %dma_start3A_180 = tpu.memref_slice %arg10[%add3A_156, %dma_start3A_179] : memref<10240x64xf32, #tpu.memory_space<vmem_shared>> -> memref<160x64xf32, #tpu.memory_space<vmem_shared>>
      tpu.enqueue_dma source(%dma_start3A_180 : memref<160x64xf32, #tpu.memory_space<vmem_shared>>) target(%arg9 : memref<160x64xf32, #tpu.memory_space<vmem>>) target_semaphore(%run_scoped3A : memref<!tpu.dma_semaphore, #tpu.memory_space<semaphore_mem>>)
      %dma_wait3A_181 = arith.constant 0 : i32
      %dma_wait3A_182 = tpu.memref_slice %arg10[%add3A_156, %dma_wait3A_181] : memref<10240x64xf32, #tpu.memory_space<vmem_shared>> -> memref<160x64xf32, #tpu.memory_space<vmem_shared>>
      %dma_wait3A_183 = arith.constant 0 : i32
      %dma_wait3A_184 = tpu.memref_slice %arg10[%add3A_156, %dma_wait3A_183] : memref<10240x64xf32, #tpu.memory_space<vmem_shared>> -> memref<160x64xf32, #tpu.memory_space<vmem_shared>>
      tpu.wait_dma2 semaphore(%run_scoped3A : memref<!tpu.dma_semaphore, #tpu.memory_space<semaphore_mem>>) src(%dma_wait3A_184 : memref<160x64xf32, #tpu.memory_space<vmem_shared>>) dst(%arg9 : memref<160x64xf32, #tpu.memory_space<vmem>>)
      tpu.yield
    }) : () -> ()
    %mul3A_157 = arith.constant 64 : i32
    %mul3A_158 = arith.muli %arg0, %mul3A_157 : i32
    "tpu.region"() ({
      %run_scoped3A = tpu.sem_alloc : memref<!tpu.dma_semaphore, #tpu.memory_space<semaphore_mem>>
      %dma_start3A_177 = tpu.memref_slice %arg5[%add3A_156, %mul3A_158] : memref<10240x128xf32, #tpu.memory_space<hbm>> -> memref<160x64xf32, #tpu.memory_space<hbm>>
      %dma_start3A_178 = tpu.memref_slice %arg5[%add3A_156, %mul3A_158] : memref<10240x128xf32, #tpu.memory_space<hbm>> -> memref<160x64xf32, #tpu.memory_space<hbm>>
      tpu.enqueue_dma source(%arg9 : memref<160x64xf32, #tpu.memory_space<vmem>>) target(%dma_start3A_178 : memref<160x64xf32, #tpu.memory_space<hbm>>) target_semaphore(%run_scoped3A : memref<!tpu.dma_semaphore, #tpu.memory_space<semaphore_mem>>)
      %dma_wait3A_179 = tpu.memref_slice %arg5[%add3A_156, %mul3A_158] : memref<10240x128xf32, #tpu.memory_space<hbm>> -> memref<160x64xf32, #tpu.memory_space<hbm>>
      %dma_wait3A_180 = tpu.memref_slice %arg5[%add3A_156, %mul3A_158] : memref<10240x128xf32, #tpu.memory_space<hbm>> -> memref<160x64xf32, #tpu.memory_space<hbm>>
      tpu.wait_dma2 semaphore(%run_scoped3A : memref<!tpu.dma_semaphore, #tpu.memory_space<semaphore_mem>>) src(%arg9 : memref<160x64xf32, #tpu.memory_space<vmem>>) dst(%dma_wait3A_180 : memref<160x64xf32, #tpu.memory_space<hbm>>)
      tpu.yield
    }) : () -> ()
    %mul3A_159 = arith.constant 640 : i32
    %mul3A_160 = arith.muli %arg1, %mul3A_159 : i32
    %add3A_161 = arith.constant 160 : i32
    %add3A_162 = arith.addi %mul3A_160, %add3A_161 : i32
    "tpu.region"() ({
      %run_scoped3A = tpu.sem_alloc : memref<!tpu.dma_semaphore, #tpu.memory_space<semaphore_mem>>
      %dma_start3A_177 = arith.constant 0 : i32
      %dma_start3A_178 = tpu.memref_slice %arg10[%add3A_162, %dma_start3A_177] : memref<10240x64xf32, #tpu.memory_space<vmem_shared>> -> memref<160x64xf32, #tpu.memory_space<vmem_shared>>
      %dma_start3A_179 = arith.constant 0 : i32
      %dma_start3A_180 = tpu.memref_slice %arg10[%add3A_162, %dma_start3A_179] : memref<10240x64xf32, #tpu.memory_space<vmem_shared>> -> memref<160x64xf32, #tpu.memory_space<vmem_shared>>
      tpu.enqueue_dma source(%dma_start3A_180 : memref<160x64xf32, #tpu.memory_space<vmem_shared>>) target(%arg9 : memref<160x64xf32, #tpu.memory_space<vmem>>) target_semaphore(%run_scoped3A : memref<!tpu.dma_semaphore, #tpu.memory_space<semaphore_mem>>)
      %dma_wait3A_181 = arith.constant 0 : i32
      %dma_wait3A_182 = tpu.memref_slice %arg10[%add3A_162, %dma_wait3A_181] : memref<10240x64xf32, #tpu.memory_space<vmem_shared>> -> memref<160x64xf32, #tpu.memory_space<vmem_shared>>
      %dma_wait3A_183 = arith.constant 0 : i32
      %dma_wait3A_184 = tpu.memref_slice %arg10[%add3A_162, %dma_wait3A_183] : memref<10240x64xf32, #tpu.memory_space<vmem_shared>> -> memref<160x64xf32, #tpu.memory_space<vmem_shared>>
      tpu.wait_dma2 semaphore(%run_scoped3A : memref<!tpu.dma_semaphore, #tpu.memory_space<semaphore_mem>>) src(%dma_wait3A_184 : memref<160x64xf32, #tpu.memory_space<vmem_shared>>) dst(%arg9 : memref<160x64xf32, #tpu.memory_space<vmem>>)
      tpu.yield
    }) : () -> ()
    %mul3A_163 = arith.constant 64 : i32
    %mul3A_164 = arith.muli %arg0, %mul3A_163 : i32
    "tpu.region"() ({
      %run_scoped3A = tpu.sem_alloc : memref<!tpu.dma_semaphore, #tpu.memory_space<semaphore_mem>>
      %dma_start3A_177 = tpu.memref_slice %arg5[%add3A_162, %mul3A_164] : memref<10240x128xf32, #tpu.memory_space<hbm>> -> memref<160x64xf32, #tpu.memory_space<hbm>>
      %dma_start3A_178 = tpu.memref_slice %arg5[%add3A_162, %mul3A_164] : memref<10240x128xf32, #tpu.memory_space<hbm>> -> memref<160x64xf32, #tpu.memory_space<hbm>>
      tpu.enqueue_dma source(%arg9 : memref<160x64xf32, #tpu.memory_space<vmem>>) target(%dma_start3A_178 : memref<160x64xf32, #tpu.memory_space<hbm>>) target_semaphore(%run_scoped3A : memref<!tpu.dma_semaphore, #tpu.memory_space<semaphore_mem>>)
      %dma_wait3A_179 = tpu.memref_slice %arg5[%add3A_162, %mul3A_164] : memref<10240x128xf32, #tpu.memory_space<hbm>> -> memref<160x64xf32, #tpu.memory_space<hbm>>
      %dma_wait3A_180 = tpu.memref_slice %arg5[%add3A_162, %mul3A_164] : memref<10240x128xf32, #tpu.memory_space<hbm>> -> memref<160x64xf32, #tpu.memory_space<hbm>>
      tpu.wait_dma2 semaphore(%run_scoped3A : memref<!tpu.dma_semaphore, #tpu.memory_space<semaphore_mem>>) src(%arg9 : memref<160x64xf32, #tpu.memory_space<vmem>>) dst(%dma_wait3A_180 : memref<160x64xf32, #tpu.memory_space<hbm>>)
      tpu.yield
    }) : () -> ()
    %mul3A_165 = arith.constant 640 : i32
    %mul3A_166 = arith.muli %arg1, %mul3A_165 : i32
    %add3A_167 = arith.constant 320 : i32
    %add3A_168 = arith.addi %mul3A_166, %add3A_167 : i32
    "tpu.region"() ({
      %run_scoped3A = tpu.sem_alloc : memref<!tpu.dma_semaphore, #tpu.memory_space<semaphore_mem>>
      %dma_start3A_177 = arith.constant 0 : i32
      %dma_start3A_178 = tpu.memref_slice %arg10[%add3A_168, %dma_start3A_177] : memref<10240x64xf32, #tpu.memory_space<vmem_shared>> -> memref<160x64xf32, #tpu.memory_space<vmem_shared>>
      %dma_start3A_179 = arith.constant 0 : i32
      %dma_start3A_180 = tpu.memref_slice %arg10[%add3A_168, %dma_start3A_179] : memref<10240x64xf32, #tpu.memory_space<vmem_shared>> -> memref<160x64xf32, #tpu.memory_space<vmem_shared>>
      tpu.enqueue_dma source(%dma_start3A_180 : memref<160x64xf32, #tpu.memory_space<vmem_shared>>) target(%arg9 : memref<160x64xf32, #tpu.memory_space<vmem>>) target_semaphore(%run_scoped3A : memref<!tpu.dma_semaphore, #tpu.memory_space<semaphore_mem>>)
      %dma_wait3A_181 = arith.constant 0 : i32
      %dma_wait3A_182 = tpu.memref_slice %arg10[%add3A_168, %dma_wait3A_181] : memref<10240x64xf32, #tpu.memory_space<vmem_shared>> -> memref<160x64xf32, #tpu.memory_space<vmem_shared>>
      %dma_wait3A_183 = arith.constant 0 : i32
      %dma_wait3A_184 = tpu.memref_slice %arg10[%add3A_168, %dma_wait3A_183] : memref<10240x64xf32, #tpu.memory_space<vmem_shared>> -> memref<160x64xf32, #tpu.memory_space<vmem_shared>>
      tpu.wait_dma2 semaphore(%run_scoped3A : memref<!tpu.dma_semaphore, #tpu.memory_space<semaphore_mem>>) src(%dma_wait3A_184 : memref<160x64xf32, #tpu.memory_space<vmem_shared>>) dst(%arg9 : memref<160x64xf32, #tpu.memory_space<vmem>>)
      tpu.yield
    }) : () -> ()
    %mul3A_169 = arith.constant 64 : i32
    %mul3A_170 = arith.muli %arg0, %mul3A_169 : i32
    "tpu.region"() ({
      %run_scoped3A = tpu.sem_alloc : memref<!tpu.dma_semaphore, #tpu.memory_space<semaphore_mem>>
      %dma_start3A_177 = tpu.memref_slice %arg5[%add3A_168, %mul3A_170] : memref<10240x128xf32, #tpu.memory_space<hbm>> -> memref<160x64xf32, #tpu.memory_space<hbm>>
      %dma_start3A_178 = tpu.memref_slice %arg5[%add3A_168, %mul3A_170] : memref<10240x128xf32, #tpu.memory_space<hbm>> -> memref<160x64xf32, #tpu.memory_space<hbm>>
      tpu.enqueue_dma source(%arg9 : memref<160x64xf32, #tpu.memory_space<vmem>>) target(%dma_start3A_178 : memref<160x64xf32, #tpu.memory_space<hbm>>) target_semaphore(%run_scoped3A : memref<!tpu.dma_semaphore, #tpu.memory_space<semaphore_mem>>)
      %dma_wait3A_179 = tpu.memref_slice %arg5[%add3A_168, %mul3A_170] : memref<10240x128xf32, #tpu.memory_space<hbm>> -> memref<160x64xf32, #tpu.memory_space<hbm>>
      %dma_wait3A_180 = tpu.memref_slice %arg5[%add3A_168, %mul3A_170] : memref<10240x128xf32, #tpu.memory_space<hbm>> -> memref<160x64xf32, #tpu.memory_space<hbm>>
      tpu.wait_dma2 semaphore(%run_scoped3A : memref<!tpu.dma_semaphore, #tpu.memory_space<semaphore_mem>>) src(%arg9 : memref<160x64xf32, #tpu.memory_space<vmem>>) dst(%dma_wait3A_180 : memref<160x64xf32, #tpu.memory_space<hbm>>)
      tpu.yield
    }) : () -> ()
    %mul3A_171 = arith.constant 640 : i32
    %mul3A_172 = arith.muli %arg1, %mul3A_171 : i32
    %add3A_173 = arith.constant 480 : i32
    %add3A_174 = arith.addi %mul3A_172, %add3A_173 : i32
    "tpu.region"() ({
      %run_scoped3A = tpu.sem_alloc : memref<!tpu.dma_semaphore, #tpu.memory_space<semaphore_mem>>
      %dma_start3A_177 = arith.constant 0 : i32
      %dma_start3A_178 = tpu.memref_slice %arg10[%add3A_174, %dma_start3A_177] : memref<10240x64xf32, #tpu.memory_space<vmem_shared>> -> memref<160x64xf32, #tpu.memory_space<vmem_shared>>
      %dma_start3A_179 = arith.constant 0 : i32
      %dma_start3A_180 = tpu.memref_slice %arg10[%add3A_174, %dma_start3A_179] : memref<10240x64xf32, #tpu.memory_space<vmem_shared>> -> memref<160x64xf32, #tpu.memory_space<vmem_shared>>
      tpu.enqueue_dma source(%dma_start3A_180 : memref<160x64xf32, #tpu.memory_space<vmem_shared>>) target(%arg9 : memref<160x64xf32, #tpu.memory_space<vmem>>) target_semaphore(%run_scoped3A : memref<!tpu.dma_semaphore, #tpu.memory_space<semaphore_mem>>)
      %dma_wait3A_181 = arith.constant 0 : i32
      %dma_wait3A_182 = tpu.memref_slice %arg10[%add3A_174, %dma_wait3A_181] : memref<10240x64xf32, #tpu.memory_space<vmem_shared>> -> memref<160x64xf32, #tpu.memory_space<vmem_shared>>
      %dma_wait3A_183 = arith.constant 0 : i32
      %dma_wait3A_184 = tpu.memref_slice %arg10[%add3A_174, %dma_wait3A_183] : memref<10240x64xf32, #tpu.memory_space<vmem_shared>> -> memref<160x64xf32, #tpu.memory_space<vmem_shared>>
      tpu.wait_dma2 semaphore(%run_scoped3A : memref<!tpu.dma_semaphore, #tpu.memory_space<semaphore_mem>>) src(%dma_wait3A_184 : memref<160x64xf32, #tpu.memory_space<vmem_shared>>) dst(%arg9 : memref<160x64xf32, #tpu.memory_space<vmem>>)
      tpu.yield
    }) : () -> ()
    %mul3A_175 = arith.constant 64 : i32
    %mul3A_176 = arith.muli %arg0, %mul3A_175 : i32
    "tpu.region"() ({
      %run_scoped3A = tpu.sem_alloc : memref<!tpu.dma_semaphore, #tpu.memory_space<semaphore_mem>>
      %dma_start3A_177 = tpu.memref_slice %arg5[%add3A_174, %mul3A_176] : memref<10240x128xf32, #tpu.memory_space<hbm>> -> memref<160x64xf32, #tpu.memory_space<hbm>>
      %dma_start3A_178 = tpu.memref_slice %arg5[%add3A_174, %mul3A_176] : memref<10240x128xf32, #tpu.memory_space<hbm>> -> memref<160x64xf32, #tpu.memory_space<hbm>>
      tpu.enqueue_dma source(%arg9 : memref<160x64xf32, #tpu.memory_space<vmem>>) target(%dma_start3A_178 : memref<160x64xf32, #tpu.memory_space<hbm>>) target_semaphore(%run_scoped3A : memref<!tpu.dma_semaphore, #tpu.memory_space<semaphore_mem>>)
      %dma_wait3A_179 = tpu.memref_slice %arg5[%add3A_174, %mul3A_176] : memref<10240x128xf32, #tpu.memory_space<hbm>> -> memref<160x64xf32, #tpu.memory_space<hbm>>
      %dma_wait3A_180 = tpu.memref_slice %arg5[%add3A_174, %mul3A_176] : memref<10240x128xf32, #tpu.memory_space<hbm>> -> memref<160x64xf32, #tpu.memory_space<hbm>>
      tpu.wait_dma2 semaphore(%run_scoped3A : memref<!tpu.dma_semaphore, #tpu.memory_space<semaphore_mem>>) src(%arg9 : memref<160x64xf32, #tpu.memory_space<vmem>>) dst(%dma_wait3A_180 : memref<160x64xf32, #tpu.memory_space<hbm>>)
      tpu.yield
    }) : () -> ()
    return
  }
}

#map = affine_map<(d0, d1) -> (0, 0, 0)>
module attributes {stable_mosaic.version = 14 : i64} {
  func.func @_deg_kernel(%arg0: i32, %arg1: i32, %arg2: memref<2500x2x128xi32, #tpu.memory_space<hbm>>, %arg3: memref<2x10240x128xf32, #tpu.memory_space<hbm>>, %arg4: memref<79x128xi32, #tpu.memory_space<vmem>>, %arg5: memref<128x16xf32, #tpu.memory_space<vmem>>, %arg6: memref<640x16xf32, #tpu.memory_space<vmem>>, %arg7: memref<10240x16xf32, #tpu.memory_space<vmem_shared>>, %arg8: memref<!tpu.dma_semaphore, #tpu.memory_space<semaphore_mem>>) attributes {dimension_semantics = [#tpu.dimension_semantics<core_parallel>, #tpu.dimension_semantics<subcore_parallel>], iteration_bounds = array<i64: 2, 16>, scalar_prefetch = 0 : i64, scratch_operands = 5 : i64, tpu.core_type = #tpu.core_type<sc_vector_subcore>, window_params = [{transform_indices = #map}, {transform_indices = #map}]} {
    %mul3A = arith.constant 2 : i32
    %mul3A_0 = arith.muli %arg1, %mul3A : i32
    %add3A = arith.addi %mul3A_0, %arg0 : i32
    %scan3A = arith.constant 0 : i32
    %scan3A_1 = arith.constant 0 : i32
    %scan3A_2 = arith.constant 128 : i32
    %scan3A_3 = arith.addi %scan3A_1, %scan3A_2 : i32
    %scan3A_4 = arith.constant 1 : i32
    %scan3A_5 = scf.for %scan3A_56 = %scan3A_1 to %scan3A_3 step %scan3A_4 iter_args(%scan3A_57 = %scan3A) -> (i32)  : i32 {
      %broadcast_in_dim3A = arith.constant 1.000000e+00 : f32
      %broadcast_in_dim3A_58 = vector.broadcast %broadcast_in_dim3A : f32 to vector<16xf32>
      %swap3A = arith.index_cast %scan3A_56 : i32 to index
      %swap3A_59 = arith.constant 0 : index
      %swap3A_60 = tpu.vector_load %arg5[%swap3A, %swap3A_59] {strides = array<i32>} : memref<128x16xf32, #tpu.memory_space<vmem>>, vector<1x16xf32>,
      %swap3A_61 = vector.shape_cast %swap3A_60 : vector<1x16xf32> to vector<16xf32>
      %swap3A_62 = vector.shape_cast %broadcast_in_dim3A_58 : vector<16xf32> to vector<1x16xf32>
      tpu.vector_store %arg5[%swap3A, %swap3A_59], %swap3A_62 {strides = array<i32>} : memref<128x16xf32, #tpu.memory_space<vmem>>, vector<1x16xf32>,
      %scan3A_63 = arith.constant 0 : i32
      scf.yield %scan3A_63 : i32
    }
    %scan3A_6 = arith.constant 128 : i32
    %scan3A_7 = arith.constant 0 : i32
    %scan3A_8 = arith.constant 0 : i32
    %scan3A_9 = arith.constant 640 : i32
    %scan3A_10 = arith.addi %scan3A_8, %scan3A_9 : i32
    %scan3A_11 = arith.constant 1 : i32
    %scan3A_12 = scf.for %scan3A_56 = %scan3A_8 to %scan3A_10 step %scan3A_11 iter_args(%scan3A_57 = %scan3A_7) -> (i32)  : i32 {
      %broadcast_in_dim3A = arith.constant 0.000000e+00 : f32
      %broadcast_in_dim3A_58 = vector.broadcast %broadcast_in_dim3A : f32 to vector<16xf32>
      %swap3A = arith.index_cast %scan3A_56 : i32 to index
      %swap3A_59 = arith.constant 0 : index
      %swap3A_60 = tpu.vector_load %arg6[%swap3A, %swap3A_59] {strides = array<i32>} : memref<640x16xf32, #tpu.memory_space<vmem>>, vector<1x16xf32>,
      %swap3A_61 = vector.shape_cast %swap3A_60 : vector<1x16xf32> to vector<16xf32>
      %swap3A_62 = vector.shape_cast %broadcast_in_dim3A_58 : vector<16xf32> to vector<1x16xf32>
      tpu.vector_store %arg6[%swap3A, %swap3A_59], %swap3A_62 {strides = array<i32>} : memref<640x16xf32, #tpu.memory_space<vmem>>, vector<1x16xf32>,
      %scan3A_63 = arith.constant 0 : i32
      scf.yield %scan3A_63 : i32
    }
    %scan3A_13 = arith.constant 640 : i32
    %mul3A_14 = arith.constant 640 : i32
    %mul3A_15 = arith.muli %arg1, %mul3A_14 : i32
    "tpu.region"() ({
      %run_scoped3A_56 = tpu.sem_alloc : memref<!tpu.dma_semaphore, #tpu.memory_space<semaphore_mem>>
      %dma_start3A = arith.constant 0 : i32
      %dma_start3A_57 = tpu.memref_slice %arg7[%mul3A_15, %dma_start3A] : memref<10240x16xf32, #tpu.memory_space<vmem_shared>> -> memref<640x16xf32, #tpu.memory_space<vmem_shared>>
      %dma_start3A_58 = arith.constant 0 : i32
      %dma_start3A_59 = tpu.memref_slice %arg7[%mul3A_15, %dma_start3A_58] : memref<10240x16xf32, #tpu.memory_space<vmem_shared>> -> memref<640x16xf32, #tpu.memory_space<vmem_shared>>
      tpu.enqueue_dma source(%arg6 : memref<640x16xf32, #tpu.memory_space<vmem>>) target(%dma_start3A_59 : memref<640x16xf32, #tpu.memory_space<vmem_shared>>) target_semaphore(%run_scoped3A_56 : memref<!tpu.dma_semaphore, #tpu.memory_space<semaphore_mem>>)
      %dma_wait3A = arith.constant 0 : i32
      %dma_wait3A_60 = tpu.memref_slice %arg7[%mul3A_15, %dma_wait3A] : memref<10240x16xf32, #tpu.memory_space<vmem_shared>> -> memref<640x16xf32, #tpu.memory_space<vmem_shared>>
      %dma_wait3A_61 = arith.constant 0 : i32
      %dma_wait3A_62 = tpu.memref_slice %arg7[%mul3A_15, %dma_wait3A_61] : memref<10240x16xf32, #tpu.memory_space<vmem_shared>> -> memref<640x16xf32, #tpu.memory_space<vmem_shared>>
      tpu.wait_dma2 semaphore(%run_scoped3A_56 : memref<!tpu.dma_semaphore, #tpu.memory_space<semaphore_mem>>) src(%arg6 : memref<640x16xf32, #tpu.memory_space<vmem>>) dst(%dma_wait3A_62 : memref<640x16xf32, #tpu.memory_space<vmem_shared>>)
      tpu.yield
    }) : () -> ()
    %barrier3A = arith.constant 0 : index
    tpu.barrier barrier_id(%barrier3A)
    %mul3A_16 = arith.constant 78 : i32
    %mul3A_17 = arith.muli %add3A, %mul3A_16 : i32
    %run_scoped3A = arith.constant 1 : i32
    "tpu.region"() ({
      %run_scoped3A_56 = tpu.sem_alloc : memref<!tpu.dma_semaphore, #tpu.memory_space<semaphore_mem>>
      %dma_start3A = arith.constant 0 : i32
      %dma_start3A_57 = arith.constant 0 : i32
      %dma_start3A_58 = tpu.memref_slice %arg4[%dma_start3A, %dma_start3A_57] : memref<79x128xi32, #tpu.memory_space<vmem>> -> memref<78x128xi32, #tpu.memory_space<vmem>>
      %dma_start3A_59 = arith.constant 0 : i32
      %dma_start3A_60 = tpu.memref_slice %arg2[%mul3A_17, %run_scoped3A, %dma_start3A_59] : memref<2500x2x128xi32, #tpu.memory_space<hbm>> -> memref<78x1x128xi32, #tpu.memory_space<hbm>>
      %dma_start3A_61 = tpu.memref_squeeze %dma_start3A_60 : memref<78x1x128xi32, #tpu.memory_space<hbm>> -> memref<78x128xi32, #tpu.memory_space<hbm>>
      %dma_start3A_62 = arith.constant 0 : i32
      %dma_start3A_63 = arith.constant 0 : i32
      %dma_start3A_64 = tpu.memref_slice %arg4[%dma_start3A_62, %dma_start3A_63] : memref<79x128xi32, #tpu.memory_space<vmem>> -> memref<78x128xi32, #tpu.memory_space<vmem>>
      %dma_start3A_65 = arith.constant 0 : i32
      %dma_start3A_66 = tpu.memref_slice %arg2[%mul3A_17, %run_scoped3A, %dma_start3A_65] : memref<2500x2x128xi32, #tpu.memory_space<hbm>> -> memref<78x1x128xi32, #tpu.memory_space<hbm>>
      %dma_start3A_67 = tpu.memref_squeeze %dma_start3A_66 : memref<78x1x128xi32, #tpu.memory_space<hbm>> -> memref<78x128xi32, #tpu.memory_space<hbm>>
      tpu.enqueue_dma source(%dma_start3A_67 : memref<78x128xi32, #tpu.memory_space<hbm>>) target(%dma_start3A_64 : memref<78x128xi32, #tpu.memory_space<vmem>>) target_semaphore(%run_scoped3A_56 : memref<!tpu.dma_semaphore, #tpu.memory_space<semaphore_mem>>)
      %dma_wait3A = arith.constant 0 : i32
      %dma_wait3A_68 = arith.constant 0 : i32
      %dma_wait3A_69 = tpu.memref_slice %arg4[%dma_wait3A, %dma_wait3A_68] : memref<79x128xi32, #tpu.memory_space<vmem>> -> memref<78x128xi32, #tpu.memory_space<vmem>>
      %dma_wait3A_70 = arith.constant 0 : i32
      %dma_wait3A_71 = tpu.memref_slice %arg2[%mul3A_17, %run_scoped3A, %dma_wait3A_70] : memref<2500x2x128xi32, #tpu.memory_space<hbm>> -> memref<78x1x128xi32, #tpu.memory_space<hbm>>
      %dma_wait3A_72 = tpu.memref_squeeze %dma_wait3A_71 : memref<78x1x128xi32, #tpu.memory_space<hbm>> -> memref<78x128xi32, #tpu.memory_space<hbm>>
      %dma_wait3A_73 = arith.constant 0 : i32
      %dma_wait3A_74 = arith.constant 0 : i32
      %dma_wait3A_75 = tpu.memref_slice %arg4[%dma_wait3A_73, %dma_wait3A_74] : memref<79x128xi32, #tpu.memory_space<vmem>> -> memref<78x128xi32, #tpu.memory_space<vmem>>
      %dma_wait3A_76 = arith.constant 0 : i32
      %dma_wait3A_77 = tpu.memref_slice %arg2[%mul3A_17, %run_scoped3A, %dma_wait3A_76] : memref<2500x2x128xi32, #tpu.memory_space<hbm>> -> memref<78x1x128xi32, #tpu.memory_space<hbm>>
      %dma_wait3A_78 = tpu.memref_squeeze %dma_wait3A_77 : memref<78x1x128xi32, #tpu.memory_space<hbm>> -> memref<78x128xi32, #tpu.memory_space<hbm>>
      tpu.wait_dma2 semaphore(%run_scoped3A_56 : memref<!tpu.dma_semaphore, #tpu.memory_space<semaphore_mem>>) src(%dma_wait3A_78 : memref<78x128xi32, #tpu.memory_space<hbm>>) dst(%dma_wait3A_75 : memref<78x128xi32, #tpu.memory_space<vmem>>)
      tpu.yield
    }) : () -> ()
    %lt3A = arith.constant 4 : i32
    %lt3A_18 = arith.cmpi slt, %add3A, %lt3A : i32
    %convert_element_type3A = arith.extui %lt3A_18 : i1 to i32
    %cond3A = arith.constant 0 : i32
    %cond3A_19 = arith.cmpi ne, %convert_element_type3A, %cond3A : i32
    scf.if %cond3A_19 {
      %add3A_56 = arith.constant 2496 : i32
      %add3A_57 = arith.addi %add3A_56, %add3A : i32
      %run_scoped3A_58 = arith.constant 1 : i32
      %run_scoped3A_59 = arith.constant 78 : i32
      "tpu.region"() ({
        %run_scoped3A_60 = tpu.sem_alloc : memref<!tpu.dma_semaphore, #tpu.memory_space<semaphore_mem>>
        %dma_start3A = arith.constant 0 : i32
        %dma_start3A_61 = tpu.memref_slice %arg4[%run_scoped3A_59, %dma_start3A] : memref<79x128xi32, #tpu.memory_space<vmem>> -> memref<1x128xi32, #tpu.memory_space<vmem>>
        %dma_start3A_62 = tpu.memref_squeeze %dma_start3A_61 : memref<1x128xi32, #tpu.memory_space<vmem>> -> memref<128xi32, #tpu.memory_space<vmem>>
        %dma_start3A_63 = arith.constant 0 : i32
        %dma_start3A_64 = tpu.memref_slice %arg2[%add3A_57, %run_scoped3A_58, %dma_start3A_63] : memref<2500x2x128xi32, #tpu.memory_space<hbm>> -> memref<1x1x128xi32, #tpu.memory_space<hbm>>
        %dma_start3A_65 = tpu.memref_squeeze %dma_start3A_64 : memref<1x1x128xi32, #tpu.memory_space<hbm>> -> memref<128xi32, #tpu.memory_space<hbm>>
        %dma_start3A_66 = arith.constant 0 : i32
        %dma_start3A_67 = tpu.memref_slice %arg4[%run_scoped3A_59, %dma_start3A_66] : memref<79x128xi32, #tpu.memory_space<vmem>> -> memref<1x128xi32, #tpu.memory_space<vmem>>
        %dma_start3A_68 = tpu.memref_squeeze %dma_start3A_67 : memref<1x128xi32, #tpu.memory_space<vmem>> -> memref<128xi32, #tpu.memory_space<vmem>>
        %dma_start3A_69 = arith.constant 0 : i32
        %dma_start3A_70 = tpu.memref_slice %arg2[%add3A_57, %run_scoped3A_58, %dma_start3A_69] : memref<2500x2x128xi32, #tpu.memory_space<hbm>> -> memref<1x1x128xi32, #tpu.memory_space<hbm>>
        %dma_start3A_71 = tpu.memref_squeeze %dma_start3A_70 : memref<1x1x128xi32, #tpu.memory_space<hbm>> -> memref<128xi32, #tpu.memory_space<hbm>>
        tpu.enqueue_dma source(%dma_start3A_71 : memref<128xi32, #tpu.memory_space<hbm>>) target(%dma_start3A_68 : memref<128xi32, #tpu.memory_space<vmem>>) target_semaphore(%run_scoped3A_60 : memref<!tpu.dma_semaphore, #tpu.memory_space<semaphore_mem>>)
        %dma_wait3A = arith.constant 0 : i32
        %dma_wait3A_72 = tpu.memref_slice %arg4[%run_scoped3A_59, %dma_wait3A] : memref<79x128xi32, #tpu.memory_space<vmem>> -> memref<1x128xi32, #tpu.memory_space<vmem>>
        %dma_wait3A_73 = tpu.memref_squeeze %dma_wait3A_72 : memref<1x128xi32, #tpu.memory_space<vmem>> -> memref<128xi32, #tpu.memory_space<vmem>>
        %dma_wait3A_74 = arith.constant 0 : i32
        %dma_wait3A_75 = tpu.memref_slice %arg2[%add3A_57, %run_scoped3A_58, %dma_wait3A_74] : memref<2500x2x128xi32, #tpu.memory_space<hbm>> -> memref<1x1x128xi32, #tpu.memory_space<hbm>>
        %dma_wait3A_76 = tpu.memref_squeeze %dma_wait3A_75 : memref<1x1x128xi32, #tpu.memory_space<hbm>> -> memref<128xi32, #tpu.memory_space<hbm>>
        %dma_wait3A_77 = arith.constant 0 : i32
        %dma_wait3A_78 = tpu.memref_slice %arg4[%run_scoped3A_59, %dma_wait3A_77] : memref<79x128xi32, #tpu.memory_space<vmem>> -> memref<1x128xi32, #tpu.memory_space<vmem>>
        %dma_wait3A_79 = tpu.memref_squeeze %dma_wait3A_78 : memref<1x128xi32, #tpu.memory_space<vmem>> -> memref<128xi32, #tpu.memory_space<vmem>>
        %dma_wait3A_80 = arith.constant 0 : i32
        %dma_wait3A_81 = tpu.memref_slice %arg2[%add3A_57, %run_scoped3A_58, %dma_wait3A_80] : memref<2500x2x128xi32, #tpu.memory_space<hbm>> -> memref<1x1x128xi32, #tpu.memory_space<hbm>>
        %dma_wait3A_82 = tpu.memref_squeeze %dma_wait3A_81 : memref<1x1x128xi32, #tpu.memory_space<hbm>> -> memref<128xi32, #tpu.memory_space<hbm>>
        tpu.wait_dma2 semaphore(%run_scoped3A_60 : memref<!tpu.dma_semaphore, #tpu.memory_space<semaphore_mem>>) src(%dma_wait3A_82 : memref<128xi32, #tpu.memory_space<hbm>>) dst(%dma_wait3A_79 : memref<128xi32, #tpu.memory_space<vmem>>)
        tpu.yield
      }) : () -> ()
    } else {
    }
    %jit3A = arith.constant 79 : i32
    %jit3A_20 = arith.constant 78 : i32
    %select_n3A = arith.select %lt3A_18, %jit3A, %jit3A_20 : i32
    %scan3A_21 = arith.constant 0 : i32
    %scan3A_22 = arith.constant 0 : i32
    %scan3A_23 = arith.constant 3 : i32
    %scan3A_24 = arith.addi %scan3A_22, %scan3A_23 : i32
    %scan3A_25 = arith.constant 1 : i32
    %scan3A_26 = scf.for %scan3A_56 = %scan3A_22 to %scan3A_24 step %scan3A_25 iter_args(%scan3A_57 = %scan3A_21) -> (i32)  : i32 {
      %mul3A_58 = arith.constant 25 : i32
      %mul3A_59 = arith.muli %scan3A_56, %mul3A_58 : i32
      %add3A_60 = arith.constant 1 : i32
      %add3A_61 = arith.addi %scan3A_56, %add3A_60 : i32
      %mul3A_62 = arith.constant 25 : i32
      %mul3A_63 = arith.muli %add3A_61, %mul3A_62 : i32
      %while3A_64 = arith.constant 0 : i32
      %while3A_65 = arith.subi %mul3A_63, %mul3A_59 : i32
      %while3A_66 = arith.addi %mul3A_59, %while3A_65 : i32
      %while3A_67 = arith.constant 1 : i32
      %while3A_68 = arith.divsi %while3A_65, %while3A_67 : i32
      %while3A_69 = arith.muli %while3A_68, %while3A_67 : i32
      %while3A_70 = arith.addi %mul3A_59, %while3A_69 : i32
      %while3A_71 = arith.constant 1 : i32
      %while3A_72 = scf.for %while3A_93 = %mul3A_59 to %while3A_70 step %while3A_71 iter_args(%while3A_94 = %while3A_64) -> (i32)  : i32 {
        %dma_start3A = arith.constant 0 : i32
        %dma_start3A_95 = tpu.memref_slice %arg4[%while3A_93, %dma_start3A] : memref<79x128xi32, #tpu.memory_space<vmem>> -> memref<1x128xi32, #tpu.memory_space<vmem>>
        %dma_start3A_96 = tpu.memref_squeeze %dma_start3A_95 : memref<1x128xi32, #tpu.memory_space<vmem>> -> memref<128xi32, #tpu.memory_space<vmem>>
        %dma_start3A_97 = arith.constant 0 : i32
        %dma_start3A_98 = arith.constant 0 : i32
        %dma_start3A_99 = tpu.memref_slice %arg7[%dma_start3A_97, %dma_start3A_98] : memref<10240x16xf32, #tpu.memory_space<vmem_shared>> -> memref<10240x16xf32, #tpu.memory_space<vmem_shared>>
        tpu.enqueue_indirect_dma source(%arg5 : memref<128x16xf32, #tpu.memory_space<vmem>>) target(%dma_start3A_99 : memref<10240x16xf32, #tpu.memory_space<vmem_shared>>) offsets(%dma_start3A_96 : memref<128xi32, #tpu.memory_space<vmem>>) semaphore(%arg8 : memref<!tpu.dma_semaphore, #tpu.memory_space<semaphore_mem>>) {add = true}
        %while3A_100 = arith.constant 0 : i32
        scf.yield %while3A_100 : i32
      }
      %while3A_73 = arith.constant 1 : i32
      %while3A_74 = scf.for %while3A_93 = %while3A_70 to %while3A_66 step %while3A_73 iter_args(%while3A_94 = %while3A_72) -> (i32)  : i32 {
        %dma_start3A = arith.constant 0 : i32
        %dma_start3A_95 = tpu.memref_slice %arg4[%while3A_93, %dma_start3A] : memref<79x128xi32, #tpu.memory_space<vmem>> -> memref<1x128xi32, #tpu.memory_space<vmem>>
        %dma_start3A_96 = tpu.memref_squeeze %dma_start3A_95 : memref<1x128xi32, #tpu.memory_space<vmem>> -> memref<128xi32, #tpu.memory_space<vmem>>
        %dma_start3A_97 = arith.constant 0 : i32
        %dma_start3A_98 = arith.constant 0 : i32
        %dma_start3A_99 = tpu.memref_slice %arg7[%dma_start3A_97, %dma_start3A_98] : memref<10240x16xf32, #tpu.memory_space<vmem_shared>> -> memref<10240x16xf32, #tpu.memory_space<vmem_shared>>
        tpu.enqueue_indirect_dma source(%arg5 : memref<128x16xf32, #tpu.memory_space<vmem>>) target(%dma_start3A_99 : memref<10240x16xf32, #tpu.memory_space<vmem_shared>>) offsets(%dma_start3A_96 : memref<128xi32, #tpu.memory_space<vmem>>) semaphore(%arg8 : memref<!tpu.dma_semaphore, #tpu.memory_space<semaphore_mem>>) {add = true}
        %while3A_100 = arith.constant 0 : i32
        scf.yield %while3A_100 : i32
      }
      %mul3A_75 = arith.constant 25 : i32
      %mul3A_76 = arith.muli %scan3A_56, %mul3A_75 : i32
      %add3A_77 = arith.constant 1 : i32
      %add3A_78 = arith.addi %scan3A_56, %add3A_77 : i32
      %mul3A_79 = arith.constant 25 : i32
      %mul3A_80 = arith.muli %add3A_78, %mul3A_79 : i32
      %while3A_81 = arith.constant 0 : i32
      %while3A_82 = arith.subi %mul3A_80, %mul3A_76 : i32
      %while3A_83 = arith.addi %mul3A_76, %while3A_82 : i32
      %while3A_84 = arith.constant 1 : i32
      %while3A_85 = arith.divsi %while3A_82, %while3A_84 : i32
      %while3A_86 = arith.muli %while3A_85, %while3A_84 : i32
      %while3A_87 = arith.addi %mul3A_76, %while3A_86 : i32
      %while3A_88 = arith.constant 1 : i32
      %while3A_89 = scf.for %while3A_93 = %mul3A_76 to %while3A_87 step %while3A_88 iter_args(%while3A_94 = %while3A_81) -> (i32)  : i32 {
        %dma_wait3A = arith.constant 0 : i32
        %dma_wait3A_95 = tpu.memref_slice %arg4[%while3A_93, %dma_wait3A] : memref<79x128xi32, #tpu.memory_space<vmem>> -> memref<1x128xi32, #tpu.memory_space<vmem>>
        %dma_wait3A_96 = tpu.memref_squeeze %dma_wait3A_95 : memref<1x128xi32, #tpu.memory_space<vmem>> -> memref<128xi32, #tpu.memory_space<vmem>>
        %dma_wait3A_97 = arith.constant 0 : i32
        %dma_wait3A_98 = arith.constant 0 : i32
        %dma_wait3A_99 = tpu.memref_slice %arg7[%dma_wait3A_97, %dma_wait3A_98] : memref<10240x16xf32, #tpu.memory_space<vmem_shared>> -> memref<10240x16xf32, #tpu.memory_space<vmem_shared>>
        tpu.wait_indirect_dma semaphore(%arg8 : memref<!tpu.dma_semaphore, #tpu.memory_space<semaphore_mem>>) src(%arg5 : memref<128x16xf32, #tpu.memory_space<vmem>>) dst(%dma_wait3A_99 : memref<10240x16xf32, #tpu.memory_space<vmem_shared>>)
        %while3A_100 = arith.constant 0 : i32
        scf.yield %while3A_100 : i32
      }
      %while3A_90 = arith.constant 1 : i32
      %while3A_91 = scf.for %while3A_93 = %while3A_87 to %while3A_83 step %while3A_90 iter_args(%while3A_94 = %while3A_89) -> (i32)  : i32 {
        %dma_wait3A = arith.constant 0 : i32
        %dma_wait3A_95 = tpu.memref_slice %arg4[%while3A_93, %dma_wait3A] : memref<79x128xi32, #tpu.memory_space<vmem>> -> memref<1x128xi32, #tpu.memory_space<vmem>>
        %dma_wait3A_96 = tpu.memref_squeeze %dma_wait3A_95 : memref<1x128xi32, #tpu.memory_space<vmem>> -> memref<128xi32, #tpu.memory_space<vmem>>
        %dma_wait3A_97 = arith.constant 0 : i32
        %dma_wait3A_98 = arith.constant 0 : i32
        %dma_wait3A_99 = tpu.memref_slice %arg7[%dma_wait3A_97, %dma_wait3A_98] : memref<10240x16xf32, #tpu.memory_space<vmem_shared>> -> memref<10240x16xf32, #tpu.memory_space<vmem_shared>>
        tpu.wait_indirect_dma semaphore(%arg8 : memref<!tpu.dma_semaphore, #tpu.memory_space<semaphore_mem>>) src(%arg5 : memref<128x16xf32, #tpu.memory_space<vmem>>) dst(%dma_wait3A_99 : memref<10240x16xf32, #tpu.memory_space<vmem_shared>>)
        %while3A_100 = arith.constant 0 : i32
        scf.yield %while3A_100 : i32
      }
      %scan3A_92 = arith.constant 0 : i32
      scf.yield %scan3A_92 : i32
    }
    %scan3A_27 = arith.constant 3 : i32
    %while3A = arith.constant 75 : i32
    %while3A_28 = arith.constant 0 : i32
    %while3A_29 = arith.subi %select_n3A, %while3A : i32
    %while3A_30 = arith.addi %while3A, %while3A_29 : i32
    %while3A_31 = arith.constant 1 : i32
    %while3A_32 = arith.divsi %while3A_29, %while3A_31 : i32
    %while3A_33 = arith.muli %while3A_32, %while3A_31 : i32
    %while3A_34 = arith.addi %while3A, %while3A_33 : i32
    %while3A_35 = arith.constant 1 : i32
    %while3A_36 = scf.for %while3A_56 = %while3A to %while3A_34 step %while3A_35 iter_args(%while3A_57 = %while3A_28) -> (i32)  : i32 {
      %dma_start3A = arith.constant 0 : i32
      %dma_start3A_58 = tpu.memref_slice %arg4[%while3A_56, %dma_start3A] : memref<79x128xi32, #tpu.memory_space<vmem>> -> memref<1x128xi32, #tpu.memory_space<vmem>>
      %dma_start3A_59 = tpu.memref_squeeze %dma_start3A_58 : memref<1x128xi32, #tpu.memory_space<vmem>> -> memref<128xi32, #tpu.memory_space<vmem>>
      %dma_start3A_60 = arith.constant 0 : i32
      %dma_start3A_61 = arith.constant 0 : i32
      %dma_start3A_62 = tpu.memref_slice %arg7[%dma_start3A_60, %dma_start3A_61] : memref<10240x16xf32, #tpu.memory_space<vmem_shared>> -> memref<10240x16xf32, #tpu.memory_space<vmem_shared>>
      tpu.enqueue_indirect_dma source(%arg5 : memref<128x16xf32, #tpu.memory_space<vmem>>) target(%dma_start3A_62 : memref<10240x16xf32, #tpu.memory_space<vmem_shared>>) offsets(%dma_start3A_59 : memref<128xi32, #tpu.memory_space<vmem>>) semaphore(%arg8 : memref<!tpu.dma_semaphore, #tpu.memory_space<semaphore_mem>>) {add = true}
      %while3A_63 = arith.constant 0 : i32
      scf.yield %while3A_63 : i32
    }
    %while3A_37 = arith.constant 1 : i32
    %while3A_38 = scf.for %while3A_56 = %while3A_34 to %while3A_30 step %while3A_37 iter_args(%while3A_57 = %while3A_36) -> (i32)  : i32 {
      %dma_start3A = arith.constant 0 : i32
      %dma_start3A_58 = tpu.memref_slice %arg4[%while3A_56, %dma_start3A] : memref<79x128xi32, #tpu.memory_space<vmem>> -> memref<1x128xi32, #tpu.memory_space<vmem>>
      %dma_start3A_59 = tpu.memref_squeeze %dma_start3A_58 : memref<1x128xi32, #tpu.memory_space<vmem>> -> memref<128xi32, #tpu.memory_space<vmem>>
      %dma_start3A_60 = arith.constant 0 : i32
      %dma_start3A_61 = arith.constant 0 : i32
      %dma_start3A_62 = tpu.memref_slice %arg7[%dma_start3A_60, %dma_start3A_61] : memref<10240x16xf32, #tpu.memory_space<vmem_shared>> -> memref<10240x16xf32, #tpu.memory_space<vmem_shared>>
      tpu.enqueue_indirect_dma source(%arg5 : memref<128x16xf32, #tpu.memory_space<vmem>>) target(%dma_start3A_62 : memref<10240x16xf32, #tpu.memory_space<vmem_shared>>) offsets(%dma_start3A_59 : memref<128xi32, #tpu.memory_space<vmem>>) semaphore(%arg8 : memref<!tpu.dma_semaphore, #tpu.memory_space<semaphore_mem>>) {add = true}
      %while3A_63 = arith.constant 0 : i32
      scf.yield %while3A_63 : i32
    }
    %while3A_39 = arith.constant 75 : i32
    %while3A_40 = arith.constant 0 : i32
    %while3A_41 = arith.subi %select_n3A, %while3A_39 : i32
    %while3A_42 = arith.addi %while3A_39, %while3A_41 : i32
    %while3A_43 = arith.constant 1 : i32
    %while3A_44 = arith.divsi %while3A_41, %while3A_43 : i32
    %while3A_45 = arith.muli %while3A_44, %while3A_43 : i32
    %while3A_46 = arith.addi %while3A_39, %while3A_45 : i32
    %while3A_47 = arith.constant 1 : i32
    %while3A_48 = scf.for %while3A_56 = %while3A_39 to %while3A_46 step %while3A_47 iter_args(%while3A_57 = %while3A_40) -> (i32)  : i32 {
      %dma_wait3A = arith.constant 0 : i32
      %dma_wait3A_58 = tpu.memref_slice %arg4[%while3A_56, %dma_wait3A] : memref<79x128xi32, #tpu.memory_space<vmem>> -> memref<1x128xi32, #tpu.memory_space<vmem>>
      %dma_wait3A_59 = tpu.memref_squeeze %dma_wait3A_58 : memref<1x128xi32, #tpu.memory_space<vmem>> -> memref<128xi32, #tpu.memory_space<vmem>>
      %dma_wait3A_60 = arith.constant 0 : i32
      %dma_wait3A_61 = arith.constant 0 : i32
      %dma_wait3A_62 = tpu.memref_slice %arg7[%dma_wait3A_60, %dma_wait3A_61] : memref<10240x16xf32, #tpu.memory_space<vmem_shared>> -> memref<10240x16xf32, #tpu.memory_space<vmem_shared>>
      tpu.wait_indirect_dma semaphore(%arg8 : memref<!tpu.dma_semaphore, #tpu.memory_space<semaphore_mem>>) src(%arg5 : memref<128x16xf32, #tpu.memory_space<vmem>>) dst(%dma_wait3A_62 : memref<10240x16xf32, #tpu.memory_space<vmem_shared>>)
      %while3A_63 = arith.constant 0 : i32
      scf.yield %while3A_63 : i32
    }
    %while3A_49 = arith.constant 1 : i32
    %while3A_50 = scf.for %while3A_56 = %while3A_46 to %while3A_42 step %while3A_49 iter_args(%while3A_57 = %while3A_48) -> (i32)  : i32 {
      %dma_wait3A = arith.constant 0 : i32
      %dma_wait3A_58 = tpu.memref_slice %arg4[%while3A_56, %dma_wait3A] : memref<79x128xi32, #tpu.memory_space<vmem>> -> memref<1x128xi32, #tpu.memory_space<vmem>>
      %dma_wait3A_59 = tpu.memref_squeeze %dma_wait3A_58 : memref<1x128xi32, #tpu.memory_space<vmem>> -> memref<128xi32, #tpu.memory_space<vmem>>
      %dma_wait3A_60 = arith.constant 0 : i32
      %dma_wait3A_61 = arith.constant 0 : i32
      %dma_wait3A_62 = tpu.memref_slice %arg7[%dma_wait3A_60, %dma_wait3A_61] : memref<10240x16xf32, #tpu.memory_space<vmem_shared>> -> memref<10240x16xf32, #tpu.memory_space<vmem_shared>>
      tpu.wait_indirect_dma semaphore(%arg8 : memref<!tpu.dma_semaphore, #tpu.memory_space<semaphore_mem>>) src(%arg5 : memref<128x16xf32, #tpu.memory_space<vmem>>) dst(%dma_wait3A_62 : memref<10240x16xf32, #tpu.memory_space<vmem_shared>>)
      %while3A_63 = arith.constant 0 : i32
      scf.yield %while3A_63 : i32
    }
    %barrier3A_51 = arith.constant 0 : index
    tpu.barrier barrier_id(%barrier3A_51)
    %mul3A_52 = arith.constant 640 : i32
    %mul3A_53 = arith.muli %arg1, %mul3A_52 : i32
    "tpu.region"() ({
      %run_scoped3A_56 = tpu.sem_alloc : memref<!tpu.dma_semaphore, #tpu.memory_space<semaphore_mem>>
      %dma_start3A = arith.constant 0 : i32
      %dma_start3A_57 = tpu.memref_slice %arg7[%mul3A_53, %dma_start3A] : memref<10240x16xf32, #tpu.memory_space<vmem_shared>> -> memref<640x16xf32, #tpu.memory_space<vmem_shared>>
      %dma_start3A_58 = arith.constant 0 : i32
      %dma_start3A_59 = tpu.memref_slice %arg7[%mul3A_53, %dma_start3A_58] : memref<10240x16xf32, #tpu.memory_space<vmem_shared>> -> memref<640x16xf32, #tpu.memory_space<vmem_shared>>
      tpu.enqueue_dma source(%dma_start3A_59 : memref<640x16xf32, #tpu.memory_space<vmem_shared>>) target(%arg6 : memref<640x16xf32, #tpu.memory_space<vmem>>) target_semaphore(%run_scoped3A_56 : memref<!tpu.dma_semaphore, #tpu.memory_space<semaphore_mem>>)
      %dma_wait3A = arith.constant 0 : i32
      %dma_wait3A_60 = tpu.memref_slice %arg7[%mul3A_53, %dma_wait3A] : memref<10240x16xf32, #tpu.memory_space<vmem_shared>> -> memref<640x16xf32, #tpu.memory_space<vmem_shared>>
      %dma_wait3A_61 = arith.constant 0 : i32
      %dma_wait3A_62 = tpu.memref_slice %arg7[%mul3A_53, %dma_wait3A_61] : memref<10240x16xf32, #tpu.memory_space<vmem_shared>> -> memref<640x16xf32, #tpu.memory_space<vmem_shared>>
      tpu.wait_dma2 semaphore(%run_scoped3A_56 : memref<!tpu.dma_semaphore, #tpu.memory_space<semaphore_mem>>) src(%dma_wait3A_62 : memref<640x16xf32, #tpu.memory_space<vmem_shared>>) dst(%arg6 : memref<640x16xf32, #tpu.memory_space<vmem>>)
      tpu.yield
    }) : () -> ()
    %mul3A_54 = arith.constant 640 : i32
    %mul3A_55 = arith.muli %arg1, %mul3A_54 : i32
    "tpu.region"() ({
      %run_scoped3A_56 = tpu.sem_alloc : memref<!tpu.dma_semaphore, #tpu.memory_space<semaphore_mem>>
      %dma_start3A = arith.constant 0 : i32
      %dma_start3A_57 = tpu.memref_slice %arg3[%arg0, %mul3A_55, %dma_start3A] : memref<2x10240x128xf32, #tpu.memory_space<hbm>> -> memref<1x640x16xf32, #tpu.memory_space<hbm>>
      %dma_start3A_58 = tpu.memref_squeeze %dma_start3A_57 : memref<1x640x16xf32, #tpu.memory_space<hbm>> -> memref<640x16xf32, #tpu.memory_space<hbm>>
      %dma_start3A_59 = arith.constant 0 : i32
      %dma_start3A_60 = tpu.memref_slice %arg3[%arg0, %mul3A_55, %dma_start3A_59] : memref<2x10240x128xf32, #tpu.memory_space<hbm>> -> memref<1x640x16xf32, #tpu.memory_space<hbm>>
      %dma_start3A_61 = tpu.memref_squeeze %dma_start3A_60 : memref<1x640x16xf32, #tpu.memory_space<hbm>> -> memref<640x16xf32, #tpu.memory_space<hbm>>
      tpu.enqueue_dma source(%arg6 : memref<640x16xf32, #tpu.memory_space<vmem>>) target(%dma_start3A_61 : memref<640x16xf32, #tpu.memory_space<hbm>>) target_semaphore(%run_scoped3A_56 : memref<!tpu.dma_semaphore, #tpu.memory_space<semaphore_mem>>)
      %dma_wait3A = arith.constant 0 : i32
      %dma_wait3A_62 = tpu.memref_slice %arg3[%arg0, %mul3A_55, %dma_wait3A] : memref<2x10240x128xf32, #tpu.memory_space<hbm>> -> memref<1x640x16xf32, #tpu.memory_space<hbm>>
      %dma_wait3A_63 = tpu.memref_squeeze %dma_wait3A_62 : memref<1x640x16xf32, #tpu.memory_space<hbm>> -> memref<640x16xf32, #tpu.memory_space<hbm>>
      %dma_wait3A_64 = arith.constant 0 : i32
      %dma_wait3A_65 = tpu.memref_slice %arg3[%arg0, %mul3A_55, %dma_wait3A_64] : memref<2x10240x128xf32, #tpu.memory_space<hbm>> -> memref<1x640x16xf32, #tpu.memory_space<hbm>>
      %dma_wait3A_66 = tpu.memref_squeeze %dma_wait3A_65 : memref<1x640x16xf32, #tpu.memory_space<hbm>> -> memref<640x16xf32, #tpu.memory_space<hbm>>
      tpu.wait_dma2 semaphore(%run_scoped3A_56 : memref<!tpu.dma_semaphore, #tpu.memory_space<semaphore_mem>>) src(%arg6 : memref<640x16xf32, #tpu.memory_space<vmem>>) dst(%dma_wait3A_66 : memref<640x16xf32, #tpu.memory_space<hbm>>)
      tpu.yield
    }) : () -> ()
    return
  }
}

#map = affine_map<(d0, d1) -> (0, 0, 0)>
#map1 = affine_map<(d0, d1) -> (0, 0)>
module attributes {stable_mosaic.version = 14 : i64} {
  func.func @_scatter_kernel(%arg0: i32, %arg1: i32, %arg2: memref<16x250x80xi32, #tpu.memory_space<hbm>>, %arg3: memref<16x250x80xi32, #tpu.memory_space<hbm>>, %arg4: memref<20480x64xf32, #tpu.memory_space<hbm>>, %arg5: memref<10240x128xf32, #tpu.memory_space<hbm>>, %arg6: memref<250x80xi32, #tpu.memory_space<vmem>>, %arg7: memref<250x80xi32, #tpu.memory_space<vmem>>, %arg8: memref<5x80x64xf32, #tpu.memory_space<vmem>>, %arg9: memref<160x64xf32, #tpu.memory_space<vmem>>, %arg10: memref<10240x64xf32, #tpu.memory_space<vmem_shared>>, %arg11: memref<!tpu.dma_semaphore, #tpu.memory_space<semaphore_mem>>, %arg12: memref<!tpu.dma_semaphore, #tpu.memory_space<semaphore_mem>>, %arg13: memref<!tpu.dma_semaphore, #tpu.memory_space<semaphore_mem>>, %arg14: memref<!tpu.dma_semaphore, #tpu.memory_space<semaphore_mem>>, %arg15: memref<!tpu.dma_semaphore, #tpu.memory_space<semaphore_mem>>, %arg16: memref<!tpu.dma_semaphore, #tpu.memory_space<semaphore_mem>>, %arg17: memref<!tpu.dma_semaphore, #tpu.memory_space<semaphore_mem>>, %arg18: memref<!tpu.dma_semaphore, #tpu.memory_space<semaphore_mem>>, %arg19: memref<!tpu.dma_semaphore, #tpu.memory_space<semaphore_mem>>, %arg20: memref<!tpu.dma_semaphore, #tpu.memory_space<semaphore_mem>>) attributes {dimension_semantics = [#tpu.dimension_semantics<core_parallel>, #tpu.dimension_semantics<subcore_parallel>], iteration_bounds = array<i64: 2, 16>, scalar_prefetch = 0 : i64, scratch_operands = 15 : i64, tpu.core_type = #tpu.core_type<sc_vector_subcore>, window_params = [{transform_indices = #map}, {transform_indices = #map}, {transform_indices = #map1}, {transform_indices = #map1}]} {
    "tpu.region"() ({
      %run_scoped3A = tpu.sem_alloc : memref<!tpu.dma_semaphore, #tpu.memory_space<semaphore_mem>>
      %dma_start3A_177 = arith.constant 0 : i32
      %dma_start3A_178 = arith.constant 0 : i32
      %dma_start3A_179 = tpu.memref_slice %arg2[%arg1, %dma_start3A_177, %dma_start3A_178] : memref<16x250x80xi32, #tpu.memory_space<hbm>> -> memref<1x250x80xi32, #tpu.memory_space<hbm>>
      %dma_start3A_180 = tpu.memref_squeeze %dma_start3A_179 : memref<1x250x80xi32, #tpu.memory_space<hbm>> -> memref<250x80xi32, #tpu.memory_space<hbm>>
      %dma_start3A_181 = arith.constant 0 : i32
      %dma_start3A_182 = arith.constant 0 : i32
      %dma_start3A_183 = tpu.memref_slice %arg2[%arg1, %dma_start3A_181, %dma_start3A_182] : memref<16x250x80xi32, #tpu.memory_space<hbm>> -> memref<1x250x80xi32, #tpu.memory_space<hbm>>
      %dma_start3A_184 = tpu.memref_squeeze %dma_start3A_183 : memref<1x250x80xi32, #tpu.memory_space<hbm>> -> memref<250x80xi32, #tpu.memory_space<hbm>>
      tpu.enqueue_dma source(%dma_start3A_184 : memref<250x80xi32, #tpu.memory_space<hbm>>) target(%arg6 : memref<250x80xi32, #tpu.memory_space<vmem>>) target_semaphore(%run_scoped3A : memref<!tpu.dma_semaphore, #tpu.memory_space<semaphore_mem>>)
      %dma_wait3A_185 = arith.constant 0 : i32
      %dma_wait3A_186 = arith.constant 0 : i32
      %dma_wait3A_187 = tpu.memref_slice %arg2[%arg1, %dma_wait3A_185, %dma_wait3A_186] : memref<16x250x80xi32, #tpu.memory_space<hbm>> -> memref<1x250x80xi32, #tpu.memory_space<hbm>>
      %dma_wait3A_188 = tpu.memref_squeeze %dma_wait3A_187 : memref<1x250x80xi32, #tpu.memory_space<hbm>> -> memref<250x80xi32, #tpu.memory_space<hbm>>
      %dma_wait3A_189 = arith.constant 0 : i32
      %dma_wait3A_190 = arith.constant 0 : i32
      %dma_wait3A_191 = tpu.memref_slice %arg2[%arg1, %dma_wait3A_189, %dma_wait3A_190] : memref<16x250x80xi32, #tpu.memory_space<hbm>> -> memref<1x250x80xi32, #tpu.memory_space<hbm>>
      %dma_wait3A_192 = tpu.memref_squeeze %dma_wait3A_191 : memref<1x250x80xi32, #tpu.memory_space<hbm>> -> memref<250x80xi32, #tpu.memory_space<hbm>>
      tpu.wait_dma2 semaphore(%run_scoped3A : memref<!tpu.dma_semaphore, #tpu.memory_space<semaphore_mem>>) src(%dma_wait3A_192 : memref<250x80xi32, #tpu.memory_space<hbm>>) dst(%arg6 : memref<250x80xi32, #tpu.memory_space<vmem>>)
      tpu.yield
    }) : () -> ()
    "tpu.region"() ({
      %run_scoped3A = tpu.sem_alloc : memref<!tpu.dma_semaphore, #tpu.memory_space<semaphore_mem>>
      %dma_start3A_177 = arith.constant 0 : i32
      %dma_start3A_178 = arith.constant 0 : i32
      %dma_start3A_179 = tpu.memref_slice %arg3[%arg1, %dma_start3A_177, %dma_start3A_178] : memref<16x250x80xi32, #tpu.memory_space<hbm>> -> memref<1x250x80xi32, #tpu.memory_space<hbm>>
      %dma_start3A_180 = tpu.memref_squeeze %dma_start3A_179 : memref<1x250x80xi32, #tpu.memory_space<hbm>> -> memref<250x80xi32, #tpu.memory_space<hbm>>
      %dma_start3A_181 = arith.constant 0 : i32
      %dma_start3A_182 = arith.constant 0 : i32
      %dma_start3A_183 = tpu.memref_slice %arg3[%arg1, %dma_start3A_181, %dma_start3A_182] : memref<16x250x80xi32, #tpu.memory_space<hbm>> -> memref<1x250x80xi32, #tpu.memory_space<hbm>>
      %dma_start3A_184 = tpu.memref_squeeze %dma_start3A_183 : memref<1x250x80xi32, #tpu.memory_space<hbm>> -> memref<250x80xi32, #tpu.memory_space<hbm>>
      tpu.enqueue_dma source(%dma_start3A_184 : memref<250x80xi32, #tpu.memory_space<hbm>>) target(%arg7 : memref<250x80xi32, #tpu.memory_space<vmem>>) target_semaphore(%run_scoped3A : memref<!tpu.dma_semaphore, #tpu.memory_space<semaphore_mem>>)
      %dma_wait3A_185 = arith.constant 0 : i32
      %dma_wait3A_186 = arith.constant 0 : i32
      %dma_wait3A_187 = tpu.memref_slice %arg3[%arg1, %dma_wait3A_185, %dma_wait3A_186] : memref<16x250x80xi32, #tpu.memory_space<hbm>> -> memref<1x250x80xi32, #tpu.memory_space<hbm>>
      %dma_wait3A_188 = tpu.memref_squeeze %dma_wait3A_187 : memref<1x250x80xi32, #tpu.memory_space<hbm>> -> memref<250x80xi32, #tpu.memory_space<hbm>>
      %dma_wait3A_189 = arith.constant 0 : i32
      %dma_wait3A_190 = arith.constant 0 : i32
      %dma_wait3A_191 = tpu.memref_slice %arg3[%arg1, %dma_wait3A_189, %dma_wait3A_190] : memref<16x250x80xi32, #tpu.memory_space<hbm>> -> memref<1x250x80xi32, #tpu.memory_space<hbm>>
      %dma_wait3A_192 = tpu.memref_squeeze %dma_wait3A_191 : memref<1x250x80xi32, #tpu.memory_space<hbm>> -> memref<250x80xi32, #tpu.memory_space<hbm>>
      tpu.wait_dma2 semaphore(%run_scoped3A : memref<!tpu.dma_semaphore, #tpu.memory_space<semaphore_mem>>) src(%dma_wait3A_192 : memref<250x80xi32, #tpu.memory_space<hbm>>) dst(%arg7 : memref<250x80xi32, #tpu.memory_space<vmem>>)
      tpu.yield
    }) : () -> ()
    %scan3A = arith.constant 0 : i32
    %scan3A_0 = arith.constant 0 : i32
    %scan3A_1 = arith.constant 250 : i32
    %scan3A_2 = arith.addi %scan3A_0, %scan3A_1 : i32
    %scan3A_3 = arith.constant 1 : i32
    %scan3A_4 = scf.for %scan3A_177 = %scan3A_0 to %scan3A_2 step %scan3A_3 iter_args(%scan3A_178 = %scan3A) -> (i32)  : i32 {
      %get3A = arith.index_cast %scan3A_177 : i32 to index
      %get3A_179 = arith.constant 0 : index
      %get3A_180 = tpu.vector_load %arg6[%get3A, %get3A_179] {strides = array<i32>} : memref<250x80xi32, #tpu.memory_space<vmem>>, vector<1x16xi32>,
      %get3A_181 = vector.shape_cast %get3A_180 : vector<1x16xi32> to vector<16xi32>
      %mul3A_182 = arith.constant 2 : i32
      %mul3A_183 = vector.broadcast %mul3A_182 : i32 to vector<16xi32>
      %mul3A_184 = arith.muli %get3A_181, %mul3A_183 : vector<16xi32>
      %add3A_185 = vector.broadcast %arg0 : i32 to vector<16xi32>
      %add3A_186 = arith.addi %mul3A_184, %add3A_185 : vector<16xi32>
      %swap3A = arith.index_cast %scan3A_177 : i32 to index
      %swap3A_187 = arith.constant 0 : index
      %swap3A_188 = tpu.vector_load %arg6[%swap3A, %swap3A_187] {strides = array<i32>} : memref<250x80xi32, #tpu.memory_space<vmem>>, vector<1x16xi32>,
      %swap3A_189 = vector.shape_cast %swap3A_188 : vector<1x16xi32> to vector<16xi32>
      %swap3A_190 = vector.shape_cast %add3A_186 : vector<16xi32> to vector<1x16xi32>
      tpu.vector_store %arg6[%swap3A, %swap3A_187], %swap3A_190 {strides = array<i32>} : memref<250x80xi32, #tpu.memory_space<vmem>>, vector<1x16xi32>,
      %get3A_191 = arith.index_cast %scan3A_177 : i32 to index
      %get3A_192 = arith.constant 16 : index
      %get3A_193 = tpu.vector_load %arg6[%get3A_191, %get3A_192] {strides = array<i32>} : memref<250x80xi32, #tpu.memory_space<vmem>>, vector<1x16xi32>,
      %get3A_194 = vector.shape_cast %get3A_193 : vector<1x16xi32> to vector<16xi32>
      %mul3A_195 = arith.constant 2 : i32
      %mul3A_196 = vector.broadcast %mul3A_195 : i32 to vector<16xi32>
      %mul3A_197 = arith.muli %get3A_194, %mul3A_196 : vector<16xi32>
      %add3A_198 = vector.broadcast %arg0 : i32 to vector<16xi32>
      %add3A_199 = arith.addi %mul3A_197, %add3A_198 : vector<16xi32>
      %swap3A_200 = arith.index_cast %scan3A_177 : i32 to index
      %swap3A_201 = arith.constant 16 : index
      %swap3A_202 = tpu.vector_load %arg6[%swap3A_200, %swap3A_201] {strides = array<i32>} : memref<250x80xi32, #tpu.memory_space<vmem>>, vector<1x16xi32>,
      %swap3A_203 = vector.shape_cast %swap3A_202 : vector<1x16xi32> to vector<16xi32>
      %swap3A_204 = vector.shape_cast %add3A_199 : vector<16xi32> to vector<1x16xi32>
      tpu.vector_store %arg6[%swap3A_200, %swap3A_201], %swap3A_204 {strides = array<i32>} : memref<250x80xi32, #tpu.memory_space<vmem>>, vector<1x16xi32>,
      %get3A_205 = arith.index_cast %scan3A_177 : i32 to index
      %get3A_206 = arith.constant 32 : index
      %get3A_207 = tpu.vector_load %arg6[%get3A_205, %get3A_206] {strides = array<i32>} : memref<250x80xi32, #tpu.memory_space<vmem>>, vector<1x16xi32>,
      %get3A_208 = vector.shape_cast %get3A_207 : vector<1x16xi32> to vector<16xi32>
      %mul3A_209 = arith.constant 2 : i32
      %mul3A_210 = vector.broadcast %mul3A_209 : i32 to vector<16xi32>
      %mul3A_211 = arith.muli %get3A_208, %mul3A_210 : vector<16xi32>
      %add3A_212 = vector.broadcast %arg0 : i32 to vector<16xi32>
      %add3A_213 = arith.addi %mul3A_211, %add3A_212 : vector<16xi32>
      %swap3A_214 = arith.index_cast %scan3A_177 : i32 to index
      %swap3A_215 = arith.constant 32 : index
      %swap3A_216 = tpu.vector_load %arg6[%swap3A_214, %swap3A_215] {strides = array<i32>} : memref<250x80xi32, #tpu.memory_space<vmem>>, vector<1x16xi32>,
      %swap3A_217 = vector.shape_cast %swap3A_216 : vector<1x16xi32> to vector<16xi32>
      %swap3A_218 = vector.shape_cast %add3A_213 : vector<16xi32> to vector<1x16xi32>
      tpu.vector_store %arg6[%swap3A_214, %swap3A_215], %swap3A_218 {strides = array<i32>} : memref<250x80xi32, #tpu.memory_space<vmem>>, vector<1x16xi32>,
      %get3A_219 = arith.index_cast %scan3A_177 : i32 to index
      %get3A_220 = arith.constant 48 : index
      %get3A_221 = tpu.vector_load %arg6[%get3A_219, %get3A_220] {strides = array<i32>} : memref<250x80xi32, #tpu.memory_space<vmem>>, vector<1x16xi32>,
      %get3A_222 = vector.shape_cast %get3A_221 : vector<1x16xi32> to vector<16xi32>
      %mul3A_223 = arith.constant 2 : i32
      %mul3A_224 = vector.broadcast %mul3A_223 : i32 to vector<16xi32>
      %mul3A_225 = arith.muli %get3A_222, %mul3A_224 : vector<16xi32>
      %add3A_226 = vector.broadcast %arg0 : i32 to vector<16xi32>
      %add3A_227 = arith.addi %mul3A_225, %add3A_226 : vector<16xi32>
      %swap3A_228 = arith.index_cast %scan3A_177 : i32 to index
      %swap3A_229 = arith.constant 48 : index
      %swap3A_230 = tpu.vector_load %arg6[%swap3A_228, %swap3A_229] {strides = array<i32>} : memref<250x80xi32, #tpu.memory_space<vmem>>, vector<1x16xi32>,
      %swap3A_231 = vector.shape_cast %swap3A_230 : vector<1x16xi32> to vector<16xi32>
      %swap3A_232 = vector.shape_cast %add3A_227 : vector<16xi32> to vector<1x16xi32>
      tpu.vector_store %arg6[%swap3A_228, %swap3A_229], %swap3A_232 {strides = array<i32>} : memref<250x80xi32, #tpu.memory_space<vmem>>, vector<1x16xi32>,
      %get3A_233 = arith.index_cast %scan3A_177 : i32 to index
      %get3A_234 = arith.constant 64 : index
      %get3A_235 = tpu.vector_load %arg6[%get3A_233, %get3A_234] {strides = array<i32>} : memref<250x80xi32, #tpu.memory_space<vmem>>, vector<1x16xi32>,
      %get3A_236 = vector.shape_cast %get3A_235 : vector<1x16xi32> to vector<16xi32>
      %mul3A_237 = arith.constant 2 : i32
      %mul3A_238 = vector.broadcast %mul3A_237 : i32 to vector<16xi32>
      %mul3A_239 = arith.muli %get3A_236, %mul3A_238 : vector<16xi32>
      %add3A_240 = vector.broadcast %arg0 : i32 to vector<16xi32>
      %add3A_241 = arith.addi %mul3A_239, %add3A_240 : vector<16xi32>
      %swap3A_242 = arith.index_cast %scan3A_177 : i32 to index
      %swap3A_243 = arith.constant 64 : index
      %swap3A_244 = tpu.vector_load %arg6[%swap3A_242, %swap3A_243] {strides = array<i32>} : memref<250x80xi32, #tpu.memory_space<vmem>>, vector<1x16xi32>,
      %swap3A_245 = vector.shape_cast %swap3A_244 : vector<1x16xi32> to vector<16xi32>
      %swap3A_246 = vector.shape_cast %add3A_241 : vector<16xi32> to vector<1x16xi32>
      tpu.vector_store %arg6[%swap3A_242, %swap3A_243], %swap3A_246 {strides = array<i32>} : memref<250x80xi32, #tpu.memory_space<vmem>>, vector<1x16xi32>,
      %scan3A_247 = arith.constant 0 : i32
      scf.yield %scan3A_247 : i32
    }
    %scan3A_5 = arith.constant 250 : i32
    %dma_start3A = arith.constant 0 : i32
    %dma_start3A_6 = arith.constant 0 : i32
    %dma_start3A_7 = arith.constant 0 : i32
    %dma_start3A_8 = arith.constant 0 : i32
    %dma_start3A_9 = tpu.memref_slice %arg8[%dma_start3A_6, %dma_start3A_7, %dma_start3A_8] : memref<5x80x64xf32, #tpu.memory_space<vmem>> -> memref<1x80x64xf32, #tpu.memory_space<vmem>>
    %dma_start3A_10 = tpu.memref_squeeze %dma_start3A_9 : memref<1x80x64xf32, #tpu.memory_space<vmem>> -> memref<80x64xf32, #tpu.memory_space<vmem>>
    %dma_start3A_11 = arith.constant 0 : i32
    %dma_start3A_12 = tpu.memref_slice %arg6[%dma_start3A, %dma_start3A_11] : memref<250x80xi32, #tpu.memory_space<vmem>> -> memref<1x80xi32, #tpu.memory_space<vmem>>
    %dma_start3A_13 = tpu.memref_squeeze %dma_start3A_12 : memref<1x80xi32, #tpu.memory_space<vmem>> -> memref<80xi32, #tpu.memory_space<vmem>>
    %dma_start3A_14 = arith.constant 0 : i32
    %dma_start3A_15 = arith.constant 0 : i32
    %dma_start3A_16 = tpu.memref_slice %arg4[%dma_start3A_14, %dma_start3A_15] : memref<20480x64xf32, #tpu.memory_space<hbm>> -> memref<20480x64xf32, #tpu.memory_space<hbm>>
    tpu.enqueue_indirect_dma source(%dma_start3A_16 : memref<20480x64xf32, #tpu.memory_space<hbm>>) target(%dma_start3A_10 : memref<80x64xf32, #tpu.memory_space<vmem>>) offsets(%dma_start3A_13 : memref<80xi32, #tpu.memory_space<vmem>>) semaphore(%arg11 : memref<!tpu.dma_semaphore, #tpu.memory_space<semaphore_mem>>)
    %dma_start3A_17 = arith.constant 1 : i32
    %dma_start3A_18 = arith.constant 1 : i32
    %dma_start3A_19 = arith.constant 0 : i32
    %dma_start3A_20 = arith.constant 0 : i32
    %dma_start3A_21 = tpu.memref_slice %arg8[%dma_start3A_18, %dma_start3A_19, %dma_start3A_20] : memref<5x80x64xf32, #tpu.memory_space<vmem>> -> memref<1x80x64xf32, #tpu.memory_space<vmem>>
    %dma_start3A_22 = tpu.memref_squeeze %dma_start3A_21 : memref<1x80x64xf32, #tpu.memory_space<vmem>> -> memref<80x64xf32, #tpu.memory_space<vmem>>
    %dma_start3A_23 = arith.constant 0 : i32
    %dma_start3A_24 = tpu.memref_slice %arg6[%dma_start3A_17, %dma_start3A_23] : memref<250x80xi32, #tpu.memory_space<vmem>> -> memref<1x80xi32, #tpu.memory_space<vmem>>
    %dma_start3A_25 = tpu.memref_squeeze %dma_start3A_24 : memref<1x80xi32, #tpu.memory_space<vmem>> -> memref<80xi32, #tpu.memory_space<vmem>>
    %dma_start3A_26 = arith.constant 0 : i32
    %dma_start3A_27 = arith.constant 0 : i32
    %dma_start3A_28 = tpu.memref_slice %arg4[%dma_start3A_26, %dma_start3A_27] : memref<20480x64xf32, #tpu.memory_space<hbm>> -> memref<20480x64xf32, #tpu.memory_space<hbm>>
    tpu.enqueue_indirect_dma source(%dma_start3A_28 : memref<20480x64xf32, #tpu.memory_space<hbm>>) target(%dma_start3A_22 : memref<80x64xf32, #tpu.memory_space<vmem>>) offsets(%dma_start3A_25 : memref<80xi32, #tpu.memory_space<vmem>>) semaphore(%arg12 : memref<!tpu.dma_semaphore, #tpu.memory_space<semaphore_mem>>)
    %dma_start3A_29 = arith.constant 2 : i32
    %dma_start3A_30 = arith.constant 2 : i32
    %dma_start3A_31 = arith.constant 0 : i32
    %dma_start3A_32 = arith.constant 0 : i32
    %dma_start3A_33 = tpu.memref_slice %arg8[%dma_start3A_30, %dma_start3A_31, %dma_start3A_32] : memref<5x80x64xf32, #tpu.memory_space<vmem>> -> memref<1x80x64xf32, #tpu.memory_space<vmem>>
    %dma_start3A_34 = tpu.memref_squeeze %dma_start3A_33 : memref<1x80x64xf32, #tpu.memory_space<vmem>> -> memref<80x64xf32, #tpu.memory_space<vmem>>
    %dma_start3A_35 = arith.constant 0 : i32
    %dma_start3A_36 = tpu.memref_slice %arg6[%dma_start3A_29, %dma_start3A_35] : memref<250x80xi32, #tpu.memory_space<vmem>> -> memref<1x80xi32, #tpu.memory_space<vmem>>
    %dma_start3A_37 = tpu.memref_squeeze %dma_start3A_36 : memref<1x80xi32, #tpu.memory_space<vmem>> -> memref<80xi32, #tpu.memory_space<vmem>>
    %dma_start3A_38 = arith.constant 0 : i32
    %dma_start3A_39 = arith.constant 0 : i32
    %dma_start3A_40 = tpu.memref_slice %arg4[%dma_start3A_38, %dma_start3A_39] : memref<20480x64xf32, #tpu.memory_space<hbm>> -> memref<20480x64xf32, #tpu.memory_space<hbm>>
    tpu.enqueue_indirect_dma source(%dma_start3A_40 : memref<20480x64xf32, #tpu.memory_space<hbm>>) target(%dma_start3A_34 : memref<80x64xf32, #tpu.memory_space<vmem>>) offsets(%dma_start3A_37 : memref<80xi32, #tpu.memory_space<vmem>>) semaphore(%arg13 : memref<!tpu.dma_semaphore, #tpu.memory_space<semaphore_mem>>)
    %dma_start3A_41 = arith.constant 3 : i32
    %dma_start3A_42 = arith.constant 3 : i32
    %dma_start3A_43 = arith.constant 0 : i32
    %dma_start3A_44 = arith.constant 0 : i32
    %dma_start3A_45 = tpu.memref_slice %arg8[%dma_start3A_42, %dma_start3A_43, %dma_start3A_44] : memref<5x80x64xf32, #tpu.memory_space<vmem>> -> memref<1x80x64xf32, #tpu.memory_space<vmem>>
    %dma_start3A_46 = tpu.memref_squeeze %dma_start3A_45 : memref<1x80x64xf32, #tpu.memory_space<vmem>> -> memref<80x64xf32, #tpu.memory_space<vmem>>
    %dma_start3A_47 = arith.constant 0 : i32
    %dma_start3A_48 = tpu.memref_slice %arg6[%dma_start3A_41, %dma_start3A_47] : memref<250x80xi32, #tpu.memory_space<vmem>> -> memref<1x80xi32, #tpu.memory_space<vmem>>
    %dma_start3A_49 = tpu.memref_squeeze %dma_start3A_48 : memref<1x80xi32, #tpu.memory_space<vmem>> -> memref<80xi32, #tpu.memory_space<vmem>>
    %dma_start3A_50 = arith.constant 0 : i32
    %dma_start3A_51 = arith.constant 0 : i32
    %dma_start3A_52 = tpu.memref_slice %arg4[%dma_start3A_50, %dma_start3A_51] : memref<20480x64xf32, #tpu.memory_space<hbm>> -> memref<20480x64xf32, #tpu.memory_space<hbm>>
    tpu.enqueue_indirect_dma source(%dma_start3A_52 : memref<20480x64xf32, #tpu.memory_space<hbm>>) target(%dma_start3A_46 : memref<80x64xf32, #tpu.memory_space<vmem>>) offsets(%dma_start3A_49 : memref<80xi32, #tpu.memory_space<vmem>>) semaphore(%arg14 : memref<!tpu.dma_semaphore, #tpu.memory_space<semaphore_mem>>)
    %dma_start3A_53 = arith.constant 4 : i32
    %dma_start3A_54 = arith.constant 4 : i32
    %dma_start3A_55 = arith.constant 0 : i32
    %dma_start3A_56 = arith.constant 0 : i32
    %dma_start3A_57 = tpu.memref_slice %arg8[%dma_start3A_54, %dma_start3A_55, %dma_start3A_56] : memref<5x80x64xf32, #tpu.memory_space<vmem>> -> memref<1x80x64xf32, #tpu.memory_space<vmem>>
    %dma_start3A_58 = tpu.memref_squeeze %dma_start3A_57 : memref<1x80x64xf32, #tpu.memory_space<vmem>> -> memref<80x64xf32, #tpu.memory_space<vmem>>
    %dma_start3A_59 = arith.constant 0 : i32
    %dma_start3A_60 = tpu.memref_slice %arg6[%dma_start3A_53, %dma_start3A_59] : memref<250x80xi32, #tpu.memory_space<vmem>> -> memref<1x80xi32, #tpu.memory_space<vmem>>
    %dma_start3A_61 = tpu.memref_squeeze %dma_start3A_60 : memref<1x80xi32, #tpu.memory_space<vmem>> -> memref<80xi32, #tpu.memory_space<vmem>>
    %dma_start3A_62 = arith.constant 0 : i32
    %dma_start3A_63 = arith.constant 0 : i32
    %dma_start3A_64 = tpu.memref_slice %arg4[%dma_start3A_62, %dma_start3A_63] : memref<20480x64xf32, #tpu.memory_space<hbm>> -> memref<20480x64xf32, #tpu.memory_space<hbm>>
    tpu.enqueue_indirect_dma source(%dma_start3A_64 : memref<20480x64xf32, #tpu.memory_space<hbm>>) target(%dma_start3A_58 : memref<80x64xf32, #tpu.memory_space<vmem>>) offsets(%dma_start3A_61 : memref<80xi32, #tpu.memory_space<vmem>>) semaphore(%arg15 : memref<!tpu.dma_semaphore, #tpu.memory_space<semaphore_mem>>)
    %scan3A_65 = arith.constant 0 : i32
    %scan3A_66 = arith.constant 0 : i32
    %scan3A_67 = arith.constant 160 : i32
    %scan3A_68 = arith.addi %scan3A_66, %scan3A_67 : i32
    %scan3A_69 = arith.constant 1 : i32
    %scan3A_70 = scf.for %scan3A_177 = %scan3A_66 to %scan3A_68 step %scan3A_69 iter_args(%scan3A_178 = %scan3A_65) -> (i32)  : i32 {
      %broadcast_in_dim3A = arith.constant 0.000000e+00 : f32
      %broadcast_in_dim3A_179 = vector.broadcast %broadcast_in_dim3A : f32 to vector<16xf32>
      %swap3A = arith.index_cast %scan3A_177 : i32 to index
      %swap3A_180 = arith.constant 0 : index
      %swap3A_181 = tpu.vector_load %arg9[%swap3A, %swap3A_180] {strides = array<i32>} : memref<160x64xf32, #tpu.memory_space<vmem>>, vector<1x16xf32>,
      %swap3A_182 = vector.shape_cast %swap3A_181 : vector<1x16xf32> to vector<16xf32>
      %swap3A_183 = vector.shape_cast %broadcast_in_dim3A_179 : vector<16xf32> to vector<1x16xf32>
      tpu.vector_store %arg9[%swap3A, %swap3A_180], %swap3A_183 {strides = array<i32>} : memref<160x64xf32, #tpu.memory_space<vmem>>, vector<1x16xf32>,
      %broadcast_in_dim3A_184 = arith.constant 0.000000e+00 : f32
      %broadcast_in_dim3A_185 = vector.broadcast %broadcast_in_dim3A_184 : f32 to vector<16xf32>
      %swap3A_186 = arith.index_cast %scan3A_177 : i32 to index
      %swap3A_187 = arith.constant 16 : index
      %swap3A_188 = tpu.vector_load %arg9[%swap3A_186, %swap3A_187] {strides = array<i32>} : memref<160x64xf32, #tpu.memory_space<vmem>>, vector<1x16xf32>,
      %swap3A_189 = vector.shape_cast %swap3A_188 : vector<1x16xf32> to vector<16xf32>
      %swap3A_190 = vector.shape_cast %broadcast_in_dim3A_185 : vector<16xf32> to vector<1x16xf32>
      tpu.vector_store %arg9[%swap3A_186, %swap3A_187], %swap3A_190 {strides = array<i32>} : memref<160x64xf32, #tpu.memory_space<vmem>>, vector<1x16xf32>,
      %broadcast_in_dim3A_191 = arith.constant 0.000000e+00 : f32
      %broadcast_in_dim3A_192 = vector.broadcast %broadcast_in_dim3A_191 : f32 to vector<16xf32>
      %swap3A_193 = arith.index_cast %scan3A_177 : i32 to index
      %swap3A_194 = arith.constant 32 : index
      %swap3A_195 = tpu.vector_load %arg9[%swap3A_193, %swap3A_194] {strides = array<i32>} : memref<160x64xf32, #tpu.memory_space<vmem>>, vector<1x16xf32>,
      %swap3A_196 = vector.shape_cast %swap3A_195 : vector<1x16xf32> to vector<16xf32>
      %swap3A_197 = vector.shape_cast %broadcast_in_dim3A_192 : vector<16xf32> to vector<1x16xf32>
      tpu.vector_store %arg9[%swap3A_193, %swap3A_194], %swap3A_197 {strides = array<i32>} : memref<160x64xf32, #tpu.memory_space<vmem>>, vector<1x16xf32>,
      %broadcast_in_dim3A_198 = arith.constant 0.000000e+00 : f32
      %broadcast_in_dim3A_199 = vector.broadcast %broadcast_in_dim3A_198 : f32 to vector<16xf32>
      %swap3A_200 = arith.index_cast %scan3A_177 : i32 to index
      %swap3A_201 = arith.constant 48 : index
      %swap3A_202 = tpu.vector_load %arg9[%swap3A_200, %swap3A_201] {strides = array<i32>} : memref<160x64xf32, #tpu.memory_space<vmem>>, vector<1x16xf32>,
      %swap3A_203 = vector.shape_cast %swap3A_202 : vector<1x16xf32> to vector<16xf32>
      %swap3A_204 = vector.shape_cast %broadcast_in_dim3A_199 : vector<16xf32> to vector<1x16xf32>
      tpu.vector_store %arg9[%swap3A_200, %swap3A_201], %swap3A_204 {strides = array<i32>} : memref<160x64xf32, #tpu.memory_space<vmem>>, vector<1x16xf32>,
      %scan3A_205 = arith.constant 0 : i32
      scf.yield %scan3A_205 : i32
    }
    %scan3A_71 = arith.constant 160 : i32
    %mul3A = arith.constant 640 : i32
    %mul3A_72 = arith.muli %arg1, %mul3A : i32
    %add3A = arith.constant 0 : i32
    %add3A_73 = arith.addi %mul3A_72, %add3A : i32
    "tpu.region"() ({
      %run_scoped3A = tpu.sem_alloc : memref<!tpu.dma_semaphore, #tpu.memory_space<semaphore_mem>>
      %dma_start3A_177 = arith.constant 0 : i32
      %dma_start3A_178 = tpu.memref_slice %arg10[%add3A_73, %dma_start3A_177] : memref<10240x64xf32, #tpu.memory_space<vmem_shared>> -> memref<160x64xf32, #tpu.memory_space<vmem_shared>>
      %dma_start3A_179 = arith.constant 0 : i32
      %dma_start3A_180 = tpu.memref_slice %arg10[%add3A_73, %dma_start3A_179] : memref<10240x64xf32, #tpu.memory_space<vmem_shared>> -> memref<160x64xf32, #tpu.memory_space<vmem_shared>>
      tpu.enqueue_dma source(%arg9 : memref<160x64xf32, #tpu.memory_space<vmem>>) target(%dma_start3A_180 : memref<160x64xf32, #tpu.memory_space<vmem_shared>>) target_semaphore(%run_scoped3A : memref<!tpu.dma_semaphore, #tpu.memory_space<semaphore_mem>>)
      %dma_wait3A_181 = arith.constant 0 : i32
      %dma_wait3A_182 = tpu.memref_slice %arg10[%add3A_73, %dma_wait3A_181] : memref<10240x64xf32, #tpu.memory_space<vmem_shared>> -> memref<160x64xf32, #tpu.memory_space<vmem_shared>>
      %dma_wait3A_183 = arith.constant 0 : i32
      %dma_wait3A_184 = tpu.memref_slice %arg10[%add3A_73, %dma_wait3A_183] : memref<10240x64xf32, #tpu.memory_space<vmem_shared>> -> memref<160x64xf32, #tpu.memory_space<vmem_shared>>
      tpu.wait_dma2 semaphore(%run_scoped3A : memref<!tpu.dma_semaphore, #tpu.memory_space<semaphore_mem>>) src(%arg9 : memref<160x64xf32, #tpu.memory_space<vmem>>) dst(%dma_wait3A_184 : memref<160x64xf32, #tpu.memory_space<vmem_shared>>)
      tpu.yield
    }) : () -> ()
    %mul3A_74 = arith.constant 640 : i32
    %mul3A_75 = arith.muli %arg1, %mul3A_74 : i32
    %add3A_76 = arith.constant 160 : i32
    %add3A_77 = arith.addi %mul3A_75, %add3A_76 : i32
    "tpu.region"() ({
      %run_scoped3A = tpu.sem_alloc : memref<!tpu.dma_semaphore, #tpu.memory_space<semaphore_mem>>
      %dma_start3A_177 = arith.constant 0 : i32
      %dma_start3A_178 = tpu.memref_slice %arg10[%add3A_77, %dma_start3A_177] : memref<10240x64xf32, #tpu.memory_space<vmem_shared>> -> memref<160x64xf32, #tpu.memory_space<vmem_shared>>
      %dma_start3A_179 = arith.constant 0 : i32
      %dma_start3A_180 = tpu.memref_slice %arg10[%add3A_77, %dma_start3A_179] : memref<10240x64xf32, #tpu.memory_space<vmem_shared>> -> memref<160x64xf32, #tpu.memory_space<vmem_shared>>
      tpu.enqueue_dma source(%arg9 : memref<160x64xf32, #tpu.memory_space<vmem>>) target(%dma_start3A_180 : memref<160x64xf32, #tpu.memory_space<vmem_shared>>) target_semaphore(%run_scoped3A : memref<!tpu.dma_semaphore, #tpu.memory_space<semaphore_mem>>)
      %dma_wait3A_181 = arith.constant 0 : i32
      %dma_wait3A_182 = tpu.memref_slice %arg10[%add3A_77, %dma_wait3A_181] : memref<10240x64xf32, #tpu.memory_space<vmem_shared>> -> memref<160x64xf32, #tpu.memory_space<vmem_shared>>
      %dma_wait3A_183 = arith.constant 0 : i32
      %dma_wait3A_184 = tpu.memref_slice %arg10[%add3A_77, %dma_wait3A_183] : memref<10240x64xf32, #tpu.memory_space<vmem_shared>> -> memref<160x64xf32, #tpu.memory_space<vmem_shared>>
      tpu.wait_dma2 semaphore(%run_scoped3A : memref<!tpu.dma_semaphore, #tpu.memory_space<semaphore_mem>>) src(%arg9 : memref<160x64xf32, #tpu.memory_space<vmem>>) dst(%dma_wait3A_184 : memref<160x64xf32, #tpu.memory_space<vmem_shared>>)
      tpu.yield
    }) : () -> ()
    %mul3A_78 = arith.constant 640 : i32
    %mul3A_79 = arith.muli %arg1, %mul3A_78 : i32
    %add3A_80 = arith.constant 320 : i32
    %add3A_81 = arith.addi %mul3A_79, %add3A_80 : i32
    "tpu.region"() ({
      %run_scoped3A = tpu.sem_alloc : memref<!tpu.dma_semaphore, #tpu.memory_space<semaphore_mem>>
      %dma_start3A_177 = arith.constant 0 : i32
      %dma_start3A_178 = tpu.memref_slice %arg10[%add3A_81, %dma_start3A_177] : memref<10240x64xf32, #tpu.memory_space<vmem_shared>> -> memref<160x64xf32, #tpu.memory_space<vmem_shared>>
      %dma_start3A_179 = arith.constant 0 : i32
      %dma_start3A_180 = tpu.memref_slice %arg10[%add3A_81, %dma_start3A_179] : memref<10240x64xf32, #tpu.memory_space<vmem_shared>> -> memref<160x64xf32, #tpu.memory_space<vmem_shared>>
      tpu.enqueue_dma source(%arg9 : memref<160x64xf32, #tpu.memory_space<vmem>>) target(%dma_start3A_180 : memref<160x64xf32, #tpu.memory_space<vmem_shared>>) target_semaphore(%run_scoped3A : memref<!tpu.dma_semaphore, #tpu.memory_space<semaphore_mem>>)
      %dma_wait3A_181 = arith.constant 0 : i32
      %dma_wait3A_182 = tpu.memref_slice %arg10[%add3A_81, %dma_wait3A_181] : memref<10240x64xf32, #tpu.memory_space<vmem_shared>> -> memref<160x64xf32, #tpu.memory_space<vmem_shared>>
      %dma_wait3A_183 = arith.constant 0 : i32
      %dma_wait3A_184 = tpu.memref_slice %arg10[%add3A_81, %dma_wait3A_183] : memref<10240x64xf32, #tpu.memory_space<vmem_shared>> -> memref<160x64xf32, #tpu.memory_space<vmem_shared>>
      tpu.wait_dma2 semaphore(%run_scoped3A : memref<!tpu.dma_semaphore, #tpu.memory_space<semaphore_mem>>) src(%arg9 : memref<160x64xf32, #tpu.memory_space<vmem>>) dst(%dma_wait3A_184 : memref<160x64xf32, #tpu.memory_space<vmem_shared>>)
      tpu.yield
    }) : () -> ()
    %mul3A_82 = arith.constant 640 : i32
    %mul3A_83 = arith.muli %arg1, %mul3A_82 : i32
    %add3A_84 = arith.constant 480 : i32
    %add3A_85 = arith.addi %mul3A_83, %add3A_84 : i32
    "tpu.region"() ({
      %run_scoped3A = tpu.sem_alloc : memref<!tpu.dma_semaphore, #tpu.memory_space<semaphore_mem>>
      %dma_start3A_177 = arith.constant 0 : i32
      %dma_start3A_178 = tpu.memref_slice %arg10[%add3A_85, %dma_start3A_177] : memref<10240x64xf32, #tpu.memory_space<vmem_shared>> -> memref<160x64xf32, #tpu.memory_space<vmem_shared>>
      %dma_start3A_179 = arith.constant 0 : i32
      %dma_start3A_180 = tpu.memref_slice %arg10[%add3A_85, %dma_start3A_179] : memref<10240x64xf32, #tpu.memory_space<vmem_shared>> -> memref<160x64xf32, #tpu.memory_space<vmem_shared>>
      tpu.enqueue_dma source(%arg9 : memref<160x64xf32, #tpu.memory_space<vmem>>) target(%dma_start3A_180 : memref<160x64xf32, #tpu.memory_space<vmem_shared>>) target_semaphore(%run_scoped3A : memref<!tpu.dma_semaphore, #tpu.memory_space<semaphore_mem>>)
      %dma_wait3A_181 = arith.constant 0 : i32
      %dma_wait3A_182 = tpu.memref_slice %arg10[%add3A_85, %dma_wait3A_181] : memref<10240x64xf32, #tpu.memory_space<vmem_shared>> -> memref<160x64xf32, #tpu.memory_space<vmem_shared>>
      %dma_wait3A_183 = arith.constant 0 : i32
      %dma_wait3A_184 = tpu.memref_slice %arg10[%add3A_85, %dma_wait3A_183] : memref<10240x64xf32, #tpu.memory_space<vmem_shared>> -> memref<160x64xf32, #tpu.memory_space<vmem_shared>>
      tpu.wait_dma2 semaphore(%run_scoped3A : memref<!tpu.dma_semaphore, #tpu.memory_space<semaphore_mem>>) src(%arg9 : memref<160x64xf32, #tpu.memory_space<vmem>>) dst(%dma_wait3A_184 : memref<160x64xf32, #tpu.memory_space<vmem_shared>>)
      tpu.yield
    }) : () -> ()
    %barrier3A = arith.constant 0 : index
    tpu.barrier barrier_id(%barrier3A)
    %scan3A_86 = arith.constant 0 : i32
    %scan3A_87 = arith.constant 0 : i32
    %scan3A_88 = arith.constant 50 : i32
    %scan3A_89 = arith.addi %scan3A_87, %scan3A_88 : i32
    %scan3A_90 = arith.constant 1 : i32
    %scan3A_91 = scf.for %scan3A_177 = %scan3A_87 to %scan3A_89 step %scan3A_90 iter_args(%scan3A_178 = %scan3A_86) -> (i32)  : i32 {
      %mul3A_179 = arith.constant 5 : i32
      %mul3A_180 = arith.muli %scan3A_177, %mul3A_179 : i32
      %add3A_181 = arith.constant 0 : i32
      %add3A_182 = arith.addi %mul3A_180, %add3A_181 : i32
      %dma_wait3A_183 = arith.constant 0 : i32
      %dma_wait3A_184 = arith.constant 0 : i32
      %dma_wait3A_185 = arith.constant 0 : i32
      %dma_wait3A_186 = tpu.memref_slice %arg8[%dma_wait3A_183, %dma_wait3A_184, %dma_wait3A_185] : memref<5x80x64xf32, #tpu.memory_space<vmem>> -> memref<1x80x64xf32, #tpu.memory_space<vmem>>
      %dma_wait3A_187 = tpu.memref_squeeze %dma_wait3A_186 : memref<1x80x64xf32, #tpu.memory_space<vmem>> -> memref<80x64xf32, #tpu.memory_space<vmem>>
      %dma_wait3A_188 = arith.constant 0 : i32
      %dma_wait3A_189 = tpu.memref_slice %arg6[%add3A_182, %dma_wait3A_188] : memref<250x80xi32, #tpu.memory_space<vmem>> -> memref<1x80xi32, #tpu.memory_space<vmem>>
      %dma_wait3A_190 = tpu.memref_squeeze %dma_wait3A_189 : memref<1x80xi32, #tpu.memory_space<vmem>> -> memref<80xi32, #tpu.memory_space<vmem>>
      %dma_wait3A_191 = arith.constant 0 : i32
      %dma_wait3A_192 = arith.constant 0 : i32
      %dma_wait3A_193 = tpu.memref_slice %arg4[%dma_wait3A_191, %dma_wait3A_192] : memref<20480x64xf32, #tpu.memory_space<hbm>> -> memref<20480x64xf32, #tpu.memory_space<hbm>>
      tpu.wait_indirect_dma semaphore(%arg11 : memref<!tpu.dma_semaphore, #tpu.memory_space<semaphore_mem>>) src(%dma_wait3A_193 : memref<20480x64xf32, #tpu.memory_space<hbm>>) dst(%dma_wait3A_187 : memref<80x64xf32, #tpu.memory_space<vmem>>)
      %dma_start3A_194 = arith.constant 0 : i32
      %dma_start3A_195 = arith.constant 0 : i32
      %dma_start3A_196 = arith.constant 0 : i32
      %dma_start3A_197 = tpu.memref_slice %arg8[%dma_start3A_194, %dma_start3A_195, %dma_start3A_196] : memref<5x80x64xf32, #tpu.memory_space<vmem>> -> memref<1x80x64xf32, #tpu.memory_space<vmem>>
      %dma_start3A_198 = tpu.memref_squeeze %dma_start3A_197 : memref<1x80x64xf32, #tpu.memory_space<vmem>> -> memref<80x64xf32, #tpu.memory_space<vmem>>
      %dma_start3A_199 = arith.constant 0 : i32
      %dma_start3A_200 = tpu.memref_slice %arg7[%add3A_182, %dma_start3A_199] : memref<250x80xi32, #tpu.memory_space<vmem>> -> memref<1x80xi32, #tpu.memory_space<vmem>>
      %dma_start3A_201 = tpu.memref_squeeze %dma_start3A_200 : memref<1x80xi32, #tpu.memory_space<vmem>> -> memref<80xi32, #tpu.memory_space<vmem>>
      %dma_start3A_202 = arith.constant 0 : i32
      %dma_start3A_203 = arith.constant 0 : i32
      %dma_start3A_204 = tpu.memref_slice %arg10[%dma_start3A_202, %dma_start3A_203] : memref<10240x64xf32, #tpu.memory_space<vmem_shared>> -> memref<10240x64xf32, #tpu.memory_space<vmem_shared>>
      tpu.enqueue_indirect_dma source(%dma_start3A_198 : memref<80x64xf32, #tpu.memory_space<vmem>>) target(%dma_start3A_204 : memref<10240x64xf32, #tpu.memory_space<vmem_shared>>) offsets(%dma_start3A_201 : memref<80xi32, #tpu.memory_space<vmem>>) semaphore(%arg16 : memref<!tpu.dma_semaphore, #tpu.memory_space<semaphore_mem>>) {add = true}
      %add3A_205 = arith.constant 5 : i32
      %add3A_206 = arith.addi %add3A_182, %add3A_205 : i32
      %sub3A = arith.constant 1 : i32
      %sub3A_207 = arith.subi %add3A_206, %sub3A : i32
      %ge3A = arith.constant 1 : i32
      %ge3A_208 = arith.cmpi sge, %add3A_182, %ge3A : i32
      %lt3A = arith.constant 250 : i32
      %lt3A_209 = arith.cmpi slt, %sub3A_207, %lt3A : i32
      %and3A = arith.andi %ge3A_208, %lt3A_209 : i1
      %convert_element_type3A = arith.extui %and3A : i1 to i32
      %cond3A = arith.constant 0 : i32
      %cond3A_210 = arith.cmpi ne, %convert_element_type3A, %cond3A : i32
      scf.if %cond3A_210 {
        %sub3A_352 = arith.constant 1 : i32
        %sub3A_353 = arith.subi %add3A_182, %sub3A_352 : i32
        %dma_wait3A_354 = arith.constant 4 : i32
        %dma_wait3A_355 = arith.constant 0 : i32
        %dma_wait3A_356 = arith.constant 0 : i32
        %dma_wait3A_357 = tpu.memref_slice %arg8[%dma_wait3A_354, %dma_wait3A_355, %dma_wait3A_356] : memref<5x80x64xf32, #tpu.memory_space<vmem>> -> memref<1x80x64xf32, #tpu.memory_space<vmem>>
        %dma_wait3A_358 = tpu.memref_squeeze %dma_wait3A_357 : memref<1x80x64xf32, #tpu.memory_space<vmem>> -> memref<80x64xf32, #tpu.memory_space<vmem>>
        %dma_wait3A_359 = arith.constant 0 : i32
        %dma_wait3A_360 = tpu.memref_slice %arg7[%sub3A_353, %dma_wait3A_359] : memref<250x80xi32, #tpu.memory_space<vmem>> -> memref<1x80xi32, #tpu.memory_space<vmem>>
        %dma_wait3A_361 = tpu.memref_squeeze %dma_wait3A_360 : memref<1x80xi32, #tpu.memory_space<vmem>> -> memref<80xi32, #tpu.memory_space<vmem>>
        %dma_wait3A_362 = arith.constant 0 : i32
        %dma_wait3A_363 = arith.constant 0 : i32
        %dma_wait3A_364 = tpu.memref_slice %arg10[%dma_wait3A_362, %dma_wait3A_363] : memref<10240x64xf32, #tpu.memory_space<vmem_shared>> -> memref<10240x64xf32, #tpu.memory_space<vmem_shared>>
        tpu.wait_indirect_dma semaphore(%arg20 : memref<!tpu.dma_semaphore, #tpu.memory_space<semaphore_mem>>) src(%dma_wait3A_358 : memref<80x64xf32, #tpu.memory_space<vmem>>) dst(%dma_wait3A_364 : memref<10240x64xf32, #tpu.memory_space<vmem_shared>>)
        %dma_start3A_365 = arith.constant 4 : i32
        %dma_start3A_366 = arith.constant 0 : i32
        %dma_start3A_367 = arith.constant 0 : i32
        %dma_start3A_368 = tpu.memref_slice %arg8[%dma_start3A_365, %dma_start3A_366, %dma_start3A_367] : memref<5x80x64xf32, #tpu.memory_space<vmem>> -> memref<1x80x64xf32, #tpu.memory_space<vmem>>
        %dma_start3A_369 = tpu.memref_squeeze %dma_start3A_368 : memref<1x80x64xf32, #tpu.memory_space<vmem>> -> memref<80x64xf32, #tpu.memory_space<vmem>>
        %dma_start3A_370 = arith.constant 0 : i32
        %dma_start3A_371 = tpu.memref_slice %arg6[%sub3A_207, %dma_start3A_370] : memref<250x80xi32, #tpu.memory_space<vmem>> -> memref<1x80xi32, #tpu.memory_space<vmem>>
        %dma_start3A_372 = tpu.memref_squeeze %dma_start3A_371 : memref<1x80xi32, #tpu.memory_space<vmem>> -> memref<80xi32, #tpu.memory_space<vmem>>
        %dma_start3A_373 = arith.constant 0 : i32
        %dma_start3A_374 = arith.constant 0 : i32
        %dma_start3A_375 = tpu.memref_slice %arg4[%dma_start3A_373, %dma_start3A_374] : memref<20480x64xf32, #tpu.memory_space<hbm>> -> memref<20480x64xf32, #tpu.memory_space<hbm>>
        tpu.enqueue_indirect_dma source(%dma_start3A_375 : memref<20480x64xf32, #tpu.memory_space<hbm>>) target(%dma_start3A_369 : memref<80x64xf32, #tpu.memory_space<vmem>>) offsets(%dma_start3A_372 : memref<80xi32, #tpu.memory_space<vmem>>) semaphore(%arg15 : memref<!tpu.dma_semaphore, #tpu.memory_space<semaphore_mem>>)
      } else {
      }
      %mul3A_211 = arith.constant 5 : i32
      %mul3A_212 = arith.muli %scan3A_177, %mul3A_211 : i32
      %add3A_213 = arith.constant 1 : i32
      %add3A_214 = arith.addi %mul3A_212, %add3A_213 : i32
      %dma_wait3A_215 = arith.constant 1 : i32
      %dma_wait3A_216 = arith.constant 0 : i32
      %dma_wait3A_217 = arith.constant 0 : i32
      %dma_wait3A_218 = tpu.memref_slice %arg8[%dma_wait3A_215, %dma_wait3A_216, %dma_wait3A_217] : memref<5x80x64xf32, #tpu.memory_space<vmem>> -> memref<1x80x64xf32, #tpu.memory_space<vmem>>
      %dma_wait3A_219 = tpu.memref_squeeze %dma_wait3A_218 : memref<1x80x64xf32, #tpu.memory_space<vmem>> -> memref<80x64xf32, #tpu.memory_space<vmem>>
      %dma_wait3A_220 = arith.constant 0 : i32
      %dma_wait3A_221 = tpu.memref_slice %arg6[%add3A_214, %dma_wait3A_220] : memref<250x80xi32, #tpu.memory_space<vmem>> -> memref<1x80xi32, #tpu.memory_space<vmem>>
      %dma_wait3A_222 = tpu.memref_squeeze %dma_wait3A_221 : memref<1x80xi32, #tpu.memory_space<vmem>> -> memref<80xi32, #tpu.memory_space<vmem>>
      %dma_wait3A_223 = arith.constant 0 : i32
      %dma_wait3A_224 = arith.constant 0 : i32
      %dma_wait3A_225 = tpu.memref_slice %arg4[%dma_wait3A_223, %dma_wait3A_224] : memref<20480x64xf32, #tpu.memory_space<hbm>> -> memref<20480x64xf32, #tpu.memory_space<hbm>>
      tpu.wait_indirect_dma semaphore(%arg12 : memref<!tpu.dma_semaphore, #tpu.memory_space<semaphore_mem>>) src(%dma_wait3A_225 : memref<20480x64xf32, #tpu.memory_space<hbm>>) dst(%dma_wait3A_219 : memref<80x64xf32, #tpu.memory_space<vmem>>)
      %dma_start3A_226 = arith.constant 1 : i32
      %dma_start3A_227 = arith.constant 0 : i32
      %dma_start3A_228 = arith.constant 0 : i32
      %dma_start3A_229 = tpu.memref_slice %arg8[%dma_start3A_226, %dma_start3A_227, %dma_start3A_228] : memref<5x80x64xf32, #tpu.memory_space<vmem>> -> memref<1x80x64xf32, #tpu.memory_space<vmem>>
      %dma_start3A_230 = tpu.memref_squeeze %dma_start3A_229 : memref<1x80x64xf32, #tpu.memory_space<vmem>> -> memref<80x64xf32, #tpu.memory_space<vmem>>
      %dma_start3A_231 = arith.constant 0 : i32
      %dma_start3A_232 = tpu.memref_slice %arg7[%add3A_214, %dma_start3A_231] : memref<250x80xi32, #tpu.memory_space<vmem>> -> memref<1x80xi32, #tpu.memory_space<vmem>>
      %dma_start3A_233 = tpu.memref_squeeze %dma_start3A_232 : memref<1x80xi32, #tpu.memory_space<vmem>> -> memref<80xi32, #tpu.memory_space<vmem>>
      %dma_start3A_234 = arith.constant 0 : i32
      %dma_start3A_235 = arith.constant 0 : i32
      %dma_start3A_236 = tpu.memref_slice %arg10[%dma_start3A_234, %dma_start3A_235] : memref<10240x64xf32, #tpu.memory_space<vmem_shared>> -> memref<10240x64xf32, #tpu.memory_space<vmem_shared>>
      tpu.enqueue_indirect_dma source(%dma_start3A_230 : memref<80x64xf32, #tpu.memory_space<vmem>>) target(%dma_start3A_236 : memref<10240x64xf32, #tpu.memory_space<vmem_shared>>) offsets(%dma_start3A_233 : memref<80xi32, #tpu.memory_space<vmem>>) semaphore(%arg17 : memref<!tpu.dma_semaphore, #tpu.memory_space<semaphore_mem>>) {add = true}
      %add3A_237 = arith.constant 5 : i32
      %add3A_238 = arith.addi %add3A_214, %add3A_237 : i32
      %sub3A_239 = arith.constant 1 : i32
      %sub3A_240 = arith.subi %add3A_238, %sub3A_239 : i32
      %lt3A_241 = arith.constant 250 : i32
      %lt3A_242 = arith.cmpi slt, %sub3A_240, %lt3A_241 : i32
      %convert_element_type3A_243 = arith.extui %lt3A_242 : i1 to i32
      %cond3A_244 = arith.constant 0 : i32
      %cond3A_245 = arith.cmpi ne, %convert_element_type3A_243, %cond3A_244 : i32
      scf.if %cond3A_245 {
        %sub3A_352 = arith.constant 1 : i32
        %sub3A_353 = arith.subi %add3A_214, %sub3A_352 : i32
        %dma_wait3A_354 = arith.constant 0 : i32
        %dma_wait3A_355 = arith.constant 0 : i32
        %dma_wait3A_356 = arith.constant 0 : i32
        %dma_wait3A_357 = tpu.memref_slice %arg8[%dma_wait3A_354, %dma_wait3A_355, %dma_wait3A_356] : memref<5x80x64xf32, #tpu.memory_space<vmem>> -> memref<1x80x64xf32, #tpu.memory_space<vmem>>
        %dma_wait3A_358 = tpu.memref_squeeze %dma_wait3A_357 : memref<1x80x64xf32, #tpu.memory_space<vmem>> -> memref<80x64xf32, #tpu.memory_space<vmem>>
        %dma_wait3A_359 = arith.constant 0 : i32
        %dma_wait3A_360 = tpu.memref_slice %arg7[%sub3A_353, %dma_wait3A_359] : memref<250x80xi32, #tpu.memory_space<vmem>> -> memref<1x80xi32, #tpu.memory_space<vmem>>
        %dma_wait3A_361 = tpu.memref_squeeze %dma_wait3A_360 : memref<1x80xi32, #tpu.memory_space<vmem>> -> memref<80xi32, #tpu.memory_space<vmem>>
        %dma_wait3A_362 = arith.constant 0 : i32
        %dma_wait3A_363 = arith.constant 0 : i32
        %dma_wait3A_364 = tpu.memref_slice %arg10[%dma_wait3A_362, %dma_wait3A_363] : memref<10240x64xf32, #tpu.memory_space<vmem_shared>> -> memref<10240x64xf32, #tpu.memory_space<vmem_shared>>
        tpu.wait_indirect_dma semaphore(%arg16 : memref<!tpu.dma_semaphore, #tpu.memory_space<semaphore_mem>>) src(%dma_wait3A_358 : memref<80x64xf32, #tpu.memory_space<vmem>>) dst(%dma_wait3A_364 : memref<10240x64xf32, #tpu.memory_space<vmem_shared>>)
        %dma_start3A_365 = arith.constant 0 : i32
        %dma_start3A_366 = arith.constant 0 : i32
        %dma_start3A_367 = arith.constant 0 : i32
        %dma_start3A_368 = tpu.memref_slice %arg8[%dma_start3A_365, %dma_start3A_366, %dma_start3A_367] : memref<5x80x64xf32, #tpu.memory_space<vmem>> -> memref<1x80x64xf32, #tpu.memory_space<vmem>>
        %dma_start3A_369 = tpu.memref_squeeze %dma_start3A_368 : memref<1x80x64xf32, #tpu.memory_space<vmem>> -> memref<80x64xf32, #tpu.memory_space<vmem>>
        %dma_start3A_370 = arith.constant 0 : i32
        %dma_start3A_371 = tpu.memref_slice %arg6[%sub3A_240, %dma_start3A_370] : memref<250x80xi32, #tpu.memory_space<vmem>> -> memref<1x80xi32, #tpu.memory_space<vmem>>
        %dma_start3A_372 = tpu.memref_squeeze %dma_start3A_371 : memref<1x80xi32, #tpu.memory_space<vmem>> -> memref<80xi32, #tpu.memory_space<vmem>>
        %dma_start3A_373 = arith.constant 0 : i32
        %dma_start3A_374 = arith.constant 0 : i32
        %dma_start3A_375 = tpu.memref_slice %arg4[%dma_start3A_373, %dma_start3A_374] : memref<20480x64xf32, #tpu.memory_space<hbm>> -> memref<20480x64xf32, #tpu.memory_space<hbm>>
        tpu.enqueue_indirect_dma source(%dma_start3A_375 : memref<20480x64xf32, #tpu.memory_space<hbm>>) target(%dma_start3A_369 : memref<80x64xf32, #tpu.memory_space<vmem>>) offsets(%dma_start3A_372 : memref<80xi32, #tpu.memory_space<vmem>>) semaphore(%arg11 : memref<!tpu.dma_semaphore, #tpu.memory_space<semaphore_mem>>)
      } else {
      }
      %mul3A_246 = arith.constant 5 : i32
      %mul3A_247 = arith.muli %scan3A_177, %mul3A_246 : i32
      %add3A_248 = arith.constant 2 : i32
      %add3A_249 = arith.addi %mul3A_247, %add3A_248 : i32
      %dma_wait3A_250 = arith.constant 2 : i32
      %dma_wait3A_251 = arith.constant 0 : i32
      %dma_wait3A_252 = arith.constant 0 : i32
      %dma_wait3A_253 = tpu.memref_slice %arg8[%dma_wait3A_250, %dma_wait3A_251, %dma_wait3A_252] : memref<5x80x64xf32, #tpu.memory_space<vmem>> -> memref<1x80x64xf32, #tpu.memory_space<vmem>>
      %dma_wait3A_254 = tpu.memref_squeeze %dma_wait3A_253 : memref<1x80x64xf32, #tpu.memory_space<vmem>> -> memref<80x64xf32, #tpu.memory_space<vmem>>
      %dma_wait3A_255 = arith.constant 0 : i32
      %dma_wait3A_256 = tpu.memref_slice %arg6[%add3A_249, %dma_wait3A_255] : memref<250x80xi32, #tpu.memory_space<vmem>> -> memref<1x80xi32, #tpu.memory_space<vmem>>
      %dma_wait3A_257 = tpu.memref_squeeze %dma_wait3A_256 : memref<1x80xi32, #tpu.memory_space<vmem>> -> memref<80xi32, #tpu.memory_space<vmem>>
      %dma_wait3A_258 = arith.constant 0 : i32
      %dma_wait3A_259 = arith.constant 0 : i32
      %dma_wait3A_260 = tpu.memref_slice %arg4[%dma_wait3A_258, %dma_wait3A_259] : memref<20480x64xf32, #tpu.memory_space<hbm>> -> memref<20480x64xf32, #tpu.memory_space<hbm>>
      tpu.wait_indirect_dma semaphore(%arg13 : memref<!tpu.dma_semaphore, #tpu.memory_space<semaphore_mem>>) src(%dma_wait3A_260 : memref<20480x64xf32, #tpu.memory_space<hbm>>) dst(%dma_wait3A_254 : memref<80x64xf32, #tpu.memory_space<vmem>>)
      %dma_start3A_261 = arith.constant 2 : i32
      %dma_start3A_262 = arith.constant 0 : i32
      %dma_start3A_263 = arith.constant 0 : i32
      %dma_start3A_264 = tpu.memref_slice %arg8[%dma_start3A_261, %dma_start3A_262, %dma_start3A_263] : memref<5x80x64xf32, #tpu.memory_space<vmem>> -> memref<1x80x64xf32, #tpu.memory_space<vmem>>
      %dma_start3A_265 = tpu.memref_squeeze %dma_start3A_264 : memref<1x80x64xf32, #tpu.memory_space<vmem>> -> memref<80x64xf32, #tpu.memory_space<vmem>>
      %dma_start3A_266 = arith.constant 0 : i32
      %dma_start3A_267 = tpu.memref_slice %arg7[%add3A_249, %dma_start3A_266] : memref<250x80xi32, #tpu.memory_space<vmem>> -> memref<1x80xi32, #tpu.memory_space<vmem>>
      %dma_start3A_268 = tpu.memref_squeeze %dma_start3A_267 : memref<1x80xi32, #tpu.memory_space<vmem>> -> memref<80xi32, #tpu.memory_space<vmem>>
      %dma_start3A_269 = arith.constant 0 : i32
      %dma_start3A_270 = arith.constant 0 : i32
      %dma_start3A_271 = tpu.memref_slice %arg10[%dma_start3A_269, %dma_start3A_270] : memref<10240x64xf32, #tpu.memory_space<vmem_shared>> -> memref<10240x64xf32, #tpu.memory_space<vmem_shared>>
      tpu.enqueue_indirect_dma source(%dma_start3A_265 : memref<80x64xf32, #tpu.memory_space<vmem>>) target(%dma_start3A_271 : memref<10240x64xf32, #tpu.memory_space<vmem_shared>>) offsets(%dma_start3A_268 : memref<80xi32, #tpu.memory_space<vmem>>) semaphore(%arg18 : memref<!tpu.dma_semaphore, #tpu.memory_space<semaphore_mem>>) {add = true}
      %add3A_272 = arith.constant 5 : i32
      %add3A_273 = arith.addi %add3A_249, %add3A_272 : i32
      %sub3A_274 = arith.constant 1 : i32
      %sub3A_275 = arith.subi %add3A_273, %sub3A_274 : i32
      %lt3A_276 = arith.constant 250 : i32
      %lt3A_277 = arith.cmpi slt, %sub3A_275, %lt3A_276 : i32
      %convert_element_type3A_278 = arith.extui %lt3A_277 : i1 to i32
      %cond3A_279 = arith.constant 0 : i32
      %cond3A_280 = arith.cmpi ne, %convert_element_type3A_278, %cond3A_279 : i32
      scf.if %cond3A_280 {
        %sub3A_352 = arith.constant 1 : i32
        %sub3A_353 = arith.subi %add3A_249, %sub3A_352 : i32
        %dma_wait3A_354 = arith.constant 1 : i32
        %dma_wait3A_355 = arith.constant 0 : i32
        %dma_wait3A_356 = arith.constant 0 : i32
        %dma_wait3A_357 = tpu.memref_slice %arg8[%dma_wait3A_354, %dma_wait3A_355, %dma_wait3A_356] : memref<5x80x64xf32, #tpu.memory_space<vmem>> -> memref<1x80x64xf32, #tpu.memory_space<vmem>>
        %dma_wait3A_358 = tpu.memref_squeeze %dma_wait3A_357 : memref<1x80x64xf32, #tpu.memory_space<vmem>> -> memref<80x64xf32, #tpu.memory_space<vmem>>
        %dma_wait3A_359 = arith.constant 0 : i32
        %dma_wait3A_360 = tpu.memref_slice %arg7[%sub3A_353, %dma_wait3A_359] : memref<250x80xi32, #tpu.memory_space<vmem>> -> memref<1x80xi32, #tpu.memory_space<vmem>>
        %dma_wait3A_361 = tpu.memref_squeeze %dma_wait3A_360 : memref<1x80xi32, #tpu.memory_space<vmem>> -> memref<80xi32, #tpu.memory_space<vmem>>
        %dma_wait3A_362 = arith.constant 0 : i32
        %dma_wait3A_363 = arith.constant 0 : i32
        %dma_wait3A_364 = tpu.memref_slice %arg10[%dma_wait3A_362, %dma_wait3A_363] : memref<10240x64xf32, #tpu.memory_space<vmem_shared>> -> memref<10240x64xf32, #tpu.memory_space<vmem_shared>>
        tpu.wait_indirect_dma semaphore(%arg17 : memref<!tpu.dma_semaphore, #tpu.memory_space<semaphore_mem>>) src(%dma_wait3A_358 : memref<80x64xf32, #tpu.memory_space<vmem>>) dst(%dma_wait3A_364 : memref<10240x64xf32, #tpu.memory_space<vmem_shared>>)
        %dma_start3A_365 = arith.constant 1 : i32
        %dma_start3A_366 = arith.constant 0 : i32
        %dma_start3A_367 = arith.constant 0 : i32
        %dma_start3A_368 = tpu.memref_slice %arg8[%dma_start3A_365, %dma_start3A_366, %dma_start3A_367] : memref<5x80x64xf32, #tpu.memory_space<vmem>> -> memref<1x80x64xf32, #tpu.memory_space<vmem>>
        %dma_start3A_369 = tpu.memref_squeeze %dma_start3A_368 : memref<1x80x64xf32, #tpu.memory_space<vmem>> -> memref<80x64xf32, #tpu.memory_space<vmem>>
        %dma_start3A_370 = arith.constant 0 : i32
        %dma_start3A_371 = tpu.memref_slice %arg6[%sub3A_275, %dma_start3A_370] : memref<250x80xi32, #tpu.memory_space<vmem>> -> memref<1x80xi32, #tpu.memory_space<vmem>>
        %dma_start3A_372 = tpu.memref_squeeze %dma_start3A_371 : memref<1x80xi32, #tpu.memory_space<vmem>> -> memref<80xi32, #tpu.memory_space<vmem>>
        %dma_start3A_373 = arith.constant 0 : i32
        %dma_start3A_374 = arith.constant 0 : i32
        %dma_start3A_375 = tpu.memref_slice %arg4[%dma_start3A_373, %dma_start3A_374] : memref<20480x64xf32, #tpu.memory_space<hbm>> -> memref<20480x64xf32, #tpu.memory_space<hbm>>
        tpu.enqueue_indirect_dma source(%dma_start3A_375 : memref<20480x64xf32, #tpu.memory_space<hbm>>) target(%dma_start3A_369 : memref<80x64xf32, #tpu.memory_space<vmem>>) offsets(%dma_start3A_372 : memref<80xi32, #tpu.memory_space<vmem>>) semaphore(%arg12 : memref<!tpu.dma_semaphore, #tpu.memory_space<semaphore_mem>>)
      } else {
      }
      %mul3A_281 = arith.constant 5 : i32
      %mul3A_282 = arith.muli %scan3A_177, %mul3A_281 : i32
      %add3A_283 = arith.constant 3 : i32
      %add3A_284 = arith.addi %mul3A_282, %add3A_283 : i32
      %dma_wait3A_285 = arith.constant 3 : i32
      %dma_wait3A_286 = arith.constant 0 : i32
      %dma_wait3A_287 = arith.constant 0 : i32
      %dma_wait3A_288 = tpu.memref_slice %arg8[%dma_wait3A_285, %dma_wait3A_286, %dma_wait3A_287] : memref<5x80x64xf32, #tpu.memory_space<vmem>> -> memref<1x80x64xf32, #tpu.memory_space<vmem>>
      %dma_wait3A_289 = tpu.memref_squeeze %dma_wait3A_288 : memref<1x80x64xf32, #tpu.memory_space<vmem>> -> memref<80x64xf32, #tpu.memory_space<vmem>>
      %dma_wait3A_290 = arith.constant 0 : i32
      %dma_wait3A_291 = tpu.memref_slice %arg6[%add3A_284, %dma_wait3A_290] : memref<250x80xi32, #tpu.memory_space<vmem>> -> memref<1x80xi32, #tpu.memory_space<vmem>>
      %dma_wait3A_292 = tpu.memref_squeeze %dma_wait3A_291 : memref<1x80xi32, #tpu.memory_space<vmem>> -> memref<80xi32, #tpu.memory_space<vmem>>
      %dma_wait3A_293 = arith.constant 0 : i32
      %dma_wait3A_294 = arith.constant 0 : i32
      %dma_wait3A_295 = tpu.memref_slice %arg4[%dma_wait3A_293, %dma_wait3A_294] : memref<20480x64xf32, #tpu.memory_space<hbm>> -> memref<20480x64xf32, #tpu.memory_space<hbm>>
      tpu.wait_indirect_dma semaphore(%arg14 : memref<!tpu.dma_semaphore, #tpu.memory_space<semaphore_mem>>) src(%dma_wait3A_295 : memref<20480x64xf32, #tpu.memory_space<hbm>>) dst(%dma_wait3A_289 : memref<80x64xf32, #tpu.memory_space<vmem>>)
      %dma_start3A_296 = arith.constant 3 : i32
      %dma_start3A_297 = arith.constant 0 : i32
      %dma_start3A_298 = arith.constant 0 : i32
      %dma_start3A_299 = tpu.memref_slice %arg8[%dma_start3A_296, %dma_start3A_297, %dma_start3A_298] : memref<5x80x64xf32, #tpu.memory_space<vmem>> -> memref<1x80x64xf32, #tpu.memory_space<vmem>>
      %dma_start3A_300 = tpu.memref_squeeze %dma_start3A_299 : memref<1x80x64xf32, #tpu.memory_space<vmem>> -> memref<80x64xf32, #tpu.memory_space<vmem>>
      %dma_start3A_301 = arith.constant 0 : i32
      %dma_start3A_302 = tpu.memref_slice %arg7[%add3A_284, %dma_start3A_301] : memref<250x80xi32, #tpu.memory_space<vmem>> -> memref<1x80xi32, #tpu.memory_space<vmem>>
      %dma_start3A_303 = tpu.memref_squeeze %dma_start3A_302 : memref<1x80xi32, #tpu.memory_space<vmem>> -> memref<80xi32, #tpu.memory_space<vmem>>
      %dma_start3A_304 = arith.constant 0 : i32
      %dma_start3A_305 = arith.constant 0 : i32
      %dma_start3A_306 = tpu.memref_slice %arg10[%dma_start3A_304, %dma_start3A_305] : memref<10240x64xf32, #tpu.memory_space<vmem_shared>> -> memref<10240x64xf32, #tpu.memory_space<vmem_shared>>
      tpu.enqueue_indirect_dma source(%dma_start3A_300 : memref<80x64xf32, #tpu.memory_space<vmem>>) target(%dma_start3A_306 : memref<10240x64xf32, #tpu.memory_space<vmem_shared>>) offsets(%dma_start3A_303 : memref<80xi32, #tpu.memory_space<vmem>>) semaphore(%arg19 : memref<!tpu.dma_semaphore, #tpu.memory_space<semaphore_mem>>) {add = true}
      %add3A_307 = arith.constant 5 : i32
      %add3A_308 = arith.addi %add3A_284, %add3A_307 : i32
      %sub3A_309 = arith.constant 1 : i32
      %sub3A_310 = arith.subi %add3A_308, %sub3A_309 : i32
      %lt3A_311 = arith.constant 250 : i32
      %lt3A_312 = arith.cmpi slt, %sub3A_310, %lt3A_311 : i32
      %convert_element_type3A_313 = arith.extui %lt3A_312 : i1 to i32
      %cond3A_314 = arith.constant 0 : i32
      %cond3A_315 = arith.cmpi ne, %convert_element_type3A_313, %cond3A_314 : i32
      scf.if %cond3A_315 {
        %sub3A_352 = arith.constant 1 : i32
        %sub3A_353 = arith.subi %add3A_284, %sub3A_352 : i32
        %dma_wait3A_354 = arith.constant 2 : i32
        %dma_wait3A_355 = arith.constant 0 : i32
        %dma_wait3A_356 = arith.constant 0 : i32
        %dma_wait3A_357 = tpu.memref_slice %arg8[%dma_wait3A_354, %dma_wait3A_355, %dma_wait3A_356] : memref<5x80x64xf32, #tpu.memory_space<vmem>> -> memref<1x80x64xf32, #tpu.memory_space<vmem>>
        %dma_wait3A_358 = tpu.memref_squeeze %dma_wait3A_357 : memref<1x80x64xf32, #tpu.memory_space<vmem>> -> memref<80x64xf32, #tpu.memory_space<vmem>>
        %dma_wait3A_359 = arith.constant 0 : i32
        %dma_wait3A_360 = tpu.memref_slice %arg7[%sub3A_353, %dma_wait3A_359] : memref<250x80xi32, #tpu.memory_space<vmem>> -> memref<1x80xi32, #tpu.memory_space<vmem>>
        %dma_wait3A_361 = tpu.memref_squeeze %dma_wait3A_360 : memref<1x80xi32, #tpu.memory_space<vmem>> -> memref<80xi32, #tpu.memory_space<vmem>>
        %dma_wait3A_362 = arith.constant 0 : i32
        %dma_wait3A_363 = arith.constant 0 : i32
        %dma_wait3A_364 = tpu.memref_slice %arg10[%dma_wait3A_362, %dma_wait3A_363] : memref<10240x64xf32, #tpu.memory_space<vmem_shared>> -> memref<10240x64xf32, #tpu.memory_space<vmem_shared>>
        tpu.wait_indirect_dma semaphore(%arg18 : memref<!tpu.dma_semaphore, #tpu.memory_space<semaphore_mem>>) src(%dma_wait3A_358 : memref<80x64xf32, #tpu.memory_space<vmem>>) dst(%dma_wait3A_364 : memref<10240x64xf32, #tpu.memory_space<vmem_shared>>)
        %dma_start3A_365 = arith.constant 2 : i32
        %dma_start3A_366 = arith.constant 0 : i32
        %dma_start3A_367 = arith.constant 0 : i32
        %dma_start3A_368 = tpu.memref_slice %arg8[%dma_start3A_365, %dma_start3A_366, %dma_start3A_367] : memref<5x80x64xf32, #tpu.memory_space<vmem>> -> memref<1x80x64xf32, #tpu.memory_space<vmem>>
        %dma_start3A_369 = tpu.memref_squeeze %dma_start3A_368 : memref<1x80x64xf32, #tpu.memory_space<vmem>> -> memref<80x64xf32, #tpu.memory_space<vmem>>
        %dma_start3A_370 = arith.constant 0 : i32
        %dma_start3A_371 = tpu.memref_slice %arg6[%sub3A_310, %dma_start3A_370] : memref<250x80xi32, #tpu.memory_space<vmem>> -> memref<1x80xi32, #tpu.memory_space<vmem>>
        %dma_start3A_372 = tpu.memref_squeeze %dma_start3A_371 : memref<1x80xi32, #tpu.memory_space<vmem>> -> memref<80xi32, #tpu.memory_space<vmem>>
        %dma_start3A_373 = arith.constant 0 : i32
        %dma_start3A_374 = arith.constant 0 : i32
        %dma_start3A_375 = tpu.memref_slice %arg4[%dma_start3A_373, %dma_start3A_374] : memref<20480x64xf32, #tpu.memory_space<hbm>> -> memref<20480x64xf32, #tpu.memory_space<hbm>>
        tpu.enqueue_indirect_dma source(%dma_start3A_375 : memref<20480x64xf32, #tpu.memory_space<hbm>>) target(%dma_start3A_369 : memref<80x64xf32, #tpu.memory_space<vmem>>) offsets(%dma_start3A_372 : memref<80xi32, #tpu.memory_space<vmem>>) semaphore(%arg13 : memref<!tpu.dma_semaphore, #tpu.memory_space<semaphore_mem>>)
      } else {
      }
      %mul3A_316 = arith.constant 5 : i32
      %mul3A_317 = arith.muli %scan3A_177, %mul3A_316 : i32
      %add3A_318 = arith.constant 4 : i32
      %add3A_319 = arith.addi %mul3A_317, %add3A_318 : i32
      %dma_wait3A_320 = arith.constant 4 : i32
      %dma_wait3A_321 = arith.constant 0 : i32
      %dma_wait3A_322 = arith.constant 0 : i32
      %dma_wait3A_323 = tpu.memref_slice %arg8[%dma_wait3A_320, %dma_wait3A_321, %dma_wait3A_322] : memref<5x80x64xf32, #tpu.memory_space<vmem>> -> memref<1x80x64xf32, #tpu.memory_space<vmem>>
      %dma_wait3A_324 = tpu.memref_squeeze %dma_wait3A_323 : memref<1x80x64xf32, #tpu.memory_space<vmem>> -> memref<80x64xf32, #tpu.memory_space<vmem>>
      %dma_wait3A_325 = arith.constant 0 : i32
      %dma_wait3A_326 = tpu.memref_slice %arg6[%add3A_319, %dma_wait3A_325] : memref<250x80xi32, #tpu.memory_space<vmem>> -> memref<1x80xi32, #tpu.memory_space<vmem>>
      %dma_wait3A_327 = tpu.memref_squeeze %dma_wait3A_326 : memref<1x80xi32, #tpu.memory_space<vmem>> -> memref<80xi32, #tpu.memory_space<vmem>>
      %dma_wait3A_328 = arith.constant 0 : i32
      %dma_wait3A_329 = arith.constant 0 : i32
      %dma_wait3A_330 = tpu.memref_slice %arg4[%dma_wait3A_328, %dma_wait3A_329] : memref<20480x64xf32, #tpu.memory_space<hbm>> -> memref<20480x64xf32, #tpu.memory_space<hbm>>
      tpu.wait_indirect_dma semaphore(%arg15 : memref<!tpu.dma_semaphore, #tpu.memory_space<semaphore_mem>>) src(%dma_wait3A_330 : memref<20480x64xf32, #tpu.memory_space<hbm>>) dst(%dma_wait3A_324 : memref<80x64xf32, #tpu.memory_space<vmem>>)
      %dma_start3A_331 = arith.constant 4 : i32
      %dma_start3A_332 = arith.constant 0 : i32
      %dma_start3A_333 = arith.constant 0 : i32
      %dma_start3A_334 = tpu.memref_slice %arg8[%dma_start3A_331, %dma_start3A_332, %dma_start3A_333] : memref<5x80x64xf32, #tpu.memory_space<vmem>> -> memref<1x80x64xf32, #tpu.memory_space<vmem>>
      %dma_start3A_335 = tpu.memref_squeeze %dma_start3A_334 : memref<1x80x64xf32, #tpu.memory_space<vmem>> -> memref<80x64xf32, #tpu.memory_space<vmem>>
      %dma_start3A_336 = arith.constant 0 : i32
      %dma_start3A_337 = tpu.memref_slice %arg7[%add3A_319, %dma_start3A_336] : memref<250x80xi32, #tpu.memory_space<vmem>> -> memref<1x80xi32, #tpu.memory_space<vmem>>
      %dma_start3A_338 = tpu.memref_squeeze %dma_start3A_337 : memref<1x80xi32, #tpu.memory_space<vmem>> -> memref<80xi32, #tpu.memory_space<vmem>>
      %dma_start3A_339 = arith.constant 0 : i32
      %dma_start3A_340 = arith.constant 0 : i32
      %dma_start3A_341 = tpu.memref_slice %arg10[%dma_start3A_339, %dma_start3A_340] : memref<10240x64xf32, #tpu.memory_space<vmem_shared>> -> memref<10240x64xf32, #tpu.memory_space<vmem_shared>>
      tpu.enqueue_indirect_dma source(%dma_start3A_335 : memref<80x64xf32, #tpu.memory_space<vmem>>) target(%dma_start3A_341 : memref<10240x64xf32, #tpu.memory_space<vmem_shared>>) offsets(%dma_start3A_338 : memref<80xi32, #tpu.memory_space<vmem>>) semaphore(%arg20 : memref<!tpu.dma_semaphore, #tpu.memory_space<semaphore_mem>>) {add = true}
      %add3A_342 = arith.constant 5 : i32
      %add3A_343 = arith.addi %add3A_319, %add3A_342 : i32
      %sub3A_344 = arith.constant 1 : i32
      %sub3A_345 = arith.subi %add3A_343, %sub3A_344 : i32
      %lt3A_346 = arith.constant 250 : i32
      %lt3A_347 = arith.cmpi slt, %sub3A_345, %lt3A_346 : i32
      %convert_element_type3A_348 = arith.extui %lt3A_347 : i1 to i32
      %cond3A_349 = arith.constant 0 : i32
      %cond3A_350 = arith.cmpi ne, %convert_element_type3A_348, %cond3A_349 : i32
      scf.if %cond3A_350 {
        %sub3A_352 = arith.constant 1 : i32
        %sub3A_353 = arith.subi %add3A_319, %sub3A_352 : i32
        %dma_wait3A_354 = arith.constant 3 : i32
        %dma_wait3A_355 = arith.constant 0 : i32
        %dma_wait3A_356 = arith.constant 0 : i32
        %dma_wait3A_357 = tpu.memref_slice %arg8[%dma_wait3A_354, %dma_wait3A_355, %dma_wait3A_356] : memref<5x80x64xf32, #tpu.memory_space<vmem>> -> memref<1x80x64xf32, #tpu.memory_space<vmem>>
        %dma_wait3A_358 = tpu.memref_squeeze %dma_wait3A_357 : memref<1x80x64xf32, #tpu.memory_space<vmem>> -> memref<80x64xf32, #tpu.memory_space<vmem>>
        %dma_wait3A_359 = arith.constant 0 : i32
        %dma_wait3A_360 = tpu.memref_slice %arg7[%sub3A_353, %dma_wait3A_359] : memref<250x80xi32, #tpu.memory_space<vmem>> -> memref<1x80xi32, #tpu.memory_space<vmem>>
        %dma_wait3A_361 = tpu.memref_squeeze %dma_wait3A_360 : memref<1x80xi32, #tpu.memory_space<vmem>> -> memref<80xi32, #tpu.memory_space<vmem>>
        %dma_wait3A_362 = arith.constant 0 : i32
        %dma_wait3A_363 = arith.constant 0 : i32
        %dma_wait3A_364 = tpu.memref_slice %arg10[%dma_wait3A_362, %dma_wait3A_363] : memref<10240x64xf32, #tpu.memory_space<vmem_shared>> -> memref<10240x64xf32, #tpu.memory_space<vmem_shared>>
        tpu.wait_indirect_dma semaphore(%arg19 : memref<!tpu.dma_semaphore, #tpu.memory_space<semaphore_mem>>) src(%dma_wait3A_358 : memref<80x64xf32, #tpu.memory_space<vmem>>) dst(%dma_wait3A_364 : memref<10240x64xf32, #tpu.memory_space<vmem_shared>>)
        %dma_start3A_365 = arith.constant 3 : i32
        %dma_start3A_366 = arith.constant 0 : i32
        %dma_start3A_367 = arith.constant 0 : i32
        %dma_start3A_368 = tpu.memref_slice %arg8[%dma_start3A_365, %dma_start3A_366, %dma_start3A_367] : memref<5x80x64xf32, #tpu.memory_space<vmem>> -> memref<1x80x64xf32, #tpu.memory_space<vmem>>
        %dma_start3A_369 = tpu.memref_squeeze %dma_start3A_368 : memref<1x80x64xf32, #tpu.memory_space<vmem>> -> memref<80x64xf32, #tpu.memory_space<vmem>>
        %dma_start3A_370 = arith.constant 0 : i32
        %dma_start3A_371 = tpu.memref_slice %arg6[%sub3A_345, %dma_start3A_370] : memref<250x80xi32, #tpu.memory_space<vmem>> -> memref<1x80xi32, #tpu.memory_space<vmem>>
        %dma_start3A_372 = tpu.memref_squeeze %dma_start3A_371 : memref<1x80xi32, #tpu.memory_space<vmem>> -> memref<80xi32, #tpu.memory_space<vmem>>
        %dma_start3A_373 = arith.constant 0 : i32
        %dma_start3A_374 = arith.constant 0 : i32
        %dma_start3A_375 = tpu.memref_slice %arg4[%dma_start3A_373, %dma_start3A_374] : memref<20480x64xf32, #tpu.memory_space<hbm>> -> memref<20480x64xf32, #tpu.memory_space<hbm>>
        tpu.enqueue_indirect_dma source(%dma_start3A_375 : memref<20480x64xf32, #tpu.memory_space<hbm>>) target(%dma_start3A_369 : memref<80x64xf32, #tpu.memory_space<vmem>>) offsets(%dma_start3A_372 : memref<80xi32, #tpu.memory_space<vmem>>) semaphore(%arg14 : memref<!tpu.dma_semaphore, #tpu.memory_space<semaphore_mem>>)
      } else {
      }
      %scan3A_351 = arith.constant 0 : i32
      scf.yield %scan3A_351 : i32
    }
    %scan3A_92 = arith.constant 50 : i32
    %dma_wait3A = arith.constant 0 : i32
    %dma_wait3A_93 = arith.constant 245 : i32
    %dma_wait3A_94 = arith.constant 0 : i32
    %dma_wait3A_95 = arith.constant 0 : i32
    %dma_wait3A_96 = tpu.memref_slice %arg8[%dma_wait3A, %dma_wait3A_94, %dma_wait3A_95] : memref<5x80x64xf32, #tpu.memory_space<vmem>> -> memref<1x80x64xf32, #tpu.memory_space<vmem>>
    %dma_wait3A_97 = tpu.memref_squeeze %dma_wait3A_96 : memref<1x80x64xf32, #tpu.memory_space<vmem>> -> memref<80x64xf32, #tpu.memory_space<vmem>>
    %dma_wait3A_98 = arith.constant 0 : i32
    %dma_wait3A_99 = tpu.memref_slice %arg7[%dma_wait3A_93, %dma_wait3A_98] : memref<250x80xi32, #tpu.memory_space<vmem>> -> memref<1x80xi32, #tpu.memory_space<vmem>>
    %dma_wait3A_100 = tpu.memref_squeeze %dma_wait3A_99 : memref<1x80xi32, #tpu.memory_space<vmem>> -> memref<80xi32, #tpu.memory_space<vmem>>
    %dma_wait3A_101 = arith.constant 0 : i32
    %dma_wait3A_102 = arith.constant 0 : i32
    %dma_wait3A_103 = tpu.memref_slice %arg10[%dma_wait3A_101, %dma_wait3A_102] : memref<10240x64xf32, #tpu.memory_space<vmem_shared>> -> memref<10240x64xf32, #tpu.memory_space<vmem_shared>>
    tpu.wait_indirect_dma semaphore(%arg16 : memref<!tpu.dma_semaphore, #tpu.memory_space<semaphore_mem>>) src(%dma_wait3A_97 : memref<80x64xf32, #tpu.memory_space<vmem>>) dst(%dma_wait3A_103 : memref<10240x64xf32, #tpu.memory_space<vmem_shared>>)
    %dma_wait3A_104 = arith.constant 1 : i32
    %dma_wait3A_105 = arith.constant 246 : i32
    %dma_wait3A_106 = arith.constant 0 : i32
    %dma_wait3A_107 = arith.constant 0 : i32
    %dma_wait3A_108 = tpu.memref_slice %arg8[%dma_wait3A_104, %dma_wait3A_106, %dma_wait3A_107] : memref<5x80x64xf32, #tpu.memory_space<vmem>> -> memref<1x80x64xf32, #tpu.memory_space<vmem>>
    %dma_wait3A_109 = tpu.memref_squeeze %dma_wait3A_108 : memref<1x80x64xf32, #tpu.memory_space<vmem>> -> memref<80x64xf32, #tpu.memory_space<vmem>>
    %dma_wait3A_110 = arith.constant 0 : i32
    %dma_wait3A_111 = tpu.memref_slice %arg7[%dma_wait3A_105, %dma_wait3A_110] : memref<250x80xi32, #tpu.memory_space<vmem>> -> memref<1x80xi32, #tpu.memory_space<vmem>>
    %dma_wait3A_112 = tpu.memref_squeeze %dma_wait3A_111 : memref<1x80xi32, #tpu.memory_space<vmem>> -> memref<80xi32, #tpu.memory_space<vmem>>
    %dma_wait3A_113 = arith.constant 0 : i32
    %dma_wait3A_114 = arith.constant 0 : i32
    %dma_wait3A_115 = tpu.memref_slice %arg10[%dma_wait3A_113, %dma_wait3A_114] : memref<10240x64xf32, #tpu.memory_space<vmem_shared>> -> memref<10240x64xf32, #tpu.memory_space<vmem_shared>>
    tpu.wait_indirect_dma semaphore(%arg17 : memref<!tpu.dma_semaphore, #tpu.memory_space<semaphore_mem>>) src(%dma_wait3A_109 : memref<80x64xf32, #tpu.memory_space<vmem>>) dst(%dma_wait3A_115 : memref<10240x64xf32, #tpu.memory_space<vmem_shared>>)
    %dma_wait3A_116 = arith.constant 2 : i32
    %dma_wait3A_117 = arith.constant 247 : i32
    %dma_wait3A_118 = arith.constant 0 : i32
    %dma_wait3A_119 = arith.constant 0 : i32
    %dma_wait3A_120 = tpu.memref_slice %arg8[%dma_wait3A_116, %dma_wait3A_118, %dma_wait3A_119] : memref<5x80x64xf32, #tpu.memory_space<vmem>> -> memref<1x80x64xf32, #tpu.memory_space<vmem>>
    %dma_wait3A_121 = tpu.memref_squeeze %dma_wait3A_120 : memref<1x80x64xf32, #tpu.memory_space<vmem>> -> memref<80x64xf32, #tpu.memory_space<vmem>>
    %dma_wait3A_122 = arith.constant 0 : i32
    %dma_wait3A_123 = tpu.memref_slice %arg7[%dma_wait3A_117, %dma_wait3A_122] : memref<250x80xi32, #tpu.memory_space<vmem>> -> memref<1x80xi32, #tpu.memory_space<vmem>>
    %dma_wait3A_124 = tpu.memref_squeeze %dma_wait3A_123 : memref<1x80xi32, #tpu.memory_space<vmem>> -> memref<80xi32, #tpu.memory_space<vmem>>
    %dma_wait3A_125 = arith.constant 0 : i32
    %dma_wait3A_126 = arith.constant 0 : i32
    %dma_wait3A_127 = tpu.memref_slice %arg10[%dma_wait3A_125, %dma_wait3A_126] : memref<10240x64xf32, #tpu.memory_space<vmem_shared>> -> memref<10240x64xf32, #tpu.memory_space<vmem_shared>>
    tpu.wait_indirect_dma semaphore(%arg18 : memref<!tpu.dma_semaphore, #tpu.memory_space<semaphore_mem>>) src(%dma_wait3A_121 : memref<80x64xf32, #tpu.memory_space<vmem>>) dst(%dma_wait3A_127 : memref<10240x64xf32, #tpu.memory_space<vmem_shared>>)
    %dma_wait3A_128 = arith.constant 3 : i32
    %dma_wait3A_129 = arith.constant 248 : i32
    %dma_wait3A_130 = arith.constant 0 : i32
    %dma_wait3A_131 = arith.constant 0 : i32
    %dma_wait3A_132 = tpu.memref_slice %arg8[%dma_wait3A_128, %dma_wait3A_130, %dma_wait3A_131] : memref<5x80x64xf32, #tpu.memory_space<vmem>> -> memref<1x80x64xf32, #tpu.memory_space<vmem>>
    %dma_wait3A_133 = tpu.memref_squeeze %dma_wait3A_132 : memref<1x80x64xf32, #tpu.memory_space<vmem>> -> memref<80x64xf32, #tpu.memory_space<vmem>>
    %dma_wait3A_134 = arith.constant 0 : i32
    %dma_wait3A_135 = tpu.memref_slice %arg7[%dma_wait3A_129, %dma_wait3A_134] : memref<250x80xi32, #tpu.memory_space<vmem>> -> memref<1x80xi32, #tpu.memory_space<vmem>>
    %dma_wait3A_136 = tpu.memref_squeeze %dma_wait3A_135 : memref<1x80xi32, #tpu.memory_space<vmem>> -> memref<80xi32, #tpu.memory_space<vmem>>
    %dma_wait3A_137 = arith.constant 0 : i32
    %dma_wait3A_138 = arith.constant 0 : i32
    %dma_wait3A_139 = tpu.memref_slice %arg10[%dma_wait3A_137, %dma_wait3A_138] : memref<10240x64xf32, #tpu.memory_space<vmem_shared>> -> memref<10240x64xf32, #tpu.memory_space<vmem_shared>>
    tpu.wait_indirect_dma semaphore(%arg19 : memref<!tpu.dma_semaphore, #tpu.memory_space<semaphore_mem>>) src(%dma_wait3A_133 : memref<80x64xf32, #tpu.memory_space<vmem>>) dst(%dma_wait3A_139 : memref<10240x64xf32, #tpu.memory_space<vmem_shared>>)
    %dma_wait3A_140 = arith.constant 4 : i32
    %dma_wait3A_141 = arith.constant 249 : i32
    %dma_wait3A_142 = arith.constant 0 : i32
    %dma_wait3A_143 = arith.constant 0 : i32
    %dma_wait3A_144 = tpu.memref_slice %arg8[%dma_wait3A_140, %dma_wait3A_142, %dma_wait3A_143] : memref<5x80x64xf32, #tpu.memory_space<vmem>> -> memref<1x80x64xf32, #tpu.memory_space<vmem>>
    %dma_wait3A_145 = tpu.memref_squeeze %dma_wait3A_144 : memref<1x80x64xf32, #tpu.memory_space<vmem>> -> memref<80x64xf32, #tpu.memory_space<vmem>>
    %dma_wait3A_146 = arith.constant 0 : i32
    %dma_wait3A_147 = tpu.memref_slice %arg7[%dma_wait3A_141, %dma_wait3A_146] : memref<250x80xi32, #tpu.memory_space<vmem>> -> memref<1x80xi32, #tpu.memory_space<vmem>>
    %dma_wait3A_148 = tpu.memref_squeeze %dma_wait3A_147 : memref<1x80xi32, #tpu.memory_space<vmem>> -> memref<80xi32, #tpu.memory_space<vmem>>
    %dma_wait3A_149 = arith.constant 0 : i32
    %dma_wait3A_150 = arith.constant 0 : i32
    %dma_wait3A_151 = tpu.memref_slice %arg10[%dma_wait3A_149, %dma_wait3A_150] : memref<10240x64xf32, #tpu.memory_space<vmem_shared>> -> memref<10240x64xf32, #tpu.memory_space<vmem_shared>>
    tpu.wait_indirect_dma semaphore(%arg20 : memref<!tpu.dma_semaphore, #tpu.memory_space<semaphore_mem>>) src(%dma_wait3A_145 : memref<80x64xf32, #tpu.memory_space<vmem>>) dst(%dma_wait3A_151 : memref<10240x64xf32, #tpu.memory_space<vmem_shared>>)
    %barrier3A_152 = arith.constant 0 : index
    tpu.barrier barrier_id(%barrier3A_152)
    %mul3A_153 = arith.constant 640 : i32
    %mul3A_154 = arith.muli %arg1, %mul3A_153 : i32
    %add3A_155 = arith.constant 0 : i32
    %add3A_156 = arith.addi %mul3A_154, %add3A_155 : i32
    "tpu.region"() ({
      %run_scoped3A = tpu.sem_alloc : memref<!tpu.dma_semaphore, #tpu.memory_space<semaphore_mem>>
      %dma_start3A_177 = arith.constant 0 : i32
      %dma_start3A_178 = tpu.memref_slice %arg10[%add3A_156, %dma_start3A_177] : memref<10240x64xf32, #tpu.memory_space<vmem_shared>> -> memref<160x64xf32, #tpu.memory_space<vmem_shared>>
      %dma_start3A_179 = arith.constant 0 : i32
      %dma_start3A_180 = tpu.memref_slice %arg10[%add3A_156, %dma_start3A_179] : memref<10240x64xf32, #tpu.memory_space<vmem_shared>> -> memref<160x64xf32, #tpu.memory_space<vmem_shared>>
      tpu.enqueue_dma source(%dma_start3A_180 : memref<160x64xf32, #tpu.memory_space<vmem_shared>>) target(%arg9 : memref<160x64xf32, #tpu.memory_space<vmem>>) target_semaphore(%run_scoped3A : memref<!tpu.dma_semaphore, #tpu.memory_space<semaphore_mem>>)
      %dma_wait3A_181 = arith.constant 0 : i32
      %dma_wait3A_182 = tpu.memref_slice %arg10[%add3A_156, %dma_wait3A_181] : memref<10240x64xf32, #tpu.memory_space<vmem_shared>> -> memref<160x64xf32, #tpu.memory_space<vmem_shared>>
      %dma_wait3A_183 = arith.constant 0 : i32
      %dma_wait3A_184 = tpu.memref_slice %arg10[%add3A_156, %dma_wait3A_183] : memref<10240x64xf32, #tpu.memory_space<vmem_shared>> -> memref<160x64xf32, #tpu.memory_space<vmem_shared>>
      tpu.wait_dma2 semaphore(%run_scoped3A : memref<!tpu.dma_semaphore, #tpu.memory_space<semaphore_mem>>) src(%dma_wait3A_184 : memref<160x64xf32, #tpu.memory_space<vmem_shared>>) dst(%arg9 : memref<160x64xf32, #tpu.memory_space<vmem>>)
      tpu.yield
    }) : () -> ()
    %mul3A_157 = arith.constant 64 : i32
    %mul3A_158 = arith.muli %arg0, %mul3A_157 : i32
    "tpu.region"() ({
      %run_scoped3A = tpu.sem_alloc : memref<!tpu.dma_semaphore, #tpu.memory_space<semaphore_mem>>
      %dma_start3A_177 = tpu.memref_slice %arg5[%add3A_156, %mul3A_158] : memref<10240x128xf32, #tpu.memory_space<hbm>> -> memref<160x64xf32, #tpu.memory_space<hbm>>
      %dma_start3A_178 = tpu.memref_slice %arg5[%add3A_156, %mul3A_158] : memref<10240x128xf32, #tpu.memory_space<hbm>> -> memref<160x64xf32, #tpu.memory_space<hbm>>
      tpu.enqueue_dma source(%arg9 : memref<160x64xf32, #tpu.memory_space<vmem>>) target(%dma_start3A_178 : memref<160x64xf32, #tpu.memory_space<hbm>>) target_semaphore(%run_scoped3A : memref<!tpu.dma_semaphore, #tpu.memory_space<semaphore_mem>>)
      %dma_wait3A_179 = tpu.memref_slice %arg5[%add3A_156, %mul3A_158] : memref<10240x128xf32, #tpu.memory_space<hbm>> -> memref<160x64xf32, #tpu.memory_space<hbm>>
      %dma_wait3A_180 = tpu.memref_slice %arg5[%add3A_156, %mul3A_158] : memref<10240x128xf32, #tpu.memory_space<hbm>> -> memref<160x64xf32, #tpu.memory_space<hbm>>
      tpu.wait_dma2 semaphore(%run_scoped3A : memref<!tpu.dma_semaphore, #tpu.memory_space<semaphore_mem>>) src(%arg9 : memref<160x64xf32, #tpu.memory_space<vmem>>) dst(%dma_wait3A_180 : memref<160x64xf32, #tpu.memory_space<hbm>>)
      tpu.yield
    }) : () -> ()
    %mul3A_159 = arith.constant 640 : i32
    %mul3A_160 = arith.muli %arg1, %mul3A_159 : i32
    %add3A_161 = arith.constant 160 : i32
    %add3A_162 = arith.addi %mul3A_160, %add3A_161 : i32
    "tpu.region"() ({
      %run_scoped3A = tpu.sem_alloc : memref<!tpu.dma_semaphore, #tpu.memory_space<semaphore_mem>>
      %dma_start3A_177 = arith.constant 0 : i32
      %dma_start3A_178 = tpu.memref_slice %arg10[%add3A_162, %dma_start3A_177] : memref<10240x64xf32, #tpu.memory_space<vmem_shared>> -> memref<160x64xf32, #tpu.memory_space<vmem_shared>>
      %dma_start3A_179 = arith.constant 0 : i32
      %dma_start3A_180 = tpu.memref_slice %arg10[%add3A_162, %dma_start3A_179] : memref<10240x64xf32, #tpu.memory_space<vmem_shared>> -> memref<160x64xf32, #tpu.memory_space<vmem_shared>>
      tpu.enqueue_dma source(%dma_start3A_180 : memref<160x64xf32, #tpu.memory_space<vmem_shared>>) target(%arg9 : memref<160x64xf32, #tpu.memory_space<vmem>>) target_semaphore(%run_scoped3A : memref<!tpu.dma_semaphore, #tpu.memory_space<semaphore_mem>>)
      %dma_wait3A_181 = arith.constant 0 : i32
      %dma_wait3A_182 = tpu.memref_slice %arg10[%add3A_162, %dma_wait3A_181] : memref<10240x64xf32, #tpu.memory_space<vmem_shared>> -> memref<160x64xf32, #tpu.memory_space<vmem_shared>>
      %dma_wait3A_183 = arith.constant 0 : i32
      %dma_wait3A_184 = tpu.memref_slice %arg10[%add3A_162, %dma_wait3A_183] : memref<10240x64xf32, #tpu.memory_space<vmem_shared>> -> memref<160x64xf32, #tpu.memory_space<vmem_shared>>
      tpu.wait_dma2 semaphore(%run_scoped3A : memref<!tpu.dma_semaphore, #tpu.memory_space<semaphore_mem>>) src(%dma_wait3A_184 : memref<160x64xf32, #tpu.memory_space<vmem_shared>>) dst(%arg9 : memref<160x64xf32, #tpu.memory_space<vmem>>)
      tpu.yield
    }) : () -> ()
    %mul3A_163 = arith.constant 64 : i32
    %mul3A_164 = arith.muli %arg0, %mul3A_163 : i32
    "tpu.region"() ({
      %run_scoped3A = tpu.sem_alloc : memref<!tpu.dma_semaphore, #tpu.memory_space<semaphore_mem>>
      %dma_start3A_177 = tpu.memref_slice %arg5[%add3A_162, %mul3A_164] : memref<10240x128xf32, #tpu.memory_space<hbm>> -> memref<160x64xf32, #tpu.memory_space<hbm>>
      %dma_start3A_178 = tpu.memref_slice %arg5[%add3A_162, %mul3A_164] : memref<10240x128xf32, #tpu.memory_space<hbm>> -> memref<160x64xf32, #tpu.memory_space<hbm>>
      tpu.enqueue_dma source(%arg9 : memref<160x64xf32, #tpu.memory_space<vmem>>) target(%dma_start3A_178 : memref<160x64xf32, #tpu.memory_space<hbm>>) target_semaphore(%run_scoped3A : memref<!tpu.dma_semaphore, #tpu.memory_space<semaphore_mem>>)
      %dma_wait3A_179 = tpu.memref_slice %arg5[%add3A_162, %mul3A_164] : memref<10240x128xf32, #tpu.memory_space<hbm>> -> memref<160x64xf32, #tpu.memory_space<hbm>>
      %dma_wait3A_180 = tpu.memref_slice %arg5[%add3A_162, %mul3A_164] : memref<10240x128xf32, #tpu.memory_space<hbm>> -> memref<160x64xf32, #tpu.memory_space<hbm>>
      tpu.wait_dma2 semaphore(%run_scoped3A : memref<!tpu.dma_semaphore, #tpu.memory_space<semaphore_mem>>) src(%arg9 : memref<160x64xf32, #tpu.memory_space<vmem>>) dst(%dma_wait3A_180 : memref<160x64xf32, #tpu.memory_space<hbm>>)
      tpu.yield
    }) : () -> ()
    %mul3A_165 = arith.constant 640 : i32
    %mul3A_166 = arith.muli %arg1, %mul3A_165 : i32
    %add3A_167 = arith.constant 320 : i32
    %add3A_168 = arith.addi %mul3A_166, %add3A_167 : i32
    "tpu.region"() ({
      %run_scoped3A = tpu.sem_alloc : memref<!tpu.dma_semaphore, #tpu.memory_space<semaphore_mem>>
      %dma_start3A_177 = arith.constant 0 : i32
      %dma_start3A_178 = tpu.memref_slice %arg10[%add3A_168, %dma_start3A_177] : memref<10240x64xf32, #tpu.memory_space<vmem_shared>> -> memref<160x64xf32, #tpu.memory_space<vmem_shared>>
      %dma_start3A_179 = arith.constant 0 : i32
      %dma_start3A_180 = tpu.memref_slice %arg10[%add3A_168, %dma_start3A_179] : memref<10240x64xf32, #tpu.memory_space<vmem_shared>> -> memref<160x64xf32, #tpu.memory_space<vmem_shared>>
      tpu.enqueue_dma source(%dma_start3A_180 : memref<160x64xf32, #tpu.memory_space<vmem_shared>>) target(%arg9 : memref<160x64xf32, #tpu.memory_space<vmem>>) target_semaphore(%run_scoped3A : memref<!tpu.dma_semaphore, #tpu.memory_space<semaphore_mem>>)
      %dma_wait3A_181 = arith.constant 0 : i32
      %dma_wait3A_182 = tpu.memref_slice %arg10[%add3A_168, %dma_wait3A_181] : memref<10240x64xf32, #tpu.memory_space<vmem_shared>> -> memref<160x64xf32, #tpu.memory_space<vmem_shared>>
      %dma_wait3A_183 = arith.constant 0 : i32
      %dma_wait3A_184 = tpu.memref_slice %arg10[%add3A_168, %dma_wait3A_183] : memref<10240x64xf32, #tpu.memory_space<vmem_shared>> -> memref<160x64xf32, #tpu.memory_space<vmem_shared>>
      tpu.wait_dma2 semaphore(%run_scoped3A : memref<!tpu.dma_semaphore, #tpu.memory_space<semaphore_mem>>) src(%dma_wait3A_184 : memref<160x64xf32, #tpu.memory_space<vmem_shared>>) dst(%arg9 : memref<160x64xf32, #tpu.memory_space<vmem>>)
      tpu.yield
    }) : () -> ()
    %mul3A_169 = arith.constant 64 : i32
    %mul3A_170 = arith.muli %arg0, %mul3A_169 : i32
    "tpu.region"() ({
      %run_scoped3A = tpu.sem_alloc : memref<!tpu.dma_semaphore, #tpu.memory_space<semaphore_mem>>
      %dma_start3A_177 = tpu.memref_slice %arg5[%add3A_168, %mul3A_170] : memref<10240x128xf32, #tpu.memory_space<hbm>> -> memref<160x64xf32, #tpu.memory_space<hbm>>
      %dma_start3A_178 = tpu.memref_slice %arg5[%add3A_168, %mul3A_170] : memref<10240x128xf32, #tpu.memory_space<hbm>> -> memref<160x64xf32, #tpu.memory_space<hbm>>
      tpu.enqueue_dma source(%arg9 : memref<160x64xf32, #tpu.memory_space<vmem>>) target(%dma_start3A_178 : memref<160x64xf32, #tpu.memory_space<hbm>>) target_semaphore(%run_scoped3A : memref<!tpu.dma_semaphore, #tpu.memory_space<semaphore_mem>>)
      %dma_wait3A_179 = tpu.memref_slice %arg5[%add3A_168, %mul3A_170] : memref<10240x128xf32, #tpu.memory_space<hbm>> -> memref<160x64xf32, #tpu.memory_space<hbm>>
      %dma_wait3A_180 = tpu.memref_slice %arg5[%add3A_168, %mul3A_170] : memref<10240x128xf32, #tpu.memory_space<hbm>> -> memref<160x64xf32, #tpu.memory_space<hbm>>
      tpu.wait_dma2 semaphore(%run_scoped3A : memref<!tpu.dma_semaphore, #tpu.memory_space<semaphore_mem>>) src(%arg9 : memref<160x64xf32, #tpu.memory_space<vmem>>) dst(%dma_wait3A_180 : memref<160x64xf32, #tpu.memory_space<hbm>>)
      tpu.yield
    }) : () -> ()
    %mul3A_171 = arith.constant 640 : i32
    %mul3A_172 = arith.muli %arg1, %mul3A_171 : i32
    %add3A_173 = arith.constant 480 : i32
    %add3A_174 = arith.addi %mul3A_172, %add3A_173 : i32
    "tpu.region"() ({
      %run_scoped3A = tpu.sem_alloc : memref<!tpu.dma_semaphore, #tpu.memory_space<semaphore_mem>>
      %dma_start3A_177 = arith.constant 0 : i32
      %dma_start3A_178 = tpu.memref_slice %arg10[%add3A_174, %dma_start3A_177] : memref<10240x64xf32, #tpu.memory_space<vmem_shared>> -> memref<160x64xf32, #tpu.memory_space<vmem_shared>>
      %dma_start3A_179 = arith.constant 0 : i32
      %dma_start3A_180 = tpu.memref_slice %arg10[%add3A_174, %dma_start3A_179] : memref<10240x64xf32, #tpu.memory_space<vmem_shared>> -> memref<160x64xf32, #tpu.memory_space<vmem_shared>>
      tpu.enqueue_dma source(%dma_start3A_180 : memref<160x64xf32, #tpu.memory_space<vmem_shared>>) target(%arg9 : memref<160x64xf32, #tpu.memory_space<vmem>>) target_semaphore(%run_scoped3A : memref<!tpu.dma_semaphore, #tpu.memory_space<semaphore_mem>>)
      %dma_wait3A_181 = arith.constant 0 : i32
      %dma_wait3A_182 = tpu.memref_slice %arg10[%add3A_174, %dma_wait3A_181] : memref<10240x64xf32, #tpu.memory_space<vmem_shared>> -> memref<160x64xf32, #tpu.memory_space<vmem_shared>>
      %dma_wait3A_183 = arith.constant 0 : i32
      %dma_wait3A_184 = tpu.memref_slice %arg10[%add3A_174, %dma_wait3A_183] : memref<10240x64xf32, #tpu.memory_space<vmem_shared>> -> memref<160x64xf32, #tpu.memory_space<vmem_shared>>
      tpu.wait_dma2 semaphore(%run_scoped3A : memref<!tpu.dma_semaphore, #tpu.memory_space<semaphore_mem>>) src(%dma_wait3A_184 : memref<160x64xf32, #tpu.memory_space<vmem_shared>>) dst(%arg9 : memref<160x64xf32, #tpu.memory_space<vmem>>)
      tpu.yield
    }) : () -> ()
    %mul3A_175 = arith.constant 64 : i32
    %mul3A_176 = arith.muli %arg0, %mul3A_175 : i32
    "tpu.region"() ({
      %run_scoped3A = tpu.sem_alloc : memref<!tpu.dma_semaphore, #tpu.memory_space<semaphore_mem>>
      %dma_start3A_177 = tpu.memref_slice %arg5[%add3A_174, %mul3A_176] : memref<10240x128xf32, #tpu.memory_space<hbm>> -> memref<160x64xf32, #tpu.memory_space<hbm>>
      %dma_start3A_178 = tpu.memref_slice %arg5[%add3A_174, %mul3A_176] : memref<10240x128xf32, #tpu.memory_space<hbm>> -> memref<160x64xf32, #tpu.memory_space<hbm>>
      tpu.enqueue_dma source(%arg9 : memref<160x64xf32, #tpu.memory_space<vmem>>) target(%dma_start3A_178 : memref<160x64xf32, #tpu.memory_space<hbm>>) target_semaphore(%run_scoped3A : memref<!tpu.dma_semaphore, #tpu.memory_space<semaphore_mem>>)
      %dma_wait3A_179 = tpu.memref_slice %arg5[%add3A_174, %mul3A_176] : memref<10240x128xf32, #tpu.memory_space<hbm>> -> memref<160x64xf32, #tpu.memory_space<hbm>>
      %dma_wait3A_180 = tpu.memref_slice %arg5[%add3A_174, %mul3A_176] : memref<10240x128xf32, #tpu.memory_space<hbm>> -> memref<160x64xf32, #tpu.memory_space<hbm>>
      tpu.wait_dma2 semaphore(%run_scoped3A : memref<!tpu.dma_semaphore, #tpu.memory_space<semaphore_mem>>) src(%arg9 : memref<160x64xf32, #tpu.memory_space<vmem>>) dst(%dma_wait3A_180 : memref<160x64xf32, #tpu.memory_space<hbm>>)
      tpu.yield
    }) : () -> ()
    return
  }
}

module attributes {stable_mosaic.version = 14 : i64} {
  func.func @_tcb_body(%arg0: i32, %arg1: memref<2048x128xf32, #tpu.memory_space<vmem>>, %arg2: memref<2048x128xf32, #tpu.memory_space<vmem>>, %arg3: memref<2048x1xf32, #tpu.memory_space<vmem>>, %arg4: memref<1x128xf32, #tpu.memory_space<vmem>>, %arg5: memref<1x128xf32, #tpu.memory_space<vmem>>, %arg6: memref<1x128xf32, #tpu.memory_space<vmem>>, %arg7: memref<128x128xf32, #tpu.memory_space<vmem>>, %arg8: memref<2048x128xf32, #tpu.memory_space<vmem>>) attributes {dimension_semantics = [#tpu.dimension_semantics<arbitrary>], iteration_bounds = array<i64: 5>, scalar_prefetch = 0 : i64, scratch_operands = 0 : i64, tpu.core_type = #tpu.core_type<tc>, window_params = [{transform_indices = @transform_0, window_bounds = array<i64: 2048, 128>}, {transform_indices = @transform_1, window_bounds = array<i64: 2048, 128>}, {transform_indices = @transform_2, window_bounds = array<i64: 2048, 1>}, {pipeline_mode = #tpu.pipeline_mode<synchronous>, transform_indices = @transform_3, window_bounds = array<i64: 1, 128>}, {pipeline_mode = #tpu.pipeline_mode<synchronous>, transform_indices = @transform_4, window_bounds = array<i64: 1, 128>}, {pipeline_mode = #tpu.pipeline_mode<synchronous>, transform_indices = @transform_5, window_bounds = array<i64: 1, 128>}, {pipeline_mode = #tpu.pipeline_mode<synchronous>, transform_indices = @transform_6, window_bounds = array<i64: 128, 128>}, {transform_indices = @transform_7, window_bounds = array<i64: 2048, 128>}]} {
    %get3A = arith.constant 0 : index
    %get3A_0 = arith.constant 0 : index
    %get3A_1 = vector.load %arg1[%get3A, %get3A_0] : memref<2048x128xf32, #tpu.memory_space<vmem>>, vector<2048x128xf32>
    %get3A_2 = arith.constant 0 : index
    %get3A_3 = arith.constant 0 : index
    %get3A_4 = vector.load %arg2[%get3A_2, %get3A_3] : memref<2048x128xf32, #tpu.memory_space<vmem>>, vector<2048x128xf32>
    %add3A = arith.addf %get3A_1, %get3A_4 : vector<2048x128xf32>
    %get3A_5 = arith.constant 0 : index
    %get3A_6 = arith.constant 0 : index
    %get3A_7 = vector.load %arg3[%get3A_5, %get3A_6] : memref<2048x1xf32, #tpu.memory_space<vmem>>, vector<2048x1xf32>
    %mul3A = vector.broadcast %get3A_7 : vector<2048x1xf32> to vector<2048x128xf32>
    %mul3A_8 = arith.mulf %add3A, %mul3A : vector<2048x128xf32>
    %get3A_9 = arith.constant 0 : index
    %get3A_10 = arith.constant 0 : index
    %get3A_11 = vector.load %arg4[%get3A_9, %get3A_10] : memref<1x128xf32, #tpu.memory_space<vmem>>, vector<1x128xf32>
    %add3A_12 = vector.broadcast %get3A_11 : vector<1x128xf32> to vector<2048x128xf32>
    %add3A_13 = arith.addf %mul3A_8, %add3A_12 : vector<2048x128xf32>
    %max3A = arith.constant 0.000000e+00 : f32
    %max3A_14 = vector.broadcast %max3A : f32 to vector<2048x128xf32>
    %max3A_15 = arith.maximumf %add3A_13, %max3A_14 : vector<2048x128xf32>
    %get3A_16 = arith.constant 0 : index
    %get3A_17 = arith.constant 0 : index
    %get3A_18 = vector.load %arg5[%get3A_16, %get3A_17] : memref<1x128xf32, #tpu.memory_space<vmem>>, vector<1x128xf32>
    %mul3A_19 = vector.broadcast %get3A_18 : vector<1x128xf32> to vector<2048x128xf32>
    %mul3A_20 = arith.mulf %max3A_15, %mul3A_19 : vector<2048x128xf32>
    %get3A_21 = arith.constant 0 : index
    %get3A_22 = arith.constant 0 : index
    %get3A_23 = vector.load %arg6[%get3A_21, %get3A_22] : memref<1x128xf32, #tpu.memory_space<vmem>>, vector<1x128xf32>
    %add3A_24 = vector.broadcast %get3A_23 : vector<1x128xf32> to vector<2048x128xf32>
    %add3A_25 = arith.addf %mul3A_20, %add3A_24 : vector<2048x128xf32>
    %get3A_26 = arith.constant 0 : index
    %get3A_27 = arith.constant 0 : index
    %get3A_28 = vector.load %arg7[%get3A_26, %get3A_27] : memref<128x128xf32, #tpu.memory_space<vmem>>, vector<128x128xf32>
    %dot_general3A = arith.constant dense<0.000000e+00> : vector<2048x128xf32>
    %dot_general3A_29 = tpu.matmul %add3A_25, %get3A_28, %dot_general3A {dimension_numbers = #tpu.dot_dimension_numbers<[1], [0], [0], [1], [0, 0, 1, 1], [], []>, transpose_lhs_hint = false} : vector<2048x128xf32>, vector<128x128xf32>, vector<2048x128xf32> -> vector<2048x128xf32>
    %mul3A_30 = vector.broadcast %get3A_7 : vector<2048x1xf32> to vector<2048x128xf32>
    %mul3A_31 = arith.mulf %dot_general3A_29, %mul3A_30 : vector<2048x128xf32>
    %swap3A = arith.constant 0 : index
    %swap3A_32 = arith.constant 0 : index
    %swap3A_33 = vector.load %arg8[%swap3A, %swap3A_32] : memref<2048x128xf32, #tpu.memory_space<vmem>>, vector<2048x128xf32>
    tpu.vector_store %arg8[%swap3A, %swap3A_32], %mul3A_31 {strides = array<i32>} : memref<2048x128xf32, #tpu.memory_space<vmem>>, vector<2048x128xf32>,
    return
  }
  func.func @transform_0(%arg0: i32) -> (i32, i32) {
    %c0_i32 = arith.constant 0 : i32
    %c0_i32_0 = arith.constant 0 : i32
    return %arg0, %c0_i32 : i32, i32
  }
  func.func @transform_1(%arg0: i32) -> (i32, i32) {
    %c0_i32 = arith.constant 0 : i32
    %c0_i32_0 = arith.constant 0 : i32
    return %arg0, %c0_i32 : i32, i32
  }
  func.func @transform_2(%arg0: i32) -> (i32, i32) {
    %c0_i32 = arith.constant 0 : i32
    %c0_i32_0 = arith.constant 0 : i32
    return %arg0, %c0_i32 : i32, i32
  }
  func.func @transform_3(%arg0: i32) -> (i32, i32) {
    %c0_i32 = arith.constant 0 : i32
    %c0_i32_0 = arith.constant 0 : i32
    %c0_i32_1 = arith.constant 0 : i32
    return %c0_i32, %c0_i32_0 : i32, i32
  }
  func.func @transform_4(%arg0: i32) -> (i32, i32) {
    %c0_i32 = arith.constant 0 : i32
    %c0_i32_0 = arith.constant 0 : i32
    %c0_i32_1 = arith.constant 0 : i32
    return %c0_i32, %c0_i32_0 : i32, i32
  }
  func.func @transform_5(%arg0: i32) -> (i32, i32) {
    %c0_i32 = arith.constant 0 : i32
    %c0_i32_0 = arith.constant 0 : i32
    %c0_i32_1 = arith.constant 0 : i32
    return %c0_i32, %c0_i32_0 : i32, i32
  }
  func.func @transform_6(%arg0: i32) -> (i32, i32) {
    %c0_i32 = arith.constant 0 : i32
    %c0_i32_0 = arith.constant 0 : i32
    %c0_i32_1 = arith.constant 0 : i32
    return %c0_i32, %c0_i32_0 : i32, i32
  }
  func.func @transform_7(%arg0: i32) -> (i32, i32) {
    %c0_i32 = arith.constant 0 : i32
    %c0_i32_0 = arith.constant 0 : i32
    return %arg0, %c0_i32 : i32, i32
  }
}

module attributes {stable_mosaic.version = 14 : i64} {
  func.func @_tca_body(%arg0: i32, %arg1: memref<2x2048x128xf32, #tpu.memory_space<vmem>>, %arg2: memref<2048x128xf32, #tpu.memory_space<vmem>>, %arg3: memref<128x128xf32, #tpu.memory_space<vmem>>, %arg4: memref<2048x1xf32, #tpu.memory_space<vmem>>, %arg5: memref<2048x128xf32, #tpu.memory_space<vmem>>) attributes {dimension_semantics = [#tpu.dimension_semantics<arbitrary>], iteration_bounds = array<i64: 5>, scalar_prefetch = 0 : i64, scratch_operands = 0 : i64, tpu.core_type = #tpu.core_type<tc>, window_params = [{transform_indices = @transform_0, window_bounds = array<i64: 2, 2048, 128>}, {transform_indices = @transform_1, window_bounds = array<i64: 2048, 128>}, {pipeline_mode = #tpu.pipeline_mode<synchronous>, transform_indices = @transform_2, window_bounds = array<i64: 128, 128>}, {transform_indices = @transform_3, window_bounds = array<i64: 2048, 1>}, {transform_indices = @transform_4, window_bounds = array<i64: 2048, 128>}]} {
    %get3A = arith.constant 0 : index
    %get3A_0 = arith.constant 0 : index
    %get3A_1 = arith.constant 0 : index
    %get3A_2 = vector.load %arg1[%get3A, %get3A_0, %get3A_1] : memref<2x2048x128xf32, #tpu.memory_space<vmem>>, vector<1x2048x1xf32>
    %get3A_3 = vector.shape_cast %get3A_2 : vector<1x2048x1xf32> to vector<2048x1xf32>
    %get3A_4 = arith.constant 1 : index
    %get3A_5 = arith.constant 0 : index
    %get3A_6 = arith.constant 0 : index
    %get3A_7 = vector.load %arg1[%get3A_4, %get3A_5, %get3A_6] : memref<2x2048x128xf32, #tpu.memory_space<vmem>>, vector<1x2048x1xf32>
    %get3A_8 = vector.shape_cast %get3A_7 : vector<1x2048x1xf32> to vector<2048x1xf32>
    %add3A = arith.addf %get3A_3, %get3A_8 : vector<2048x1xf32>
    %add3A_9 = arith.constant 1.000000e+00 : f32
    %add3A_10 = vector.broadcast %add3A_9 : f32 to vector<2048x1xf32>
    %add3A_11 = arith.addf %add3A, %add3A_10 : vector<2048x1xf32>
    %rsqrt3A = math.rsqrt %add3A_11 : vector<2048x1xf32>
    %get3A_12 = arith.constant 0 : index
    %get3A_13 = arith.constant 0 : index
    %get3A_14 = vector.load %arg2[%get3A_12, %get3A_13] : memref<2048x128xf32, #tpu.memory_space<vmem>>, vector<2048x128xf32>
    %get3A_15 = arith.constant 0 : index
    %get3A_16 = arith.constant 0 : index
    %get3A_17 = vector.load %arg3[%get3A_15, %get3A_16] : memref<128x128xf32, #tpu.memory_space<vmem>>, vector<128x128xf32>
    %dot_general3A = arith.constant dense<0.000000e+00> : vector<2048x128xf32>
    %dot_general3A_18 = tpu.matmul %get3A_14, %get3A_17, %dot_general3A {dimension_numbers = #tpu.dot_dimension_numbers<[1], [0], [0], [1], [0, 0, 1, 1], [], []>, transpose_lhs_hint = false} : vector<2048x128xf32>, vector<128x128xf32>, vector<2048x128xf32> -> vector<2048x128xf32>
    %swap3A = arith.constant 0 : index
    %swap3A_19 = arith.constant 0 : index
    %swap3A_20 = vector.load %arg4[%swap3A, %swap3A_19] : memref<2048x1xf32, #tpu.memory_space<vmem>>, vector<2048x1xf32>
    tpu.vector_store %arg4[%swap3A, %swap3A_19], %rsqrt3A {strides = array<i32>} : memref<2048x1xf32, #tpu.memory_space<vmem>>, vector<2048x1xf32>,
    %mul3A = vector.broadcast %rsqrt3A : vector<2048x1xf32> to vector<2048x128xf32>
    %mul3A_21 = arith.mulf %dot_general3A_18, %mul3A : vector<2048x128xf32>
    %swap3A_22 = arith.constant 0 : index
    %swap3A_23 = arith.constant 0 : index
    %swap3A_24 = vector.load %arg5[%swap3A_22, %swap3A_23] : memref<2048x128xf32, #tpu.memory_space<vmem>>, vector<2048x128xf32>
    tpu.vector_store %arg5[%swap3A_22, %swap3A_23], %mul3A_21 {strides = array<i32>} : memref<2048x128xf32, #tpu.memory_space<vmem>>, vector<2048x128xf32>,
    return
  }
  func.func @transform_0(%arg0: i32) -> (i32, i32, i32) {
    %c0_i32 = arith.constant 0 : i32
    %c0_i32_0 = arith.constant 0 : i32
    %c0_i32_1 = arith.constant 0 : i32
    return %c0_i32, %arg0, %c0_i32_0 : i32, i32, i32
  }
  func.func @transform_1(%arg0: i32) -> (i32, i32) {
    %c0_i32 = arith.constant 0 : i32
    %c0_i32_0 = arith.constant 0 : i32
    return %arg0, %c0_i32 : i32, i32
  }
  func.func @transform_2(%arg0: i32) -> (i32, i32) {
    %c0_i32 = arith.constant 0 : i32
    %c0_i32_0 = arith.constant 0 : i32
    %c0_i32_1 = arith.constant 0 : i32
    return %c0_i32, %c0_i32_0 : i32, i32
  }
  func.func @transform_3(%arg0: i32) -> (i32, i32) {
    %c0_i32 = arith.constant 0 : i32
    %c0_i32_0 = arith.constant 0 : i32
    return %arg0, %c0_i32 : i32, i32
  }
  func.func @transform_4(%arg0: i32) -> (i32, i32) {
    %c0_i32 = arith.constant 0 : i32
    %c0_i32_0 = arith.constant 0 : i32
    return %arg0, %c0_i32 : i32, i32
  }
}

module attributes {stable_mosaic.version = 14 : i64} {
  func.func @_tcc_body(%arg0: i32, %arg1: memref<2048x128xf32, #tpu.memory_space<vmem>>, %arg2: memref<2048x128xf32, #tpu.memory_space<vmem>>, %arg3: memref<2048x1xf32, #tpu.memory_space<vmem>>, %arg4: memref<1x128xf32, #tpu.memory_space<vmem>>, %arg5: memref<2048x128xf32, #tpu.memory_space<vmem>>) attributes {dimension_semantics = [#tpu.dimension_semantics<arbitrary>], iteration_bounds = array<i64: 5>, scalar_prefetch = 0 : i64, scratch_operands = 0 : i64, tpu.core_type = #tpu.core_type<tc>, window_params = [{transform_indices = @transform_0, window_bounds = array<i64: 2048, 128>}, {transform_indices = @transform_1, window_bounds = array<i64: 2048, 128>}, {transform_indices = @transform_2, window_bounds = array<i64: 2048, 1>}, {pipeline_mode = #tpu.pipeline_mode<synchronous>, transform_indices = @transform_3, window_bounds = array<i64: 1, 128>}, {transform_indices = @transform_4, window_bounds = array<i64: 2048, 128>}]} {
    %get3A = arith.constant 0 : index
    %get3A_0 = arith.constant 0 : index
    %get3A_1 = vector.load %arg1[%get3A, %get3A_0] : memref<2048x128xf32, #tpu.memory_space<vmem>>, vector<2048x128xf32>
    %get3A_2 = arith.constant 0 : index
    %get3A_3 = arith.constant 0 : index
    %get3A_4 = vector.load %arg2[%get3A_2, %get3A_3] : memref<2048x128xf32, #tpu.memory_space<vmem>>, vector<2048x128xf32>
    %add3A = arith.addf %get3A_1, %get3A_4 : vector<2048x128xf32>
    %get3A_5 = arith.constant 0 : index
    %get3A_6 = arith.constant 0 : index
    %get3A_7 = vector.load %arg3[%get3A_5, %get3A_6] : memref<2048x1xf32, #tpu.memory_space<vmem>>, vector<2048x1xf32>
    %mul3A = vector.broadcast %get3A_7 : vector<2048x1xf32> to vector<2048x128xf32>
    %mul3A_8 = arith.mulf %add3A, %mul3A : vector<2048x128xf32>
    %get3A_9 = arith.constant 0 : index
    %get3A_10 = arith.constant 0 : index
    %get3A_11 = vector.load %arg4[%get3A_9, %get3A_10] : memref<1x128xf32, #tpu.memory_space<vmem>>, vector<1x128xf32>
    %add3A_12 = vector.broadcast %get3A_11 : vector<1x128xf32> to vector<2048x128xf32>
    %add3A_13 = arith.addf %mul3A_8, %add3A_12 : vector<2048x128xf32>
    %max3A = arith.constant 0.000000e+00 : f32
    %max3A_14 = vector.broadcast %max3A : f32 to vector<2048x128xf32>
    %max3A_15 = arith.maximumf %add3A_13, %max3A_14 : vector<2048x128xf32>
    %swap3A = arith.constant 0 : index
    %swap3A_16 = arith.constant 0 : index
    %swap3A_17 = vector.load %arg5[%swap3A, %swap3A_16] : memref<2048x128xf32, #tpu.memory_space<vmem>>, vector<2048x128xf32>
    tpu.vector_store %arg5[%swap3A, %swap3A_16], %max3A_15 {strides = array<i32>} : memref<2048x128xf32, #tpu.memory_space<vmem>>, vector<2048x128xf32>,
    return
  }
  func.func @transform_0(%arg0: i32) -> (i32, i32) {
    %c0_i32 = arith.constant 0 : i32
    %c0_i32_0 = arith.constant 0 : i32
    return %arg0, %c0_i32 : i32, i32
  }
  func.func @transform_1(%arg0: i32) -> (i32, i32) {
    %c0_i32 = arith.constant 0 : i32
    %c0_i32_0 = arith.constant 0 : i32
    return %arg0, %c0_i32 : i32, i32
  }
  func.func @transform_2(%arg0: i32) -> (i32, i32) {
    %c0_i32 = arith.constant 0 : i32
    %c0_i32_0 = arith.constant 0 : i32
    return %arg0, %c0_i32 : i32, i32
  }
  func.func @transform_3(%arg0: i32) -> (i32, i32) {
    %c0_i32 = arith.constant 0 : i32
    %c0_i32_0 = arith.constant 0 : i32
    %c0_i32_1 = arith.constant 0 : i32
    return %c0_i32, %c0_i32_0 : i32, i32
  }
  func.func @transform_4(%arg0: i32) -> (i32, i32) {
    %c0_i32 = arith.constant 0 : i32
    %c0_i32_0 = arith.constant 0 : i32
    return %arg0, %c0_i32 : i32, i32
  }
}

</mosaic_0001>

<sc_bundles>
// kernel: kernel.11.cloned.1.call-start
scs
__scs_entry_jumppad:
0x0: {  	(pc) =	sbr.rel $0x88, $3  }
0x1: {  	(tag) =	ssettag $0x0;
	lr =	simm.s32 $0x1  }
0x2: {  	[smem:$0x3F97] =	sst lr;
	_ =	strace $0xD0000000  }
0x3: {  	_ = 	snop  }
0x4: {  	_ = 	snop  }
0x5: {  	_ = 	snop  }
0x6: {  	_ = 	snop  }
0x7: {  	_ = 	snop  }
__scs_overlays_trampoline_lowered:
0x8: {  	[smem:$0x3FA6] =	sst s0  }
0x9: {  	[smem:$0x3FA7] =	sst s1  }
0xa: {  	[smem:$0x3FA8] =	sst s2  }
0xb: {  	[smem:$0x3FA9] =	sst s3  }
0xc: {  	[smem:$0x3FAA] =	sst s4  }
0xd: {  	[smem:$0x3FAB] =	sst s5  }
0xe: {  	[smem:$0x3FAC] =	sst s6  }
0xf: {  	[smem:$0x3FAD] =	sst s7  }
0x10: {  	[smem:$0x3FAE] =	sst s8  }
0x11: {  	[smem:$0x3FAF] =	sst s9;
	s0 =	simm.s32 @!p0 $0x0  }
0x12: {  	s1 =	sld [smem:$0x3F95];
	s0 =	simm.s32 @p0 $0x1  }
0x13: {  	[smem:$0x3FB0] =	sst s0;
	s0 =	simm.s32 @!p1 $0x0  }
0x14: {  	s2 =	sld [smem:$0x3F94];
	s0 =	simm.s32 @p1 $0x1  }
0x15: {  	[smem:$0x3FB1] =	sst s0;
	s0 =	simm.s32 @!p2 $0x0  }
0x16: {  	s3 =	sld [smem:$0x3FDB];
	s0 =	simm.s32 @p2 $0x1  }
0x17: {  	s4 =	simm.s32 $0x1BF5;
	[smem:$0x3FB3] =	sst s0  }
0x18: {  	s0 =	sld [smem:$0x3F96];
	_ =	swait.ge [sflag:s4], $0x0  }
0x19: {  	s7 =	sld [smem:$0x3F97]  }
0x1a: {  	s8 =	sadd.s32 $0xFFFFE003, lr  }
0x1b: {  	s9 =	sadd.s32 $0xFFFFFEF7, lr;
	s5 =	simm.s32 $0xFFFFFFFF;
	p2 =	slt.u32 s8, $0xFFFFF086  }
0x1c: {  	p1 =	slt.u32 s9, $0xF7A;
	s5 =	simm.s32 @!p2 $0x0  }
0x1d: {  	s5 =	simm.s32 @p1 $0x1;
	p0 =	seq.s32 s7, s2  }
0x1e: {  	s7 =	smul.u32 @!p0 $0xF7A, s2;
	p2 =	seq.s32 @!p0 s5, $0x0  }
0x1f: {  	s9 =	smul.u32 $0xF7A, s1;
	s8 =	simm.s32 @!p0 $0x1BF5;
	p2 =	por !p2, p0  }
0x20: {  	[sflag:s8] =	ssyncset.s32 @!p0 $0xFFFFF086;
	s6 =	sadd.s32 @!p0 s3, s7;
	s7 =	simm.s32 @!p0 $0x108  }
0x21: {  	s3 =	sadd.s32 s3, s9;
	s6 =	sadd.s32 @!p0 $0x88, s6;
	s7 =	simm.s32 @p2 $0x1082  }
0x22: {  	[simem:s7], [sflag:s8] =	dma.local @!p0 [hbm:s6], $0xF7A  }
0x23: {  	s9 =	sor.u32 $0xD0000000, s2;
	s6 =	simm.s32 $0x108;
	_ =	swait.ge @!p0 [sflag:s8], $0x0  }
0x24: {  	s3 =	sadd.s32 $0x88, s3;
	s6 =	simm.s32 @!p1 $0x1082;
	[sflag:s4] =	ssyncset.s32 $0xFFFFF086  }
0x25: {  	[simem:s6], [sflag:s4] =	dma.local [hbm:s3], $0xF7A  }
0x26: {  	[smem:$0x3F97] =	sst s1;
	(tag) =	ssettag s2;
	_ =	strace s9  }
0x27: {  	s1 =	sld [smem:$0x3FA7]  }
0x28: {  	s2 =	sld [smem:$0x3FA8]  }
0x29: {  	s4 =	sld [smem:$0x3FAA]  }
0x2a: {  	p0 =	seq.s32 s5, $0x0;
	s5 =	sld [smem:$0x3FAB]  }
0x2b: {  	s6 =	sld [smem:$0x3FAC]  }
0x2c: {  	s7 =	sld [smem:$0x3FAD]  }
0x2d: {  	s3 =	simm.s32 $0x108;
	s8 =	sld [smem:$0x3FAE]  }
0x2e: {  	s3 =	simm.s32 @!p0 $0x1082;
	s9 =	sld [smem:$0x3FAF]  }
0x2f: {  	lr =	sadd.s32 s0, s3;
	s0 =	sld [smem:$0x3FA6]  }
0x30: {  	s3 =	sld [smem:$0x3FA9]  }
0x31: {  	[smem:$0x3FB2] =	sst s10  }
0x32: {  	s10 =	sld [smem:$0x3FB0];
	_ =	sdelay $0x3  }
0x33: {  	p0 =	seq.s32 s10, $0x1;
	s10 =	sld [smem:$0x3FB2];
	_ =	sdelay $0x3  }
0x34: {  	[smem:$0x3FB2] =	sst s10  }
0x35: {  	s10 =	sld [smem:$0x3FB1];
	_ =	sdelay $0x3  }
0x36: {  	p1 =	seq.s32 s10, $0x1;
	s10 =	sld [smem:$0x3FB2];
	_ =	sdelay $0x3  }
0x37: {  	[smem:$0x3FB2] =	sst s10  }
0x38: {  	s10 =	sld [smem:$0x3FB3]  }
0x39: {  	_ = 	snop;
	(pc) =	sbr.ind lr, $3  }
0x3a: {  	_ = 	snop  }
0x3b: {  	_ = 	snop  }
0x3c: {  	p2 =	seq.s32 s10, $0x1;
	s10 =	sld [smem:$0x3FB2]  }
0x3d: {  	_ =	shalt  }
0x3e: {  	_ =	shalt  }
0x3f: {  	_ =	shalt  }
0x40: {  	_ =	shalt  }
0x41: {  	_ =	shalt  }
0x42: {  	_ =	shalt  }
0x43: {  	_ =	shalt  }
0x44: {  	_ =	shalt  }
0x45: {  	_ =	shalt  }
0x46: {  	_ =	shalt  }
0x47: {  	_ =	shalt  }
0x48: {  	_ =	shalt  }
0x49: {  	_ =	shalt  }
0x4a: {  	_ =	shalt  }
0x4b: {  	_ =	shalt  }
0x4c: {  	_ =	shalt  }
0x4d: {  	_ =	shalt  }
0x4e: {  	_ =	shalt  }
0x4f: {  	_ =	shalt  }
0x50: {  	_ =	shalt  }
0x51: {  	_ =	shalt  }
0x52: {  	_ =	shalt  }
0x53: {  	_ =	shalt  }
0x54: {  	_ =	shalt  }
0x55: {  	_ =	shalt  }
0x56: {  	_ =	shalt  }
0x57: {  	_ =	shalt  }
0x58: {  	_ =	shalt  }
0x59: {  	_ =	shalt  }
0x5a: {  	_ =	shalt  }
0x5b: {  	_ =	shalt  }
0x5c: {  	_ =	shalt  }
0x5d: {  	_ =	shalt  }
0x5e: {  	_ =	shalt  }
0x5f: {  	_ =	shalt  }
0x60: {  	_ =	shalt  }
0x61: {  	_ =	shalt  }
0x62: {  	_ =	shalt  }
0x63: {  	_ =	shalt  }
0x64: {  	_ =	shalt  }
0x65: {  	_ =	shalt  }
0x66: {  	_ =	shalt  }
0x67: {  	_ =	shalt  }
0x68: {  	_ =	shalt  }
0x69: {  	_ =	shalt  }
0x6a: {  	_ =	shalt  }
0x6b: {  	_ =	shalt  }
0x6c: {  	_ =	shalt  }
0x6d: {  	_ =	shalt  }
0x6e: {  	_ =	shalt  }
0x6f: {  	_ =	shalt  }
0x70: {  	_ =	shalt  }
0x71: {  	_ =	shalt  }
0x72: {  	_ =	shalt  }
0x73: {  	_ =	shalt  }
0x74: {  	_ =	shalt  }
0x75: {  	_ =	shalt  }
0x76: {  	_ =	shalt  }
0x77: {  	_ =	shalt  }
0x78: {  	_ =	shalt  }
0x79: {  	_ =	shalt  }
0x7a: {  	_ =	shalt  }
0x7b: {  	_ =	shalt  }
0x7c: {  	_ =	shalt  }
0x7d: {  	_ =	shalt  }
0x7e: {  	_ =	shalt  }
0x7f: {  	_ =	shalt  }
0x80: {  	_ =	shalt  }
0x81: {  	_ =	shalt  }
0x82: {  	_ =	shalt  }
0x83: {  	_ =	shalt  }
0x84: {  	_ =	shalt  }
0x85: {  	_ =	shalt  }
0x86: {  	_ =	shalt  }
0x87: {  	_ =	shalt  }
.Lfunc_end0:
.L_simem_size_0:
called_computation.1_lowered:
.L_overlay_start_0:
0x88: {  	s2 =	sld [smem:$0x3FD9]  }
0x89: {  	s3 =	sld [smem:$0x3FFE];
	_ =	sdelay $0x1  }
0x8a: {  	s1 =	srdreg.scid  }
0x8b: {  	s0 =	sand.u32 $0x1, s1  }
0x8c: {  	s17 =	sshll.u32 s0, $0xA;
	s2 =	sadd.s32 s3, s2  }
0x8d: {  	s2 =	sadd.s32 s2, s17  }
0x8e: {  	[smem:$0x3FBE] =	sst s2  }
0x8f: {  	_ = 	snop  }
0x90: {  	s2 =	sld [smem:$0x3FD0];
	(tm) =	ssettm $0x1  }
0x91: {  	s18 =	sld [smem:$0x3FFB];
	_ =	sdelay $0x3  }
0x92: {  	_ =	strace s18  }
0x93: {  	s3 =	sld [smem:$0x3FFC];
	_ =	sdelay $0x3  }
0x94: {  	_ =	strace s3  }
0x95: {  	s3 =	sld [smem:$0x3FFD];
	_ =	sdelay $0x3  }
0x96: {  	_ =	strace s3  }
0x97: {  	_ =	strace $0x8FFFFFFF  }
0x98: {  	s19 =	sld [smem:$0x3FDB];
	_ =	sdelay $0x1  }
0x99: {  	s4 =	simm.s32 $_scs_section_size  }
0x9a: {  	s5 =	simm.s32 $_size__tile_overlayer_lowered;
	s6 =	simm.s32 $_tile_overlayer_lowered  }
0x9b: {  	s22 =	simm.s32 $0x1BFF;
	s21 =	sshll.u32 s6, $0x1;
	s3 =	sadd.s32 s4, s19  }
0x9c: {  	s7 =	simm.s32 $0x0;
	s20 =	sshll.u32 s5, $0x1;
	s5 =	sadd.s32 s21, s3  }
0x9d: {  	[timem:s7], [sflag:s22] =	dma.local [hbm:s5], s20  }
0x9e: {  	_ =	swait.ge [sflag:s22], s20  }
0x9f: {  	s4 =	ssub.s32 $0x0, s20;
	[sflag:s22] =	ssyncset.done $0x0  }
0xa0: {  	[sflag:s22] =	ssyncadd.s32 s4;
	_ =	sdelay $0x1  }
0xa1: {  	s23 =	simm.s32 $0x1B8B  }
0xa2: {  	_ =	swait.ge [sflag:s23], $0x1  }
0xa3: {  	[sflag:s23] =	ssyncset.done $0x0  }
0xa4: {  	s25 =	simm.s32 $0x1B8E;
	s24 =	sld [smem:$0x3FFE];
	[sflag:s23] =	ssyncadd.s32 $0xFFFFFFFF  }
0xa5: {  	s26 =	simm.s32 $execute0_lowered;
	[smem:$0x3FD2] =	sst s25  }
0xa6: {  	s5 =	sshll.u32 s26, $0x1;
	_ =	strace $0x80000049;
	[dreg:$0x1] =	wrdreg $0xFFFFFFFF  }
0xa7: {  	s28 =	simm.s32 $_size_execute0_lowered;
	s3 =	sadd.s32 s3, s5;
	[dreg:$0x0] =	wrdreg $0x0  }
0xa8: {  	s5 =	sshll.u32 s28, $0x1;
	[dreg:$0x2] =	wrdreg s3  }
0xa9: {  	[dreg:$0x3] =	wrdreg s5  }
0xaa: {  	[dreg:$0x4] =	wrdreg $0xC0  }
0xab: {  	_ =	task [dreg:s7], $0x5FFFF  }
0xac: {  	[dreg:$0x1] =	wrdreg $0xFFFFFFFF  }
0xad: {  	[dreg:$0x0] =	wrdreg $0x60  }
0xae: {  	[dreg:$0x2] =	wrdreg s24  }
0xaf: {  	[dreg:$0x3] =	wrdreg s2  }
0xb0: {  	[dreg:$0x4] =	wrdreg $0x128400  }
0xb1: {  	[dreg:$0x5] =	wrdreg $0x9  }
0xb2: {  	_ =	task.clear_ibuf [dreg:s7], $0x6FFFF;
	_ =	strace $0x90000049  }
0xb3: {  	s29 =	simm.s32 $0x9;
	_ =	strace $0x8000004B  }
0xb4: {  	_ =	swait.ge [sflag:s29], $0x1  }
0xb5: {  	[sflag:s29] =	ssyncadd.s32 $0xFFFFFFFF  }
0xb6: {  	_ =	strace $0x9000004B  }
0xb7: {  	_ =	sfence  }
0xb8: {  	s30 =	sld [smem:$0x0];
	_ =	sdelay $0x2  }
0xb9: {  	s31 =	sshll.u32 s1, $0xD;
	s1 =	sshrl.u32 s1, $0x2  }
0xba: {  	s3 =	sand.u32 $0x4000, s31;
	s1 =	sadd.s32 s1, s30  }
0xbb: {  	s0 =	sor.u32 s3, s0;
	s1 =	sshll.u32 s1, $0x11  }
0xbc: {  	s0 =	sor.u32 s1, s0  }
0xbd: {  	s0 =	sadd.s32 $0x8F2B, s0  }
0xbe: {  	[sflag:s0] =	ssyncadd.remote.s32 $0x1  }
0xbf: {  	_ =	sfence.sel $0xFFFF  }
0xc0: {  	[dreg:$0x0] =	wrdreg $0xFFFFFFFF;
	(pc) =	sbr.abs _section_cstart, $3  }
0xc1: {  	[dreg:$0x1] =	wrdreg $0xFFFFFFFF  }
0xc2: {  	_ =	task.clear_ibuf [dreg:s7], $0x2FFFF;
	_ =	strace $0x9FFFFFFF  }
0xc3: {  	(tm) =	ssettm $0x7FFFFFFF  }
tec
execute0_lowered:
.L_overlay_start_1:
0x0: {  	(tag) =	ssettag $0x1  }
0x1: {  	s0 =	rddreg [dreg:$0x0]  }
0x2: {  	s1 =	rddreg [dreg:$0x1]  }
0x3: {  	s2 =	rddreg [dreg:$0x2]  }
0x4: {  	s3 =	simm.s32 $0x0;
	s12 =	stileid.u32;
	s4 =	srdreg.scid  }
0x5: {  	s28 =	simm.s32 $0x10040;
	s29 =	simm.s32 $0x1;
	s26 =	smul.u32 $0x9C4, s12  }
0x6: {  	s30 =	simm.s32 $0x2;
	s31 =	simm.s32 $0x8;
	s9 =	smul.u32 $0x280, s12  }
0x7: {  	[smem:$0x7FF] =	sst s3;
	s6 =	sand.u32 $0x1, s4;
	s10 =	smul.u32 $0x28000, s12  }
0x8: {  	s4 =	sadd.s32 $0x2800, s0;
	s17 =	smul.u32 $0x14000, s12;
	s12 =	simm.s32 $0x0  }
0x9: {  	_ =	strace $0x8000004A;
	s7 =	ssub.s32 $0x2, s6;
	s19 =	sshll.u32 s6, $0x6  }
0xa: {  	v0 =	vmov s6;
	s6 =	simm.s32 $0x40;
	s5 =	sadd.s32 s26, s0;
	s8 =	sshrl.u32 s7, $0x1  }
0xb: {  	s0 =	sadd.s32 $0x2A800, s0;
	s1 =	sadd.s32 s1, s26;
	s13 =	sshrl.u32 s10, $0x2  }
0xc: {  	s14 =	sadd.s32 $0xA0, s9;
	s18 =	sadd.s32 $0x140, s9;
	s11 =	ssub.s32 s7, s8  }
0xd: {  	s5 =	sadd.s32 $0x52800, s5;
	[dreg:$0x5] =	wrdreg s1;
	s15 =	sadd.s32 s13, s2  }
0xe: {  	s16 =	sshll.u32 s14, $0x6;
	s20 =	sshll.u32 s18, $0x6;
	s13 =	sadd.s32 $0x1E0, s9  }
0xf: {  	s3 =	sshll.u32 s14, $0x7;
	s1 =	sshll.u32 s18, $0x7;
	s18 =	simm.s32 $0x50  }
0x10: {  	[dreg:$0x4] =	wrdreg s5;
	s21 =	sadd.s32 s16, s2;
	s5 =	sor.u32 s19, s17  }
0x11: {  	s22 =	sadd.s32 s20, s2;
	s23 =	sshll.u32 s13, $0x6;
	s3 =	sor.u32 s19, s3  }
0x12: {  	s24 =	sshll.u32 s13, $0x7;
	s1 =	sor.u32 s19, s1;
	s26 =	smax.u32 s11, $0x1  }
0x13: {  	s16 =	simm.s32 $0xB;
	s20 =	simm.s32 $0xB040;
	s11 =	simm.s32 $0x80  }
0x14: {  	[dreg:$0x6] =	wrdreg s22;
	s5 =	sshrl.u32 s5, $0x3;
	s10 =	sadd.s32 s23, s2  }
0x15: {  	s3 =	sshrl.u32 s3, $0x3;
	s1 =	sshrl.u32 s1, $0x3;
	[dreg:$0xb] =	wrdreg s26  }
0x16: {  	s22 =	simm.s32 $0xC440;
	s26 =	simm.s32 $0xEC40;
	s5 =	sadd.s32 s0, s5  }
0x17: {  	s23 =	simm.s32 $0x5;
	s3 =	sadd.s32 s0, s3;
	[dreg:$0x7] =	wrdreg s5  }
.Ltmp0:
0x18: {  	s1 =	sadd.s32 s0, s1;
	[dreg:$0x8] =	wrdreg s3;
	(pc) =	sbr.rel .LBB2_1-.Ltmp0, $4  }
0x19: {  	s5 =	sor.u32 s19, s24;
	[dreg:$0x9] =	wrdreg s1;
	s19 =	simm.s32 $0x9C40  }
0x1a: {  	s24 =	simm.s32 $0xD840;
	s1 =	simm.s32 $0x4;
	s25 =	sshrl.u32 s5, $0x3  }
0x1b: {  	s3 =	simm.s32 $0x9;
	s5 =	simm.s32 $0xA;
	s0 =	sadd.s32 s0, s25  }
0x1c: {  	v1 =	vimm.f32 $0.0e+00;
	s25 =	simm.s32 $0x7;
	[dreg:$0xa] =	wrdreg s0;
	s0 =	simm.s32 $0x6  }
.LBB2_8:
0x1d: {  	_ =	swait.ge [sflag:s23], $0x1400  }
0x1e: {  	[sflag:s23] =	ssyncset.done $0x0  }
0x1f: {  	[sflag:s23] =	ssyncadd.s32 $0xFFFFEC00  }
0x20: {  	[spmem:s2] =	stream.indirect.scatter.add.f32 [tilespmem:s26], [sflag:$0xA], $0x40, s14, s18, $0xb8;
	[tilespmem:$0x1C840] =	vst v63  }
0x21: {  	_ =	swait.ge [sflag:s0], $0x1400  }
0x22: {  	[sflag:s0] =	ssyncset.done $0x0  }
0x23: {  	[sflag:s0] =	ssyncadd.s32 $0xFFFFEC00  }
0x24: {  	_ =	swait.ge [sflag:s25], $0x1400  }
0x25: {  	[sflag:s25] =	ssyncset.done $0x0  }
0x26: {  	[sflag:s25] =	ssyncadd.s32 $0xFFFFEC00  }
0x27: {  	_ =	swait.ge [sflag:s31], $0x1400  }
0x28: {  	[sflag:s31] =	ssyncset.done $0x0  }
0x29: {  	[sflag:s31] =	ssyncadd.s32 $0xFFFFEC00  }
0x2a: {  	_ =	swait.ge [sflag:s3], $0x1400  }
0x2b: {  	[sflag:s3] =	ssyncset.done $0x0  }
0x2c: {  	[sflag:s3] =	ssyncadd.s32 $0xFFFFEC00  }
0x2d: {  	_ =	swait.ge [sflag:s5], $0x1400  }
0x2e: {  	[sflag:s5] =	ssyncset.done $0x0  }
0x2f: {  	[sflag:s5] =	ssyncadd.s32 $0xFFFFEC00  }
0x30: {  	[bflag:$0x0] =	sbarrier.arrive $0xFFFF  }
0x31: {  	[tilespmem:s28], [sflag:$0xB] =	stream.linear.gather [spmem:s8], $0x2800, $0x38;
	[tilespmem:$0x1C840] =	vst v63  }
0x32: {  	_ =	swait.ge [sflag:s16], $0x2800  }
0x33: {  	[sflag:s16] =	ssyncset.done $0x0  }
0x34: {  	s7 =	rddreg [dreg:$0x7];
	[sflag:s16] =	ssyncadd.s32 $0xFFFFD800  }
0x35: {  	[hbm4b:s7+s6] =	stream.strided.scatter [tilespmem:s28], [sflag:$0xB], $0x2800, s11, s6, $0x38;
	[tilespmem:$0x1C840] =	vst v63  }
0x36: {  	_ =	swait.ge [sflag:s16], $0x2800  }
0x37: {  	[sflag:s16] =	ssyncset.done $0x0  }
0x38: {  	[sflag:s16] =	ssyncadd.s32 $0xFFFFD800  }
0x39: {  	[tilespmem:s28], [sflag:$0xB] =	stream.linear.gather [spmem:s9], $0x2800, $0x38;
	[tilespmem:$0x1C840] =	vst v63  }
0x3a: {  	_ =	swait.ge [sflag:s16], $0x2800  }
0x3b: {  	[sflag:s16] =	ssyncset.done $0x0  }
0x3c: {  	s15 =	smov.u32 s8;
	s8 =	rddreg [dreg:$0x8];
	[sflag:s16] =	ssyncadd.s32 $0xFFFFD800  }
0x3d: {  	[hbm4b:s8+s6] =	stream.strided.scatter [tilespmem:s28], [sflag:$0xB], $0x2800, s11, s6, $0x38;
	[tilespmem:$0x1C840] =	vst v63  }
0x3e: {  	_ =	swait.ge [sflag:s16], $0x2800  }
0x3f: {  	[sflag:s16] =	ssyncset.done $0x0  }
0x40: {  	s21 =	smov.u32 s9;
	s9 =	rddreg [dreg:$0x6];
	[sflag:s16] =	ssyncadd.s32 $0xFFFFD800  }
0x41: {  	[tilespmem:s28], [sflag:$0xB] =	stream.linear.gather [spmem:s9], $0x2800, $0x38;
	[tilespmem:$0x1C840] =	vst v63  }
0x42: {  	_ =	swait.ge [sflag:s16], $0x2800  }
0x43: {  	[sflag:s16] =	ssyncset.done $0x0  }
0x44: {  	s13 =	rddreg [dreg:$0x9];
	[sflag:s16] =	ssyncadd.s32 $0xFFFFD800  }
0x45: {  	[hbm4b:s13+s6] =	stream.strided.scatter [tilespmem:s28], [sflag:$0xB], $0x2800, s11, s6, $0x38;
	[tilespmem:$0x1C840] =	vst v63  }
0x46: {  	_ =	swait.ge [sflag:s16], $0x2800  }
0x47: {  	[sflag:s16] =	ssyncset.done $0x0  }
0x48: {  	[sflag:s16] =	ssyncadd.s32 $0xFFFFD800  }
0x49: {  	[tilespmem:s28], [sflag:$0xB] =	stream.linear.gather [spmem:s10], $0x2800, $0x38;
	[tilespmem:$0x1C840] =	vst v63  }
0x4a: {  	_ =	swait.ge [sflag:s16], $0x2800  }
0x4b: {  	[sflag:s16] =	ssyncset.done $0x0  }
0x4c: {  	s14 =	rddreg [dreg:$0xa];
	[sflag:s16] =	ssyncadd.s32 $0xFFFFD800  }
0x4d: {  	[hbm4b:s14+s6] =	stream.strided.scatter [tilespmem:s28], [sflag:$0xB], $0x2800, s11, s6, $0x38;
	[tilespmem:$0x1C840] =	vst v63  }
0x4e: {  	_ =	swait.ge [sflag:s16], $0x2800  }
0x4f: {  	s12 =	sadd.s32 $0x1, s12;
	s17 =	rddreg [dreg:$0xb]  }
0x50: {  	p0 =	sne.s32 s12, s17  }
.Ltmp1:
0x51: {  	_ = 	snop;
	(pc) =	sbr.rel @!p0 .LBB2_9-.Ltmp1, $3  }
0x52: {  	_ =	sdelay $0x1  }
0x53: {  	[sflag:s16] =	ssyncset.done $0x0  }
0x54: {  	[sflag:s16] =	ssyncadd.s32 $0xFFFFD800  }
.LBB2_1:
0x55: {  	s7 =	simm.s32 $0x0;
	s13 =	rddreg [dreg:$0x4]  }
0x56: {  	[tilespmem:s7], [sflag:$0xB] =	stream.linear.gather [hbm4b:s13+s7], $0x4E20, $0x38;
	[tilespmem:$0x1C840] =	vst v63  }
0x57: {  	_ =	swait.ge [sflag:s16], $0x4E20  }
0x58: {  	[sflag:s16] =	ssyncset.done $0x0  }
0x59: {  	s8 =	simm.s32 $0x4E20;
	s17 =	rddreg [dreg:$0x5];
	[sflag:s16] =	ssyncadd.s32 $0xFFFFB1E0  }
0x5a: {  	[tilespmem:s8], [sflag:$0xB] =	stream.linear.gather [hbm4b:s17+s7], $0x4E20, $0x38;
	[tilespmem:$0x1C840] =	vst v63  }
0x5b: {  	_ =	swait.ge [sflag:s16], $0x4E20  }
0x5c: {  	[sflag:s16] =	ssyncset.done $0x0  }
0x5d: {  	s13 =	simm.s32 $0x0;
	[sflag:s16] =	ssyncadd.s32 $0xFFFFB1E0  }
0x5e: {  	v4 =	vld [tilespmem:s13+$0x0]  }
0x5f: {  	v5 =	vld [tilespmem:s13+$0x10]  }
0x60: {  	v3 =	vld [tilespmem:s13+$0x20]  }
0x61: {  	s17 =	simm.s32 $0x140;
	v2 =	vld [tilespmem:s13+$0x30]  }
.LBB2_2:
0x62: {  	p0 =	sne.s32 s17, $0x13740;
	v6 =	vld [tilespmem:s13+$0x40]  }
0x63: {  	v4 =	vshll.u32 v4, $0x1  }
0x64: {  	v4 =	vor.u32 v0, v4;
	v5 =	vshll.u32 v5, $0x1  }
.Ltmp2:
0x65: {  	s14 =	sshra.s32 s17, $0x2;
	[tilespmem:s13+$0x0] =	vst v4;
	v5 =	vor.u32 v0, v5;
	v3 =	vshll.u32 v3, $0x1;
	(pc) =	sbr.rel @p0 .LBB2_2-.Ltmp2, $4  }
0x66: {  	v4 =	vld [tilespmem:s14+$0x0];
	[tilespmem:s13+$0x10] =	vst v5;
	v3 =	vor.u32 v0, v3;
	v2 =	vshll.u32 v2, $0x1  }
0x67: {  	v5 =	vld [tilespmem:s14+$0x10];
	[tilespmem:s13+$0x20] =	vst v3;
	v2 =	vor.u32 v0, v2;
	v6 =	vshll.u32 v6, $0x1  }
0x68: {  	v3 =	vld [tilespmem:s14+$0x20];
	[tilespmem:s13+$0x30] =	vst v2;
	v6 =	vor.u32 v0, v6  }
0x69: {  	s17 =	sadd.s32 $0x140, s17;
	v2 =	vld [tilespmem:s14+$0x30];
	[tilespmem:s13+$0x40] =	vst v6;
	s13 =	smov.u32 s14  }
0x6a: {  	v6 =	vld [tilespmem:s13+$0x40]  }
0x6b: {  	v4 =	vshll.u32 v4, $0x1  }
0x6c: {  	v4 =	vor.u32 v0, v4;
	v5 =	vshll.u32 v5, $0x1  }
0x6d: {  	[tilespmem:s13+$0x0] =	vst v4;
	v63 =	vor.u32 v0, v5;
	v3 =	vshll.u32 v3, $0x1  }
0x6e: {  	[tilespmem:s13+$0x10] =	vst v63;
	v3 =	vor.u32 v0, v3;
	v2 =	vshll.u32 v2, $0x1  }
0x6f: {  	[tilespmem:s13+$0x20] =	vst v3;
	v2 =	vor.u32 v0, v2;
	v3 =	vshll.u32 v6, $0x1  }
0x70: {  	[tilespmem:s13+$0x30] =	vst v2;
	v2 =	vor.u32 v0, v3  }
0x71: {  	s9 =	simm.s32 $0x0;
	[tilespmem:s13+$0x40] =	vst v2  }
0x72: {  	[tilespmem:s19], [sflag:$0x1] =	stream.indirect.gather [hbm4b:s4+s18], $0x40, s9, s18, $0xb8;
	[tilespmem:$0x1C840] =	vst v63  }
0x73: {  	_ = 	snop  }
0x74: {  	[tilespmem:s20], [sflag:$0x2] =	stream.indirect.gather [hbm4b:s4+s18], $0x40, s18, s18, $0xb8;
	[tilespmem:$0x1C840] =	vst v63  }
0x75: {  	s7 =	simm.s32 $0xA0  }
0x76: {  	[tilespmem:s22], [sflag:$0x3] =	stream.indirect.gather [hbm4b:s4+s18], $0x40, s7, s18, $0xb8;
	[tilespmem:$0x1C840] =	vst v63  }
0x77: {  	s14 =	simm.s32 $0xF0  }
0x78: {  	[tilespmem:s24], [sflag:$0x4] =	stream.indirect.gather [hbm4b:s4+s18], $0x40, s14, s18, $0xb8;
	[tilespmem:$0x1C840] =	vst v63  }
0x79: {  	s17 =	simm.s32 $0x140  }
0x7a: {  	[tilespmem:s26], [sflag:$0x5] =	stream.indirect.gather [hbm4b:s4+s18], $0x40, s17, s18, $0xb8;
	[tilespmem:$0x1C840] =	vst v63  }
0x7b: {  	s13 =	simm.s32 $0x0;
	s17 =	simm.s32 $0x100  }
.LBB2_4:
0x7c: {  	p0 =	sne.s32 s17, $0x9F00;
	[tilespmem:s13+$0x10070] =	vst v1;
	s14 =	smov.u32 s17;
	s17 =	sadd.s32 $0x100, s17  }
.Ltmp3:
0x7d: {  	[tilespmem:s13+$0x10060] =	vst v1;
	(pc) =	sbr.rel @p0 .LBB2_4-.Ltmp3, $3  }
0x7e: {  	[tilespmem:s13+$0x10040] =	vst v1  }
0x7f: {  	[tilespmem:s13+$0x10050] =	vst v1;
	_ =	sdelay $0x1  }
0x80: {  	s13 =	sshra.s32 s14, $0x2  }
0x81: {  	[tilespmem:s13+$0x10070] =	vst v1  }
0x82: {  	[tilespmem:s13+$0x10060] =	vst v1  }
0x83: {  	[tilespmem:s13+$0x10040] =	vst v1  }
0x84: {  	[tilespmem:s13+$0x10050] =	vst v1  }
0x85: {  	[spmem:s15] =	stream.linear.scatter [tilespmem:s28], [sflag:$0xB], $0x2800, $0x38;
	[tilespmem:$0x1C840] =	vst v63  }
0x86: {  	_ =	swait.ge [sflag:s16], $0x2800  }
0x87: {  	[sflag:s16] =	ssyncset.done $0x0  }
0x88: {  	[sflag:s16] =	ssyncadd.s32 $0xFFFFD800  }
0x89: {  	[spmem:s21] =	stream.linear.scatter [tilespmem:s28], [sflag:$0xB], $0x2800, $0x38;
	[tilespmem:$0x1C840] =	vst v63  }
0x8a: {  	_ =	swait.ge [sflag:s16], $0x2800  }
0x8b: {  	[sflag:s16] =	ssyncset.done $0x0  }
0x8c: {  	s7 =	rddreg [dreg:$0x6];
	[sflag:s16] =	ssyncadd.s32 $0xFFFFD800  }
0x8d: {  	[spmem:s7] =	stream.linear.scatter [tilespmem:s28], [sflag:$0xB], $0x2800, $0x38;
	[tilespmem:$0x1C840] =	vst v63  }
0x8e: {  	_ =	swait.ge [sflag:s16], $0x2800  }
0x8f: {  	[sflag:s16] =	ssyncset.done $0x0  }
0x90: {  	[sflag:s16] =	ssyncadd.s32 $0xFFFFD800  }
0x91: {  	[spmem:s10] =	stream.linear.scatter [tilespmem:s28], [sflag:$0xB], $0x2800, $0x38;
	[tilespmem:$0x1C840] =	vst v63  }
0x92: {  	_ =	swait.ge [sflag:s16], $0x2800  }
0x93: {  	[sflag:s16] =	ssyncset.done $0x0  }
0x94: {  	[sflag:s16] =	ssyncadd.s32 $0xFFFFD800  }
0x95: {  	[bflag:$0x0] =	sbarrier.arrive $0xFFFF  }
0x96: {  	_ =	swait.ge [sflag:s29], $0x1400  }
0x97: {  	[sflag:s29] =	ssyncset.done $0x0  }
0x98: {  	s13 =	simm.s32 $0x4E20;
	[sflag:s29] =	ssyncadd.s32 $0xFFFFEC00  }
0x99: {  	[spmem:s2] =	stream.indirect.scatter.add.f32 [tilespmem:s19], [sflag:$0x6], $0x40, s13, s18, $0xb8;
	[tilespmem:$0x1C840] =	vst v63  }
0x9a: {  	_ =	swait.ge [sflag:s30], $0x1400  }
0x9b: {  	[sflag:s30] =	ssyncset.done $0x0  }
0x9c: {  	s14 =	simm.s32 $0x4E70;
	[sflag:s30] =	ssyncadd.s32 $0xFFFFEC00  }
0x9d: {  	[spmem:s2] =	stream.indirect.scatter.add.f32 [tilespmem:s20], [sflag:$0x7], $0x40, s14, s18, $0xb8;
	[tilespmem:$0x1C840] =	vst v63  }
0x9e: {  	_ =	swait.ge [sflag:s0], $0x1400  }
0x9f: {  	s8 =	smov.u32 s15;
	[sflag:s0] =	ssyncset.done $0x0  }
0xa0: {  	s17 =	simm.s32 $0x3;
	s15 =	simm.s32 $0x190;
	[sflag:s0] =	ssyncadd.s32 $0xFFFFEC00  }
0xa1: {  	[tilespmem:s19], [sflag:$0x1] =	stream.indirect.gather [hbm4b:s4+s18], $0x40, s15, s18, $0xb8;
	[tilespmem:$0x1C840] =	vst v63  }
0xa2: {  	_ =	swait.ge [sflag:s17], $0x1400  }
0xa3: {  	[sflag:s17] =	ssyncset.done $0x0  }
0xa4: {  	s9 =	smov.u32 s21;
	s21 =	simm.s32 $0x4EC0;
	[sflag:s17] =	ssyncadd.s32 $0xFFFFEC00  }
0xa5: {  	[spmem:s2] =	stream.indirect.scatter.add.f32 [tilespmem:s22], [sflag:$0x8], $0x40, s21, s18, $0xb8;
	[tilespmem:$0x1C840] =	vst v63  }
0xa6: {  	_ =	swait.ge [sflag:s25], $0x1400  }
0xa7: {  	[sflag:s25] =	ssyncset.done $0x0  }
0xa8: {  	s13 =	simm.s32 $0x1E0;
	[sflag:s25] =	ssyncadd.s32 $0xFFFFEC00  }
0xa9: {  	[tilespmem:s20], [sflag:$0x2] =	stream.indirect.gather [hbm4b:s4+s18], $0x40, s13, s18, $0xb8;
	[tilespmem:$0x1C840] =	vst v63  }
0xaa: {  	_ =	swait.ge [sflag:s1], $0x1400  }
0xab: {  	[sflag:s1] =	ssyncset.done $0x0  }
0xac: {  	s14 =	simm.s32 $0x4F10;
	[sflag:s1] =	ssyncadd.s32 $0xFFFFEC00  }
0xad: {  	[spmem:s2] =	stream.indirect.scatter.add.f32 [tilespmem:s24], [sflag:$0x9], $0x40, s14, s18, $0xb8;
	[tilespmem:$0x1C840] =	vst v63  }
0xae: {  	_ =	swait.ge [sflag:s31], $0x1400  }
0xaf: {  	[sflag:s31] =	ssyncset.done $0x0  }
0xb0: {  	s15 =	simm.s32 $0x230;
	[sflag:s31] =	ssyncadd.s32 $0xFFFFEC00  }
0xb1: {  	[tilespmem:s22], [sflag:$0x3] =	stream.indirect.gather [hbm4b:s4+s18], $0x40, s15, s18, $0xb8;
	[tilespmem:$0x1C840] =	vst v63  }
0xb2: {  	_ =	swait.ge [sflag:s23], $0x1400  }
0xb3: {  	[sflag:s23] =	ssyncset.done $0x0  }
0xb4: {  	s17 =	simm.s32 $0x4F60;
	[sflag:s23] =	ssyncadd.s32 $0xFFFFEC00  }
0xb5: {  	[spmem:s2] =	stream.indirect.scatter.add.f32 [tilespmem:s26], [sflag:$0xA], $0x40, s17, s18, $0xb8;
	[tilespmem:$0x1C840] =	vst v63  }
0xb6: {  	_ =	swait.ge [sflag:s3], $0x1400  }
0xb7: {  	[sflag:s3] =	ssyncset.done $0x0  }
0xb8: {  	s21 =	simm.s32 $0x280;
	s17 =	simm.s32 $0x0;
	[sflag:s3] =	ssyncadd.s32 $0xFFFFEC00  }
0xb9: {  	[tilespmem:s24], [sflag:$0x4] =	stream.indirect.gather [hbm4b:s4+s18], $0x40, s21, s18, $0xb8;
	[tilespmem:$0x1C840] =	vst v63  }
.LBB2_6:
0xba: {  	_ =	swait.ge [sflag:s29], $0x1400  }
0xbb: {  	s13 =	sshra.s32 s17, $0x2;
	[sflag:s29] =	ssyncset.done $0x0  }
0xbc: {  	s14 =	sadd.s32 $0x4FB0, s13;
	[sflag:s29] =	ssyncadd.s32 $0xFFFFEC00  }
0xbd: {  	[spmem:s2] =	stream.indirect.scatter.add.f32 [tilespmem:s19], [sflag:$0x6], $0x40, s14, s18, $0xb8;
	[tilespmem:$0x1C840] =	vst v63  }
0xbe: {  	_ =	swait.ge [sflag:s5], $0x1400  }
0xbf: {  	[sflag:s5] =	ssyncset.done $0x0  }
0xc0: {  	s7 =	sadd.s32 $0x2D0, s13;
	[sflag:s5] =	ssyncadd.s32 $0xFFFFEC00  }
0xc1: {  	[tilespmem:s26], [sflag:$0x5] =	stream.indirect.gather [hbm4b:s4+s18], $0x40, s7, s18, $0xb8;
	[tilespmem:$0x1C840] =	vst v63  }
0xc2: {  	_ =	swait.ge [sflag:s30], $0x1400  }
0xc3: {  	p0 =	seq.s32 s17, $0x12C00;
	[sflag:s30] =	ssyncset.done $0x0  }
0xc4: {  	s15 =	sadd.s32 $0x5000, s13;
	s14 =	simm.s32 @p0 $0x3;
	[sflag:s30] =	ssyncadd.s32 $0xFFFFEC00  }
0xc5: {  	[spmem:s2] =	stream.indirect.scatter.add.f32 [tilespmem:s20], [sflag:$0x7], $0x40, s15, s18, $0xb8;
	[tilespmem:$0x1C840] =	vst v63  }
0xc6: {  	_ =	swait.ge @p0 [sflag:s14], $0x1400  }
0xc7: {  	[sflag:s14] =	ssyncset.done @p0 $0x0  }
0xc8: {  	[sflag:s14] =	ssyncadd.s32 @p0 $0xFFFFEC00;
	s14 =	sshra.s32 @p0 s17, $0x2  }
0xc9: {  	s21 =	simm.s32 @p0 $0xC440;
	s15 =	simm.s32 @p0 $0x50;
	s14 =	sadd.s32 @p0 $0x5050, s14  }
0xca: {  	[spmem:s2] =	stream.indirect.scatter.add.f32 @p0 [tilespmem:s21], [sflag:$0x8], $0x40, s14, s15, $0xb8;
	[tilespmem:$0x1C840] =	vst v63  }
0xcb: {  	s14 =	simm.s32 @!p0 $0x6  }
0xcc: {  	_ =	swait.ge @!p0 [sflag:s14], $0x1400  }
0xcd: {  	[sflag:s14] =	ssyncset.done @!p0 $0x0  }
0xce: {  	[sflag:s14] =	ssyncadd.s32 @!p0 $0xFFFFEC00;
	s14 =	sshra.s32 @!p0 s17, $0x2  }
0xcf: {  	s7 =	simm.s32 @!p0 $0x9C40;
	s21 =	simm.s32 @!p0 $0x50;
	s15 =	sadd.s32 @!p0 $0x320, s14  }
0xd0: {  	[tilespmem:s7], [sflag:$0x1] =	stream.indirect.gather @!p0 [hbm4b:s4+s21], $0x40, s15, s21, $0xb8;
	[tilespmem:$0x1C840] =	vst v63  }
0xd1: {  	s7 =	simm.s32 @!p0 $0x3  }
0xd2: {  	_ =	swait.ge @!p0 [sflag:s7], $0x1400  }
0xd3: {  	[sflag:s7] =	ssyncset.done @!p0 $0x0  }
0xd4: {  	s15 =	simm.s32 @!p0 $0xC440;
	[sflag:s7] =	ssyncadd.s32 @!p0 $0xFFFFEC00;
	s7 =	sadd.s32 @!p0 $0x5050, s14  }
0xd5: {  	[spmem:s2] =	stream.indirect.scatter.add.f32 @!p0 [tilespmem:s15], [sflag:$0x8], $0x40, s7, s21, $0xb8;
	[tilespmem:$0x1C840] =	vst v63  }
0xd6: {  	s7 =	simm.s32 @!p0 $0x7  }
0xd7: {  	_ =	swait.ge @!p0 [sflag:s7], $0x1400  }
0xd8: {  	[sflag:s7] =	ssyncset.done @!p0 $0x0  }
0xd9: {  	[sflag:s7] =	ssyncadd.s32 @!p0 $0xFFFFEC00;
	s7 =	sadd.s32 @!p0 $0x370, s14;
	s14 =	simm.s32 @!p0 $0xB040  }
0xda: {  	[tilespmem:s14], [sflag:$0x2] =	stream.indirect.gather @!p0 [hbm4b:s4+s21], $0x40, s7, s21, $0xb8;
	[tilespmem:$0x1C840] =	vst v63  }
.Ltmp4:
0xdb: {  	_ = 	snop;
	(pc) =	sbr.rel @p0 .LBB2_8-.Ltmp4, $4  }
0xdc: {  	_ =	swait.ge [sflag:s1], $0x1400  }
0xdd: {  	[sflag:s1] =	ssyncset.done $0x0  }
0xde: {  	s21 =	sadd.s32 $0x50A0, s13;
	s14 =	sadd.s32 $0x50F0, s13;
	[sflag:s1] =	ssyncadd.s32 $0xFFFFEC00  }
0xdf: {  	[spmem:s2] =	stream.indirect.scatter.add.f32 [tilespmem:s24], [sflag:$0x9], $0x40, s21, s18, $0xb8;
	[tilespmem:$0x1C840] =	vst v63  }
0xe0: {  	_ =	swait.ge [sflag:s31], $0x1400  }
0xe1: {  	[sflag:s31] =	ssyncset.done $0x0  }
0xe2: {  	s7 =	sadd.s32 $0x3C0, s13;
	[sflag:s31] =	ssyncadd.s32 $0xFFFFEC00  }
0xe3: {  	[tilespmem:s22], [sflag:$0x3] =	stream.indirect.gather [hbm4b:s4+s18], $0x40, s7, s18, $0xb8;
	[tilespmem:$0x1C840] =	vst v63  }
0xe4: {  	_ =	swait.ge [sflag:s23], $0x1400  }
0xe5: {  	[sflag:s23] =	ssyncset.done $0x0  }
0xe6: {  	[sflag:s23] =	ssyncadd.s32 $0xFFFFEC00  }
0xe7: {  	[spmem:s2] =	stream.indirect.scatter.add.f32 [tilespmem:s26], [sflag:$0xA], $0x40, s14, s18, $0xb8;
	[tilespmem:$0x1C840] =	vst v63  }
.Ltmp5:
0xe8: {  	_ = 	snop;
	(pc) =	sbr.rel .LBB2_6-.Ltmp5, $4  }
0xe9: {  	_ =	swait.ge [sflag:s3], $0x1400  }
0xea: {  	[sflag:s3] =	ssyncset.done $0x0  }
0xeb: {  	s21 =	sadd.s32 $0x410, s13;
	s17 =	sadd.s32 $0x640, s17;
	[sflag:s3] =	ssyncadd.s32 $0xFFFFEC00  }
0xec: {  	[tilespmem:s24], [sflag:$0x4] =	stream.indirect.gather [hbm4b:s4+s18], $0x40, s21, s18, $0xb8;
	[tilespmem:$0x1C840] =	vst v63  }
.LBB2_9:
0xed: {  	_ =	sfence.sel $0x180000  }
0xee: {  	[bflag:$0x0] =	sbarrier.arrive $0xFFFF  }
0xef: {  	_ =	strace $0x9000004A  }
0xf0: {  	s0 =	stileid.u32;
	[bflag:$0x2] =	sbarrier.arrive $0xFFFF  }
0xf1: {  	p0 =	sne.s32 s0, $0x0;
	s0 =	rddreg [dreg:$0x3]  }
0xf2: {  	s0 =	sadd.s32 @!p0 $0x100000, s0  }
0xf3: {  	[sflag:s0] =	ssyncadd.tile.s32 @!p0 $0x1;
	_ =	shalt  }
.Lfunc_end2:
_tile_overlayer_lowered:
.L_overlay_start_2:
0xf4: {  	(tag) =	ssettag $0x2  }
0xf5: {  	s0 =	rddreg [dreg:$0x0];
	s2 =	stileid.u32  }
0xf6: {  	s1 =	rddreg [dreg:$0x1];
	p0 =	sne.s32 s2, $0x0  }
0xf7: {  	s3 =	rddreg [dreg:$0x2];
	[bflag:$0x3] =	sbarrier.arrive $0xFFFF;
	s2 =	simm.s32 @!p0 $0x1C0B  }
0xf8: {  	[timem:s3], [sflag:s2] =	dma.local @!p0 [hbm:s0], s1  }
0xf9: {  	s0 =	simm.s32 @!p0 $0xB  }
0xfa: {  	_ =	swait.ge @!p0 [sflag:s0], s1  }
0xfb: {  	s1 =	ssub.s32 @!p0 $0x0, s1;
	[sflag:s0] =	ssyncset.done @!p0 $0x0  }
0xfc: {  	[sflag:s0] =	ssyncadd.s32 @!p0 s1  }
0xfd: {  	[bflag:$0x3] =	sbarrier.arrive $0xFFFF  }
0xfe: {  	_ =	shalt  }

// kernel: kernel.14.cloned.1.call-start
scs
__scs_entry_jumppad:
0x0: {  	(pc) =	sbr.rel $0x88, $3  }
0x1: {  	(tag) =	ssettag $0x0;
	lr =	simm.s32 $0x1  }
0x2: {  	[smem:$0x3F97] =	sst lr;
	_ =	strace $0xD0000000  }
0x3: {  	_ = 	snop  }
0x4: {  	_ = 	snop  }
0x5: {  	_ = 	snop  }
0x6: {  	_ = 	snop  }
0x7: {  	_ = 	snop  }
__scs_overlays_trampoline_lowered:
0x8: {  	[smem:$0x3FA6] =	sst s0  }
0x9: {  	[smem:$0x3FA7] =	sst s1  }
0xa: {  	[smem:$0x3FA8] =	sst s2  }
0xb: {  	[smem:$0x3FA9] =	sst s3  }
0xc: {  	[smem:$0x3FAA] =	sst s4  }
0xd: {  	[smem:$0x3FAB] =	sst s5  }
0xe: {  	[smem:$0x3FAC] =	sst s6  }
0xf: {  	[smem:$0x3FAD] =	sst s7  }
0x10: {  	[smem:$0x3FAE] =	sst s8  }
0x11: {  	[smem:$0x3FAF] =	sst s9;
	s0 =	simm.s32 @!p0 $0x0  }
0x12: {  	s1 =	sld [smem:$0x3F95];
	s0 =	simm.s32 @p0 $0x1  }
0x13: {  	[smem:$0x3FB0] =	sst s0;
	s0 =	simm.s32 @!p1 $0x0  }
0x14: {  	s2 =	sld [smem:$0x3F94];
	s0 =	simm.s32 @p1 $0x1  }
0x15: {  	[smem:$0x3FB1] =	sst s0;
	s0 =	simm.s32 @!p2 $0x0  }
0x16: {  	s3 =	sld [smem:$0x3FDB];
	s0 =	simm.s32 @p2 $0x1  }
0x17: {  	s4 =	simm.s32 $0x1BF5;
	[smem:$0x3FB3] =	sst s0  }
0x18: {  	s0 =	sld [smem:$0x3F96];
	_ =	swait.ge [sflag:s4], $0x0  }
0x19: {  	s7 =	sld [smem:$0x3F97]  }
0x1a: {  	s8 =	sadd.s32 $0xFFFFE003, lr  }
0x1b: {  	s9 =	sadd.s32 $0xFFFFFEF7, lr;
	s5 =	simm.s32 $0xFFFFFFFF;
	p2 =	slt.u32 s8, $0xFFFFF086  }
0x1c: {  	p1 =	slt.u32 s9, $0xF7A;
	s5 =	simm.s32 @!p2 $0x0  }
0x1d: {  	s5 =	simm.s32 @p1 $0x1;
	p0 =	seq.s32 s7, s2  }
0x1e: {  	s7 =	smul.u32 @!p0 $0xF7A, s2;
	p2 =	seq.s32 @!p0 s5, $0x0  }
0x1f: {  	s9 =	smul.u32 $0xF7A, s1;
	s8 =	simm.s32 @!p0 $0x1BF5;
	p2 =	por !p2, p0  }
0x20: {  	[sflag:s8] =	ssyncset.s32 @!p0 $0xFFFFF086;
	s6 =	sadd.s32 @!p0 s3, s7;
	s7 =	simm.s32 @!p0 $0x108  }
0x21: {  	s3 =	sadd.s32 s3, s9;
	s6 =	sadd.s32 @!p0 $0x88, s6;
	s7 =	simm.s32 @p2 $0x1082  }
0x22: {  	[simem:s7], [sflag:s8] =	dma.local @!p0 [hbm:s6], $0xF7A  }
0x23: {  	s9 =	sor.u32 $0xD0000000, s2;
	s6 =	simm.s32 $0x108;
	_ =	swait.ge @!p0 [sflag:s8], $0x0  }
0x24: {  	s3 =	sadd.s32 $0x88, s3;
	s6 =	simm.s32 @!p1 $0x1082;
	[sflag:s4] =	ssyncset.s32 $0xFFFFF086  }
0x25: {  	[simem:s6], [sflag:s4] =	dma.local [hbm:s3], $0xF7A  }
0x26: {  	[smem:$0x3F97] =	sst s1;
	(tag) =	ssettag s2;
	_ =	strace s9  }
0x27: {  	s1 =	sld [smem:$0x3FA7]  }
0x28: {  	s2 =	sld [smem:$0x3FA8]  }
0x29: {  	s4 =	sld [smem:$0x3FAA]  }
0x2a: {  	p0 =	seq.s32 s5, $0x0;
	s5 =	sld [smem:$0x3FAB]  }
0x2b: {  	s6 =	sld [smem:$0x3FAC]  }
0x2c: {  	s7 =	sld [smem:$0x3FAD]  }
0x2d: {  	s3 =	simm.s32 $0x108;
	s8 =	sld [smem:$0x3FAE]  }
0x2e: {  	s3 =	simm.s32 @!p0 $0x1082;
	s9 =	sld [smem:$0x3FAF]  }
0x2f: {  	lr =	sadd.s32 s0, s3;
	s0 =	sld [smem:$0x3FA6]  }
0x30: {  	s3 =	sld [smem:$0x3FA9]  }
0x31: {  	[smem:$0x3FB2] =	sst s10  }
0x32: {  	s10 =	sld [smem:$0x3FB0];
	_ =	sdelay $0x3  }
0x33: {  	p0 =	seq.s32 s10, $0x1;
	s10 =	sld [smem:$0x3FB2];
	_ =	sdelay $0x3  }
0x34: {  	[smem:$0x3FB2] =	sst s10  }
0x35: {  	s10 =	sld [smem:$0x3FB1];
	_ =	sdelay $0x3  }
0x36: {  	p1 =	seq.s32 s10, $0x1;
	s10 =	sld [smem:$0x3FB2];
	_ =	sdelay $0x3  }
0x37: {  	[smem:$0x3FB2] =	sst s10  }
0x38: {  	s10 =	sld [smem:$0x3FB3]  }
0x39: {  	_ = 	snop;
	(pc) =	sbr.ind lr, $3  }
0x3a: {  	_ = 	snop  }
0x3b: {  	_ = 	snop  }
0x3c: {  	p2 =	seq.s32 s10, $0x1;
	s10 =	sld [smem:$0x3FB2]  }
0x3d: {  	_ =	shalt  }
0x3e: {  	_ =	shalt  }
0x3f: {  	_ =	shalt  }
0x40: {  	_ =	shalt  }
0x41: {  	_ =	shalt  }
0x42: {  	_ =	shalt  }
0x43: {  	_ =	shalt  }
0x44: {  	_ =	shalt  }
0x45: {  	_ =	shalt  }
0x46: {  	_ =	shalt  }
0x47: {  	_ =	shalt  }
0x48: {  	_ =	shalt  }
0x49: {  	_ =	shalt  }
0x4a: {  	_ =	shalt  }
0x4b: {  	_ =	shalt  }
0x4c: {  	_ =	shalt  }
0x4d: {  	_ =	shalt  }
0x4e: {  	_ =	shalt  }
0x4f: {  	_ =	shalt  }
0x50: {  	_ =	shalt  }
0x51: {  	_ =	shalt  }
0x52: {  	_ =	shalt  }
0x53: {  	_ =	shalt  }
0x54: {  	_ =	shalt  }
0x55: {  	_ =	shalt  }
0x56: {  	_ =	shalt  }
0x57: {  	_ =	shalt  }
0x58: {  	_ =	shalt  }
0x59: {  	_ =	shalt  }
0x5a: {  	_ =	shalt  }
0x5b: {  	_ =	shalt  }
0x5c: {  	_ =	shalt  }
0x5d: {  	_ =	shalt  }
0x5e: {  	_ =	shalt  }
0x5f: {  	_ =	shalt  }
0x60: {  	_ =	shalt  }
0x61: {  	_ =	shalt  }
0x62: {  	_ =	shalt  }
0x63: {  	_ =	shalt  }
0x64: {  	_ =	shalt  }
0x65: {  	_ =	shalt  }
0x66: {  	_ =	shalt  }
0x67: {  	_ =	shalt  }
0x68: {  	_ =	shalt  }
0x69: {  	_ =	shalt  }
0x6a: {  	_ =	shalt  }
0x6b: {  	_ =	shalt  }
0x6c: {  	_ =	shalt  }
0x6d: {  	_ =	shalt  }
0x6e: {  	_ =	shalt  }
0x6f: {  	_ =	shalt  }
0x70: {  	_ =	shalt  }
0x71: {  	_ =	shalt  }
0x72: {  	_ =	shalt  }
0x73: {  	_ =	shalt  }
0x74: {  	_ =	shalt  }
0x75: {  	_ =	shalt  }
0x76: {  	_ =	shalt  }
0x77: {  	_ =	shalt  }
0x78: {  	_ =	shalt  }
0x79: {  	_ =	shalt  }
0x7a: {  	_ =	shalt  }
0x7b: {  	_ =	shalt  }
0x7c: {  	_ =	shalt  }
0x7d: {  	_ =	shalt  }
0x7e: {  	_ =	shalt  }
0x7f: {  	_ =	shalt  }
0x80: {  	_ =	shalt  }
0x81: {  	_ =	shalt  }
0x82: {  	_ =	shalt  }
0x83: {  	_ =	shalt  }
0x84: {  	_ =	shalt  }
0x85: {  	_ =	shalt  }
0x86: {  	_ =	shalt  }
0x87: {  	_ =	shalt  }
.Lfunc_end0:
.L_simem_size_0:
called_computation.2_lowered:
.L_overlay_start_0:
0x88: {  	s2 =	sld [smem:$0x3FD9]  }
0x89: {  	s3 =	sld [smem:$0x3FFE];
	_ =	sdelay $0x1  }
0x8a: {  	s1 =	srdreg.scid  }
0x8b: {  	s0 =	sand.u32 $0x1, s1  }
0x8c: {  	s17 =	sshll.u32 s0, $0xA;
	s2 =	sadd.s32 s3, s2  }
0x8d: {  	s2 =	sadd.s32 s2, s17  }
0x8e: {  	[smem:$0x3FBE] =	sst s2  }
0x8f: {  	_ = 	snop  }
0x90: {  	s2 =	sld [smem:$0x3FD0];
	(tm) =	ssettm $0x1  }
0x91: {  	s18 =	sld [smem:$0x3FFB];
	_ =	sdelay $0x3  }
0x92: {  	_ =	strace s18  }
0x93: {  	s3 =	sld [smem:$0x3FFC];
	_ =	sdelay $0x3  }
0x94: {  	_ =	strace s3  }
0x95: {  	s3 =	sld [smem:$0x3FFD];
	_ =	sdelay $0x3  }
0x96: {  	_ =	strace s3  }
0x97: {  	_ =	strace $0x8FFFFFFF  }
0x98: {  	s19 =	sld [smem:$0x3FDB];
	_ =	sdelay $0x1  }
0x99: {  	s4 =	simm.s32 $_scs_section_size  }
0x9a: {  	s5 =	simm.s32 $_size__tile_overlayer_lowered;
	s6 =	simm.s32 $_tile_overlayer_lowered  }
0x9b: {  	s22 =	simm.s32 $0x1BFF;
	s21 =	sshll.u32 s6, $0x1;
	s3 =	sadd.s32 s4, s19  }
0x9c: {  	s7 =	simm.s32 $0x0;
	s20 =	sshll.u32 s5, $0x1;
	s5 =	sadd.s32 s21, s3  }
0x9d: {  	[timem:s7], [sflag:s22] =	dma.local [hbm:s5], s20  }
0x9e: {  	_ =	swait.ge [sflag:s22], s20  }
0x9f: {  	s4 =	ssub.s32 $0x0, s20;
	[sflag:s22] =	ssyncset.done $0x0  }
0xa0: {  	[sflag:s22] =	ssyncadd.s32 s4;
	_ =	sdelay $0x1  }
0xa1: {  	s23 =	simm.s32 $0x1B8B  }
0xa2: {  	_ =	swait.ge [sflag:s23], $0x1  }
0xa3: {  	[sflag:s23] =	ssyncset.done $0x0  }
0xa4: {  	s25 =	simm.s32 $0x1B8E;
	s24 =	sld [smem:$0x3FFE];
	[sflag:s23] =	ssyncadd.s32 $0xFFFFFFFF  }
0xa5: {  	s26 =	simm.s32 $execute0_lowered;
	[smem:$0x3FD2] =	sst s25  }
0xa6: {  	s5 =	sshll.u32 s26, $0x1;
	_ =	strace $0x8000004C;
	[dreg:$0x1] =	wrdreg $0xFFFFFFFF  }
0xa7: {  	s28 =	simm.s32 $_size_execute0_lowered;
	s3 =	sadd.s32 s3, s5;
	[dreg:$0x0] =	wrdreg $0x0  }
0xa8: {  	s5 =	sshll.u32 s28, $0x1;
	[dreg:$0x2] =	wrdreg s3  }
0xa9: {  	[dreg:$0x3] =	wrdreg s5  }
0xaa: {  	[dreg:$0x4] =	wrdreg $0xC0  }
0xab: {  	_ =	task [dreg:s7], $0x5FFFF  }
0xac: {  	[dreg:$0x1] =	wrdreg $0xFFFFFFFF  }
0xad: {  	[dreg:$0x0] =	wrdreg $0x60  }
0xae: {  	[dreg:$0x2] =	wrdreg s24  }
0xaf: {  	[dreg:$0x3] =	wrdreg s2  }
0xb0: {  	[dreg:$0x4] =	wrdreg $0x128400  }
0xb1: {  	[dreg:$0x5] =	wrdreg $0x9  }
0xb2: {  	_ =	task.clear_ibuf [dreg:s7], $0x6FFFF;
	_ =	strace $0x9000004C  }
0xb3: {  	s29 =	simm.s32 $0x9;
	_ =	strace $0x8000004E  }
0xb4: {  	_ =	swait.ge [sflag:s29], $0x1  }
0xb5: {  	[sflag:s29] =	ssyncadd.s32 $0xFFFFFFFF  }
0xb6: {  	_ =	strace $0x9000004E  }
0xb7: {  	_ =	sfence  }
0xb8: {  	s30 =	sld [smem:$0x0];
	_ =	sdelay $0x2  }
0xb9: {  	s31 =	sshll.u32 s1, $0xD;
	s1 =	sshrl.u32 s1, $0x2  }
0xba: {  	s3 =	sand.u32 $0x4000, s31;
	s1 =	sadd.s32 s1, s30  }
0xbb: {  	s0 =	sor.u32 s3, s0;
	s1 =	sshll.u32 s1, $0x11  }
0xbc: {  	s0 =	sor.u32 s1, s0  }
0xbd: {  	s0 =	sadd.s32 $0x8F2B, s0  }
0xbe: {  	[sflag:s0] =	ssyncadd.remote.s32 $0x1  }
0xbf: {  	_ =	sfence.sel $0xFFFF  }
0xc0: {  	[dreg:$0x0] =	wrdreg $0xFFFFFFFF;
	(pc) =	sbr.abs _section_cstart, $3  }
0xc1: {  	[dreg:$0x1] =	wrdreg $0xFFFFFFFF  }
0xc2: {  	_ =	task.clear_ibuf [dreg:s7], $0x2FFFF;
	_ =	strace $0x9FFFFFFF  }
0xc3: {  	(tm) =	ssettm $0x7FFFFFFF  }
tec
execute0_lowered:
.L_overlay_start_1:
0x0: {  	(tag) =	ssettag $0x1  }
0x1: {  	s0 =	rddreg [dreg:$0x0]  }
0x2: {  	s1 =	rddreg [dreg:$0x1]  }
0x3: {  	s2 =	rddreg [dreg:$0x2]  }
0x4: {  	s3 =	simm.s32 $0x0;
	s12 =	stileid.u32;
	s4 =	srdreg.scid  }
0x5: {  	s28 =	simm.s32 $0x10040;
	s29 =	simm.s32 $0x1;
	s26 =	smul.u32 $0x9C4, s12  }
0x6: {  	s30 =	simm.s32 $0x2;
	s31 =	simm.s32 $0x8;
	s9 =	smul.u32 $0x280, s12  }
0x7: {  	[smem:$0x7FF] =	sst s3;
	s6 =	sand.u32 $0x1, s4;
	s10 =	smul.u32 $0x28000, s12  }
0x8: {  	s4 =	sadd.s32 $0x2800, s0;
	s17 =	smul.u32 $0x14000, s12;
	s12 =	simm.s32 $0x0  }
0x9: {  	_ =	strace $0x8000004D;
	s7 =	ssub.s32 $0x2, s6;
	s19 =	sshll.u32 s6, $0x6  }
0xa: {  	v0 =	vmov s6;
	s6 =	simm.s32 $0x40;
	s5 =	sadd.s32 s26, s0;
	s8 =	sshrl.u32 s7, $0x1  }
0xb: {  	s0 =	sadd.s32 $0x2A800, s0;
	s1 =	sadd.s32 s1, s26;
	s13 =	sshrl.u32 s10, $0x2  }
0xc: {  	s14 =	sadd.s32 $0xA0, s9;
	s18 =	sadd.s32 $0x140, s9;
	s11 =	ssub.s32 s7, s8  }
0xd: {  	s5 =	sadd.s32 $0x52800, s5;
	[dreg:$0x5] =	wrdreg s1;
	s15 =	sadd.s32 s13, s2  }
0xe: {  	s16 =	sshll.u32 s14, $0x6;
	s20 =	sshll.u32 s18, $0x6;
	s13 =	sadd.s32 $0x1E0, s9  }
0xf: {  	s3 =	sshll.u32 s14, $0x7;
	s1 =	sshll.u32 s18, $0x7;
	s18 =	simm.s32 $0x50  }
0x10: {  	[dreg:$0x4] =	wrdreg s5;
	s21 =	sadd.s32 s16, s2;
	s5 =	sor.u32 s19, s17  }
0x11: {  	s22 =	sadd.s32 s20, s2;
	s23 =	sshll.u32 s13, $0x6;
	s3 =	sor.u32 s19, s3  }
0x12: {  	s24 =	sshll.u32 s13, $0x7;
	s1 =	sor.u32 s19, s1;
	s26 =	smax.u32 s11, $0x1  }
0x13: {  	s16 =	simm.s32 $0xB;
	s20 =	simm.s32 $0xB040;
	s11 =	simm.s32 $0x80  }
0x14: {  	[dreg:$0x6] =	wrdreg s22;
	s5 =	sshrl.u32 s5, $0x3;
	s10 =	sadd.s32 s23, s2  }
0x15: {  	s3 =	sshrl.u32 s3, $0x3;
	s1 =	sshrl.u32 s1, $0x3;
	[dreg:$0xb] =	wrdreg s26  }
0x16: {  	s22 =	simm.s32 $0xC440;
	s26 =	simm.s32 $0xEC40;
	s5 =	sadd.s32 s0, s5  }
0x17: {  	s23 =	simm.s32 $0x5;
	s3 =	sadd.s32 s0, s3;
	[dreg:$0x7] =	wrdreg s5  }
.Ltmp0:
0x18: {  	s1 =	sadd.s32 s0, s1;
	[dreg:$0x8] =	wrdreg s3;
	(pc) =	sbr.rel .LBB2_1-.Ltmp0, $4  }
0x19: {  	s5 =	sor.u32 s19, s24;
	[dreg:$0x9] =	wrdreg s1;
	s19 =	simm.s32 $0x9C40  }
0x1a: {  	s24 =	simm.s32 $0xD840;
	s1 =	simm.s32 $0x4;
	s25 =	sshrl.u32 s5, $0x3  }
0x1b: {  	s3 =	simm.s32 $0x9;
	s5 =	simm.s32 $0xA;
	s0 =	sadd.s32 s0, s25  }
0x1c: {  	v1 =	vimm.f32 $0.0e+00;
	s25 =	simm.s32 $0x7;
	[dreg:$0xa] =	wrdreg s0;
	s0 =	simm.s32 $0x6  }
.LBB2_8:
0x1d: {  	_ =	swait.ge [sflag:s23], $0x1400  }
0x1e: {  	[sflag:s23] =	ssyncset.done $0x0  }
0x1f: {  	[sflag:s23] =	ssyncadd.s32 $0xFFFFEC00  }
0x20: {  	[spmem:s2] =	stream.indirect.scatter.add.f32 [tilespmem:s26], [sflag:$0xA], $0x40, s14, s18, $0xb8;
	[tilespmem:$0x1C840] =	vst v63  }
0x21: {  	_ =	swait.ge [sflag:s0], $0x1400  }
0x22: {  	[sflag:s0] =	ssyncset.done $0x0  }
0x23: {  	[sflag:s0] =	ssyncadd.s32 $0xFFFFEC00  }
0x24: {  	_ =	swait.ge [sflag:s25], $0x1400  }
0x25: {  	[sflag:s25] =	ssyncset.done $0x0  }
0x26: {  	[sflag:s25] =	ssyncadd.s32 $0xFFFFEC00  }
0x27: {  	_ =	swait.ge [sflag:s31], $0x1400  }
0x28: {  	[sflag:s31] =	ssyncset.done $0x0  }
0x29: {  	[sflag:s31] =	ssyncadd.s32 $0xFFFFEC00  }
0x2a: {  	_ =	swait.ge [sflag:s3], $0x1400  }
0x2b: {  	[sflag:s3] =	ssyncset.done $0x0  }
0x2c: {  	[sflag:s3] =	ssyncadd.s32 $0xFFFFEC00  }
0x2d: {  	_ =	swait.ge [sflag:s5], $0x1400  }
0x2e: {  	[sflag:s5] =	ssyncset.done $0x0  }
0x2f: {  	[sflag:s5] =	ssyncadd.s32 $0xFFFFEC00  }
0x30: {  	[bflag:$0x0] =	sbarrier.arrive $0xFFFF  }
0x31: {  	[tilespmem:s28], [sflag:$0xB] =	stream.linear.gather [spmem:s8], $0x2800, $0x38;
	[tilespmem:$0x1C840] =	vst v63  }
0x32: {  	_ =	swait.ge [sflag:s16], $0x2800  }
0x33: {  	[sflag:s16] =	ssyncset.done $0x0  }
0x34: {  	s7 =	rddreg [dreg:$0x7];
	[sflag:s16] =	ssyncadd.s32 $0xFFFFD800  }
0x35: {  	[hbm4b:s7+s6] =	stream.strided.scatter [tilespmem:s28], [sflag:$0xB], $0x2800, s11, s6, $0x38;
	[tilespmem:$0x1C840] =	vst v63  }
0x36: {  	_ =	swait.ge [sflag:s16], $0x2800  }
0x37: {  	[sflag:s16] =	ssyncset.done $0x0  }
0x38: {  	[sflag:s16] =	ssyncadd.s32 $0xFFFFD800  }
0x39: {  	[tilespmem:s28], [sflag:$0xB] =	stream.linear.gather [spmem:s9], $0x2800, $0x38;
	[tilespmem:$0x1C840] =	vst v63  }
0x3a: {  	_ =	swait.ge [sflag:s16], $0x2800  }
0x3b: {  	[sflag:s16] =	ssyncset.done $0x0  }
0x3c: {  	s15 =	smov.u32 s8;
	s8 =	rddreg [dreg:$0x8];
	[sflag:s16] =	ssyncadd.s32 $0xFFFFD800  }
0x3d: {  	[hbm4b:s8+s6] =	stream.strided.scatter [tilespmem:s28], [sflag:$0xB], $0x2800, s11, s6, $0x38;
	[tilespmem:$0x1C840] =	vst v63  }
0x3e: {  	_ =	swait.ge [sflag:s16], $0x2800  }
0x3f: {  	[sflag:s16] =	ssyncset.done $0x0  }
0x40: {  	s21 =	smov.u32 s9;
	s9 =	rddreg [dreg:$0x6];
	[sflag:s16] =	ssyncadd.s32 $0xFFFFD800  }
0x41: {  	[tilespmem:s28], [sflag:$0xB] =	stream.linear.gather [spmem:s9], $0x2800, $0x38;
	[tilespmem:$0x1C840] =	vst v63  }
0x42: {  	_ =	swait.ge [sflag:s16], $0x2800  }
0x43: {  	[sflag:s16] =	ssyncset.done $0x0  }
0x44: {  	s13 =	rddreg [dreg:$0x9];
	[sflag:s16] =	ssyncadd.s32 $0xFFFFD800  }
0x45: {  	[hbm4b:s13+s6] =	stream.strided.scatter [tilespmem:s28], [sflag:$0xB], $0x2800, s11, s6, $0x38;
	[tilespmem:$0x1C840] =	vst v63  }
0x46: {  	_ =	swait.ge [sflag:s16], $0x2800  }
0x47: {  	[sflag:s16] =	ssyncset.done $0x0  }
0x48: {  	[sflag:s16] =	ssyncadd.s32 $0xFFFFD800  }
0x49: {  	[tilespmem:s28], [sflag:$0xB] =	stream.linear.gather [spmem:s10], $0x2800, $0x38;
	[tilespmem:$0x1C840] =	vst v63  }
0x4a: {  	_ =	swait.ge [sflag:s16], $0x2800  }
0x4b: {  	[sflag:s16] =	ssyncset.done $0x0  }
0x4c: {  	s14 =	rddreg [dreg:$0xa];
	[sflag:s16] =	ssyncadd.s32 $0xFFFFD800  }
0x4d: {  	[hbm4b:s14+s6] =	stream.strided.scatter [tilespmem:s28], [sflag:$0xB], $0x2800, s11, s6, $0x38;
	[tilespmem:$0x1C840] =	vst v63  }
0x4e: {  	_ =	swait.ge [sflag:s16], $0x2800  }
0x4f: {  	s12 =	sadd.s32 $0x1, s12;
	s17 =	rddreg [dreg:$0xb]  }
0x50: {  	p0 =	sne.s32 s12, s17  }
.Ltmp1:
0x51: {  	_ = 	snop;
	(pc) =	sbr.rel @!p0 .LBB2_9-.Ltmp1, $3  }
0x52: {  	_ =	sdelay $0x1  }
0x53: {  	[sflag:s16] =	ssyncset.done $0x0  }
0x54: {  	[sflag:s16] =	ssyncadd.s32 $0xFFFFD800  }
.LBB2_1:
0x55: {  	s7 =	simm.s32 $0x0;
	s13 =	rddreg [dreg:$0x4]  }
0x56: {  	[tilespmem:s7], [sflag:$0xB] =	stream.linear.gather [hbm4b:s13+s7], $0x4E20, $0x38;
	[tilespmem:$0x1C840] =	vst v63  }
0x57: {  	_ =	swait.ge [sflag:s16], $0x4E20  }
0x58: {  	[sflag:s16] =	ssyncset.done $0x0  }
0x59: {  	s8 =	simm.s32 $0x4E20;
	s17 =	rddreg [dreg:$0x5];
	[sflag:s16] =	ssyncadd.s32 $0xFFFFB1E0  }
0x5a: {  	[tilespmem:s8], [sflag:$0xB] =	stream.linear.gather [hbm4b:s17+s7], $0x4E20, $0x38;
	[tilespmem:$0x1C840] =	vst v63  }
0x5b: {  	_ =	swait.ge [sflag:s16], $0x4E20  }
0x5c: {  	[sflag:s16] =	ssyncset.done $0x0  }
0x5d: {  	s13 =	simm.s32 $0x0;
	[sflag:s16] =	ssyncadd.s32 $0xFFFFB1E0  }
0x5e: {  	v4 =	vld [tilespmem:s13+$0x0]  }
0x5f: {  	v5 =	vld [tilespmem:s13+$0x10]  }
0x60: {  	v3 =	vld [tilespmem:s13+$0x20]  }
0x61: {  	s17 =	simm.s32 $0x140;
	v2 =	vld [tilespmem:s13+$0x30]  }
.LBB2_2:
0x62: {  	p0 =	sne.s32 s17, $0x13740;
	v6 =	vld [tilespmem:s13+$0x40]  }
0x63: {  	v4 =	vshll.u32 v4, $0x1  }
0x64: {  	v4 =	vor.u32 v0, v4;
	v5 =	vshll.u32 v5, $0x1  }
.Ltmp2:
0x65: {  	s14 =	sshra.s32 s17, $0x2;
	[tilespmem:s13+$0x0] =	vst v4;
	v5 =	vor.u32 v0, v5;
	v3 =	vshll.u32 v3, $0x1;
	(pc) =	sbr.rel @p0 .LBB2_2-.Ltmp2, $4  }
0x66: {  	v4 =	vld [tilespmem:s14+$0x0];
	[tilespmem:s13+$0x10] =	vst v5;
	v3 =	vor.u32 v0, v3;
	v2 =	vshll.u32 v2, $0x1  }
0x67: {  	v5 =	vld [tilespmem:s14+$0x10];
	[tilespmem:s13+$0x20] =	vst v3;
	v2 =	vor.u32 v0, v2;
	v6 =	vshll.u32 v6, $0x1  }
0x68: {  	v3 =	vld [tilespmem:s14+$0x20];
	[tilespmem:s13+$0x30] =	vst v2;
	v6 =	vor.u32 v0, v6  }
0x69: {  	s17 =	sadd.s32 $0x140, s17;
	v2 =	vld [tilespmem:s14+$0x30];
	[tilespmem:s13+$0x40] =	vst v6;
	s13 =	smov.u32 s14  }
0x6a: {  	v6 =	vld [tilespmem:s13+$0x40]  }
0x6b: {  	v4 =	vshll.u32 v4, $0x1  }
0x6c: {  	v4 =	vor.u32 v0, v4;
	v5 =	vshll.u32 v5, $0x1  }
0x6d: {  	[tilespmem:s13+$0x0] =	vst v4;
	v63 =	vor.u32 v0, v5;
	v3 =	vshll.u32 v3, $0x1  }
0x6e: {  	[tilespmem:s13+$0x10] =	vst v63;
	v3 =	vor.u32 v0, v3;
	v2 =	vshll.u32 v2, $0x1  }
0x6f: {  	[tilespmem:s13+$0x20] =	vst v3;
	v2 =	vor.u32 v0, v2;
	v3 =	vshll.u32 v6, $0x1  }
0x70: {  	[tilespmem:s13+$0x30] =	vst v2;
	v2 =	vor.u32 v0, v3  }
0x71: {  	s9 =	simm.s32 $0x0;
	[tilespmem:s13+$0x40] =	vst v2  }
0x72: {  	[tilespmem:s19], [sflag:$0x1] =	stream.indirect.gather [hbm4b:s4+s18], $0x40, s9, s18, $0xb8;
	[tilespmem:$0x1C840] =	vst v63  }
0x73: {  	_ = 	snop  }
0x74: {  	[tilespmem:s20], [sflag:$0x2] =	stream.indirect.gather [hbm4b:s4+s18], $0x40, s18, s18, $0xb8;
	[tilespmem:$0x1C840] =	vst v63  }
0x75: {  	s7 =	simm.s32 $0xA0  }
0x76: {  	[tilespmem:s22], [sflag:$0x3] =	stream.indirect.gather [hbm4b:s4+s18], $0x40, s7, s18, $0xb8;
	[tilespmem:$0x1C840] =	vst v63  }
0x77: {  	s14 =	simm.s32 $0xF0  }
0x78: {  	[tilespmem:s24], [sflag:$0x4] =	stream.indirect.gather [hbm4b:s4+s18], $0x40, s14, s18, $0xb8;
	[tilespmem:$0x1C840] =	vst v63  }
0x79: {  	s17 =	simm.s32 $0x140  }
0x7a: {  	[tilespmem:s26], [sflag:$0x5] =	stream.indirect.gather [hbm4b:s4+s18], $0x40, s17, s18, $0xb8;
	[tilespmem:$0x1C840] =	vst v63  }
0x7b: {  	s13 =	simm.s32 $0x0;
	s17 =	simm.s32 $0x100  }
.LBB2_4:
0x7c: {  	p0 =	sne.s32 s17, $0x9F00;
	[tilespmem:s13+$0x10070] =	vst v1;
	s14 =	smov.u32 s17;
	s17 =	sadd.s32 $0x100, s17  }
.Ltmp3:
0x7d: {  	[tilespmem:s13+$0x10060] =	vst v1;
	(pc) =	sbr.rel @p0 .LBB2_4-.Ltmp3, $3  }
0x7e: {  	[tilespmem:s13+$0x10040] =	vst v1  }
0x7f: {  	[tilespmem:s13+$0x10050] =	vst v1;
	_ =	sdelay $0x1  }
0x80: {  	s13 =	sshra.s32 s14, $0x2  }
0x81: {  	[tilespmem:s13+$0x10070] =	vst v1  }
0x82: {  	[tilespmem:s13+$0x10060] =	vst v1  }
0x83: {  	[tilespmem:s13+$0x10040] =	vst v1  }
0x84: {  	[tilespmem:s13+$0x10050] =	vst v1  }
0x85: {  	[spmem:s15] =	stream.linear.scatter [tilespmem:s28], [sflag:$0xB], $0x2800, $0x38;
	[tilespmem:$0x1C840] =	vst v63  }
0x86: {  	_ =	swait.ge [sflag:s16], $0x2800  }
0x87: {  	[sflag:s16] =	ssyncset.done $0x0  }
0x88: {  	[sflag:s16] =	ssyncadd.s32 $0xFFFFD800  }
0x89: {  	[spmem:s21] =	stream.linear.scatter [tilespmem:s28], [sflag:$0xB], $0x2800, $0x38;
	[tilespmem:$0x1C840] =	vst v63  }
0x8a: {  	_ =	swait.ge [sflag:s16], $0x2800  }
0x8b: {  	[sflag:s16] =	ssyncset.done $0x0  }
0x8c: {  	s7 =	rddreg [dreg:$0x6];
	[sflag:s16] =	ssyncadd.s32 $0xFFFFD800  }
0x8d: {  	[spmem:s7] =	stream.linear.scatter [tilespmem:s28], [sflag:$0xB], $0x2800, $0x38;
	[tilespmem:$0x1C840] =	vst v63  }
0x8e: {  	_ =	swait.ge [sflag:s16], $0x2800  }
0x8f: {  	[sflag:s16] =	ssyncset.done $0x0  }
0x90: {  	[sflag:s16] =	ssyncadd.s32 $0xFFFFD800  }
0x91: {  	[spmem:s10] =	stream.linear.scatter [tilespmem:s28], [sflag:$0xB], $0x2800, $0x38;
	[tilespmem:$0x1C840] =	vst v63  }
0x92: {  	_ =	swait.ge [sflag:s16], $0x2800  }
0x93: {  	[sflag:s16] =	ssyncset.done $0x0  }
0x94: {  	[sflag:s16] =	ssyncadd.s32 $0xFFFFD800  }
0x95: {  	[bflag:$0x0] =	sbarrier.arrive $0xFFFF  }
0x96: {  	_ =	swait.ge [sflag:s29], $0x1400  }
0x97: {  	[sflag:s29] =	ssyncset.done $0x0  }
0x98: {  	s13 =	simm.s32 $0x4E20;
	[sflag:s29] =	ssyncadd.s32 $0xFFFFEC00  }
0x99: {  	[spmem:s2] =	stream.indirect.scatter.add.f32 [tilespmem:s19], [sflag:$0x6], $0x40, s13, s18, $0xb8;
	[tilespmem:$0x1C840] =	vst v63  }
0x9a: {  	_ =	swait.ge [sflag:s30], $0x1400  }
0x9b: {  	[sflag:s30] =	ssyncset.done $0x0  }
0x9c: {  	s14 =	simm.s32 $0x4E70;
	[sflag:s30] =	ssyncadd.s32 $0xFFFFEC00  }
0x9d: {  	[spmem:s2] =	stream.indirect.scatter.add.f32 [tilespmem:s20], [sflag:$0x7], $0x40, s14, s18, $0xb8;
	[tilespmem:$0x1C840] =	vst v63  }
0x9e: {  	_ =	swait.ge [sflag:s0], $0x1400  }
0x9f: {  	s8 =	smov.u32 s15;
	[sflag:s0] =	ssyncset.done $0x0  }
0xa0: {  	s17 =	simm.s32 $0x3;
	s15 =	simm.s32 $0x190;
	[sflag:s0] =	ssyncadd.s32 $0xFFFFEC00  }
0xa1: {  	[tilespmem:s19], [sflag:$0x1] =	stream.indirect.gather [hbm4b:s4+s18], $0x40, s15, s18, $0xb8;
	[tilespmem:$0x1C840] =	vst v63  }
0xa2: {  	_ =	swait.ge [sflag:s17], $0x1400  }
0xa3: {  	[sflag:s17] =	ssyncset.done $0x0  }
0xa4: {  	s9 =	smov.u32 s21;
	s21 =	simm.s32 $0x4EC0;
	[sflag:s17] =	ssyncadd.s32 $0xFFFFEC00  }
0xa5: {  	[spmem:s2] =	stream.indirect.scatter.add.f32 [tilespmem:s22], [sflag:$0x8], $0x40, s21, s18, $0xb8;
	[tilespmem:$0x1C840] =	vst v63  }
0xa6: {  	_ =	swait.ge [sflag:s25], $0x1400  }
0xa7: {  	[sflag:s25] =	ssyncset.done $0x0  }
0xa8: {  	s13 =	simm.s32 $0x1E0;
	[sflag:s25] =	ssyncadd.s32 $0xFFFFEC00  }
0xa9: {  	[tilespmem:s20], [sflag:$0x2] =	stream.indirect.gather [hbm4b:s4+s18], $0x40, s13, s18, $0xb8;
	[tilespmem:$0x1C840] =	vst v63  }
0xaa: {  	_ =	swait.ge [sflag:s1], $0x1400  }
0xab: {  	[sflag:s1] =	ssyncset.done $0x0  }
0xac: {  	s14 =	simm.s32 $0x4F10;
	[sflag:s1] =	ssyncadd.s32 $0xFFFFEC00  }
0xad: {  	[spmem:s2] =	stream.indirect.scatter.add.f32 [tilespmem:s24], [sflag:$0x9], $0x40, s14, s18, $0xb8;
	[tilespmem:$0x1C840] =	vst v63  }
0xae: {  	_ =	swait.ge [sflag:s31], $0x1400  }
0xaf: {  	[sflag:s31] =	ssyncset.done $0x0  }
0xb0: {  	s15 =	simm.s32 $0x230;
	[sflag:s31] =	ssyncadd.s32 $0xFFFFEC00  }
0xb1: {  	[tilespmem:s22], [sflag:$0x3] =	stream.indirect.gather [hbm4b:s4+s18], $0x40, s15, s18, $0xb8;
	[tilespmem:$0x1C840] =	vst v63  }
0xb2: {  	_ =	swait.ge [sflag:s23], $0x1400  }
0xb3: {  	[sflag:s23] =	ssyncset.done $0x0  }
0xb4: {  	s17 =	simm.s32 $0x4F60;
	[sflag:s23] =	ssyncadd.s32 $0xFFFFEC00  }
0xb5: {  	[spmem:s2] =	stream.indirect.scatter.add.f32 [tilespmem:s26], [sflag:$0xA], $0x40, s17, s18, $0xb8;
	[tilespmem:$0x1C840] =	vst v63  }
0xb6: {  	_ =	swait.ge [sflag:s3], $0x1400  }
0xb7: {  	[sflag:s3] =	ssyncset.done $0x0  }
0xb8: {  	s21 =	simm.s32 $0x280;
	s17 =	simm.s32 $0x0;
	[sflag:s3] =	ssyncadd.s32 $0xFFFFEC00  }
0xb9: {  	[tilespmem:s24], [sflag:$0x4] =	stream.indirect.gather [hbm4b:s4+s18], $0x40, s21, s18, $0xb8;
	[tilespmem:$0x1C840] =	vst v63  }
.LBB2_6:
0xba: {  	_ =	swait.ge [sflag:s29], $0x1400  }
0xbb: {  	s13 =	sshra.s32 s17, $0x2;
	[sflag:s29] =	ssyncset.done $0x0  }
0xbc: {  	s14 =	sadd.s32 $0x4FB0, s13;
	[sflag:s29] =	ssyncadd.s32 $0xFFFFEC00  }
0xbd: {  	[spmem:s2] =	stream.indirect.scatter.add.f32 [tilespmem:s19], [sflag:$0x6], $0x40, s14, s18, $0xb8;
	[tilespmem:$0x1C840] =	vst v63  }
0xbe: {  	_ =	swait.ge [sflag:s5], $0x1400  }
0xbf: {  	[sflag:s5] =	ssyncset.done $0x0  }
0xc0: {  	s7 =	sadd.s32 $0x2D0, s13;
	[sflag:s5] =	ssyncadd.s32 $0xFFFFEC00  }
0xc1: {  	[tilespmem:s26], [sflag:$0x5] =	stream.indirect.gather [hbm4b:s4+s18], $0x40, s7, s18, $0xb8;
	[tilespmem:$0x1C840] =	vst v63  }
0xc2: {  	_ =	swait.ge [sflag:s30], $0x1400  }
0xc3: {  	p0 =	seq.s32 s17, $0x12C00;
	[sflag:s30] =	ssyncset.done $0x0  }
0xc4: {  	s15 =	sadd.s32 $0x5000, s13;
	s14 =	simm.s32 @p0 $0x3;
	[sflag:s30] =	ssyncadd.s32 $0xFFFFEC00  }
0xc5: {  	[spmem:s2] =	stream.indirect.scatter.add.f32 [tilespmem:s20], [sflag:$0x7], $0x40, s15, s18, $0xb8;
	[tilespmem:$0x1C840] =	vst v63  }
0xc6: {  	_ =	swait.ge @p0 [sflag:s14], $0x1400  }
0xc7: {  	[sflag:s14] =	ssyncset.done @p0 $0x0  }
0xc8: {  	[sflag:s14] =	ssyncadd.s32 @p0 $0xFFFFEC00;
	s14 =	sshra.s32 @p0 s17, $0x2  }
0xc9: {  	s21 =	simm.s32 @p0 $0xC440;
	s15 =	simm.s32 @p0 $0x50;
	s14 =	sadd.s32 @p0 $0x5050, s14  }
0xca: {  	[spmem:s2] =	stream.indirect.scatter.add.f32 @p0 [tilespmem:s21], [sflag:$0x8], $0x40, s14, s15, $0xb8;
	[tilespmem:$0x1C840] =	vst v63  }
0xcb: {  	s14 =	simm.s32 @!p0 $0x6  }
0xcc: {  	_ =	swait.ge @!p0 [sflag:s14], $0x1400  }
0xcd: {  	[sflag:s14] =	ssyncset.done @!p0 $0x0  }
0xce: {  	[sflag:s14] =	ssyncadd.s32 @!p0 $0xFFFFEC00;
	s14 =	sshra.s32 @!p0 s17, $0x2  }
0xcf: {  	s7 =	simm.s32 @!p0 $0x9C40;
	s21 =	simm.s32 @!p0 $0x50;
	s15 =	sadd.s32 @!p0 $0x320, s14  }
0xd0: {  	[tilespmem:s7], [sflag:$0x1] =	stream.indirect.gather @!p0 [hbm4b:s4+s21], $0x40, s15, s21, $0xb8;
	[tilespmem:$0x1C840] =	vst v63  }
0xd1: {  	s7 =	simm.s32 @!p0 $0x3  }
0xd2: {  	_ =	swait.ge @!p0 [sflag:s7], $0x1400  }
0xd3: {  	[sflag:s7] =	ssyncset.done @!p0 $0x0  }
0xd4: {  	s15 =	simm.s32 @!p0 $0xC440;
	[sflag:s7] =	ssyncadd.s32 @!p0 $0xFFFFEC00;
	s7 =	sadd.s32 @!p0 $0x5050, s14  }
0xd5: {  	[spmem:s2] =	stream.indirect.scatter.add.f32 @!p0 [tilespmem:s15], [sflag:$0x8], $0x40, s7, s21, $0xb8;
	[tilespmem:$0x1C840] =	vst v63  }
0xd6: {  	s7 =	simm.s32 @!p0 $0x7  }
0xd7: {  	_ =	swait.ge @!p0 [sflag:s7], $0x1400  }
0xd8: {  	[sflag:s7] =	ssyncset.done @!p0 $0x0  }
0xd9: {  	[sflag:s7] =	ssyncadd.s32 @!p0 $0xFFFFEC00;
	s7 =	sadd.s32 @!p0 $0x370, s14;
	s14 =	simm.s32 @!p0 $0xB040  }
0xda: {  	[tilespmem:s14], [sflag:$0x2] =	stream.indirect.gather @!p0 [hbm4b:s4+s21], $0x40, s7, s21, $0xb8;
	[tilespmem:$0x1C840] =	vst v63  }
.Ltmp4:
0xdb: {  	_ = 	snop;
	(pc) =	sbr.rel @p0 .LBB2_8-.Ltmp4, $4  }
0xdc: {  	_ =	swait.ge [sflag:s1], $0x1400  }
0xdd: {  	[sflag:s1] =	ssyncset.done $0x0  }
0xde: {  	s21 =	sadd.s32 $0x50A0, s13;
	s14 =	sadd.s32 $0x50F0, s13;
	[sflag:s1] =	ssyncadd.s32 $0xFFFFEC00  }
0xdf: {  	[spmem:s2] =	stream.indirect.scatter.add.f32 [tilespmem:s24], [sflag:$0x9], $0x40, s21, s18, $0xb8;
	[tilespmem:$0x1C840] =	vst v63  }
0xe0: {  	_ =	swait.ge [sflag:s31], $0x1400  }
0xe1: {  	[sflag:s31] =	ssyncset.done $0x0  }
0xe2: {  	s7 =	sadd.s32 $0x3C0, s13;
	[sflag:s31] =	ssyncadd.s32 $0xFFFFEC00  }
0xe3: {  	[tilespmem:s22], [sflag:$0x3] =	stream.indirect.gather [hbm4b:s4+s18], $0x40, s7, s18, $0xb8;
	[tilespmem:$0x1C840] =	vst v63  }
0xe4: {  	_ =	swait.ge [sflag:s23], $0x1400  }
0xe5: {  	[sflag:s23] =	ssyncset.done $0x0  }
0xe6: {  	[sflag:s23] =	ssyncadd.s32 $0xFFFFEC00  }
0xe7: {  	[spmem:s2] =	stream.indirect.scatter.add.f32 [tilespmem:s26], [sflag:$0xA], $0x40, s14, s18, $0xb8;
	[tilespmem:$0x1C840] =	vst v63  }
.Ltmp5:
0xe8: {  	_ = 	snop;
	(pc) =	sbr.rel .LBB2_6-.Ltmp5, $4  }
0xe9: {  	_ =	swait.ge [sflag:s3], $0x1400  }
0xea: {  	[sflag:s3] =	ssyncset.done $0x0  }
0xeb: {  	s21 =	sadd.s32 $0x410, s13;
	s17 =	sadd.s32 $0x640, s17;
	[sflag:s3] =	ssyncadd.s32 $0xFFFFEC00  }
0xec: {  	[tilespmem:s24], [sflag:$0x4] =	stream.indirect.gather [hbm4b:s4+s18], $0x40, s21, s18, $0xb8;
	[tilespmem:$0x1C840] =	vst v63  }
.LBB2_9:
0xed: {  	_ =	sfence.sel $0x180000  }
0xee: {  	[bflag:$0x0] =	sbarrier.arrive $0xFFFF  }
0xef: {  	_ =	strace $0x9000004D  }
0xf0: {  	s0 =	stileid.u32;
	[bflag:$0x2] =	sbarrier.arrive $0xFFFF  }
0xf1: {  	p0 =	sne.s32 s0, $0x0;
	s0 =	rddreg [dreg:$0x3]  }
0xf2: {  	s0 =	sadd.s32 @!p0 $0x100000, s0  }
0xf3: {  	[sflag:s0] =	ssyncadd.tile.s32 @!p0 $0x1;
	_ =	shalt  }
.Lfunc_end2:
_tile_overlayer_lowered:
.L_overlay_start_2:
0xf4: {  	(tag) =	ssettag $0x2  }
0xf5: {  	s0 =	rddreg [dreg:$0x0];
	s2 =	stileid.u32  }
0xf6: {  	s1 =	rddreg [dreg:$0x1];
	p0 =	sne.s32 s2, $0x0  }
0xf7: {  	s3 =	rddreg [dreg:$0x2];
	[bflag:$0x3] =	sbarrier.arrive $0xFFFF;
	s2 =	simm.s32 @!p0 $0x1C0B  }
0xf8: {  	[timem:s3], [sflag:s2] =	dma.local @!p0 [hbm:s0], s1  }
0xf9: {  	s0 =	simm.s32 @!p0 $0xB  }
0xfa: {  	_ =	swait.ge @!p0 [sflag:s0], s1  }
0xfb: {  	s1 =	ssub.s32 @!p0 $0x0, s1;
	[sflag:s0] =	ssyncset.done @!p0 $0x0  }
0xfc: {  	[sflag:s0] =	ssyncadd.s32 @!p0 s1  }
0xfd: {  	[bflag:$0x3] =	sbarrier.arrive $0xFFFF  }
0xfe: {  	_ =	shalt  }

// kernel: kernel.8.cloned.1.call-start
scs
__scs_entry_jumppad:
0x0: {  	(pc) =	sbr.rel $0x88, $3  }
0x1: {  	(tag) =	ssettag $0x0;
	lr =	simm.s32 $0x1  }
0x2: {  	[smem:$0x3F97] =	sst lr;
	_ =	strace $0xD0000000  }
0x3: {  	_ = 	snop  }
0x4: {  	_ = 	snop  }
0x5: {  	_ = 	snop  }
0x6: {  	_ = 	snop  }
0x7: {  	_ = 	snop  }
__scs_overlays_trampoline_lowered:
0x8: {  	[smem:$0x3FA6] =	sst s0  }
0x9: {  	[smem:$0x3FA7] =	sst s1  }
0xa: {  	[smem:$0x3FA8] =	sst s2  }
0xb: {  	[smem:$0x3FA9] =	sst s3  }
0xc: {  	[smem:$0x3FAA] =	sst s4  }
0xd: {  	[smem:$0x3FAB] =	sst s5  }
0xe: {  	[smem:$0x3FAC] =	sst s6  }
0xf: {  	[smem:$0x3FAD] =	sst s7  }
0x10: {  	[smem:$0x3FAE] =	sst s8  }
0x11: {  	[smem:$0x3FAF] =	sst s9;
	s0 =	simm.s32 @!p0 $0x0  }
0x12: {  	s1 =	sld [smem:$0x3F95];
	s0 =	simm.s32 @p0 $0x1  }
0x13: {  	[smem:$0x3FB0] =	sst s0;
	s0 =	simm.s32 @!p1 $0x0  }
0x14: {  	s2 =	sld [smem:$0x3F94];
	s0 =	simm.s32 @p1 $0x1  }
0x15: {  	[smem:$0x3FB1] =	sst s0;
	s0 =	simm.s32 @!p2 $0x0  }
0x16: {  	s3 =	sld [smem:$0x3FDB];
	s0 =	simm.s32 @p2 $0x1  }
0x17: {  	s4 =	simm.s32 $0x1BF5;
	[smem:$0x3FB3] =	sst s0  }
0x18: {  	s0 =	sld [smem:$0x3F96];
	_ =	swait.ge [sflag:s4], $0x0  }
0x19: {  	s7 =	sld [smem:$0x3F97]  }
0x1a: {  	s8 =	sadd.s32 $0xFFFFE003, lr  }
0x1b: {  	s9 =	sadd.s32 $0xFFFFFEF7, lr;
	s5 =	simm.s32 $0xFFFFFFFF;
	p2 =	slt.u32 s8, $0xFFFFF086  }
0x1c: {  	p1 =	slt.u32 s9, $0xF7A;
	s5 =	simm.s32 @!p2 $0x0  }
0x1d: {  	s5 =	simm.s32 @p1 $0x1;
	p0 =	seq.s32 s7, s2  }
0x1e: {  	s7 =	smul.u32 @!p0 $0xF7A, s2;
	p2 =	seq.s32 @!p0 s5, $0x0  }
0x1f: {  	s9 =	smul.u32 $0xF7A, s1;
	s8 =	simm.s32 @!p0 $0x1BF5;
	p2 =	por !p2, p0  }
0x20: {  	[sflag:s8] =	ssyncset.s32 @!p0 $0xFFFFF086;
	s6 =	sadd.s32 @!p0 s3, s7;
	s7 =	simm.s32 @!p0 $0x108  }
0x21: {  	s3 =	sadd.s32 s3, s9;
	s6 =	sadd.s32 @!p0 $0x88, s6;
	s7 =	simm.s32 @p2 $0x1082  }
0x22: {  	[simem:s7], [sflag:s8] =	dma.local @!p0 [hbm:s6], $0xF7A  }
0x23: {  	s9 =	sor.u32 $0xD0000000, s2;
	s6 =	simm.s32 $0x108;
	_ =	swait.ge @!p0 [sflag:s8], $0x0  }
0x24: {  	s3 =	sadd.s32 $0x88, s3;
	s6 =	simm.s32 @!p1 $0x1082;
	[sflag:s4] =	ssyncset.s32 $0xFFFFF086  }
0x25: {  	[simem:s6], [sflag:s4] =	dma.local [hbm:s3], $0xF7A  }
0x26: {  	[smem:$0x3F97] =	sst s1;
	(tag) =	ssettag s2;
	_ =	strace s9  }
0x27: {  	s1 =	sld [smem:$0x3FA7]  }
0x28: {  	s2 =	sld [smem:$0x3FA8]  }
0x29: {  	s4 =	sld [smem:$0x3FAA]  }
0x2a: {  	p0 =	seq.s32 s5, $0x0;
	s5 =	sld [smem:$0x3FAB]  }
0x2b: {  	s6 =	sld [smem:$0x3FAC]  }
0x2c: {  	s7 =	sld [smem:$0x3FAD]  }
0x2d: {  	s3 =	simm.s32 $0x108;
	s8 =	sld [smem:$0x3FAE]  }
0x2e: {  	s3 =	simm.s32 @!p0 $0x1082;
	s9 =	sld [smem:$0x3FAF]  }
0x2f: {  	lr =	sadd.s32 s0, s3;
	s0 =	sld [smem:$0x3FA6]  }
0x30: {  	s3 =	sld [smem:$0x3FA9]  }
0x31: {  	[smem:$0x3FB2] =	sst s10  }
0x32: {  	s10 =	sld [smem:$0x3FB0];
	_ =	sdelay $0x3  }
0x33: {  	p0 =	seq.s32 s10, $0x1;
	s10 =	sld [smem:$0x3FB2];
	_ =	sdelay $0x3  }
0x34: {  	[smem:$0x3FB2] =	sst s10  }
0x35: {  	s10 =	sld [smem:$0x3FB1];
	_ =	sdelay $0x3  }
0x36: {  	p1 =	seq.s32 s10, $0x1;
	s10 =	sld [smem:$0x3FB2];
	_ =	sdelay $0x3  }
0x37: {  	[smem:$0x3FB2] =	sst s10  }
0x38: {  	s10 =	sld [smem:$0x3FB3]  }
0x39: {  	_ = 	snop;
	(pc) =	sbr.ind lr, $3  }
0x3a: {  	_ = 	snop  }
0x3b: {  	_ = 	snop  }
0x3c: {  	p2 =	seq.s32 s10, $0x1;
	s10 =	sld [smem:$0x3FB2]  }
0x3d: {  	_ =	shalt  }
0x3e: {  	_ =	shalt  }
0x3f: {  	_ =	shalt  }
0x40: {  	_ =	shalt  }
0x41: {  	_ =	shalt  }
0x42: {  	_ =	shalt  }
0x43: {  	_ =	shalt  }
0x44: {  	_ =	shalt  }
0x45: {  	_ =	shalt  }
0x46: {  	_ =	shalt  }
0x47: {  	_ =	shalt  }
0x48: {  	_ =	shalt  }
0x49: {  	_ =	shalt  }
0x4a: {  	_ =	shalt  }
0x4b: {  	_ =	shalt  }
0x4c: {  	_ =	shalt  }
0x4d: {  	_ =	shalt  }
0x4e: {  	_ =	shalt  }
0x4f: {  	_ =	shalt  }
0x50: {  	_ =	shalt  }
0x51: {  	_ =	shalt  }
0x52: {  	_ =	shalt  }
0x53: {  	_ =	shalt  }
0x54: {  	_ =	shalt  }
0x55: {  	_ =	shalt  }
0x56: {  	_ =	shalt  }
0x57: {  	_ =	shalt  }
0x58: {  	_ =	shalt  }
0x59: {  	_ =	shalt  }
0x5a: {  	_ =	shalt  }
0x5b: {  	_ =	shalt  }
0x5c: {  	_ =	shalt  }
0x5d: {  	_ =	shalt  }
0x5e: {  	_ =	shalt  }
0x5f: {  	_ =	shalt  }
0x60: {  	_ =	shalt  }
0x61: {  	_ =	shalt  }
0x62: {  	_ =	shalt  }
0x63: {  	_ =	shalt  }
0x64: {  	_ =	shalt  }
0x65: {  	_ =	shalt  }
0x66: {  	_ =	shalt  }
0x67: {  	_ =	shalt  }
0x68: {  	_ =	shalt  }
0x69: {  	_ =	shalt  }
0x6a: {  	_ =	shalt  }
0x6b: {  	_ =	shalt  }
0x6c: {  	_ =	shalt  }
0x6d: {  	_ =	shalt  }
0x6e: {  	_ =	shalt  }
0x6f: {  	_ =	shalt  }
0x70: {  	_ =	shalt  }
0x71: {  	_ =	shalt  }
0x72: {  	_ =	shalt  }
0x73: {  	_ =	shalt  }
0x74: {  	_ =	shalt  }
0x75: {  	_ =	shalt  }
0x76: {  	_ =	shalt  }
0x77: {  	_ =	shalt  }
0x78: {  	_ =	shalt  }
0x79: {  	_ =	shalt  }
0x7a: {  	_ =	shalt  }
0x7b: {  	_ =	shalt  }
0x7c: {  	_ =	shalt  }
0x7d: {  	_ =	shalt  }
0x7e: {  	_ =	shalt  }
0x7f: {  	_ =	shalt  }
0x80: {  	_ =	shalt  }
0x81: {  	_ =	shalt  }
0x82: {  	_ =	shalt  }
0x83: {  	_ =	shalt  }
0x84: {  	_ =	shalt  }
0x85: {  	_ =	shalt  }
0x86: {  	_ =	shalt  }
0x87: {  	_ =	shalt  }
.Lfunc_end0:
.L_simem_size_0:
called_computation_lowered:
.L_overlay_start_0:
0x88: {  	s2 =	sld [smem:$0x3FD9]  }
0x89: {  	s3 =	sld [smem:$0x3FFE];
	_ =	sdelay $0x1  }
0x8a: {  	s1 =	srdreg.scid  }
0x8b: {  	s0 =	sand.u32 $0x1, s1  }
0x8c: {  	s17 =	sshll.u32 s0, $0xA;
	s2 =	sadd.s32 s3, s2  }
0x8d: {  	s2 =	sadd.s32 s2, s17  }
0x8e: {  	[smem:$0x3FBE] =	sst s2  }
0x8f: {  	_ = 	snop  }
0x90: {  	s2 =	sld [smem:$0x3FC8];
	(tm) =	ssettm $0x1  }
0x91: {  	s18 =	sld [smem:$0x3FFB];
	_ =	sdelay $0x3  }
0x92: {  	_ =	strace s18  }
0x93: {  	s3 =	sld [smem:$0x3FFC];
	_ =	sdelay $0x3  }
0x94: {  	_ =	strace s3  }
0x95: {  	s3 =	sld [smem:$0x3FFD];
	_ =	sdelay $0x3  }
0x96: {  	_ =	strace s3  }
0x97: {  	_ =	strace $0x8FFFFFFF  }
0x98: {  	s19 =	sld [smem:$0x3FDB];
	_ =	sdelay $0x1  }
0x99: {  	s4 =	simm.s32 $_scs_section_size  }
0x9a: {  	s5 =	simm.s32 $_size__tile_overlayer_lowered;
	s6 =	simm.s32 $_tile_overlayer_lowered  }
0x9b: {  	s22 =	simm.s32 $0x1BFF;
	s21 =	sshll.u32 s6, $0x1;
	s3 =	sadd.s32 s4, s19  }
0x9c: {  	s7 =	simm.s32 $0x0;
	s20 =	sshll.u32 s5, $0x1;
	s5 =	sadd.s32 s21, s3  }
0x9d: {  	[timem:s7], [sflag:s22] =	dma.local [hbm:s5], s20  }
0x9e: {  	_ =	swait.ge [sflag:s22], s20  }
0x9f: {  	s4 =	ssub.s32 $0x0, s20;
	[sflag:s22] =	ssyncset.done $0x0  }
0xa0: {  	[sflag:s22] =	ssyncadd.s32 s4;
	_ =	sdelay $0x1  }
0xa1: {  	s23 =	simm.s32 $0x1B8B  }
0xa2: {  	_ =	swait.ge [sflag:s23], $0x1  }
0xa3: {  	[sflag:s23] =	ssyncset.done $0x0  }
0xa4: {  	s25 =	simm.s32 $0x1B8E;
	s24 =	sld [smem:$0x3FFE];
	[sflag:s23] =	ssyncadd.s32 $0xFFFFFFFF  }
0xa5: {  	s26 =	simm.s32 $execute0_lowered;
	[smem:$0x3FD2] =	sst s25  }
0xa6: {  	s5 =	sshll.u32 s26, $0x1;
	_ =	strace $0x80000046;
	[dreg:$0x1] =	wrdreg $0xFFFFFFFF  }
0xa7: {  	s28 =	simm.s32 $_size_execute0_lowered;
	s3 =	sadd.s32 s3, s5;
	[dreg:$0x0] =	wrdreg $0x0  }
0xa8: {  	s5 =	sshll.u32 s28, $0x1;
	[dreg:$0x2] =	wrdreg s3  }
0xa9: {  	[dreg:$0x3] =	wrdreg s5  }
0xaa: {  	[dreg:$0x4] =	wrdreg $0xC0  }
0xab: {  	_ =	task [dreg:s7], $0x5FFFF  }
0xac: {  	[dreg:$0x1] =	wrdreg $0xFFFFFFFF  }
0xad: {  	[dreg:$0x0] =	wrdreg $0x60  }
0xae: {  	[dreg:$0x2] =	wrdreg s2  }
0xaf: {  	[dreg:$0x3] =	wrdreg s24  }
0xb0: {  	[dreg:$0x4] =	wrdreg $0x57800  }
0xb1: {  	[dreg:$0x5] =	wrdreg $0x9  }
0xb2: {  	_ =	task.clear_ibuf [dreg:s7], $0x6FFFF;
	_ =	strace $0x90000046  }
0xb3: {  	s29 =	simm.s32 $0x9;
	_ =	strace $0x80000048  }
0xb4: {  	_ =	swait.ge [sflag:s29], $0x1  }
0xb5: {  	[sflag:s29] =	ssyncadd.s32 $0xFFFFFFFF  }
0xb6: {  	_ =	strace $0x90000048  }
0xb7: {  	_ =	sfence  }
0xb8: {  	s30 =	sld [smem:$0x0];
	_ =	sdelay $0x2  }
0xb9: {  	s31 =	sshll.u32 s1, $0xD;
	s1 =	sshrl.u32 s1, $0x2  }
0xba: {  	s3 =	sand.u32 $0x4000, s31;
	s1 =	sadd.s32 s1, s30  }
0xbb: {  	s0 =	sor.u32 s3, s0;
	s1 =	sshll.u32 s1, $0x11  }
0xbc: {  	s0 =	sor.u32 s1, s0  }
0xbd: {  	s0 =	sadd.s32 $0x8F2B, s0  }
0xbe: {  	[sflag:s0] =	ssyncadd.remote.s32 $0x1  }
0xbf: {  	_ =	sfence.sel $0xFFFF  }
0xc0: {  	[dreg:$0x0] =	wrdreg $0xFFFFFFFF;
	(pc) =	sbr.abs _section_cstart, $3  }
0xc1: {  	[dreg:$0x1] =	wrdreg $0xFFFFFFFF  }
0xc2: {  	_ =	task.clear_ibuf [dreg:s7], $0x2FFFF;
	_ =	strace $0x9FFFFFFF  }
0xc3: {  	(tm) =	ssettm $0x7FFFFFFF  }
tec
execute0_lowered:
.L_overlay_start_1:
0x0: {  	(tag) =	ssettag $0x1  }
0x1: {  	s6 =	rddreg [dreg:$0x0]  }
0x2: {  	s4 =	rddreg [dreg:$0x1]  }
0x3: {  	s0 =	srdreg.scid;
	s2 =	rddreg [dreg:$0x2]  }
0x4: {  	s1 =	rddreg [dreg:$0x3];
	s3 =	simm.s32 $0x0;
	s12 =	simm.s32 $0x100  }
0x5: {  	s13 =	simm.s32 $0x2780;
	s14 =	simm.s32 $0x1;
	s5 =	sand.u32 $0x1, s0  }
0x6: {  	s15 =	simm.s32 $0x10;
	s0 =	stileid.u32;
	s7 =	smul.u32 $0x140000, s5  }
0x7: {  	s16 =	simm.s32 $0x0;
	[smem:$0x7FF] =	sst s3;
	s8 =	smul.u32 $0x14000, s0  }
0x8: {  	s26 =	sshll.u32 s0, $0x1;
	s9 =	ssub.s32 $0x2, s5;
	s28 =	smul.u32 $0xA000, s0  }
0x9: {  	_ =	strace $0x80000047;
	p0 =	sgt.u32 s0, $0x1;
	s5 =	sor.u32 s5, s26  }
0xa: {  	s10 =	sshrl.u32 s9, $0x1;
	s7 =	sadd.s32 s8, s7;
	s11 =	smul.u32 $0x9C0, s5  }
0xb: {  	s9 =	ssub.s32 s9, s10;
	s29 =	sshrl.u32 s28, $0x2;
	s31 =	sshll.u32 s5, $0x5  }
0xc: {  	s10 =	simm.s32 $0x2;
	s7 =	sshrl.u32 s7, $0x3;
	s8 =	smax.u32 s9, $0x1  }
0xd: {  	s9 =	simm.s32 $0x2F80;
	s7 =	sadd.s32 s7, s4;
	s30 =	sadd.s32 s11, s6  }
0xe: {  	s4 =	sadd.s32 s29, s2;
	s6 =	sadd.s32 s31, s6;
	s11 =	simm.s32 $0x80  }
0xf: {  	v0 =	vimm.f32 $1.000000000e+00;
	v1 =	vimm.f32 $0.0e+00;
	s5 =	sadd.s32 $0x10, s30;
	s6 =	sadd.s32 $0x13810, s6;
	s7 =	sadd.s32 $0x2800, s7  }
.LBB2_1:
0x10: {  	s17 =	simm.s32 $0x0  }
.LBB2_2:
0x11: {  	p1 =	sne.s32 s17, $0x1FC0  }
.Ltmp0:
0x12: {  	_ = 	snop;
	(pc) =	sbr.rel @p1 .LBB2_2-.Ltmp0, $3  }
0x13: {  	_ =	sdelay $0x1  }
0x14: {  	s18 =	sshra.s32 s17, $0x2  }
0x15: {  	s17 =	sadd.s32 $0x40, s17;
	[tilespmem:s18+$0x2780] =	vst v0  }
0x16: {  	s17 =	simm.s32 $0x40;
	s18 =	simm.s32 $0x0  }
.LBB2_4:
0x17: {  	p1 =	sne.s32 s17, $0x9FC0;
	[tilespmem:s18+$0x2F80] =	vst v1;
	s18 =	smov.u32 s17;
	s17 =	sadd.s32 $0x40, s17  }
.Ltmp1:
0x18: {  	(pc) =	sbr.rel @p1 .LBB2_4-.Ltmp1, $2  }
0x19: {  	_ =	sdelay $0x2  }
0x1a: {  	s18 =	sshra.s32 s18, $0x2  }
0x1b: {  	[tilespmem:s18+$0x2F80] =	vst v1  }
0x1c: {  	[spmem:s4] =	stream.linear.scatter [tilespmem:s9], [sflag:$0x2], $0x2800, $0x38;
	[tilespmem:$0x7F80] =	vst v63  }
0x1d: {  	_ =	swait.ge [sflag:s10], $0x2800  }
0x1e: {  	[sflag:s10] =	ssyncset.done $0x0  }
0x1f: {  	[sflag:s10] =	ssyncadd.s32 $0xFFFFD800  }
0x20: {  	[bflag:$0x0] =	sbarrier.arrive $0xFFFF  }
0x21: {  	[tilespmem:s3], [sflag:$0x2] =	stream.strided.gather [hbm4b:s5+s11], $0x2700, s12, s11, $0x38;
	[tilespmem:$0x7F80] =	vst v63  }
0x22: {  	_ =	swait.ge [sflag:s10], $0x2700  }
0x23: {  	[sflag:s10] =	ssyncset.done $0x0  }
0x24: {  	s17 =	simm.s32 @!p0 $0x0;
	s18 =	simm.s32 @!p0 $0x2700;
	[sflag:s10] =	ssyncadd.s32 $0xFFFFD900  }
0x25: {  	[tilespmem:s18], [sflag:$0x2] =	stream.linear.gather @!p0 [hbm4b:s6+s17], $0x80, $0x38;
	[tilespmem:$0x7F80] =	vst v63  }
0x26: {  	s17 =	simm.s32 @!p0 $0x2  }
0x27: {  	_ =	swait.ge @!p0 [sflag:s17], $0x80  }
0x28: {  	[sflag:s17] =	ssyncset.done @!p0 $0x0  }
0x29: {  	s19 =	simm.s32 $0x0;
	[sflag:s17] =	ssyncadd.s32 @!p0 $0xFFFFFF80  }
0x2a: {  	[spmem:s2] =	stream.indirect.scatter.add.f32 [tilespmem:s13], [sflag:$0x1], $0x10, s19, s11, $0xb8;
	[tilespmem:$0x7F80] =	vst v63  }
0x2b: {  	s20 =	simm.s32 $0x80  }
0x2c: {  	[spmem:s2] =	stream.indirect.scatter.add.f32 [tilespmem:s13], [sflag:$0x1], $0x10, s20, s11, $0xb8;
	[tilespmem:$0x7F80] =	vst v63  }
0x2d: {  	s21 =	simm.s32 $0x100  }
0x2e: {  	[spmem:s2] =	stream.indirect.scatter.add.f32 [tilespmem:s13], [sflag:$0x1], $0x10, s21, s11, $0xb8;
	[tilespmem:$0x7F80] =	vst v63  }
0x2f: {  	s22 =	simm.s32 $0x180  }
0x30: {  	[spmem:s2] =	stream.indirect.scatter.add.f32 [tilespmem:s13], [sflag:$0x1], $0x10, s22, s11, $0xb8;
	[tilespmem:$0x7F80] =	vst v63  }
0x31: {  	s23 =	simm.s32 $0x200  }
0x32: {  	[spmem:s2] =	stream.indirect.scatter.add.f32 [tilespmem:s13], [sflag:$0x1], $0x10, s23, s11, $0xb8;
	[tilespmem:$0x7F80] =	vst v63  }
0x33: {  	s24 =	simm.s32 $0x280  }
0x34: {  	[spmem:s2] =	stream.indirect.scatter.add.f32 [tilespmem:s13], [sflag:$0x1], $0x10, s24, s11, $0xb8;
	[tilespmem:$0x7F80] =	vst v63  }
0x35: {  	s25 =	simm.s32 $0x300  }
0x36: {  	[spmem:s2] =	stream.indirect.scatter.add.f32 [tilespmem:s13], [sflag:$0x1], $0x10, s25, s11, $0xb8;
	[tilespmem:$0x7F80] =	vst v63  }
0x37: {  	s26 =	simm.s32 $0x380  }
0x38: {  	[spmem:s2] =	stream.indirect.scatter.add.f32 [tilespmem:s13], [sflag:$0x1], $0x10, s26, s11, $0xb8;
	[tilespmem:$0x7F80] =	vst v63  }
0x39: {  	s28 =	simm.s32 $0x400  }
0x3a: {  	[spmem:s2] =	stream.indirect.scatter.add.f32 [tilespmem:s13], [sflag:$0x1], $0x10, s28, s11, $0xb8;
	[tilespmem:$0x7F80] =	vst v63  }
0x3b: {  	s29 =	simm.s32 $0x480  }
0x3c: {  	[spmem:s2] =	stream.indirect.scatter.add.f32 [tilespmem:s13], [sflag:$0x1], $0x10, s29, s11, $0xb8;
	[tilespmem:$0x7F80] =	vst v63  }
0x3d: {  	s30 =	simm.s32 $0x500  }
0x3e: {  	[spmem:s2] =	stream.indirect.scatter.add.f32 [tilespmem:s13], [sflag:$0x1], $0x10, s30, s11, $0xb8;
	[tilespmem:$0x7F80] =	vst v63  }
0x3f: {  	s31 =	simm.s32 $0x580  }
0x40: {  	[spmem:s2] =	stream.indirect.scatter.add.f32 [tilespmem:s13], [sflag:$0x1], $0x10, s31, s11, $0xb8;
	[tilespmem:$0x7F80] =	vst v63  }
0x41: {  	s18 =	simm.s32 $0x600  }
0x42: {  	[spmem:s2] =	stream.indirect.scatter.add.f32 [tilespmem:s13], [sflag:$0x1], $0x10, s18, s11, $0xb8;
	[tilespmem:$0x7F80] =	vst v63  }
0x43: {  	s19 =	simm.s32 $0x680  }
0x44: {  	[spmem:s2] =	stream.indirect.scatter.add.f32 [tilespmem:s13], [sflag:$0x1], $0x10, s19, s11, $0xb8;
	[tilespmem:$0x7F80] =	vst v63  }
0x45: {  	s20 =	simm.s32 $0x700  }
0x46: {  	[spmem:s2] =	stream.indirect.scatter.add.f32 [tilespmem:s13], [sflag:$0x1], $0x10, s20, s11, $0xb8;
	[tilespmem:$0x7F80] =	vst v63  }
0x47: {  	s21 =	simm.s32 $0x780  }
0x48: {  	[spmem:s2] =	stream.indirect.scatter.add.f32 [tilespmem:s13], [sflag:$0x1], $0x10, s21, s11, $0xb8;
	[tilespmem:$0x7F80] =	vst v63  }
0x49: {  	s22 =	simm.s32 $0x800  }
0x4a: {  	[spmem:s2] =	stream.indirect.scatter.add.f32 [tilespmem:s13], [sflag:$0x1], $0x10, s22, s11, $0xb8;
	[tilespmem:$0x7F80] =	vst v63  }
0x4b: {  	s23 =	simm.s32 $0x880  }
0x4c: {  	[spmem:s2] =	stream.indirect.scatter.add.f32 [tilespmem:s13], [sflag:$0x1], $0x10, s23, s11, $0xb8;
	[tilespmem:$0x7F80] =	vst v63  }
0x4d: {  	s24 =	simm.s32 $0x900  }
0x4e: {  	[spmem:s2] =	stream.indirect.scatter.add.f32 [tilespmem:s13], [sflag:$0x1], $0x10, s24, s11, $0xb8;
	[tilespmem:$0x7F80] =	vst v63  }
0x4f: {  	s25 =	simm.s32 $0x980  }
0x50: {  	[spmem:s2] =	stream.indirect.scatter.add.f32 [tilespmem:s13], [sflag:$0x1], $0x10, s25, s11, $0xb8;
	[tilespmem:$0x7F80] =	vst v63  }
0x51: {  	s26 =	simm.s32 $0xA00  }
0x52: {  	[spmem:s2] =	stream.indirect.scatter.add.f32 [tilespmem:s13], [sflag:$0x1], $0x10, s26, s11, $0xb8;
	[tilespmem:$0x7F80] =	vst v63  }
0x53: {  	s28 =	simm.s32 $0xA80  }
0x54: {  	[spmem:s2] =	stream.indirect.scatter.add.f32 [tilespmem:s13], [sflag:$0x1], $0x10, s28, s11, $0xb8;
	[tilespmem:$0x7F80] =	vst v63  }
0x55: {  	s29 =	simm.s32 $0xB00  }
0x56: {  	[spmem:s2] =	stream.indirect.scatter.add.f32 [tilespmem:s13], [sflag:$0x1], $0x10, s29, s11, $0xb8;
	[tilespmem:$0x7F80] =	vst v63  }
0x57: {  	s30 =	simm.s32 $0xB80  }
0x58: {  	[spmem:s2] =	stream.indirect.scatter.add.f32 [tilespmem:s13], [sflag:$0x1], $0x10, s30, s11, $0xb8;
	[tilespmem:$0x7F80] =	vst v63  }
0x59: {  	s31 =	simm.s32 $0xC00  }
0x5a: {  	[spmem:s2] =	stream.indirect.scatter.add.f32 [tilespmem:s13], [sflag:$0x1], $0x10, s31, s11, $0xb8;
	[tilespmem:$0x7F80] =	vst v63  }
0x5b: {  	_ =	swait.ge [sflag:s14], $0x800  }
0x5c: {  	[sflag:s14] =	ssyncset.done $0x0  }
0x5d: {  	[sflag:s14] =	ssyncadd.s32 $0xFFFFF800  }
0x5e: {  	_ =	swait.ge [sflag:s14], $0x800  }
0x5f: {  	[sflag:s14] =	ssyncset.done $0x0  }
0x60: {  	[sflag:s14] =	ssyncadd.s32 $0xFFFFF800  }
0x61: {  	_ =	swait.ge [sflag:s14], $0x800  }
0x62: {  	[sflag:s14] =	ssyncset.done $0x0  }
0x63: {  	[sflag:s14] =	ssyncadd.s32 $0xFFFFF800  }
0x64: {  	_ =	swait.ge [sflag:s14], $0x800  }
0x65: {  	[sflag:s14] =	ssyncset.done $0x0  }
0x66: {  	[sflag:s14] =	ssyncadd.s32 $0xFFFFF800  }
0x67: {  	_ =	swait.ge [sflag:s14], $0x800  }
0x68: {  	[sflag:s14] =	ssyncset.done $0x0  }
0x69: {  	[sflag:s14] =	ssyncadd.s32 $0xFFFFF800  }
0x6a: {  	_ =	swait.ge [sflag:s14], $0x800  }
0x6b: {  	[sflag:s14] =	ssyncset.done $0x0  }
0x6c: {  	[sflag:s14] =	ssyncadd.s32 $0xFFFFF800  }
0x6d: {  	_ =	swait.ge [sflag:s14], $0x800  }
0x6e: {  	[sflag:s14] =	ssyncset.done $0x0  }
0x6f: {  	[sflag:s14] =	ssyncadd.s32 $0xFFFFF800  }
0x70: {  	_ =	swait.ge [sflag:s14], $0x800  }
0x71: {  	[sflag:s14] =	ssyncset.done $0x0  }
0x72: {  	[sflag:s14] =	ssyncadd.s32 $0xFFFFF800  }
0x73: {  	_ =	swait.ge [sflag:s14], $0x800  }
0x74: {  	[sflag:s14] =	ssyncset.done $0x0  }
0x75: {  	[sflag:s14] =	ssyncadd.s32 $0xFFFFF800  }
0x76: {  	_ =	swait.ge [sflag:s14], $0x800  }
0x77: {  	[sflag:s14] =	ssyncset.done $0x0  }
0x78: {  	[sflag:s14] =	ssyncadd.s32 $0xFFFFF800  }
0x79: {  	_ =	swait.ge [sflag:s14], $0x800  }
0x7a: {  	[sflag:s14] =	ssyncset.done $0x0  }
0x7b: {  	[sflag:s14] =	ssyncadd.s32 $0xFFFFF800  }
0x7c: {  	_ =	swait.ge [sflag:s14], $0x800  }
0x7d: {  	[sflag:s14] =	ssyncset.done $0x0  }
0x7e: {  	[sflag:s14] =	ssyncadd.s32 $0xFFFFF800  }
0x7f: {  	_ =	swait.ge [sflag:s14], $0x800  }
0x80: {  	[sflag:s14] =	ssyncset.done $0x0  }
0x81: {  	[sflag:s14] =	ssyncadd.s32 $0xFFFFF800  }
0x82: {  	_ =	swait.ge [sflag:s14], $0x800  }
0x83: {  	[sflag:s14] =	ssyncset.done $0x0  }
0x84: {  	[sflag:s14] =	ssyncadd.s32 $0xFFFFF800  }
0x85: {  	_ =	swait.ge [sflag:s14], $0x800  }
0x86: {  	[sflag:s14] =	ssyncset.done $0x0  }
0x87: {  	[sflag:s14] =	ssyncadd.s32 $0xFFFFF800  }
0x88: {  	_ =	swait.ge [sflag:s14], $0x800  }
0x89: {  	[sflag:s14] =	ssyncset.done $0x0  }
0x8a: {  	[sflag:s14] =	ssyncadd.s32 $0xFFFFF800  }
0x8b: {  	_ =	swait.ge [sflag:s14], $0x800  }
0x8c: {  	[sflag:s14] =	ssyncset.done $0x0  }
0x8d: {  	[sflag:s14] =	ssyncadd.s32 $0xFFFFF800  }
0x8e: {  	_ =	swait.ge [sflag:s14], $0x800  }
0x8f: {  	[sflag:s14] =	ssyncset.done $0x0  }
0x90: {  	[sflag:s14] =	ssyncadd.s32 $0xFFFFF800  }
0x91: {  	_ =	swait.ge [sflag:s14], $0x800  }
0x92: {  	[sflag:s14] =	ssyncset.done $0x0  }
0x93: {  	[sflag:s14] =	ssyncadd.s32 $0xFFFFF800  }
0x94: {  	_ =	swait.ge [sflag:s14], $0x800  }
0x95: {  	[sflag:s14] =	ssyncset.done $0x0  }
0x96: {  	[sflag:s14] =	ssyncadd.s32 $0xFFFFF800  }
0x97: {  	_ =	swait.ge [sflag:s14], $0x800  }
0x98: {  	[sflag:s14] =	ssyncset.done $0x0  }
0x99: {  	[sflag:s14] =	ssyncadd.s32 $0xFFFFF800  }
0x9a: {  	_ =	swait.ge [sflag:s14], $0x800  }
0x9b: {  	[sflag:s14] =	ssyncset.done $0x0  }
0x9c: {  	[sflag:s14] =	ssyncadd.s32 $0xFFFFF800  }
0x9d: {  	_ =	swait.ge [sflag:s14], $0x800  }
0x9e: {  	[sflag:s14] =	ssyncset.done $0x0  }
0x9f: {  	[sflag:s14] =	ssyncadd.s32 $0xFFFFF800  }
0xa0: {  	_ =	swait.ge [sflag:s14], $0x800  }
0xa1: {  	[sflag:s14] =	ssyncset.done $0x0  }
0xa2: {  	[sflag:s14] =	ssyncadd.s32 $0xFFFFF800  }
0xa3: {  	s17 =	simm.s32 @!p0 $0x4F;
	_ =	swait.ge [sflag:s14], $0x800  }
0xa4: {  	s17 =	simm.s32 @p0 $0x4E;
	s18 =	simm.s32 $0x3200;
	[sflag:s14] =	ssyncset.done $0x0  }
.LBB2_6:
0xa5: {  	p1 =	sne.s32 s18, $0x6400  }
0xa6: {  	[sflag:s14] =	ssyncadd.s32 $0xFFFFF800;
	s19 =	smov.u32 s18;
	s18 =	sadd.s32 $0x3200, s18  }
0xa7: {  	s19 =	sshra.s32 s19, $0x2  }
0xa8: {  	[spmem:s2] =	stream.indirect.scatter.add.f32 [tilespmem:s13], [sflag:$0x1], $0x10, s19, s11, $0xb8;
	[tilespmem:$0x7F80] =	vst v63  }
0xa9: {  	s20 =	sadd.s32 $0x80, s19  }
0xaa: {  	[spmem:s2] =	stream.indirect.scatter.add.f32 [tilespmem:s13], [sflag:$0x1], $0x10, s20, s11, $0xb8;
	[tilespmem:$0x7F80] =	vst v63  }
0xab: {  	s20 =	sadd.s32 $0x100, s19  }
0xac: {  	[spmem:s2] =	stream.indirect.scatter.add.f32 [tilespmem:s13], [sflag:$0x1], $0x10, s20, s11, $0xb8;
	[tilespmem:$0x7F80] =	vst v63  }
0xad: {  	s20 =	sadd.s32 $0x180, s19  }
0xae: {  	[spmem:s2] =	stream.indirect.scatter.add.f32 [tilespmem:s13], [sflag:$0x1], $0x10, s20, s11, $0xb8;
	[tilespmem:$0x7F80] =	vst v63  }
0xaf: {  	s20 =	sadd.s32 $0x200, s19  }
0xb0: {  	[spmem:s2] =	stream.indirect.scatter.add.f32 [tilespmem:s13], [sflag:$0x1], $0x10, s20, s11, $0xb8;
	[tilespmem:$0x7F80] =	vst v63  }
0xb1: {  	s20 =	sadd.s32 $0x280, s19  }
0xb2: {  	[spmem:s2] =	stream.indirect.scatter.add.f32 [tilespmem:s13], [sflag:$0x1], $0x10, s20, s11, $0xb8;
	[tilespmem:$0x7F80] =	vst v63  }
0xb3: {  	s20 =	sadd.s32 $0x300, s19  }
0xb4: {  	[spmem:s2] =	stream.indirect.scatter.add.f32 [tilespmem:s13], [sflag:$0x1], $0x10, s20, s11, $0xb8;
	[tilespmem:$0x7F80] =	vst v63  }
0xb5: {  	s20 =	sadd.s32 $0x380, s19  }
0xb6: {  	[spmem:s2] =	stream.indirect.scatter.add.f32 [tilespmem:s13], [sflag:$0x1], $0x10, s20, s11, $0xb8;
	[tilespmem:$0x7F80] =	vst v63  }
0xb7: {  	s20 =	sadd.s32 $0x400, s19  }
0xb8: {  	[spmem:s2] =	stream.indirect.scatter.add.f32 [tilespmem:s13], [sflag:$0x1], $0x10, s20, s11, $0xb8;
	[tilespmem:$0x7F80] =	vst v63  }
0xb9: {  	s20 =	sadd.s32 $0x480, s19  }
0xba: {  	[spmem:s2] =	stream.indirect.scatter.add.f32 [tilespmem:s13], [sflag:$0x1], $0x10, s20, s11, $0xb8;
	[tilespmem:$0x7F80] =	vst v63  }
0xbb: {  	s20 =	sadd.s32 $0x500, s19  }
0xbc: {  	[spmem:s2] =	stream.indirect.scatter.add.f32 [tilespmem:s13], [sflag:$0x1], $0x10, s20, s11, $0xb8;
	[tilespmem:$0x7F80] =	vst v63  }
0xbd: {  	s20 =	sadd.s32 $0x580, s19  }
0xbe: {  	[spmem:s2] =	stream.indirect.scatter.add.f32 [tilespmem:s13], [sflag:$0x1], $0x10, s20, s11, $0xb8;
	[tilespmem:$0x7F80] =	vst v63  }
0xbf: {  	s20 =	sadd.s32 $0x600, s19  }
0xc0: {  	[spmem:s2] =	stream.indirect.scatter.add.f32 [tilespmem:s13], [sflag:$0x1], $0x10, s20, s11, $0xb8;
	[tilespmem:$0x7F80] =	vst v63  }
0xc1: {  	s20 =	sadd.s32 $0x680, s19  }
0xc2: {  	[spmem:s2] =	stream.indirect.scatter.add.f32 [tilespmem:s13], [sflag:$0x1], $0x10, s20, s11, $0xb8;
	[tilespmem:$0x7F80] =	vst v63  }
0xc3: {  	s20 =	sadd.s32 $0x700, s19  }
0xc4: {  	[spmem:s2] =	stream.indirect.scatter.add.f32 [tilespmem:s13], [sflag:$0x1], $0x10, s20, s11, $0xb8;
	[tilespmem:$0x7F80] =	vst v63  }
0xc5: {  	s20 =	sadd.s32 $0x780, s19  }
0xc6: {  	[spmem:s2] =	stream.indirect.scatter.add.f32 [tilespmem:s13], [sflag:$0x1], $0x10, s20, s11, $0xb8;
	[tilespmem:$0x7F80] =	vst v63  }
0xc7: {  	s20 =	sadd.s32 $0x800, s19  }
0xc8: {  	[spmem:s2] =	stream.indirect.scatter.add.f32 [tilespmem:s13], [sflag:$0x1], $0x10, s20, s11, $0xb8;
	[tilespmem:$0x7F80] =	vst v63  }
0xc9: {  	s20 =	sadd.s32 $0x880, s19  }
0xca: {  	[spmem:s2] =	stream.indirect.scatter.add.f32 [tilespmem:s13], [sflag:$0x1], $0x10, s20, s11, $0xb8;
	[tilespmem:$0x7F80] =	vst v63  }
0xcb: {  	s20 =	sadd.s32 $0x900, s19  }
0xcc: {  	[spmem:s2] =	stream.indirect.scatter.add.f32 [tilespmem:s13], [sflag:$0x1], $0x10, s20, s11, $0xb8;
	[tilespmem:$0x7F80] =	vst v63  }
0xcd: {  	s20 =	sadd.s32 $0x980, s19  }
0xce: {  	[spmem:s2] =	stream.indirect.scatter.add.f32 [tilespmem:s13], [sflag:$0x1], $0x10, s20, s11, $0xb8;
	[tilespmem:$0x7F80] =	vst v63  }
0xcf: {  	s20 =	sadd.s32 $0xA00, s19  }
0xd0: {  	[spmem:s2] =	stream.indirect.scatter.add.f32 [tilespmem:s13], [sflag:$0x1], $0x10, s20, s11, $0xb8;
	[tilespmem:$0x7F80] =	vst v63  }
0xd1: {  	s20 =	sadd.s32 $0xA80, s19  }
0xd2: {  	[spmem:s2] =	stream.indirect.scatter.add.f32 [tilespmem:s13], [sflag:$0x1], $0x10, s20, s11, $0xb8;
	[tilespmem:$0x7F80] =	vst v63  }
0xd3: {  	s20 =	sadd.s32 $0xB00, s19  }
0xd4: {  	[spmem:s2] =	stream.indirect.scatter.add.f32 [tilespmem:s13], [sflag:$0x1], $0x10, s20, s11, $0xb8;
	[tilespmem:$0x7F80] =	vst v63  }
0xd5: {  	s20 =	sadd.s32 $0xB80, s19  }
0xd6: {  	[spmem:s2] =	stream.indirect.scatter.add.f32 [tilespmem:s13], [sflag:$0x1], $0x10, s20, s11, $0xb8;
	[tilespmem:$0x7F80] =	vst v63  }
0xd7: {  	s19 =	sadd.s32 $0xC00, s19  }
0xd8: {  	[spmem:s2] =	stream.indirect.scatter.add.f32 [tilespmem:s13], [sflag:$0x1], $0x10, s19, s11, $0xb8;
	[tilespmem:$0x7F80] =	vst v63  }
0xd9: {  	_ =	swait.ge [sflag:s14], $0x800  }
0xda: {  	[sflag:s14] =	ssyncset.done $0x0  }
0xdb: {  	[sflag:s14] =	ssyncadd.s32 $0xFFFFF800  }
0xdc: {  	_ =	swait.ge [sflag:s14], $0x800  }
0xdd: {  	[sflag:s14] =	ssyncset.done $0x0  }
0xde: {  	[sflag:s14] =	ssyncadd.s32 $0xFFFFF800  }
0xdf: {  	_ =	swait.ge [sflag:s14], $0x800  }
0xe0: {  	[sflag:s14] =	ssyncset.done $0x0  }
0xe1: {  	[sflag:s14] =	ssyncadd.s32 $0xFFFFF800  }
0xe2: {  	_ =	swait.ge [sflag:s14], $0x800  }
0xe3: {  	[sflag:s14] =	ssyncset.done $0x0  }
0xe4: {  	[sflag:s14] =	ssyncadd.s32 $0xFFFFF800  }
0xe5: {  	_ =	swait.ge [sflag:s14], $0x800  }
0xe6: {  	[sflag:s14] =	ssyncset.done $0x0  }
0xe7: {  	[sflag:s14] =	ssyncadd.s32 $0xFFFFF800  }
0xe8: {  	_ =	swait.ge [sflag:s14], $0x800  }
0xe9: {  	[sflag:s14] =	ssyncset.done $0x0  }
0xea: {  	[sflag:s14] =	ssyncadd.s32 $0xFFFFF800  }
0xeb: {  	_ =	swait.ge [sflag:s14], $0x800  }
0xec: {  	[sflag:s14] =	ssyncset.done $0x0  }
0xed: {  	[sflag:s14] =	ssyncadd.s32 $0xFFFFF800  }
0xee: {  	_ =	swait.ge [sflag:s14], $0x800  }
0xef: {  	[sflag:s14] =	ssyncset.done $0x0  }
0xf0: {  	[sflag:s14] =	ssyncadd.s32 $0xFFFFF800  }
0xf1: {  	_ =	swait.ge [sflag:s14], $0x800  }
0xf2: {  	[sflag:s14] =	ssyncset.done $0x0  }
0xf3: {  	[sflag:s14] =	ssyncadd.s32 $0xFFFFF800  }
0xf4: {  	_ =	swait.ge [sflag:s14], $0x800  }
0xf5: {  	[sflag:s14] =	ssyncset.done $0x0  }
0xf6: {  	[sflag:s14] =	ssyncadd.s32 $0xFFFFF800  }
0xf7: {  	_ =	swait.ge [sflag:s14], $0x800  }
0xf8: {  	[sflag:s14] =	ssyncset.done $0x0  }
0xf9: {  	[sflag:s14] =	ssyncadd.s32 $0xFFFFF800  }
0xfa: {  	_ =	swait.ge [sflag:s14], $0x800  }
0xfb: {  	[sflag:s14] =	ssyncset.done $0x0  }
0xfc: {  	[sflag:s14] =	ssyncadd.s32 $0xFFFFF800  }
0xfd: {  	_ =	swait.ge [sflag:s14], $0x800  }
0xfe: {  	[sflag:s14] =	ssyncset.done $0x0  }
0xff: {  	[sflag:s14] =	ssyncadd.s32 $0xFFFFF800  }
0x100: {  	_ =	swait.ge [sflag:s14], $0x800  }
0x101: {  	[sflag:s14] =	ssyncset.done $0x0  }
0x102: {  	[sflag:s14] =	ssyncadd.s32 $0xFFFFF800  }
0x103: {  	_ =	swait.ge [sflag:s14], $0x800  }
0x104: {  	[sflag:s14] =	ssyncset.done $0x0  }
0x105: {  	[sflag:s14] =	ssyncadd.s32 $0xFFFFF800  }
0x106: {  	_ =	swait.ge [sflag:s14], $0x800  }
0x107: {  	[sflag:s14] =	ssyncset.done $0x0  }
0x108: {  	[sflag:s14] =	ssyncadd.s32 $0xFFFFF800  }
0x109: {  	_ =	swait.ge [sflag:s14], $0x800  }
0x10a: {  	[sflag:s14] =	ssyncset.done $0x0  }
0x10b: {  	[sflag:s14] =	ssyncadd.s32 $0xFFFFF800  }
0x10c: {  	_ =	swait.ge [sflag:s14], $0x800  }
0x10d: {  	[sflag:s14] =	ssyncset.done $0x0  }
0x10e: {  	[sflag:s14] =	ssyncadd.s32 $0xFFFFF800  }
0x10f: {  	_ =	swait.ge [sflag:s14], $0x800  }
0x110: {  	[sflag:s14] =	ssyncset.done $0x0  }
0x111: {  	[sflag:s14] =	ssyncadd.s32 $0xFFFFF800  }
0x112: {  	_ =	swait.ge [sflag:s14], $0x800  }
0x113: {  	[sflag:s14] =	ssyncset.done $0x0  }
0x114: {  	[sflag:s14] =	ssyncadd.s32 $0xFFFFF800  }
0x115: {  	_ =	swait.ge [sflag:s14], $0x800  }
0x116: {  	[sflag:s14] =	ssyncset.done $0x0  }
0x117: {  	[sflag:s14] =	ssyncadd.s32 $0xFFFFF800  }
0x118: {  	_ =	swait.ge [sflag:s14], $0x800  }
0x119: {  	[sflag:s14] =	ssyncset.done $0x0  }
0x11a: {  	[sflag:s14] =	ssyncadd.s32 $0xFFFFF800  }
0x11b: {  	_ =	swait.ge [sflag:s14], $0x800  }
0x11c: {  	[sflag:s14] =	ssyncset.done $0x0  }
0x11d: {  	[sflag:s14] =	ssyncadd.s32 $0xFFFFF800  }
.Ltmp2:
0x11e: {  	_ =	swait.ge [sflag:s14], $0x800;
	(pc) =	sbr.rel @p1 .LBB2_6-.Ltmp2, $4  }
0x11f: {  	[sflag:s14] =	ssyncset.done $0x0  }
0x120: {  	[sflag:s14] =	ssyncadd.s32 $0xFFFFF800  }
0x121: {  	_ =	swait.ge [sflag:s14], $0x800  }
0x122: {  	[sflag:s14] =	ssyncset.done $0x0  }
0x123: {  	s17 =	sadd.s32 $0xFFFFFFB5, s17  }
0x124: {  	p1 =	sne.s32 s17, $0x1  }
.Ltmp3:
0x125: {  	_ = 	snop;
	(pc) =	sbr.rel @!p1 .LBB2_9-.Ltmp3, $4  }
0x126: {  	_ = 	snop  }
0x127: {  	[sflag:s14] =	ssyncadd.s32 $0xFFFFF800;
	s18 =	simm.s32 $0x2580  }
0x128: {  	[spmem:s2] =	stream.indirect.scatter.add.f32 [tilespmem:s13], [sflag:$0x1], $0x10, s18, s11, $0xb8;
	[tilespmem:$0x7F80] =	vst v63  }
0x129: {  	s19 =	sadd.s32 $0xFFFFFFFF, s17  }
.LBB2_8:
0x12a: {  	p2 =	sne.s32 s19, $0x1  }
.Ltmp4:
0x12b: {  	_ = 	snop;
	(pc) =	sbr.rel @p2 .LBB2_8-.Ltmp4, $3  }
0x12c: {  	_ = 	snop  }
0x12d: {  	s19 =	sadd.s32 $0xFFFFFFFF, s19;
	s18 =	sadd.s32 $0x80, s18;
	_ =	sdelay $0x1  }
0x12e: {  	[spmem:s2] =	stream.indirect.scatter.add.f32 [tilespmem:s13], [sflag:$0x1], $0x10, s18, s11, $0xb8;
	[tilespmem:$0x7F80] =	vst v63  }
.LBB2_9:
.Ltmp5:
0x12f: {  	(pc) =	sbr.rel @!p1 .LBB2_11-.Ltmp5, $3  }
0x130: {  	_ =	sdelay $0x1  }
0x131: {  	_ =	swait.ge [sflag:s14], $0x800  }
0x132: {  	s17 =	sadd.s32 $0xFFFFFFFF, s17;
	[sflag:s14] =	ssyncset.done $0x0  }
.LBB2_10:
0x133: {  	p1 =	sne.s32 s17, $0x1;
	s17 =	sadd.s32 $0xFFFFFFFF, s17;
	[sflag:s14] =	ssyncadd.s32 $0xFFFFF800  }
.Ltmp6:
0x134: {  	(pc) =	sbr.rel @p1 .LBB2_10-.Ltmp6, $3  }
0x135: {  	_ =	sdelay $0x1  }
0x136: {  	_ =	swait.ge [sflag:s14], $0x800  }
0x137: {  	[sflag:s14] =	ssyncset.done $0x0  }
.LBB2_11:
0x138: {  	[sflag:s14] =	ssyncadd.s32 $0xFFFFF800  }
0x139: {  	[bflag:$0x0] =	sbarrier.arrive $0xFFFF  }
0x13a: {  	[tilespmem:s9], [sflag:$0x2] =	stream.linear.gather [spmem:s4], $0x2800, $0x38;
	[tilespmem:$0x7F80] =	vst v63  }
0x13b: {  	s16 =	sadd.s32 $0x1, s16;
	_ =	swait.ge [sflag:s10], $0x2800  }
0x13c: {  	p1 =	sne.s32 s16, s8;
	[sflag:s10] =	ssyncset.done $0x0  }
.Ltmp7:
0x13d: {  	[sflag:s10] =	ssyncadd.s32 $0xFFFFD800;
	(pc) =	sbr.rel @p1 .LBB2_1-.Ltmp7, $4  }
0x13e: {  	[hbm4b:s7+s15] =	stream.strided.scatter [tilespmem:s9], [sflag:$0x2], $0x2800, s11, s15, $0x38;
	[tilespmem:$0x7F80] =	vst v63  }
0x13f: {  	_ =	swait.ge [sflag:s10], $0x2800  }
0x140: {  	[sflag:s10] =	ssyncset.done $0x0  }
0x141: {  	[sflag:s10] =	ssyncadd.s32 $0xFFFFD800  }
0x142: {  	_ =	sfence.sel $0x180000  }
0x143: {  	[bflag:$0x0] =	sbarrier.arrive $0xFFFF  }
0x144: {  	p0 =	sne.s32 s0, $0x0;
	_ =	strace $0x90000047  }
0x145: {  	s0 =	sadd.s32 @!p0 $0x100000, s1;
	[bflag:$0x2] =	sbarrier.arrive $0xFFFF  }
0x146: {  	[sflag:s0] =	ssyncadd.tile.s32 @!p0 $0x1;
	_ =	shalt  }
.Lfunc_end2:
_tile_overlayer_lowered:
.L_overlay_start_2:
0x147: {  	(tag) =	ssettag $0x2  }
0x148: {  	s0 =	rddreg [dreg:$0x0];
	s2 =	stileid.u32  }
0x149: {  	s1 =	rddreg [dreg:$0x1];
	p0 =	sne.s32 s2, $0x0  }
0x14a: {  	s3 =	rddreg [dreg:$0x2];
	[bflag:$0x3] =	sbarrier.arrive $0xFFFF;
	s2 =	simm.s32 @!p0 $0x1C02  }
0x14b: {  	[timem:s3], [sflag:s2] =	dma.local @!p0 [hbm:s0], s1  }
0x14c: {  	s0 =	simm.s32 @!p0 $0x2  }
0x14d: {  	_ =	swait.ge @!p0 [sflag:s0], s1  }
0x14e: {  	s1 =	ssub.s32 @!p0 $0x0, s1;
	[sflag:s0] =	ssyncset.done @!p0 $0x0  }
0x14f: {  	[sflag:s0] =	ssyncadd.s32 @!p0 s1  }
0x150: {  	[bflag:$0x3] =	sbarrier.arrive $0xFFFF  }
0x151: {  	_ =	shalt  }

</sc_bundles>
